<compile_context>
chip_gen: v7x
topology: tpu7x:2x2x1
jax: 0.10.2.dev20260603
libtpu: 0.0.44.dev20260713+nightly
codegen_flags: <defaults>
</compile_context>

<pallas_src>
import functools
import jax
import jax.numpy as jnp
from jax import lax
from jax.experimental import pallas as pl
from jax.experimental.pallas import tpu as pltpu
from jax.experimental.pallas import tpu_sc as plsc

N_NODES = 10000
F_IN = 128
HID = 128
NCLASS = 16

NC = 2
NS = 16
NW = NC * NS
CHUNK = 128
N_PAD = 10240
ROWS_PER_TILE = N_PAD // NS



def _mm_body(x_ref, w_ref, o_ref):
    o_ref[...] = jnp.dot(x_ref[...], w_ref[...],
                         preferred_element_type=jnp.float32)


def _dense_matmul(x, w):
    return pl.pallas_call(
        _mm_body,
        out_shape=jax.ShapeDtypeStruct((x.shape[0], w.shape[1]), jnp.float32),
    )(x, w)



def _spmm_body(h_hbm, src_hbm, dst_hbm, w_hbm, acc_out, c_out,
               src_v, dst_v, w_v, rows, acc_sh, c_sh, csem):
    cid = lax.axis_index("c")
    sid = lax.axis_index("s")
    n_chunks = src_v.shape[0]

    def zero_row(r, _):
        for f in range(8):
            rows[r, pl.ds(f * 16, 16)] = jnp.zeros((16,), jnp.float32)
        return _
    lax.fori_loop(0, CHUNK, zero_row, None)
    for t in range(ROWS_PER_TILE // CHUNK):
        off = sid * ROWS_PER_TILE + t * CHUNK
        pltpu.sync_copy(rows, acc_sh.at[pl.ds(off, CHUNK)])
        pltpu.sync_copy(rows.at[0], c_sh.at[pl.ds(off, CHUNK)])
    plsc.subcore_barrier()

    pltpu.sync_copy(src_hbm.at[cid, sid], src_v)
    pltpu.sync_copy(dst_hbm.at[cid, sid], dst_v)
    pltpu.sync_copy(w_hbm.at[cid, sid], w_v)

    def cscat(j):
        return pltpu.make_async_copy(w_v.at[j], c_sh.at[src_v.at[j]], csem)

    def process(j):
        pltpu.sync_copy(h_hbm.at[src_v.at[j]], rows)

        def scale_block(b, __):
            wvec = w_v[j, pl.ds(b * 16, 16)]
            for l in range(16):
                i = b * 16 + l
                wb = jnp.full((16,), wvec[l], jnp.float32)
                for f in range(8):
                    sl = pl.ds(f * 16, 16)
                    rows[i, sl] = rows[i, sl] * wb
            return __
        lax.fori_loop(0, CHUNK // 16, scale_block, None)

        pltpu.sync_copy(rows, acc_sh.at[dst_v.at[j]], add=True)

    process(0)
    cscat(0).start(add=True)

    def edge_chunk(j, _):
        process(j)
        cscat(0).wait()
        cscat(j).start(add=True)
        return _

    lax.fori_loop(1, n_chunks, edge_chunk, None)
    cscat(0).wait()
    plsc.subcore_barrier()

    off = sid * ROWS_PER_TILE
    pltpu.sync_copy(acc_sh.at[pl.ds(off, ROWS_PER_TILE)],
                    acc_out.at[cid, pl.ds(off, ROWS_PER_TILE)])
    pltpu.sync_copy(c_sh.at[pl.ds(off, ROWS_PER_TILE)],
                    c_out.at[cid, pl.ds(off, ROWS_PER_TILE)])


def _spmm(h, src4, dst4, w4):
    n_max = src4.shape[2]
    f = h.shape[1]
    kern = functools.partial(
        pl.kernel,
        out_type=(
            jax.ShapeDtypeStruct((NC, N_PAD, f), jnp.float32),
            jax.ShapeDtypeStruct((NC, N_PAD), jnp.float32),
        ),
        mesh=plsc.VectorSubcoreMesh(core_axis_name="c", subcore_axis_name="s"),
        scratch_types=[
            pltpu.VMEM((n_max, CHUNK), jnp.int32),
            pltpu.VMEM((n_max, CHUNK), jnp.int32),
            pltpu.VMEM((n_max, CHUNK), jnp.float32),
            pltpu.VMEM((CHUNK, f), jnp.float32),
            pltpu.VMEM_SHARED((N_PAD, f), jnp.float32),
            pltpu.VMEM_SHARED((N_PAD,), jnp.float32),
            pltpu.SemaphoreType.DMA,
        ],
    )(_spmm_body)
    return kern(h, src4, dst4, w4)



def _reduce_body(a0_ref, a1_ref, c0_ref, c1_ref, w2_ref, o_ref):
    i = pl.program_id(0)
    h1 = jnp.maximum(a0_ref[...] + a1_ref[...], 0.0)
    s = jnp.sum(h1 * (c0_ref[...] + c1_ref[...]), axis=0)[None, :]
    val = jnp.dot(s, w2_ref[...],
                  preferred_element_type=jnp.float32) * (1.0 / N_NODES)

    @pl.when(i == 0)
    def _():
        o_ref[...] = val

    @pl.when(i > 0)
    def _():
        o_ref[...] = o_ref[...] + val


def _reduce(acc, c, w2):
    blk = 1024
    grid = N_PAD // blk
    return pl.pallas_call(
        _reduce_body,
        grid=(grid,),
        in_specs=[
            pl.BlockSpec((blk, HID), lambda i: (i, 0)),
            pl.BlockSpec((blk, HID), lambda i: (i, 0)),
            pl.BlockSpec((blk, 1), lambda i: (i, 0)),
            pl.BlockSpec((blk, 1), lambda i: (i, 0)),
            pl.BlockSpec((HID, NCLASS), lambda i: (0, 0)),
        ],
        out_specs=pl.BlockSpec((1, NCLASS), lambda i: (0, 0)),
        out_shape=jax.ShapeDtypeStruct((1, NCLASS), jnp.float32),
    )(acc[0], acc[1], c[0].reshape(N_PAD, 1), c[1].reshape(N_PAD, 1), w2)



def kernel(x, edge_index, edge_weight, W1, W2):
    e = edge_weight.shape[0]
    per_tile = -(-e // (NW * CHUNK)) * CHUNK
    e_pad = per_tile * NW
    n_chunks = per_tile // CHUNK

    src = jnp.asarray(edge_index[0], jnp.int32)
    dst = jnp.asarray(edge_index[1], jnp.int32)
    w = jnp.asarray(edge_weight, jnp.float32)

    def split(arr):
        return jnp.pad(arr, (0, e_pad - e)).reshape(
            NS, NC, n_chunks, CHUNK).transpose(1, 0, 2, 3)

    h = _dense_matmul(x, W1)
    acc, c = _spmm(h, split(src), split(dst), split(w))
    return _reduce(acc, c, W2)

# --- scband reference (transcript-rebuilt; emitter-appended) ---
"""Pipeline reference for scband-gcn-2190433321520 (READ-ONLY COPY).

The authoritative reference and input builder live on the scoring server;
editing this copy changes nothing except your own understanding.
"""

import jax, jax.numpy as jnp
import numpy as np

N = 10000
E = 320000
F_IN = 128
HID = 128
NCLASS = 16


def setup_inputs(seed: int = 0) -> dict:
    key = jax.random.key(seed)
    k1, k2, k3, k4, k5 = jax.random.split(key, 5)
    x = jax.random.normal(k1, (N, F_IN), dtype=jnp.float32)
    edge_index = jax.random.randint(k2, (2, E), 0, N)
    edge_weight = jax.random.uniform(k3, (E,), dtype=jnp.float32)
    # GCNConv linear weights (bias=False). Stored as [in, out] so forward is x @ W.
    W1 = jax.random.normal(k4, (F_IN, HID), dtype=jnp.float32) * (1.0 / np.sqrt(F_IN))
    W2 = jax.random.normal(k5, (HID, NCLASS), dtype=jnp.float32) * (1.0 / np.sqrt(HID))
    return {"x": x, "edge_index": edge_index, "edge_weight": edge_weight, "W1": W1, "W2": W2}


def _gcn_conv(x, edge_index, edge_weight, W):
    # GCNConv with add_self_loops=False, normalize=False, bias=False:
    # h = x @ W; out[i] = sum over edges (j -> i) of edge_weight * h[j]
    h = x @ W
    src = edge_index[0]
    dst = edge_index[1]
    msg = h[src] * edge_weight[:, None]
    out = jax.ops.segment_sum(msg, dst, num_segments=x.shape[0])
    return out


def reference(x, edge_index, edge_weight, W1, W2):
    h = _gcn_conv(x, edge_index, edge_weight, W1)
    h = jax.nn.relu(h)
    h = _gcn_conv(h, edge_index, edge_weight, W2)
    # global_mean_pool with batch = all zeros -> mean over all nodes, shape [1, NCLASS]
    out = jnp.mean(h, axis=0, keepdims=True)
    return out

if __name__ == "__main__":
    import jax
    _d = setup_inputs()
    print(jax.jit(kernel)(*tuple(_d.values())))

</pallas_src>

<mosaic_0001>
#map = affine_map<(d0, d1) -> (0, 0)>
#map1 = affine_map<(d0, d1) -> (0, 0, 0, 0)>
#map2 = affine_map<(d0, d1) -> (0, 0, 0)>
module attributes {stable_mosaic.version = 14 : i64} {
  func.func @_spmm_body(%arg0: i32, %arg1: i32, %arg2: memref<10000x128xf32, #tpu.memory_space<hbm>>, %arg3: memref<2x16x79x128xi32, #tpu.memory_space<hbm>>, %arg4: memref<2x16x79x128xi32, #tpu.memory_space<hbm>>, %arg5: memref<2x16x79x128xf32, #tpu.memory_space<hbm>>, %arg6: memref<2x10240x128xf32, #tpu.memory_space<hbm>>, %arg7: memref<2x10240xf32, #tpu.memory_space<hbm>>, %arg8: memref<79x128xi32, #tpu.memory_space<vmem>>, %arg9: memref<79x128xi32, #tpu.memory_space<vmem>>, %arg10: memref<79x128xf32, #tpu.memory_space<vmem>>, %arg11: memref<128x128xf32, #tpu.memory_space<vmem>>, %arg12: memref<10240x128xf32, #tpu.memory_space<vmem_shared>>, %arg13: memref<10240xf32, #tpu.memory_space<vmem_shared>>, %arg14: memref<!tpu.dma_semaphore, #tpu.memory_space<semaphore_mem>>) attributes {dimension_semantics = [#tpu.dimension_semantics<core_parallel>, #tpu.dimension_semantics<subcore_parallel>], iteration_bounds = array<i64: 2, 16>, scalar_prefetch = 0 : i64, scratch_operands = 7 : i64, tpu.core_type = #tpu.core_type<sc_vector_subcore>, window_params = [{transform_indices = #map}, {transform_indices = #map1}, {transform_indices = #map1}, {transform_indices = #map1}, {transform_indices = #map2}, {transform_indices = #map}]} {
    %scan3A = arith.constant 0 : i32
    %scan3A_0 = arith.constant 128 : i32
    %scan3A_1 = arith.addi %scan3A, %scan3A_0 : i32
    %scan3A_2 = arith.constant 1 : i32
    scf.for %scan3A_59 = %scan3A to %scan3A_1 step %scan3A_2  : i32 {
      %broadcast_in_dim3A = arith.constant 0.000000e+00 : f32
      %broadcast_in_dim3A_60 = vector.broadcast %broadcast_in_dim3A : f32 to vector<16xf32>
      %swap3A = arith.index_cast %scan3A_59 : i32 to index
      %swap3A_61 = arith.constant 0 : index
      %swap3A_62 = tpu.vector_load %arg11[%swap3A, %swap3A_61] {strides = array<i32>} : memref<128x128xf32, #tpu.memory_space<vmem>>, vector<1x16xf32>,
      %swap3A_63 = vector.shape_cast %swap3A_62 : vector<1x16xf32> to vector<16xf32>
      %swap3A_64 = vector.shape_cast %broadcast_in_dim3A_60 : vector<16xf32> to vector<1x16xf32>
      tpu.vector_store %arg11[%swap3A, %swap3A_61], %swap3A_64 {strides = array<i32>} : memref<128x128xf32, #tpu.memory_space<vmem>>, vector<1x16xf32>,
      %broadcast_in_dim3A_65 = arith.constant 0.000000e+00 : f32
      %broadcast_in_dim3A_66 = vector.broadcast %broadcast_in_dim3A_65 : f32 to vector<16xf32>
      %swap3A_67 = arith.index_cast %scan3A_59 : i32 to index
      %swap3A_68 = arith.constant 16 : index
      %swap3A_69 = tpu.vector_load %arg11[%swap3A_67, %swap3A_68] {strides = array<i32>} : memref<128x128xf32, #tpu.memory_space<vmem>>, vector<1x16xf32>,
      %swap3A_70 = vector.shape_cast %swap3A_69 : vector<1x16xf32> to vector<16xf32>
      %swap3A_71 = vector.shape_cast %broadcast_in_dim3A_66 : vector<16xf32> to vector<1x16xf32>
      tpu.vector_store %arg11[%swap3A_67, %swap3A_68], %swap3A_71 {strides = array<i32>} : memref<128x128xf32, #tpu.memory_space<vmem>>, vector<1x16xf32>,
      %broadcast_in_dim3A_72 = arith.constant 0.000000e+00 : f32
      %broadcast_in_dim3A_73 = vector.broadcast %broadcast_in_dim3A_72 : f32 to vector<16xf32>
      %swap3A_74 = arith.index_cast %scan3A_59 : i32 to index
      %swap3A_75 = arith.constant 32 : index
      %swap3A_76 = tpu.vector_load %arg11[%swap3A_74, %swap3A_75] {strides = array<i32>} : memref<128x128xf32, #tpu.memory_space<vmem>>, vector<1x16xf32>,
      %swap3A_77 = vector.shape_cast %swap3A_76 : vector<1x16xf32> to vector<16xf32>
      %swap3A_78 = vector.shape_cast %broadcast_in_dim3A_73 : vector<16xf32> to vector<1x16xf32>
      tpu.vector_store %arg11[%swap3A_74, %swap3A_75], %swap3A_78 {strides = array<i32>} : memref<128x128xf32, #tpu.memory_space<vmem>>, vector<1x16xf32>,
      %broadcast_in_dim3A_79 = arith.constant 0.000000e+00 : f32
      %broadcast_in_dim3A_80 = vector.broadcast %broadcast_in_dim3A_79 : f32 to vector<16xf32>
      %swap3A_81 = arith.index_cast %scan3A_59 : i32 to index
      %swap3A_82 = arith.constant 48 : index
      %swap3A_83 = tpu.vector_load %arg11[%swap3A_81, %swap3A_82] {strides = array<i32>} : memref<128x128xf32, #tpu.memory_space<vmem>>, vector<1x16xf32>,
      %swap3A_84 = vector.shape_cast %swap3A_83 : vector<1x16xf32> to vector<16xf32>
      %swap3A_85 = vector.shape_cast %broadcast_in_dim3A_80 : vector<16xf32> to vector<1x16xf32>
      tpu.vector_store %arg11[%swap3A_81, %swap3A_82], %swap3A_85 {strides = array<i32>} : memref<128x128xf32, #tpu.memory_space<vmem>>, vector<1x16xf32>,
      %broadcast_in_dim3A_86 = arith.constant 0.000000e+00 : f32
      %broadcast_in_dim3A_87 = vector.broadcast %broadcast_in_dim3A_86 : f32 to vector<16xf32>
      %swap3A_88 = arith.index_cast %scan3A_59 : i32 to index
      %swap3A_89 = arith.constant 64 : index
      %swap3A_90 = tpu.vector_load %arg11[%swap3A_88, %swap3A_89] {strides = array<i32>} : memref<128x128xf32, #tpu.memory_space<vmem>>, vector<1x16xf32>,
      %swap3A_91 = vector.shape_cast %swap3A_90 : vector<1x16xf32> to vector<16xf32>
      %swap3A_92 = vector.shape_cast %broadcast_in_dim3A_87 : vector<16xf32> to vector<1x16xf32>
      tpu.vector_store %arg11[%swap3A_88, %swap3A_89], %swap3A_92 {strides = array<i32>} : memref<128x128xf32, #tpu.memory_space<vmem>>, vector<1x16xf32>,
      %broadcast_in_dim3A_93 = arith.constant 0.000000e+00 : f32
      %broadcast_in_dim3A_94 = vector.broadcast %broadcast_in_dim3A_93 : f32 to vector<16xf32>
      %swap3A_95 = arith.index_cast %scan3A_59 : i32 to index
      %swap3A_96 = arith.constant 80 : index
      %swap3A_97 = tpu.vector_load %arg11[%swap3A_95, %swap3A_96] {strides = array<i32>} : memref<128x128xf32, #tpu.memory_space<vmem>>, vector<1x16xf32>,
      %swap3A_98 = vector.shape_cast %swap3A_97 : vector<1x16xf32> to vector<16xf32>
      %swap3A_99 = vector.shape_cast %broadcast_in_dim3A_94 : vector<16xf32> to vector<1x16xf32>
      tpu.vector_store %arg11[%swap3A_95, %swap3A_96], %swap3A_99 {strides = array<i32>} : memref<128x128xf32, #tpu.memory_space<vmem>>, vector<1x16xf32>,
      %broadcast_in_dim3A_100 = arith.constant 0.000000e+00 : f32
      %broadcast_in_dim3A_101 = vector.broadcast %broadcast_in_dim3A_100 : f32 to vector<16xf32>
      %swap3A_102 = arith.index_cast %scan3A_59 : i32 to index
      %swap3A_103 = arith.constant 96 : index
      %swap3A_104 = tpu.vector_load %arg11[%swap3A_102, %swap3A_103] {strides = array<i32>} : memref<128x128xf32, #tpu.memory_space<vmem>>, vector<1x16xf32>,
      %swap3A_105 = vector.shape_cast %swap3A_104 : vector<1x16xf32> to vector<16xf32>
      %swap3A_106 = vector.shape_cast %broadcast_in_dim3A_101 : vector<16xf32> to vector<1x16xf32>
      tpu.vector_store %arg11[%swap3A_102, %swap3A_103], %swap3A_106 {strides = array<i32>} : memref<128x128xf32, #tpu.memory_space<vmem>>, vector<1x16xf32>,
      %broadcast_in_dim3A_107 = arith.constant 0.000000e+00 : f32
      %broadcast_in_dim3A_108 = vector.broadcast %broadcast_in_dim3A_107 : f32 to vector<16xf32>
      %swap3A_109 = arith.index_cast %scan3A_59 : i32 to index
      %swap3A_110 = arith.constant 112 : index
      %swap3A_111 = tpu.vector_load %arg11[%swap3A_109, %swap3A_110] {strides = array<i32>} : memref<128x128xf32, #tpu.memory_space<vmem>>, vector<1x16xf32>,
      %swap3A_112 = vector.shape_cast %swap3A_111 : vector<1x16xf32> to vector<16xf32>
      %swap3A_113 = vector.shape_cast %broadcast_in_dim3A_108 : vector<16xf32> to vector<1x16xf32>
      tpu.vector_store %arg11[%swap3A_109, %swap3A_110], %swap3A_113 {strides = array<i32>} : memref<128x128xf32, #tpu.memory_space<vmem>>, vector<1x16xf32>,
    }
    %scan3A_3 = arith.constant 128 : i32
    %mul3A = arith.constant 640 : i32
    %mul3A_4 = arith.muli %arg1, %mul3A : i32
    %add3A = arith.constant 0 : i32
    %add3A_5 = arith.addi %mul3A_4, %add3A : i32
    "tpu.region"() ({
      %run_scoped3A_59 = tpu.sem_alloc : memref<!tpu.dma_semaphore, #tpu.memory_space<semaphore_mem>>
      %dma_start3A_60 = arith.constant 0 : i32
      %dma_start3A_61 = tpu.memref_slice %arg12[%add3A_5, %dma_start3A_60] : memref<10240x128xf32, #tpu.memory_space<vmem_shared>> -> memref<128x128xf32, #tpu.memory_space<vmem_shared>>
      %dma_start3A_62 = arith.constant 0 : i32
      %dma_start3A_63 = tpu.memref_slice %arg12[%add3A_5, %dma_start3A_62] : memref<10240x128xf32, #tpu.memory_space<vmem_shared>> -> memref<128x128xf32, #tpu.memory_space<vmem_shared>>
      tpu.enqueue_dma source(%arg11 : memref<128x128xf32, #tpu.memory_space<vmem>>) target(%dma_start3A_63 : memref<128x128xf32, #tpu.memory_space<vmem_shared>>) target_semaphore(%run_scoped3A_59 : memref<!tpu.dma_semaphore, #tpu.memory_space<semaphore_mem>>)
      %dma_wait3A_64 = arith.constant 0 : i32
      %dma_wait3A_65 = tpu.memref_slice %arg12[%add3A_5, %dma_wait3A_64] : memref<10240x128xf32, #tpu.memory_space<vmem_shared>> -> memref<128x128xf32, #tpu.memory_space<vmem_shared>>
      %dma_wait3A_66 = arith.constant 0 : i32
      %dma_wait3A_67 = tpu.memref_slice %arg12[%add3A_5, %dma_wait3A_66] : memref<10240x128xf32, #tpu.memory_space<vmem_shared>> -> memref<128x128xf32, #tpu.memory_space<vmem_shared>>
      tpu.wait_dma2 semaphore(%run_scoped3A_59 : memref<!tpu.dma_semaphore, #tpu.memory_space<semaphore_mem>>) src(%arg11 : memref<128x128xf32, #tpu.memory_space<vmem>>) dst(%dma_wait3A_67 : memref<128x128xf32, #tpu.memory_space<vmem_shared>>)
      tpu.yield
    }) : () -> ()
    %run_scoped3A = arith.constant 0 : i32
    "tpu.region"() ({
      %run_scoped3A_59 = tpu.sem_alloc : memref<!tpu.dma_semaphore, #tpu.memory_space<semaphore_mem>>
      %dma_start3A_60 = arith.constant 0 : i32
      %dma_start3A_61 = tpu.memref_slice %arg11[%run_scoped3A, %dma_start3A_60] : memref<128x128xf32, #tpu.memory_space<vmem>> -> memref<1x128xf32, #tpu.memory_space<vmem>>
      %dma_start3A_62 = tpu.memref_squeeze %dma_start3A_61 : memref<1x128xf32, #tpu.memory_space<vmem>> -> memref<128xf32, #tpu.memory_space<vmem>>
      %dma_start3A_63 = tpu.memref_slice %arg13[%add3A_5] : memref<10240xf32, #tpu.memory_space<vmem_shared>> -> memref<128xf32, #tpu.memory_space<vmem_shared>>
      %dma_start3A_64 = tpu.memref_slice %arg13[%add3A_5] : memref<10240xf32, #tpu.memory_space<vmem_shared>> -> memref<128xf32, #tpu.memory_space<vmem_shared>>
      %dma_start3A_65 = arith.constant 0 : i32
      %dma_start3A_66 = tpu.memref_slice %arg11[%run_scoped3A, %dma_start3A_65] : memref<128x128xf32, #tpu.memory_space<vmem>> -> memref<1x128xf32, #tpu.memory_space<vmem>>
      %dma_start3A_67 = tpu.memref_squeeze %dma_start3A_66 : memref<1x128xf32, #tpu.memory_space<vmem>> -> memref<128xf32, #tpu.memory_space<vmem>>
      tpu.enqueue_dma source(%dma_start3A_67 : memref<128xf32, #tpu.memory_space<vmem>>) target(%dma_start3A_64 : memref<128xf32, #tpu.memory_space<vmem_shared>>) target_semaphore(%run_scoped3A_59 : memref<!tpu.dma_semaphore, #tpu.memory_space<semaphore_mem>>)
      %dma_wait3A_68 = arith.constant 0 : i32
      %dma_wait3A_69 = tpu.memref_slice %arg11[%run_scoped3A, %dma_wait3A_68] : memref<128x128xf32, #tpu.memory_space<vmem>> -> memref<1x128xf32, #tpu.memory_space<vmem>>
      %dma_wait3A_70 = tpu.memref_squeeze %dma_wait3A_69 : memref<1x128xf32, #tpu.memory_space<vmem>> -> memref<128xf32, #tpu.memory_space<vmem>>
      %dma_wait3A_71 = tpu.memref_slice %arg13[%add3A_5] : memref<10240xf32, #tpu.memory_space<vmem_shared>> -> memref<128xf32, #tpu.memory_space<vmem_shared>>
      %dma_wait3A_72 = tpu.memref_slice %arg13[%add3A_5] : memref<10240xf32, #tpu.memory_space<vmem_shared>> -> memref<128xf32, #tpu.memory_space<vmem_shared>>
      %dma_wait3A_73 = arith.constant 0 : i32
      %dma_wait3A_74 = tpu.memref_slice %arg11[%run_scoped3A, %dma_wait3A_73] : memref<128x128xf32, #tpu.memory_space<vmem>> -> memref<1x128xf32, #tpu.memory_space<vmem>>
      %dma_wait3A_75 = tpu.memref_squeeze %dma_wait3A_74 : memref<1x128xf32, #tpu.memory_space<vmem>> -> memref<128xf32, #tpu.memory_space<vmem>>
      tpu.wait_dma2 semaphore(%run_scoped3A_59 : memref<!tpu.dma_semaphore, #tpu.memory_space<semaphore_mem>>) src(%dma_wait3A_75 : memref<128xf32, #tpu.memory_space<vmem>>) dst(%dma_wait3A_72 : memref<128xf32, #tpu.memory_space<vmem_shared>>)
      tpu.yield
    }) : () -> ()
    %mul3A_6 = arith.constant 640 : i32
    %mul3A_7 = arith.muli %arg1, %mul3A_6 : i32
    %add3A_8 = arith.constant 128 : i32
    %add3A_9 = arith.addi %mul3A_7, %add3A_8 : i32
    "tpu.region"() ({
      %run_scoped3A_59 = tpu.sem_alloc : memref<!tpu.dma_semaphore, #tpu.memory_space<semaphore_mem>>
      %dma_start3A_60 = arith.constant 0 : i32
      %dma_start3A_61 = tpu.memref_slice %arg12[%add3A_9, %dma_start3A_60] : memref<10240x128xf32, #tpu.memory_space<vmem_shared>> -> memref<128x128xf32, #tpu.memory_space<vmem_shared>>
      %dma_start3A_62 = arith.constant 0 : i32
      %dma_start3A_63 = tpu.memref_slice %arg12[%add3A_9, %dma_start3A_62] : memref<10240x128xf32, #tpu.memory_space<vmem_shared>> -> memref<128x128xf32, #tpu.memory_space<vmem_shared>>
      tpu.enqueue_dma source(%arg11 : memref<128x128xf32, #tpu.memory_space<vmem>>) target(%dma_start3A_63 : memref<128x128xf32, #tpu.memory_space<vmem_shared>>) target_semaphore(%run_scoped3A_59 : memref<!tpu.dma_semaphore, #tpu.memory_space<semaphore_mem>>)
      %dma_wait3A_64 = arith.constant 0 : i32
      %dma_wait3A_65 = tpu.memref_slice %arg12[%add3A_9, %dma_wait3A_64] : memref<10240x128xf32, #tpu.memory_space<vmem_shared>> -> memref<128x128xf32, #tpu.memory_space<vmem_shared>>
      %dma_wait3A_66 = arith.constant 0 : i32
      %dma_wait3A_67 = tpu.memref_slice %arg12[%add3A_9, %dma_wait3A_66] : memref<10240x128xf32, #tpu.memory_space<vmem_shared>> -> memref<128x128xf32, #tpu.memory_space<vmem_shared>>
      tpu.wait_dma2 semaphore(%run_scoped3A_59 : memref<!tpu.dma_semaphore, #tpu.memory_space<semaphore_mem>>) src(%arg11 : memref<128x128xf32, #tpu.memory_space<vmem>>) dst(%dma_wait3A_67 : memref<128x128xf32, #tpu.memory_space<vmem_shared>>)
      tpu.yield
    }) : () -> ()
    %run_scoped3A_10 = arith.constant 0 : i32
    "tpu.region"() ({
      %run_scoped3A_59 = tpu.sem_alloc : memref<!tpu.dma_semaphore, #tpu.memory_space<semaphore_mem>>
      %dma_start3A_60 = arith.constant 0 : i32
      %dma_start3A_61 = tpu.memref_slice %arg11[%run_scoped3A_10, %dma_start3A_60] : memref<128x128xf32, #tpu.memory_space<vmem>> -> memref<1x128xf32, #tpu.memory_space<vmem>>
      %dma_start3A_62 = tpu.memref_squeeze %dma_start3A_61 : memref<1x128xf32, #tpu.memory_space<vmem>> -> memref<128xf32, #tpu.memory_space<vmem>>
      %dma_start3A_63 = tpu.memref_slice %arg13[%add3A_9] : memref<10240xf32, #tpu.memory_space<vmem_shared>> -> memref<128xf32, #tpu.memory_space<vmem_shared>>
      %dma_start3A_64 = tpu.memref_slice %arg13[%add3A_9] : memref<10240xf32, #tpu.memory_space<vmem_shared>> -> memref<128xf32, #tpu.memory_space<vmem_shared>>
      %dma_start3A_65 = arith.constant 0 : i32
      %dma_start3A_66 = tpu.memref_slice %arg11[%run_scoped3A_10, %dma_start3A_65] : memref<128x128xf32, #tpu.memory_space<vmem>> -> memref<1x128xf32, #tpu.memory_space<vmem>>
      %dma_start3A_67 = tpu.memref_squeeze %dma_start3A_66 : memref<1x128xf32, #tpu.memory_space<vmem>> -> memref<128xf32, #tpu.memory_space<vmem>>
      tpu.enqueue_dma source(%dma_start3A_67 : memref<128xf32, #tpu.memory_space<vmem>>) target(%dma_start3A_64 : memref<128xf32, #tpu.memory_space<vmem_shared>>) target_semaphore(%run_scoped3A_59 : memref<!tpu.dma_semaphore, #tpu.memory_space<semaphore_mem>>)
      %dma_wait3A_68 = arith.constant 0 : i32
      %dma_wait3A_69 = tpu.memref_slice %arg11[%run_scoped3A_10, %dma_wait3A_68] : memref<128x128xf32, #tpu.memory_space<vmem>> -> memref<1x128xf32, #tpu.memory_space<vmem>>
      %dma_wait3A_70 = tpu.memref_squeeze %dma_wait3A_69 : memref<1x128xf32, #tpu.memory_space<vmem>> -> memref<128xf32, #tpu.memory_space<vmem>>
      %dma_wait3A_71 = tpu.memref_slice %arg13[%add3A_9] : memref<10240xf32, #tpu.memory_space<vmem_shared>> -> memref<128xf32, #tpu.memory_space<vmem_shared>>
      %dma_wait3A_72 = tpu.memref_slice %arg13[%add3A_9] : memref<10240xf32, #tpu.memory_space<vmem_shared>> -> memref<128xf32, #tpu.memory_space<vmem_shared>>
      %dma_wait3A_73 = arith.constant 0 : i32
      %dma_wait3A_74 = tpu.memref_slice %arg11[%run_scoped3A_10, %dma_wait3A_73] : memref<128x128xf32, #tpu.memory_space<vmem>> -> memref<1x128xf32, #tpu.memory_space<vmem>>
      %dma_wait3A_75 = tpu.memref_squeeze %dma_wait3A_74 : memref<1x128xf32, #tpu.memory_space<vmem>> -> memref<128xf32, #tpu.memory_space<vmem>>
      tpu.wait_dma2 semaphore(%run_scoped3A_59 : memref<!tpu.dma_semaphore, #tpu.memory_space<semaphore_mem>>) src(%dma_wait3A_75 : memref<128xf32, #tpu.memory_space<vmem>>) dst(%dma_wait3A_72 : memref<128xf32, #tpu.memory_space<vmem_shared>>)
      tpu.yield
    }) : () -> ()
    %mul3A_11 = arith.constant 640 : i32
    %mul3A_12 = arith.muli %arg1, %mul3A_11 : i32
    %add3A_13 = arith.constant 256 : i32
    %add3A_14 = arith.addi %mul3A_12, %add3A_13 : i32
    "tpu.region"() ({
      %run_scoped3A_59 = tpu.sem_alloc : memref<!tpu.dma_semaphore, #tpu.memory_space<semaphore_mem>>
      %dma_start3A_60 = arith.constant 0 : i32
      %dma_start3A_61 = tpu.memref_slice %arg12[%add3A_14, %dma_start3A_60] : memref<10240x128xf32, #tpu.memory_space<vmem_shared>> -> memref<128x128xf32, #tpu.memory_space<vmem_shared>>
      %dma_start3A_62 = arith.constant 0 : i32
      %dma_start3A_63 = tpu.memref_slice %arg12[%add3A_14, %dma_start3A_62] : memref<10240x128xf32, #tpu.memory_space<vmem_shared>> -> memref<128x128xf32, #tpu.memory_space<vmem_shared>>
      tpu.enqueue_dma source(%arg11 : memref<128x128xf32, #tpu.memory_space<vmem>>) target(%dma_start3A_63 : memref<128x128xf32, #tpu.memory_space<vmem_shared>>) target_semaphore(%run_scoped3A_59 : memref<!tpu.dma_semaphore, #tpu.memory_space<semaphore_mem>>)
      %dma_wait3A_64 = arith.constant 0 : i32
      %dma_wait3A_65 = tpu.memref_slice %arg12[%add3A_14, %dma_wait3A_64] : memref<10240x128xf32, #tpu.memory_space<vmem_shared>> -> memref<128x128xf32, #tpu.memory_space<vmem_shared>>
      %dma_wait3A_66 = arith.constant 0 : i32
      %dma_wait3A_67 = tpu.memref_slice %arg12[%add3A_14, %dma_wait3A_66] : memref<10240x128xf32, #tpu.memory_space<vmem_shared>> -> memref<128x128xf32, #tpu.memory_space<vmem_shared>>
      tpu.wait_dma2 semaphore(%run_scoped3A_59 : memref<!tpu.dma_semaphore, #tpu.memory_space<semaphore_mem>>) src(%arg11 : memref<128x128xf32, #tpu.memory_space<vmem>>) dst(%dma_wait3A_67 : memref<128x128xf32, #tpu.memory_space<vmem_shared>>)
      tpu.yield
    }) : () -> ()
    %run_scoped3A_15 = arith.constant 0 : i32
    "tpu.region"() ({
      %run_scoped3A_59 = tpu.sem_alloc : memref<!tpu.dma_semaphore, #tpu.memory_space<semaphore_mem>>
      %dma_start3A_60 = arith.constant 0 : i32
      %dma_start3A_61 = tpu.memref_slice %arg11[%run_scoped3A_15, %dma_start3A_60] : memref<128x128xf32, #tpu.memory_space<vmem>> -> memref<1x128xf32, #tpu.memory_space<vmem>>
      %dma_start3A_62 = tpu.memref_squeeze %dma_start3A_61 : memref<1x128xf32, #tpu.memory_space<vmem>> -> memref<128xf32, #tpu.memory_space<vmem>>
      %dma_start3A_63 = tpu.memref_slice %arg13[%add3A_14] : memref<10240xf32, #tpu.memory_space<vmem_shared>> -> memref<128xf32, #tpu.memory_space<vmem_shared>>
      %dma_start3A_64 = tpu.memref_slice %arg13[%add3A_14] : memref<10240xf32, #tpu.memory_space<vmem_shared>> -> memref<128xf32, #tpu.memory_space<vmem_shared>>
      %dma_start3A_65 = arith.constant 0 : i32
      %dma_start3A_66 = tpu.memref_slice %arg11[%run_scoped3A_15, %dma_start3A_65] : memref<128x128xf32, #tpu.memory_space<vmem>> -> memref<1x128xf32, #tpu.memory_space<vmem>>
      %dma_start3A_67 = tpu.memref_squeeze %dma_start3A_66 : memref<1x128xf32, #tpu.memory_space<vmem>> -> memref<128xf32, #tpu.memory_space<vmem>>
      tpu.enqueue_dma source(%dma_start3A_67 : memref<128xf32, #tpu.memory_space<vmem>>) target(%dma_start3A_64 : memref<128xf32, #tpu.memory_space<vmem_shared>>) target_semaphore(%run_scoped3A_59 : memref<!tpu.dma_semaphore, #tpu.memory_space<semaphore_mem>>)
      %dma_wait3A_68 = arith.constant 0 : i32
      %dma_wait3A_69 = tpu.memref_slice %arg11[%run_scoped3A_15, %dma_wait3A_68] : memref<128x128xf32, #tpu.memory_space<vmem>> -> memref<1x128xf32, #tpu.memory_space<vmem>>
      %dma_wait3A_70 = tpu.memref_squeeze %dma_wait3A_69 : memref<1x128xf32, #tpu.memory_space<vmem>> -> memref<128xf32, #tpu.memory_space<vmem>>
      %dma_wait3A_71 = tpu.memref_slice %arg13[%add3A_14] : memref<10240xf32, #tpu.memory_space<vmem_shared>> -> memref<128xf32, #tpu.memory_space<vmem_shared>>
      %dma_wait3A_72 = tpu.memref_slice %arg13[%add3A_14] : memref<10240xf32, #tpu.memory_space<vmem_shared>> -> memref<128xf32, #tpu.memory_space<vmem_shared>>
      %dma_wait3A_73 = arith.constant 0 : i32
      %dma_wait3A_74 = tpu.memref_slice %arg11[%run_scoped3A_15, %dma_wait3A_73] : memref<128x128xf32, #tpu.memory_space<vmem>> -> memref<1x128xf32, #tpu.memory_space<vmem>>
      %dma_wait3A_75 = tpu.memref_squeeze %dma_wait3A_74 : memref<1x128xf32, #tpu.memory_space<vmem>> -> memref<128xf32, #tpu.memory_space<vmem>>
      tpu.wait_dma2 semaphore(%run_scoped3A_59 : memref<!tpu.dma_semaphore, #tpu.memory_space<semaphore_mem>>) src(%dma_wait3A_75 : memref<128xf32, #tpu.memory_space<vmem>>) dst(%dma_wait3A_72 : memref<128xf32, #tpu.memory_space<vmem_shared>>)
      tpu.yield
    }) : () -> ()
    %mul3A_16 = arith.constant 640 : i32
    %mul3A_17 = arith.muli %arg1, %mul3A_16 : i32
    %add3A_18 = arith.constant 384 : i32
    %add3A_19 = arith.addi %mul3A_17, %add3A_18 : i32
    "tpu.region"() ({
      %run_scoped3A_59 = tpu.sem_alloc : memref<!tpu.dma_semaphore, #tpu.memory_space<semaphore_mem>>
      %dma_start3A_60 = arith.constant 0 : i32
      %dma_start3A_61 = tpu.memref_slice %arg12[%add3A_19, %dma_start3A_60] : memref<10240x128xf32, #tpu.memory_space<vmem_shared>> -> memref<128x128xf32, #tpu.memory_space<vmem_shared>>
      %dma_start3A_62 = arith.constant 0 : i32
      %dma_start3A_63 = tpu.memref_slice %arg12[%add3A_19, %dma_start3A_62] : memref<10240x128xf32, #tpu.memory_space<vmem_shared>> -> memref<128x128xf32, #tpu.memory_space<vmem_shared>>
      tpu.enqueue_dma source(%arg11 : memref<128x128xf32, #tpu.memory_space<vmem>>) target(%dma_start3A_63 : memref<128x128xf32, #tpu.memory_space<vmem_shared>>) target_semaphore(%run_scoped3A_59 : memref<!tpu.dma_semaphore, #tpu.memory_space<semaphore_mem>>)
      %dma_wait3A_64 = arith.constant 0 : i32
      %dma_wait3A_65 = tpu.memref_slice %arg12[%add3A_19, %dma_wait3A_64] : memref<10240x128xf32, #tpu.memory_space<vmem_shared>> -> memref<128x128xf32, #tpu.memory_space<vmem_shared>>
      %dma_wait3A_66 = arith.constant 0 : i32
      %dma_wait3A_67 = tpu.memref_slice %arg12[%add3A_19, %dma_wait3A_66] : memref<10240x128xf32, #tpu.memory_space<vmem_shared>> -> memref<128x128xf32, #tpu.memory_space<vmem_shared>>
      tpu.wait_dma2 semaphore(%run_scoped3A_59 : memref<!tpu.dma_semaphore, #tpu.memory_space<semaphore_mem>>) src(%arg11 : memref<128x128xf32, #tpu.memory_space<vmem>>) dst(%dma_wait3A_67 : memref<128x128xf32, #tpu.memory_space<vmem_shared>>)
      tpu.yield
    }) : () -> ()
    %run_scoped3A_20 = arith.constant 0 : i32
    "tpu.region"() ({
      %run_scoped3A_59 = tpu.sem_alloc : memref<!tpu.dma_semaphore, #tpu.memory_space<semaphore_mem>>
      %dma_start3A_60 = arith.constant 0 : i32
      %dma_start3A_61 = tpu.memref_slice %arg11[%run_scoped3A_20, %dma_start3A_60] : memref<128x128xf32, #tpu.memory_space<vmem>> -> memref<1x128xf32, #tpu.memory_space<vmem>>
      %dma_start3A_62 = tpu.memref_squeeze %dma_start3A_61 : memref<1x128xf32, #tpu.memory_space<vmem>> -> memref<128xf32, #tpu.memory_space<vmem>>
      %dma_start3A_63 = tpu.memref_slice %arg13[%add3A_19] : memref<10240xf32, #tpu.memory_space<vmem_shared>> -> memref<128xf32, #tpu.memory_space<vmem_shared>>
      %dma_start3A_64 = tpu.memref_slice %arg13[%add3A_19] : memref<10240xf32, #tpu.memory_space<vmem_shared>> -> memref<128xf32, #tpu.memory_space<vmem_shared>>
      %dma_start3A_65 = arith.constant 0 : i32
      %dma_start3A_66 = tpu.memref_slice %arg11[%run_scoped3A_20, %dma_start3A_65] : memref<128x128xf32, #tpu.memory_space<vmem>> -> memref<1x128xf32, #tpu.memory_space<vmem>>
      %dma_start3A_67 = tpu.memref_squeeze %dma_start3A_66 : memref<1x128xf32, #tpu.memory_space<vmem>> -> memref<128xf32, #tpu.memory_space<vmem>>
      tpu.enqueue_dma source(%dma_start3A_67 : memref<128xf32, #tpu.memory_space<vmem>>) target(%dma_start3A_64 : memref<128xf32, #tpu.memory_space<vmem_shared>>) target_semaphore(%run_scoped3A_59 : memref<!tpu.dma_semaphore, #tpu.memory_space<semaphore_mem>>)
      %dma_wait3A_68 = arith.constant 0 : i32
      %dma_wait3A_69 = tpu.memref_slice %arg11[%run_scoped3A_20, %dma_wait3A_68] : memref<128x128xf32, #tpu.memory_space<vmem>> -> memref<1x128xf32, #tpu.memory_space<vmem>>
      %dma_wait3A_70 = tpu.memref_squeeze %dma_wait3A_69 : memref<1x128xf32, #tpu.memory_space<vmem>> -> memref<128xf32, #tpu.memory_space<vmem>>
      %dma_wait3A_71 = tpu.memref_slice %arg13[%add3A_19] : memref<10240xf32, #tpu.memory_space<vmem_shared>> -> memref<128xf32, #tpu.memory_space<vmem_shared>>
      %dma_wait3A_72 = tpu.memref_slice %arg13[%add3A_19] : memref<10240xf32, #tpu.memory_space<vmem_shared>> -> memref<128xf32, #tpu.memory_space<vmem_shared>>
      %dma_wait3A_73 = arith.constant 0 : i32
      %dma_wait3A_74 = tpu.memref_slice %arg11[%run_scoped3A_20, %dma_wait3A_73] : memref<128x128xf32, #tpu.memory_space<vmem>> -> memref<1x128xf32, #tpu.memory_space<vmem>>
      %dma_wait3A_75 = tpu.memref_squeeze %dma_wait3A_74 : memref<1x128xf32, #tpu.memory_space<vmem>> -> memref<128xf32, #tpu.memory_space<vmem>>
      tpu.wait_dma2 semaphore(%run_scoped3A_59 : memref<!tpu.dma_semaphore, #tpu.memory_space<semaphore_mem>>) src(%dma_wait3A_75 : memref<128xf32, #tpu.memory_space<vmem>>) dst(%dma_wait3A_72 : memref<128xf32, #tpu.memory_space<vmem_shared>>)
      tpu.yield
    }) : () -> ()
    %mul3A_21 = arith.constant 640 : i32
    %mul3A_22 = arith.muli %arg1, %mul3A_21 : i32
    %add3A_23 = arith.constant 512 : i32
    %add3A_24 = arith.addi %mul3A_22, %add3A_23 : i32
    "tpu.region"() ({
      %run_scoped3A_59 = tpu.sem_alloc : memref<!tpu.dma_semaphore, #tpu.memory_space<semaphore_mem>>
      %dma_start3A_60 = arith.constant 0 : i32
      %dma_start3A_61 = tpu.memref_slice %arg12[%add3A_24, %dma_start3A_60] : memref<10240x128xf32, #tpu.memory_space<vmem_shared>> -> memref<128x128xf32, #tpu.memory_space<vmem_shared>>
      %dma_start3A_62 = arith.constant 0 : i32
      %dma_start3A_63 = tpu.memref_slice %arg12[%add3A_24, %dma_start3A_62] : memref<10240x128xf32, #tpu.memory_space<vmem_shared>> -> memref<128x128xf32, #tpu.memory_space<vmem_shared>>
      tpu.enqueue_dma source(%arg11 : memref<128x128xf32, #tpu.memory_space<vmem>>) target(%dma_start3A_63 : memref<128x128xf32, #tpu.memory_space<vmem_shared>>) target_semaphore(%run_scoped3A_59 : memref<!tpu.dma_semaphore, #tpu.memory_space<semaphore_mem>>)
      %dma_wait3A_64 = arith.constant 0 : i32
      %dma_wait3A_65 = tpu.memref_slice %arg12[%add3A_24, %dma_wait3A_64] : memref<10240x128xf32, #tpu.memory_space<vmem_shared>> -> memref<128x128xf32, #tpu.memory_space<vmem_shared>>
      %dma_wait3A_66 = arith.constant 0 : i32
      %dma_wait3A_67 = tpu.memref_slice %arg12[%add3A_24, %dma_wait3A_66] : memref<10240x128xf32, #tpu.memory_space<vmem_shared>> -> memref<128x128xf32, #tpu.memory_space<vmem_shared>>
      tpu.wait_dma2 semaphore(%run_scoped3A_59 : memref<!tpu.dma_semaphore, #tpu.memory_space<semaphore_mem>>) src(%arg11 : memref<128x128xf32, #tpu.memory_space<vmem>>) dst(%dma_wait3A_67 : memref<128x128xf32, #tpu.memory_space<vmem_shared>>)
      tpu.yield
    }) : () -> ()
    %run_scoped3A_25 = arith.constant 0 : i32
    "tpu.region"() ({
      %run_scoped3A_59 = tpu.sem_alloc : memref<!tpu.dma_semaphore, #tpu.memory_space<semaphore_mem>>
      %dma_start3A_60 = arith.constant 0 : i32
      %dma_start3A_61 = tpu.memref_slice %arg11[%run_scoped3A_25, %dma_start3A_60] : memref<128x128xf32, #tpu.memory_space<vmem>> -> memref<1x128xf32, #tpu.memory_space<vmem>>
      %dma_start3A_62 = tpu.memref_squeeze %dma_start3A_61 : memref<1x128xf32, #tpu.memory_space<vmem>> -> memref<128xf32, #tpu.memory_space<vmem>>
      %dma_start3A_63 = tpu.memref_slice %arg13[%add3A_24] : memref<10240xf32, #tpu.memory_space<vmem_shared>> -> memref<128xf32, #tpu.memory_space<vmem_shared>>
      %dma_start3A_64 = tpu.memref_slice %arg13[%add3A_24] : memref<10240xf32, #tpu.memory_space<vmem_shared>> -> memref<128xf32, #tpu.memory_space<vmem_shared>>
      %dma_start3A_65 = arith.constant 0 : i32
      %dma_start3A_66 = tpu.memref_slice %arg11[%run_scoped3A_25, %dma_start3A_65] : memref<128x128xf32, #tpu.memory_space<vmem>> -> memref<1x128xf32, #tpu.memory_space<vmem>>
      %dma_start3A_67 = tpu.memref_squeeze %dma_start3A_66 : memref<1x128xf32, #tpu.memory_space<vmem>> -> memref<128xf32, #tpu.memory_space<vmem>>
      tpu.enqueue_dma source(%dma_start3A_67 : memref<128xf32, #tpu.memory_space<vmem>>) target(%dma_start3A_64 : memref<128xf32, #tpu.memory_space<vmem_shared>>) target_semaphore(%run_scoped3A_59 : memref<!tpu.dma_semaphore, #tpu.memory_space<semaphore_mem>>)
      %dma_wait3A_68 = arith.constant 0 : i32
      %dma_wait3A_69 = tpu.memref_slice %arg11[%run_scoped3A_25, %dma_wait3A_68] : memref<128x128xf32, #tpu.memory_space<vmem>> -> memref<1x128xf32, #tpu.memory_space<vmem>>
      %dma_wait3A_70 = tpu.memref_squeeze %dma_wait3A_69 : memref<1x128xf32, #tpu.memory_space<vmem>> -> memref<128xf32, #tpu.memory_space<vmem>>
      %dma_wait3A_71 = tpu.memref_slice %arg13[%add3A_24] : memref<10240xf32, #tpu.memory_space<vmem_shared>> -> memref<128xf32, #tpu.memory_space<vmem_shared>>
      %dma_wait3A_72 = tpu.memref_slice %arg13[%add3A_24] : memref<10240xf32, #tpu.memory_space<vmem_shared>> -> memref<128xf32, #tpu.memory_space<vmem_shared>>
      %dma_wait3A_73 = arith.constant 0 : i32
      %dma_wait3A_74 = tpu.memref_slice %arg11[%run_scoped3A_25, %dma_wait3A_73] : memref<128x128xf32, #tpu.memory_space<vmem>> -> memref<1x128xf32, #tpu.memory_space<vmem>>
      %dma_wait3A_75 = tpu.memref_squeeze %dma_wait3A_74 : memref<1x128xf32, #tpu.memory_space<vmem>> -> memref<128xf32, #tpu.memory_space<vmem>>
      tpu.wait_dma2 semaphore(%run_scoped3A_59 : memref<!tpu.dma_semaphore, #tpu.memory_space<semaphore_mem>>) src(%dma_wait3A_75 : memref<128xf32, #tpu.memory_space<vmem>>) dst(%dma_wait3A_72 : memref<128xf32, #tpu.memory_space<vmem_shared>>)
      tpu.yield
    }) : () -> ()
    %barrier3A = arith.constant 0 : index
    tpu.barrier barrier_id(%barrier3A)
    "tpu.region"() ({
      %run_scoped3A_59 = tpu.sem_alloc : memref<!tpu.dma_semaphore, #tpu.memory_space<semaphore_mem>>
      %dma_start3A_60 = arith.constant 0 : i32
      %dma_start3A_61 = arith.constant 0 : i32
      %dma_start3A_62 = tpu.memref_slice %arg3[%arg0, %arg1, %dma_start3A_60, %dma_start3A_61] : memref<2x16x79x128xi32, #tpu.memory_space<hbm>> -> memref<1x1x79x128xi32, #tpu.memory_space<hbm>>
      %dma_start3A_63 = tpu.memref_squeeze %dma_start3A_62 : memref<1x1x79x128xi32, #tpu.memory_space<hbm>> -> memref<79x128xi32, #tpu.memory_space<hbm>>
      %dma_start3A_64 = arith.constant 0 : i32
      %dma_start3A_65 = arith.constant 0 : i32
      %dma_start3A_66 = tpu.memref_slice %arg3[%arg0, %arg1, %dma_start3A_64, %dma_start3A_65] : memref<2x16x79x128xi32, #tpu.memory_space<hbm>> -> memref<1x1x79x128xi32, #tpu.memory_space<hbm>>
      %dma_start3A_67 = tpu.memref_squeeze %dma_start3A_66 : memref<1x1x79x128xi32, #tpu.memory_space<hbm>> -> memref<79x128xi32, #tpu.memory_space<hbm>>
      tpu.enqueue_dma source(%dma_start3A_67 : memref<79x128xi32, #tpu.memory_space<hbm>>) target(%arg8 : memref<79x128xi32, #tpu.memory_space<vmem>>) target_semaphore(%run_scoped3A_59 : memref<!tpu.dma_semaphore, #tpu.memory_space<semaphore_mem>>)
      %dma_wait3A_68 = arith.constant 0 : i32
      %dma_wait3A_69 = arith.constant 0 : i32
      %dma_wait3A_70 = tpu.memref_slice %arg3[%arg0, %arg1, %dma_wait3A_68, %dma_wait3A_69] : memref<2x16x79x128xi32, #tpu.memory_space<hbm>> -> memref<1x1x79x128xi32, #tpu.memory_space<hbm>>
      %dma_wait3A_71 = tpu.memref_squeeze %dma_wait3A_70 : memref<1x1x79x128xi32, #tpu.memory_space<hbm>> -> memref<79x128xi32, #tpu.memory_space<hbm>>
      %dma_wait3A_72 = arith.constant 0 : i32
      %dma_wait3A_73 = arith.constant 0 : i32
      %dma_wait3A_74 = tpu.memref_slice %arg3[%arg0, %arg1, %dma_wait3A_72, %dma_wait3A_73] : memref<2x16x79x128xi32, #tpu.memory_space<hbm>> -> memref<1x1x79x128xi32, #tpu.memory_space<hbm>>
      %dma_wait3A_75 = tpu.memref_squeeze %dma_wait3A_74 : memref<1x1x79x128xi32, #tpu.memory_space<hbm>> -> memref<79x128xi32, #tpu.memory_space<hbm>>
      tpu.wait_dma2 semaphore(%run_scoped3A_59 : memref<!tpu.dma_semaphore, #tpu.memory_space<semaphore_mem>>) src(%dma_wait3A_75 : memref<79x128xi32, #tpu.memory_space<hbm>>) dst(%arg8 : memref<79x128xi32, #tpu.memory_space<vmem>>)
      tpu.yield
    }) : () -> ()
    "tpu.region"() ({
      %run_scoped3A_59 = tpu.sem_alloc : memref<!tpu.dma_semaphore, #tpu.memory_space<semaphore_mem>>
      %dma_start3A_60 = arith.constant 0 : i32
      %dma_start3A_61 = arith.constant 0 : i32
      %dma_start3A_62 = tpu.memref_slice %arg4[%arg0, %arg1, %dma_start3A_60, %dma_start3A_61] : memref<2x16x79x128xi32, #tpu.memory_space<hbm>> -> memref<1x1x79x128xi32, #tpu.memory_space<hbm>>
      %dma_start3A_63 = tpu.memref_squeeze %dma_start3A_62 : memref<1x1x79x128xi32, #tpu.memory_space<hbm>> -> memref<79x128xi32, #tpu.memory_space<hbm>>
      %dma_start3A_64 = arith.constant 0 : i32
      %dma_start3A_65 = arith.constant 0 : i32
      %dma_start3A_66 = tpu.memref_slice %arg4[%arg0, %arg1, %dma_start3A_64, %dma_start3A_65] : memref<2x16x79x128xi32, #tpu.memory_space<hbm>> -> memref<1x1x79x128xi32, #tpu.memory_space<hbm>>
      %dma_start3A_67 = tpu.memref_squeeze %dma_start3A_66 : memref<1x1x79x128xi32, #tpu.memory_space<hbm>> -> memref<79x128xi32, #tpu.memory_space<hbm>>
      tpu.enqueue_dma source(%dma_start3A_67 : memref<79x128xi32, #tpu.memory_space<hbm>>) target(%arg9 : memref<79x128xi32, #tpu.memory_space<vmem>>) target_semaphore(%run_scoped3A_59 : memref<!tpu.dma_semaphore, #tpu.memory_space<semaphore_mem>>)
      %dma_wait3A_68 = arith.constant 0 : i32
      %dma_wait3A_69 = arith.constant 0 : i32
      %dma_wait3A_70 = tpu.memref_slice %arg4[%arg0, %arg1, %dma_wait3A_68, %dma_wait3A_69] : memref<2x16x79x128xi32, #tpu.memory_space<hbm>> -> memref<1x1x79x128xi32, #tpu.memory_space<hbm>>
      %dma_wait3A_71 = tpu.memref_squeeze %dma_wait3A_70 : memref<1x1x79x128xi32, #tpu.memory_space<hbm>> -> memref<79x128xi32, #tpu.memory_space<hbm>>
      %dma_wait3A_72 = arith.constant 0 : i32
      %dma_wait3A_73 = arith.constant 0 : i32
      %dma_wait3A_74 = tpu.memref_slice %arg4[%arg0, %arg1, %dma_wait3A_72, %dma_wait3A_73] : memref<2x16x79x128xi32, #tpu.memory_space<hbm>> -> memref<1x1x79x128xi32, #tpu.memory_space<hbm>>
      %dma_wait3A_75 = tpu.memref_squeeze %dma_wait3A_74 : memref<1x1x79x128xi32, #tpu.memory_space<hbm>> -> memref<79x128xi32, #tpu.memory_space<hbm>>
      tpu.wait_dma2 semaphore(%run_scoped3A_59 : memref<!tpu.dma_semaphore, #tpu.memory_space<semaphore_mem>>) src(%dma_wait3A_75 : memref<79x128xi32, #tpu.memory_space<hbm>>) dst(%arg9 : memref<79x128xi32, #tpu.memory_space<vmem>>)
      tpu.yield
    }) : () -> ()
    "tpu.region"() ({
      %run_scoped3A_59 = tpu.sem_alloc : memref<!tpu.dma_semaphore, #tpu.memory_space<semaphore_mem>>
      %dma_start3A_60 = arith.constant 0 : i32
      %dma_start3A_61 = arith.constant 0 : i32
      %dma_start3A_62 = tpu.memref_slice %arg5[%arg0, %arg1, %dma_start3A_60, %dma_start3A_61] : memref<2x16x79x128xf32, #tpu.memory_space<hbm>> -> memref<1x1x79x128xf32, #tpu.memory_space<hbm>>
      %dma_start3A_63 = tpu.memref_squeeze %dma_start3A_62 : memref<1x1x79x128xf32, #tpu.memory_space<hbm>> -> memref<79x128xf32, #tpu.memory_space<hbm>>
      %dma_start3A_64 = arith.constant 0 : i32
      %dma_start3A_65 = arith.constant 0 : i32
      %dma_start3A_66 = tpu.memref_slice %arg5[%arg0, %arg1, %dma_start3A_64, %dma_start3A_65] : memref<2x16x79x128xf32, #tpu.memory_space<hbm>> -> memref<1x1x79x128xf32, #tpu.memory_space<hbm>>
      %dma_start3A_67 = tpu.memref_squeeze %dma_start3A_66 : memref<1x1x79x128xf32, #tpu.memory_space<hbm>> -> memref<79x128xf32, #tpu.memory_space<hbm>>
      tpu.enqueue_dma source(%dma_start3A_67 : memref<79x128xf32, #tpu.memory_space<hbm>>) target(%arg10 : memref<79x128xf32, #tpu.memory_space<vmem>>) target_semaphore(%run_scoped3A_59 : memref<!tpu.dma_semaphore, #tpu.memory_space<semaphore_mem>>)
      %dma_wait3A_68 = arith.constant 0 : i32
      %dma_wait3A_69 = arith.constant 0 : i32
      %dma_wait3A_70 = tpu.memref_slice %arg5[%arg0, %arg1, %dma_wait3A_68, %dma_wait3A_69] : memref<2x16x79x128xf32, #tpu.memory_space<hbm>> -> memref<1x1x79x128xf32, #tpu.memory_space<hbm>>
      %dma_wait3A_71 = tpu.memref_squeeze %dma_wait3A_70 : memref<1x1x79x128xf32, #tpu.memory_space<hbm>> -> memref<79x128xf32, #tpu.memory_space<hbm>>
      %dma_wait3A_72 = arith.constant 0 : i32
      %dma_wait3A_73 = arith.constant 0 : i32
      %dma_wait3A_74 = tpu.memref_slice %arg5[%arg0, %arg1, %dma_wait3A_72, %dma_wait3A_73] : memref<2x16x79x128xf32, #tpu.memory_space<hbm>> -> memref<1x1x79x128xf32, #tpu.memory_space<hbm>>
      %dma_wait3A_75 = tpu.memref_squeeze %dma_wait3A_74 : memref<1x1x79x128xf32, #tpu.memory_space<hbm>> -> memref<79x128xf32, #tpu.memory_space<hbm>>
      tpu.wait_dma2 semaphore(%run_scoped3A_59 : memref<!tpu.dma_semaphore, #tpu.memory_space<semaphore_mem>>) src(%dma_wait3A_75 : memref<79x128xf32, #tpu.memory_space<hbm>>) dst(%arg10 : memref<79x128xf32, #tpu.memory_space<vmem>>)
      tpu.yield
    }) : () -> ()
    %run_scoped3A_26 = arith.constant 0 : i32
    "tpu.region"() ({
      %run_scoped3A_59 = tpu.sem_alloc : memref<!tpu.dma_semaphore, #tpu.memory_space<semaphore_mem>>
      %dma_start3A_60 = arith.constant 0 : i32
      %dma_start3A_61 = tpu.memref_slice %arg8[%run_scoped3A_26, %dma_start3A_60] : memref<79x128xi32, #tpu.memory_space<vmem>> -> memref<1x128xi32, #tpu.memory_space<vmem>>
      %dma_start3A_62 = tpu.memref_squeeze %dma_start3A_61 : memref<1x128xi32, #tpu.memory_space<vmem>> -> memref<128xi32, #tpu.memory_space<vmem>>
      %dma_start3A_63 = arith.constant 0 : i32
      %dma_start3A_64 = arith.constant 0 : i32
      %dma_start3A_65 = tpu.memref_slice %arg2[%dma_start3A_63, %dma_start3A_64] : memref<10000x128xf32, #tpu.memory_space<hbm>> -> memref<10000x128xf32, #tpu.memory_space<hbm>>
      tpu.enqueue_indirect_dma source(%dma_start3A_65 : memref<10000x128xf32, #tpu.memory_space<hbm>>) target(%arg11 : memref<128x128xf32, #tpu.memory_space<vmem>>) offsets(%dma_start3A_62 : memref<128xi32, #tpu.memory_space<vmem>>) semaphore(%run_scoped3A_59 : memref<!tpu.dma_semaphore, #tpu.memory_space<semaphore_mem>>)
      %dma_wait3A_66 = arith.constant 0 : i32
      %dma_wait3A_67 = tpu.memref_slice %arg8[%run_scoped3A_26, %dma_wait3A_66] : memref<79x128xi32, #tpu.memory_space<vmem>> -> memref<1x128xi32, #tpu.memory_space<vmem>>
      %dma_wait3A_68 = tpu.memref_squeeze %dma_wait3A_67 : memref<1x128xi32, #tpu.memory_space<vmem>> -> memref<128xi32, #tpu.memory_space<vmem>>
      %dma_wait3A_69 = arith.constant 0 : i32
      %dma_wait3A_70 = arith.constant 0 : i32
      %dma_wait3A_71 = tpu.memref_slice %arg2[%dma_wait3A_69, %dma_wait3A_70] : memref<10000x128xf32, #tpu.memory_space<hbm>> -> memref<10000x128xf32, #tpu.memory_space<hbm>>
      tpu.wait_indirect_dma semaphore(%run_scoped3A_59 : memref<!tpu.dma_semaphore, #tpu.memory_space<semaphore_mem>>) src(%dma_wait3A_71 : memref<10000x128xf32, #tpu.memory_space<hbm>>) dst(%arg11 : memref<128x128xf32, #tpu.memory_space<vmem>>)
      tpu.yield
    }) : () -> ()
    %scan3A_27 = arith.constant 0 : i32
    %scan3A_28 = arith.constant 8 : i32
    %scan3A_29 = arith.addi %scan3A_27, %scan3A_28 : i32
    %scan3A_30 = arith.constant 1 : i32
    scf.for %scan3A_59 = %scan3A_27 to %scan3A_29 step %scan3A_30  : i32 {
      %mul3A_60 = arith.constant 16 : i32
      %mul3A_61 = arith.muli %scan3A_59, %mul3A_60 : i32
      %get3A = arith.constant 0 : i32
      %get3A_62 = arith.index_cast %get3A : i32 to index
      %get3A_63 = arith.index_cast %mul3A_61 : i32 to index
      %get3A_64 = tpu.vector_load %arg10[%get3A_62, %get3A_63] {strides = array<i32>} : memref<79x128xf32, #tpu.memory_space<vmem>>, vector<1x16xf32>,
      %get3A_65 = vector.shape_cast %get3A_64 : vector<1x16xf32> to vector<16xf32>
      %mul3A_66 = arith.constant 16 : i32
      %mul3A_67 = arith.muli %scan3A_59, %mul3A_66 : i32
      %add3A_68 = arith.constant 0 : i32
      %add3A_69 = arith.addi %mul3A_67, %add3A_68 : i32
      %slice3A = vector.extract_strided_slice %get3A_65 {offsets = [0], sizes = [1], strides = [1]} : vector<16xf32> to vector<1xf32>
      %squeeze3A = vector.extract %slice3A[0] : f32 from vector<1xf32>
      %broadcast_in_dim3A = vector.broadcast %squeeze3A : f32 to vector<16xf32>
      %get3A_70 = arith.index_cast %add3A_69 : i32 to index
      %get3A_71 = arith.constant 0 : index
      %get3A_72 = tpu.vector_load %arg11[%get3A_70, %get3A_71] {strides = array<i32>} : memref<128x128xf32, #tpu.memory_space<vmem>>, vector<1x16xf32>,
      %get3A_73 = vector.shape_cast %get3A_72 : vector<1x16xf32> to vector<16xf32>
      %mul3A_74 = arith.mulf %get3A_73, %broadcast_in_dim3A : vector<16xf32>
      %swap3A = arith.index_cast %add3A_69 : i32 to index
      %swap3A_75 = arith.constant 0 : index
      %swap3A_76 = tpu.vector_load %arg11[%swap3A, %swap3A_75] {strides = array<i32>} : memref<128x128xf32, #tpu.memory_space<vmem>>, vector<1x16xf32>,
      %swap3A_77 = vector.shape_cast %swap3A_76 : vector<1x16xf32> to vector<16xf32>
      %swap3A_78 = vector.shape_cast %mul3A_74 : vector<16xf32> to vector<1x16xf32>
      tpu.vector_store %arg11[%swap3A, %swap3A_75], %swap3A_78 {strides = array<i32>} : memref<128x128xf32, #tpu.memory_space<vmem>>, vector<1x16xf32>,
      %get3A_79 = arith.index_cast %add3A_69 : i32 to index
      %get3A_80 = arith.constant 16 : index
      %get3A_81 = tpu.vector_load %arg11[%get3A_79, %get3A_80] {strides = array<i32>} : memref<128x128xf32, #tpu.memory_space<vmem>>, vector<1x16xf32>,
      %get3A_82 = vector.shape_cast %get3A_81 : vector<1x16xf32> to vector<16xf32>
      %mul3A_83 = arith.mulf %get3A_82, %broadcast_in_dim3A : vector<16xf32>
      %swap3A_84 = arith.index_cast %add3A_69 : i32 to index
      %swap3A_85 = arith.constant 16 : index
      %swap3A_86 = tpu.vector_load %arg11[%swap3A_84, %swap3A_85] {strides = array<i32>} : memref<128x128xf32, #tpu.memory_space<vmem>>, vector<1x16xf32>,
      %swap3A_87 = vector.shape_cast %swap3A_86 : vector<1x16xf32> to vector<16xf32>
      %swap3A_88 = vector.shape_cast %mul3A_83 : vector<16xf32> to vector<1x16xf32>
      tpu.vector_store %arg11[%swap3A_84, %swap3A_85], %swap3A_88 {strides = array<i32>} : memref<128x128xf32, #tpu.memory_space<vmem>>, vector<1x16xf32>,
      %get3A_89 = arith.index_cast %add3A_69 : i32 to index
      %get3A_90 = arith.constant 32 : index
      %get3A_91 = tpu.vector_load %arg11[%get3A_89, %get3A_90] {strides = array<i32>} : memref<128x128xf32, #tpu.memory_space<vmem>>, vector<1x16xf32>,
      %get3A_92 = vector.shape_cast %get3A_91 : vector<1x16xf32> to vector<16xf32>
      %mul3A_93 = arith.mulf %get3A_92, %broadcast_in_dim3A : vector<16xf32>
      %swap3A_94 = arith.index_cast %add3A_69 : i32 to index
      %swap3A_95 = arith.constant 32 : index
      %swap3A_96 = tpu.vector_load %arg11[%swap3A_94, %swap3A_95] {strides = array<i32>} : memref<128x128xf32, #tpu.memory_space<vmem>>, vector<1x16xf32>,
      %swap3A_97 = vector.shape_cast %swap3A_96 : vector<1x16xf32> to vector<16xf32>
      %swap3A_98 = vector.shape_cast %mul3A_93 : vector<16xf32> to vector<1x16xf32>
      tpu.vector_store %arg11[%swap3A_94, %swap3A_95], %swap3A_98 {strides = array<i32>} : memref<128x128xf32, #tpu.memory_space<vmem>>, vector<1x16xf32>,
      %get3A_99 = arith.index_cast %add3A_69 : i32 to index
      %get3A_100 = arith.constant 48 : index
      %get3A_101 = tpu.vector_load %arg11[%get3A_99, %get3A_100] {strides = array<i32>} : memref<128x128xf32, #tpu.memory_space<vmem>>, vector<1x16xf32>,
      %get3A_102 = vector.shape_cast %get3A_101 : vector<1x16xf32> to vector<16xf32>
      %mul3A_103 = arith.mulf %get3A_102, %broadcast_in_dim3A : vector<16xf32>
      %swap3A_104 = arith.index_cast %add3A_69 : i32 to index
      %swap3A_105 = arith.constant 48 : index
      %swap3A_106 = tpu.vector_load %arg11[%swap3A_104, %swap3A_105] {strides = array<i32>} : memref<128x128xf32, #tpu.memory_space<vmem>>, vector<1x16xf32>,
      %swap3A_107 = vector.shape_cast %swap3A_106 : vector<1x16xf32> to vector<16xf32>
      %swap3A_108 = vector.shape_cast %mul3A_103 : vector<16xf32> to vector<1x16xf32>
      tpu.vector_store %arg11[%swap3A_104, %swap3A_105], %swap3A_108 {strides = array<i32>} : memref<128x128xf32, #tpu.memory_space<vmem>>, vector<1x16xf32>,
      %get3A_109 = arith.index_cast %add3A_69 : i32 to index
      %get3A_110 = arith.constant 64 : index
      %get3A_111 = tpu.vector_load %arg11[%get3A_109, %get3A_110] {strides = array<i32>} : memref<128x128xf32, #tpu.memory_space<vmem>>, vector<1x16xf32>,
      %get3A_112 = vector.shape_cast %get3A_111 : vector<1x16xf32> to vector<16xf32>
      %mul3A_113 = arith.mulf %get3A_112, %broadcast_in_dim3A : vector<16xf32>
      %swap3A_114 = arith.index_cast %add3A_69 : i32 to index
      %swap3A_115 = arith.constant 64 : index
      %swap3A_116 = tpu.vector_load %arg11[%swap3A_114, %swap3A_115] {strides = array<i32>} : memref<128x128xf32, #tpu.memory_space<vmem>>, vector<1x16xf32>,
      %swap3A_117 = vector.shape_cast %swap3A_116 : vector<1x16xf32> to vector<16xf32>
      %swap3A_118 = vector.shape_cast %mul3A_113 : vector<16xf32> to vector<1x16xf32>
      tpu.vector_store %arg11[%swap3A_114, %swap3A_115], %swap3A_118 {strides = array<i32>} : memref<128x128xf32, #tpu.memory_space<vmem>>, vector<1x16xf32>,
      %get3A_119 = arith.index_cast %add3A_69 : i32 to index
      %get3A_120 = arith.constant 80 : index
      %get3A_121 = tpu.vector_load %arg11[%get3A_119, %get3A_120] {strides = array<i32>} : memref<128x128xf32, #tpu.memory_space<vmem>>, vector<1x16xf32>,
      %get3A_122 = vector.shape_cast %get3A_121 : vector<1x16xf32> to vector<16xf32>
      %mul3A_123 = arith.mulf %get3A_122, %broadcast_in_dim3A : vector<16xf32>
      %swap3A_124 = arith.index_cast %add3A_69 : i32 to index
      %swap3A_125 = arith.constant 80 : index
      %swap3A_126 = tpu.vector_load %arg11[%swap3A_124, %swap3A_125] {strides = array<i32>} : memref<128x128xf32, #tpu.memory_space<vmem>>, vector<1x16xf32>,
      %swap3A_127 = vector.shape_cast %swap3A_126 : vector<1x16xf32> to vector<16xf32>
      %swap3A_128 = vector.shape_cast %mul3A_123 : vector<16xf32> to vector<1x16xf32>
      tpu.vector_store %arg11[%swap3A_124, %swap3A_125], %swap3A_128 {strides = array<i32>} : memref<128x128xf32, #tpu.memory_space<vmem>>, vector<1x16xf32>,
      %get3A_129 = arith.index_cast %add3A_69 : i32 to index
      %get3A_130 = arith.constant 96 : index
      %get3A_131 = tpu.vector_load %arg11[%get3A_129, %get3A_130] {strides = array<i32>} : memref<128x128xf32, #tpu.memory_space<vmem>>, vector<1x16xf32>,
      %get3A_132 = vector.shape_cast %get3A_131 : vector<1x16xf32> to vector<16xf32>
      %mul3A_133 = arith.mulf %get3A_132, %broadcast_in_dim3A : vector<16xf32>
      %swap3A_134 = arith.index_cast %add3A_69 : i32 to index
      %swap3A_135 = arith.constant 96 : index
      %swap3A_136 = tpu.vector_load %arg11[%swap3A_134, %swap3A_135] {strides = array<i32>} : memref<128x128xf32, #tpu.memory_space<vmem>>, vector<1x16xf32>,
      %swap3A_137 = vector.shape_cast %swap3A_136 : vector<1x16xf32> to vector<16xf32>
      %swap3A_138 = vector.shape_cast %mul3A_133 : vector<16xf32> to vector<1x16xf32>
      tpu.vector_store %arg11[%swap3A_134, %swap3A_135], %swap3A_138 {strides = array<i32>} : memref<128x128xf32, #tpu.memory_space<vmem>>, vector<1x16xf32>,
      %get3A_139 = arith.index_cast %add3A_69 : i32 to index
      %get3A_140 = arith.constant 112 : index
      %get3A_141 = tpu.vector_load %arg11[%get3A_139, %get3A_140] {strides = array<i32>} : memref<128x128xf32, #tpu.memory_space<vmem>>, vector<1x16xf32>,
      %get3A_142 = vector.shape_cast %get3A_141 : vector<1x16xf32> to vector<16xf32>
      %mul3A_143 = arith.mulf %get3A_142, %broadcast_in_dim3A : vector<16xf32>
      %swap3A_144 = arith.index_cast %add3A_69 : i32 to index
      %swap3A_145 = arith.constant 112 : index
      %swap3A_146 = tpu.vector_load %arg11[%swap3A_144, %swap3A_145] {strides = array<i32>} : memref<128x128xf32, #tpu.memory_space<vmem>>, vector<1x16xf32>,
      %swap3A_147 = vector.shape_cast %swap3A_146 : vector<1x16xf32> to vector<16xf32>
      %swap3A_148 = vector.shape_cast %mul3A_143 : vector<16xf32> to vector<1x16xf32>
      tpu.vector_store %arg11[%swap3A_144, %swap3A_145], %swap3A_148 {strides = array<i32>} : memref<128x128xf32, #tpu.memory_space<vmem>>, vector<1x16xf32>,
      %mul3A_149 = arith.constant 16 : i32
      %mul3A_150 = arith.muli %scan3A_59, %mul3A_149 : i32
      %add3A_151 = arith.constant 1 : i32
      %add3A_152 = arith.addi %mul3A_150, %add3A_151 : i32
      %slice3A_153 = vector.extract_strided_slice %get3A_65 {offsets = [1], sizes = [1], strides = [1]} : vector<16xf32> to vector<1xf32>
      %squeeze3A_154 = vector.extract %slice3A_153[0] : f32 from vector<1xf32>
      %broadcast_in_dim3A_155 = vector.broadcast %squeeze3A_154 : f32 to vector<16xf32>
      %get3A_156 = arith.index_cast %add3A_152 : i32 to index
      %get3A_157 = arith.constant 0 : index
      %get3A_158 = tpu.vector_load %arg11[%get3A_156, %get3A_157] {strides = array<i32>} : memref<128x128xf32, #tpu.memory_space<vmem>>, vector<1x16xf32>,
      %get3A_159 = vector.shape_cast %get3A_158 : vector<1x16xf32> to vector<16xf32>
      %mul3A_160 = arith.mulf %get3A_159, %broadcast_in_dim3A_155 : vector<16xf32>
      %swap3A_161 = arith.index_cast %add3A_152 : i32 to index
      %swap3A_162 = arith.constant 0 : index
      %swap3A_163 = tpu.vector_load %arg11[%swap3A_161, %swap3A_162] {strides = array<i32>} : memref<128x128xf32, #tpu.memory_space<vmem>>, vector<1x16xf32>,
      %swap3A_164 = vector.shape_cast %swap3A_163 : vector<1x16xf32> to vector<16xf32>
      %swap3A_165 = vector.shape_cast %mul3A_160 : vector<16xf32> to vector<1x16xf32>
      tpu.vector_store %arg11[%swap3A_161, %swap3A_162], %swap3A_165 {strides = array<i32>} : memref<128x128xf32, #tpu.memory_space<vmem>>, vector<1x16xf32>,
      %get3A_166 = arith.index_cast %add3A_152 : i32 to index
      %get3A_167 = arith.constant 16 : index
      %get3A_168 = tpu.vector_load %arg11[%get3A_166, %get3A_167] {strides = array<i32>} : memref<128x128xf32, #tpu.memory_space<vmem>>, vector<1x16xf32>,
      %get3A_169 = vector.shape_cast %get3A_168 : vector<1x16xf32> to vector<16xf32>
      %mul3A_170 = arith.mulf %get3A_169, %broadcast_in_dim3A_155 : vector<16xf32>
      %swap3A_171 = arith.index_cast %add3A_152 : i32 to index
      %swap3A_172 = arith.constant 16 : index
      %swap3A_173 = tpu.vector_load %arg11[%swap3A_171, %swap3A_172] {strides = array<i32>} : memref<128x128xf32, #tpu.memory_space<vmem>>, vector<1x16xf32>,
      %swap3A_174 = vector.shape_cast %swap3A_173 : vector<1x16xf32> to vector<16xf32>
      %swap3A_175 = vector.shape_cast %mul3A_170 : vector<16xf32> to vector<1x16xf32>
      tpu.vector_store %arg11[%swap3A_171, %swap3A_172], %swap3A_175 {strides = array<i32>} : memref<128x128xf32, #tpu.memory_space<vmem>>, vector<1x16xf32>,
      %get3A_176 = arith.index_cast %add3A_152 : i32 to index
      %get3A_177 = arith.constant 32 : index
      %get3A_178 = tpu.vector_load %arg11[%get3A_176, %get3A_177] {strides = array<i32>} : memref<128x128xf32, #tpu.memory_space<vmem>>, vector<1x16xf32>,
      %get3A_179 = vector.shape_cast %get3A_178 : vector<1x16xf32> to vector<16xf32>
      %mul3A_180 = arith.mulf %get3A_179, %broadcast_in_dim3A_155 : vector<16xf32>
      %swap3A_181 = arith.index_cast %add3A_152 : i32 to index
      %swap3A_182 = arith.constant 32 : index
      %swap3A_183 = tpu.vector_load %arg11[%swap3A_181, %swap3A_182] {strides = array<i32>} : memref<128x128xf32, #tpu.memory_space<vmem>>, vector<1x16xf32>,
      %swap3A_184 = vector.shape_cast %swap3A_183 : vector<1x16xf32> to vector<16xf32>
      %swap3A_185 = vector.shape_cast %mul3A_180 : vector<16xf32> to vector<1x16xf32>
      tpu.vector_store %arg11[%swap3A_181, %swap3A_182], %swap3A_185 {strides = array<i32>} : memref<128x128xf32, #tpu.memory_space<vmem>>, vector<1x16xf32>,
      %get3A_186 = arith.index_cast %add3A_152 : i32 to index
      %get3A_187 = arith.constant 48 : index
      %get3A_188 = tpu.vector_load %arg11[%get3A_186, %get3A_187] {strides = array<i32>} : memref<128x128xf32, #tpu.memory_space<vmem>>, vector<1x16xf32>,
      %get3A_189 = vector.shape_cast %get3A_188 : vector<1x16xf32> to vector<16xf32>
      %mul3A_190 = arith.mulf %get3A_189, %broadcast_in_dim3A_155 : vector<16xf32>
      %swap3A_191 = arith.index_cast %add3A_152 : i32 to index
      %swap3A_192 = arith.constant 48 : index
      %swap3A_193 = tpu.vector_load %arg11[%swap3A_191, %swap3A_192] {strides = array<i32>} : memref<128x128xf32, #tpu.memory_space<vmem>>, vector<1x16xf32>,
      %swap3A_194 = vector.shape_cast %swap3A_193 : vector<1x16xf32> to vector<16xf32>
      %swap3A_195 = vector.shape_cast %mul3A_190 : vector<16xf32> to vector<1x16xf32>
      tpu.vector_store %arg11[%swap3A_191, %swap3A_192], %swap3A_195 {strides = array<i32>} : memref<128x128xf32, #tpu.memory_space<vmem>>, vector<1x16xf32>,
      %get3A_196 = arith.index_cast %add3A_152 : i32 to index
      %get3A_197 = arith.constant 64 : index
      %get3A_198 = tpu.vector_load %arg11[%get3A_196, %get3A_197] {strides = array<i32>} : memref<128x128xf32, #tpu.memory_space<vmem>>, vector<1x16xf32>,
      %get3A_199 = vector.shape_cast %get3A_198 : vector<1x16xf32> to vector<16xf32>
      %mul3A_200 = arith.mulf %get3A_199, %broadcast_in_dim3A_155 : vector<16xf32>
      %swap3A_201 = arith.index_cast %add3A_152 : i32 to index
      %swap3A_202 = arith.constant 64 : index
      %swap3A_203 = tpu.vector_load %arg11[%swap3A_201, %swap3A_202] {strides = array<i32>} : memref<128x128xf32, #tpu.memory_space<vmem>>, vector<1x16xf32>,
      %swap3A_204 = vector.shape_cast %swap3A_203 : vector<1x16xf32> to vector<16xf32>
      %swap3A_205 = vector.shape_cast %mul3A_200 : vector<16xf32> to vector<1x16xf32>
      tpu.vector_store %arg11[%swap3A_201, %swap3A_202], %swap3A_205 {strides = array<i32>} : memref<128x128xf32, #tpu.memory_space<vmem>>, vector<1x16xf32>,
      %get3A_206 = arith.index_cast %add3A_152 : i32 to index
      %get3A_207 = arith.constant 80 : index
      %get3A_208 = tpu.vector_load %arg11[%get3A_206, %get3A_207] {strides = array<i32>} : memref<128x128xf32, #tpu.memory_space<vmem>>, vector<1x16xf32>,
      %get3A_209 = vector.shape_cast %get3A_208 : vector<1x16xf32> to vector<16xf32>
      %mul3A_210 = arith.mulf %get3A_209, %broadcast_in_dim3A_155 : vector<16xf32>
      %swap3A_211 = arith.index_cast %add3A_152 : i32 to index
      %swap3A_212 = arith.constant 80 : index
      %swap3A_213 = tpu.vector_load %arg11[%swap3A_211, %swap3A_212] {strides = array<i32>} : memref<128x128xf32, #tpu.memory_space<vmem>>, vector<1x16xf32>,
      %swap3A_214 = vector.shape_cast %swap3A_213 : vector<1x16xf32> to vector<16xf32>
      %swap3A_215 = vector.shape_cast %mul3A_210 : vector<16xf32> to vector<1x16xf32>
      tpu.vector_store %arg11[%swap3A_211, %swap3A_212], %swap3A_215 {strides = array<i32>} : memref<128x128xf32, #tpu.memory_space<vmem>>, vector<1x16xf32>,
      %get3A_216 = arith.index_cast %add3A_152 : i32 to index
      %get3A_217 = arith.constant 96 : index
      %get3A_218 = tpu.vector_load %arg11[%get3A_216, %get3A_217] {strides = array<i32>} : memref<128x128xf32, #tpu.memory_space<vmem>>, vector<1x16xf32>,
      %get3A_219 = vector.shape_cast %get3A_218 : vector<1x16xf32> to vector<16xf32>
      %mul3A_220 = arith.mulf %get3A_219, %broadcast_in_dim3A_155 : vector<16xf32>
      %swap3A_221 = arith.index_cast %add3A_152 : i32 to index
      %swap3A_222 = arith.constant 96 : index
      %swap3A_223 = tpu.vector_load %arg11[%swap3A_221, %swap3A_222] {strides = array<i32>} : memref<128x128xf32, #tpu.memory_space<vmem>>, vector<1x16xf32>,
      %swap3A_224 = vector.shape_cast %swap3A_223 : vector<1x16xf32> to vector<16xf32>
      %swap3A_225 = vector.shape_cast %mul3A_220 : vector<16xf32> to vector<1x16xf32>
      tpu.vector_store %arg11[%swap3A_221, %swap3A_222], %swap3A_225 {strides = array<i32>} : memref<128x128xf32, #tpu.memory_space<vmem>>, vector<1x16xf32>,
      %get3A_226 = arith.index_cast %add3A_152 : i32 to index
      %get3A_227 = arith.constant 112 : index
      %get3A_228 = tpu.vector_load %arg11[%get3A_226, %get3A_227] {strides = array<i32>} : memref<128x128xf32, #tpu.memory_space<vmem>>, vector<1x16xf32>,
      %get3A_229 = vector.shape_cast %get3A_228 : vector<1x16xf32> to vector<16xf32>
      %mul3A_230 = arith.mulf %get3A_229, %broadcast_in_dim3A_155 : vector<16xf32>
      %swap3A_231 = arith.index_cast %add3A_152 : i32 to index
      %swap3A_232 = arith.constant 112 : index
      %swap3A_233 = tpu.vector_load %arg11[%swap3A_231, %swap3A_232] {strides = array<i32>} : memref<128x128xf32, #tpu.memory_space<vmem>>, vector<1x16xf32>,
      %swap3A_234 = vector.shape_cast %swap3A_233 : vector<1x16xf32> to vector<16xf32>
      %swap3A_235 = vector.shape_cast %mul3A_230 : vector<16xf32> to vector<1x16xf32>
      tpu.vector_store %arg11[%swap3A_231, %swap3A_232], %swap3A_235 {strides = array<i32>} : memref<128x128xf32, #tpu.memory_space<vmem>>, vector<1x16xf32>,
      %mul3A_236 = arith.constant 16 : i32
      %mul3A_237 = arith.muli %scan3A_59, %mul3A_236 : i32
      %add3A_238 = arith.constant 2 : i32
      %add3A_239 = arith.addi %mul3A_237, %add3A_238 : i32
      %slice3A_240 = vector.extract_strided_slice %get3A_65 {offsets = [2], sizes = [1], strides = [1]} : vector<16xf32> to vector<1xf32>
      %squeeze3A_241 = vector.extract %slice3A_240[0] : f32 from vector<1xf32>
      %broadcast_in_dim3A_242 = vector.broadcast %squeeze3A_241 : f32 to vector<16xf32>
      %get3A_243 = arith.index_cast %add3A_239 : i32 to index
      %get3A_244 = arith.constant 0 : index
      %get3A_245 = tpu.vector_load %arg11[%get3A_243, %get3A_244] {strides = array<i32>} : memref<128x128xf32, #tpu.memory_space<vmem>>, vector<1x16xf32>,
      %get3A_246 = vector.shape_cast %get3A_245 : vector<1x16xf32> to vector<16xf32>
      %mul3A_247 = arith.mulf %get3A_246, %broadcast_in_dim3A_242 : vector<16xf32>
      %swap3A_248 = arith.index_cast %add3A_239 : i32 to index
      %swap3A_249 = arith.constant 0 : index
      %swap3A_250 = tpu.vector_load %arg11[%swap3A_248, %swap3A_249] {strides = array<i32>} : memref<128x128xf32, #tpu.memory_space<vmem>>, vector<1x16xf32>,
      %swap3A_251 = vector.shape_cast %swap3A_250 : vector<1x16xf32> to vector<16xf32>
      %swap3A_252 = vector.shape_cast %mul3A_247 : vector<16xf32> to vector<1x16xf32>
      tpu.vector_store %arg11[%swap3A_248, %swap3A_249], %swap3A_252 {strides = array<i32>} : memref<128x128xf32, #tpu.memory_space<vmem>>, vector<1x16xf32>,
      %get3A_253 = arith.index_cast %add3A_239 : i32 to index
      %get3A_254 = arith.constant 16 : index
      %get3A_255 = tpu.vector_load %arg11[%get3A_253, %get3A_254] {strides = array<i32>} : memref<128x128xf32, #tpu.memory_space<vmem>>, vector<1x16xf32>,
      %get3A_256 = vector.shape_cast %get3A_255 : vector<1x16xf32> to vector<16xf32>
      %mul3A_257 = arith.mulf %get3A_256, %broadcast_in_dim3A_242 : vector<16xf32>
      %swap3A_258 = arith.index_cast %add3A_239 : i32 to index
      %swap3A_259 = arith.constant 16 : index
      %swap3A_260 = tpu.vector_load %arg11[%swap3A_258, %swap3A_259] {strides = array<i32>} : memref<128x128xf32, #tpu.memory_space<vmem>>, vector<1x16xf32>,
      %swap3A_261 = vector.shape_cast %swap3A_260 : vector<1x16xf32> to vector<16xf32>
      %swap3A_262 = vector.shape_cast %mul3A_257 : vector<16xf32> to vector<1x16xf32>
      tpu.vector_store %arg11[%swap3A_258, %swap3A_259], %swap3A_262 {strides = array<i32>} : memref<128x128xf32, #tpu.memory_space<vmem>>, vector<1x16xf32>,
      %get3A_263 = arith.index_cast %add3A_239 : i32 to index
      %get3A_264 = arith.constant 32 : index
      %get3A_265 = tpu.vector_load %arg11[%get3A_263, %get3A_264] {strides = array<i32>} : memref<128x128xf32, #tpu.memory_space<vmem>>, vector<1x16xf32>,
      %get3A_266 = vector.shape_cast %get3A_265 : vector<1x16xf32> to vector<16xf32>
      %mul3A_267 = arith.mulf %get3A_266, %broadcast_in_dim3A_242 : vector<16xf32>
      %swap3A_268 = arith.index_cast %add3A_239 : i32 to index
      %swap3A_269 = arith.constant 32 : index
      %swap3A_270 = tpu.vector_load %arg11[%swap3A_268, %swap3A_269] {strides = array<i32>} : memref<128x128xf32, #tpu.memory_space<vmem>>, vector<1x16xf32>,
      %swap3A_271 = vector.shape_cast %swap3A_270 : vector<1x16xf32> to vector<16xf32>
      %swap3A_272 = vector.shape_cast %mul3A_267 : vector<16xf32> to vector<1x16xf32>
      tpu.vector_store %arg11[%swap3A_268, %swap3A_269], %swap3A_272 {strides = array<i32>} : memref<128x128xf32, #tpu.memory_space<vmem>>, vector<1x16xf32>,
      %get3A_273 = arith.index_cast %add3A_239 : i32 to index
      %get3A_274 = arith.constant 48 : index
      %get3A_275 = tpu.vector_load %arg11[%get3A_273, %get3A_274] {strides = array<i32>} : memref<128x128xf32, #tpu.memory_space<vmem>>, vector<1x16xf32>,
      %get3A_276 = vector.shape_cast %get3A_275 : vector<1x16xf32> to vector<16xf32>
      %mul3A_277 = arith.mulf %get3A_276, %broadcast_in_dim3A_242 : vector<16xf32>
      %swap3A_278 = arith.index_cast %add3A_239 : i32 to index
      %swap3A_279 = arith.constant 48 : index
      %swap3A_280 = tpu.vector_load %arg11[%swap3A_278, %swap3A_279] {strides = array<i32>} : memref<128x128xf32, #tpu.memory_space<vmem>>, vector<1x16xf32>,
      %swap3A_281 = vector.shape_cast %swap3A_280 : vector<1x16xf32> to vector<16xf32>
      %swap3A_282 = vector.shape_cast %mul3A_277 : vector<16xf32> to vector<1x16xf32>
      tpu.vector_store %arg11[%swap3A_278, %swap3A_279], %swap3A_282 {strides = array<i32>} : memref<128x128xf32, #tpu.memory_space<vmem>>, vector<1x16xf32>,
      %get3A_283 = arith.index_cast %add3A_239 : i32 to index
      %get3A_284 = arith.constant 64 : index
      %get3A_285 = tpu.vector_load %arg11[%get3A_283, %get3A_284] {strides = array<i32>} : memref<128x128xf32, #tpu.memory_space<vmem>>, vector<1x16xf32>,
      %get3A_286 = vector.shape_cast %get3A_285 : vector<1x16xf32> to vector<16xf32>
      %mul3A_287 = arith.mulf %get3A_286, %broadcast_in_dim3A_242 : vector<16xf32>
      %swap3A_288 = arith.index_cast %add3A_239 : i32 to index
      %swap3A_289 = arith.constant 64 : index
      %swap3A_290 = tpu.vector_load %arg11[%swap3A_288, %swap3A_289] {strides = array<i32>} : memref<128x128xf32, #tpu.memory_space<vmem>>, vector<1x16xf32>,
      %swap3A_291 = vector.shape_cast %swap3A_290 : vector<1x16xf32> to vector<16xf32>
      %swap3A_292 = vector.shape_cast %mul3A_287 : vector<16xf32> to vector<1x16xf32>
      tpu.vector_store %arg11[%swap3A_288, %swap3A_289], %swap3A_292 {strides = array<i32>} : memref<128x128xf32, #tpu.memory_space<vmem>>, vector<1x16xf32>,
      %get3A_293 = arith.index_cast %add3A_239 : i32 to index
      %get3A_294 = arith.constant 80 : index
      %get3A_295 = tpu.vector_load %arg11[%get3A_293, %get3A_294] {strides = array<i32>} : memref<128x128xf32, #tpu.memory_space<vmem>>, vector<1x16xf32>,
      %get3A_296 = vector.shape_cast %get3A_295 : vector<1x16xf32> to vector<16xf32>
      %mul3A_297 = arith.mulf %get3A_296, %broadcast_in_dim3A_242 : vector<16xf32>
      %swap3A_298 = arith.index_cast %add3A_239 : i32 to index
      %swap3A_299 = arith.constant 80 : index
      %swap3A_300 = tpu.vector_load %arg11[%swap3A_298, %swap3A_299] {strides = array<i32>} : memref<128x128xf32, #tpu.memory_space<vmem>>, vector<1x16xf32>,
      %swap3A_301 = vector.shape_cast %swap3A_300 : vector<1x16xf32> to vector<16xf32>
      %swap3A_302 = vector.shape_cast %mul3A_297 : vector<16xf32> to vector<1x16xf32>
      tpu.vector_store %arg11[%swap3A_298, %swap3A_299], %swap3A_302 {strides = array<i32>} : memref<128x128xf32, #tpu.memory_space<vmem>>, vector<1x16xf32>,
      %get3A_303 = arith.index_cast %add3A_239 : i32 to index
      %get3A_304 = arith.constant 96 : index
      %get3A_305 = tpu.vector_load %arg11[%get3A_303, %get3A_304] {strides = array<i32>} : memref<128x128xf32, #tpu.memory_space<vmem>>, vector<1x16xf32>,
      %get3A_306 = vector.shape_cast %get3A_305 : vector<1x16xf32> to vector<16xf32>
      %mul3A_307 = arith.mulf %get3A_306, %broadcast_in_dim3A_242 : vector<16xf32>
      %swap3A_308 = arith.index_cast %add3A_239 : i32 to index
      %swap3A_309 = arith.constant 96 : index
      %swap3A_310 = tpu.vector_load %arg11[%swap3A_308, %swap3A_309] {strides = array<i32>} : memref<128x128xf32, #tpu.memory_space<vmem>>, vector<1x16xf32>,
      %swap3A_311 = vector.shape_cast %swap3A_310 : vector<1x16xf32> to vector<16xf32>
      %swap3A_312 = vector.shape_cast %mul3A_307 : vector<16xf32> to vector<1x16xf32>
      tpu.vector_store %arg11[%swap3A_308, %swap3A_309], %swap3A_312 {strides = array<i32>} : memref<128x128xf32, #tpu.memory_space<vmem>>, vector<1x16xf32>,
      %get3A_313 = arith.index_cast %add3A_239 : i32 to index
      %get3A_314 = arith.constant 112 : index
      %get3A_315 = tpu.vector_load %arg11[%get3A_313, %get3A_314] {strides = array<i32>} : memref<128x128xf32, #tpu.memory_space<vmem>>, vector<1x16xf32>,
      %get3A_316 = vector.shape_cast %get3A_315 : vector<1x16xf32> to vector<16xf32>
      %mul3A_317 = arith.mulf %get3A_316, %broadcast_in_dim3A_242 : vector<16xf32>
      %swap3A_318 = arith.index_cast %add3A_239 : i32 to index
      %swap3A_319 = arith.constant 112 : index
      %swap3A_320 = tpu.vector_load %arg11[%swap3A_318, %swap3A_319] {strides = array<i32>} : memref<128x128xf32, #tpu.memory_space<vmem>>, vector<1x16xf32>,
      %swap3A_321 = vector.shape_cast %swap3A_320 : vector<1x16xf32> to vector<16xf32>
      %swap3A_322 = vector.shape_cast %mul3A_317 : vector<16xf32> to vector<1x16xf32>
      tpu.vector_store %arg11[%swap3A_318, %swap3A_319], %swap3A_322 {strides = array<i32>} : memref<128x128xf32, #tpu.memory_space<vmem>>, vector<1x16xf32>,
      %mul3A_323 = arith.constant 16 : i32
      %mul3A_324 = arith.muli %scan3A_59, %mul3A_323 : i32
      %add3A_325 = arith.constant 3 : i32
      %add3A_326 = arith.addi %mul3A_324, %add3A_325 : i32
      %slice3A_327 = vector.extract_strided_slice %get3A_65 {offsets = [3], sizes = [1], strides = [1]} : vector<16xf32> to vector<1xf32>
      %squeeze3A_328 = vector.extract %slice3A_327[0] : f32 from vector<1xf32>
      %broadcast_in_dim3A_329 = vector.broadcast %squeeze3A_328 : f32 to vector<16xf32>
      %get3A_330 = arith.index_cast %add3A_326 : i32 to index
      %get3A_331 = arith.constant 0 : index
      %get3A_332 = tpu.vector_load %arg11[%get3A_330, %get3A_331] {strides = array<i32>} : memref<128x128xf32, #tpu.memory_space<vmem>>, vector<1x16xf32>,
      %get3A_333 = vector.shape_cast %get3A_332 : vector<1x16xf32> to vector<16xf32>
      %mul3A_334 = arith.mulf %get3A_333, %broadcast_in_dim3A_329 : vector<16xf32>
      %swap3A_335 = arith.index_cast %add3A_326 : i32 to index
      %swap3A_336 = arith.constant 0 : index
      %swap3A_337 = tpu.vector_load %arg11[%swap3A_335, %swap3A_336] {strides = array<i32>} : memref<128x128xf32, #tpu.memory_space<vmem>>, vector<1x16xf32>,
      %swap3A_338 = vector.shape_cast %swap3A_337 : vector<1x16xf32> to vector<16xf32>
      %swap3A_339 = vector.shape_cast %mul3A_334 : vector<16xf32> to vector<1x16xf32>
      tpu.vector_store %arg11[%swap3A_335, %swap3A_336], %swap3A_339 {strides = array<i32>} : memref<128x128xf32, #tpu.memory_space<vmem>>, vector<1x16xf32>,
      %get3A_340 = arith.index_cast %add3A_326 : i32 to index
      %get3A_341 = arith.constant 16 : index
      %get3A_342 = tpu.vector_load %arg11[%get3A_340, %get3A_341] {strides = array<i32>} : memref<128x128xf32, #tpu.memory_space<vmem>>, vector<1x16xf32>,
      %get3A_343 = vector.shape_cast %get3A_342 : vector<1x16xf32> to vector<16xf32>
      %mul3A_344 = arith.mulf %get3A_343, %broadcast_in_dim3A_329 : vector<16xf32>
      %swap3A_345 = arith.index_cast %add3A_326 : i32 to index
      %swap3A_346 = arith.constant 16 : index
      %swap3A_347 = tpu.vector_load %arg11[%swap3A_345, %swap3A_346] {strides = array<i32>} : memref<128x128xf32, #tpu.memory_space<vmem>>, vector<1x16xf32>,
      %swap3A_348 = vector.shape_cast %swap3A_347 : vector<1x16xf32> to vector<16xf32>
      %swap3A_349 = vector.shape_cast %mul3A_344 : vector<16xf32> to vector<1x16xf32>
      tpu.vector_store %arg11[%swap3A_345, %swap3A_346], %swap3A_349 {strides = array<i32>} : memref<128x128xf32, #tpu.memory_space<vmem>>, vector<1x16xf32>,
      %get3A_350 = arith.index_cast %add3A_326 : i32 to index
      %get3A_351 = arith.constant 32 : index
      %get3A_352 = tpu.vector_load %arg11[%get3A_350, %get3A_351] {strides = array<i32>} : memref<128x128xf32, #tpu.memory_space<vmem>>, vector<1x16xf32>,
      %get3A_353 = vector.shape_cast %get3A_352 : vector<1x16xf32> to vector<16xf32>
      %mul3A_354 = arith.mulf %get3A_353, %broadcast_in_dim3A_329 : vector<16xf32>
      %swap3A_355 = arith.index_cast %add3A_326 : i32 to index
      %swap3A_356 = arith.constant 32 : index
      %swap3A_357 = tpu.vector_load %arg11[%swap3A_355, %swap3A_356] {strides = array<i32>} : memref<128x128xf32, #tpu.memory_space<vmem>>, vector<1x16xf32>,
      %swap3A_358 = vector.shape_cast %swap3A_357 : vector<1x16xf32> to vector<16xf32>
      %swap3A_359 = vector.shape_cast %mul3A_354 : vector<16xf32> to vector<1x16xf32>
      tpu.vector_store %arg11[%swap3A_355, %swap3A_356], %swap3A_359 {strides = array<i32>} : memref<128x128xf32, #tpu.memory_space<vmem>>, vector<1x16xf32>,
      %get3A_360 = arith.index_cast %add3A_326 : i32 to index
      %get3A_361 = arith.constant 48 : index
      %get3A_362 = tpu.vector_load %arg11[%get3A_360, %get3A_361] {strides = array<i32>} : memref<128x128xf32, #tpu.memory_space<vmem>>, vector<1x16xf32>,
      %get3A_363 = vector.shape_cast %get3A_362 : vector<1x16xf32> to vector<16xf32>
      %mul3A_364 = arith.mulf %get3A_363, %broadcast_in_dim3A_329 : vector<16xf32>
      %swap3A_365 = arith.index_cast %add3A_326 : i32 to index
      %swap3A_366 = arith.constant 48 : index
      %swap3A_367 = tpu.vector_load %arg11[%swap3A_365, %swap3A_366] {strides = array<i32>} : memref<128x128xf32, #tpu.memory_space<vmem>>, vector<1x16xf32>,
      %swap3A_368 = vector.shape_cast %swap3A_367 : vector<1x16xf32> to vector<16xf32>
      %swap3A_369 = vector.shape_cast %mul3A_364 : vector<16xf32> to vector<1x16xf32>
      tpu.vector_store %arg11[%swap3A_365, %swap3A_366], %swap3A_369 {strides = array<i32>} : memref<128x128xf32, #tpu.memory_space<vmem>>, vector<1x16xf32>,
      %get3A_370 = arith.index_cast %add3A_326 : i32 to index
      %get3A_371 = arith.constant 64 : index
      %get3A_372 = tpu.vector_load %arg11[%get3A_370, %get3A_371] {strides = array<i32>} : memref<128x128xf32, #tpu.memory_space<vmem>>, vector<1x16xf32>,
      %get3A_373 = vector.shape_cast %get3A_372 : vector<1x16xf32> to vector<16xf32>
      %mul3A_374 = arith.mulf %get3A_373, %broadcast_in_dim3A_329 : vector<16xf32>
      %swap3A_375 = arith.index_cast %add3A_326 : i32 to index
      %swap3A_376 = arith.constant 64 : index
      %swap3A_377 = tpu.vector_load %arg11[%swap3A_375, %swap3A_376] {strides = array<i32>} : memref<128x128xf32, #tpu.memory_space<vmem>>, vector<1x16xf32>,
      %swap3A_378 = vector.shape_cast %swap3A_377 : vector<1x16xf32> to vector<16xf32>
      %swap3A_379 = vector.shape_cast %mul3A_374 : vector<16xf32> to vector<1x16xf32>
      tpu.vector_store %arg11[%swap3A_375, %swap3A_376], %swap3A_379 {strides = array<i32>} : memref<128x128xf32, #tpu.memory_space<vmem>>, vector<1x16xf32>,
      %get3A_380 = arith.index_cast %add3A_326 : i32 to index
      %get3A_381 = arith.constant 80 : index
      %get3A_382 = tpu.vector_load %arg11[%get3A_380, %get3A_381] {strides = array<i32>} : memref<128x128xf32, #tpu.memory_space<vmem>>, vector<1x16xf32>,
      %get3A_383 = vector.shape_cast %get3A_382 : vector<1x16xf32> to vector<16xf32>
      %mul3A_384 = arith.mulf %get3A_383, %broadcast_in_dim3A_329 : vector<16xf32>
      %swap3A_385 = arith.index_cast %add3A_326 : i32 to index
      %swap3A_386 = arith.constant 80 : index
      %swap3A_387 = tpu.vector_load %arg11[%swap3A_385, %swap3A_386] {strides = array<i32>} : memref<128x128xf32, #tpu.memory_space<vmem>>, vector<1x16xf32>,
      %swap3A_388 = vector.shape_cast %swap3A_387 : vector<1x16xf32> to vector<16xf32>
      %swap3A_389 = vector.shape_cast %mul3A_384 : vector<16xf32> to vector<1x16xf32>
      tpu.vector_store %arg11[%swap3A_385, %swap3A_386], %swap3A_389 {strides = array<i32>} : memref<128x128xf32, #tpu.memory_space<vmem>>, vector<1x16xf32>,
      %get3A_390 = arith.index_cast %add3A_326 : i32 to index
      %get3A_391 = arith.constant 96 : index
      %get3A_392 = tpu.vector_load %arg11[%get3A_390, %get3A_391] {strides = array<i32>} : memref<128x128xf32, #tpu.memory_space<vmem>>, vector<1x16xf32>,
      %get3A_393 = vector.shape_cast %get3A_392 : vector<1x16xf32> to vector<16xf32>
      %mul3A_394 = arith.mulf %get3A_393, %broadcast_in_dim3A_329 : vector<16xf32>
      %swap3A_395 = arith.index_cast %add3A_326 : i32 to index
      %swap3A_396 = arith.constant 96 : index
      %swap3A_397 = tpu.vector_load %arg11[%swap3A_395, %swap3A_396] {strides = array<i32>} : memref<128x128xf32, #tpu.memory_space<vmem>>, vector<1x16xf32>,
      %swap3A_398 = vector.shape_cast %swap3A_397 : vector<1x16xf32> to vector<16xf32>
      %swap3A_399 = vector.shape_cast %mul3A_394 : vector<16xf32> to vector<1x16xf32>
      tpu.vector_store %arg11[%swap3A_395, %swap3A_396], %swap3A_399 {strides = array<i32>} : memref<128x128xf32, #tpu.memory_space<vmem>>, vector<1x16xf32>,
      %get3A_400 = arith.index_cast %add3A_326 : i32 to index
      %get3A_401 = arith.constant 112 : index
      %get3A_402 = tpu.vector_load %arg11[%get3A_400, %get3A_401] {strides = array<i32>} : memref<128x128xf32, #tpu.memory_space<vmem>>, vector<1x16xf32>,
      %get3A_403 = vector.shape_cast %get3A_402 : vector<1x16xf32> to vector<16xf32>
      %mul3A_404 = arith.mulf %get3A_403, %broadcast_in_dim3A_329 : vector<16xf32>
      %swap3A_405 = arith.index_cast %add3A_326 : i32 to index
      %swap3A_406 = arith.constant 112 : index
      %swap3A_407 = tpu.vector_load %arg11[%swap3A_405, %swap3A_406] {strides = array<i32>} : memref<128x128xf32, #tpu.memory_space<vmem>>, vector<1x16xf32>,
      %swap3A_408 = vector.shape_cast %swap3A_407 : vector<1x16xf32> to vector<16xf32>
      %swap3A_409 = vector.shape_cast %mul3A_404 : vector<16xf32> to vector<1x16xf32>
      tpu.vector_store %arg11[%swap3A_405, %swap3A_406], %swap3A_409 {strides = array<i32>} : memref<128x128xf32, #tpu.memory_space<vmem>>, vector<1x16xf32>,
      %mul3A_410 = arith.constant 16 : i32
      %mul3A_411 = arith.muli %scan3A_59, %mul3A_410 : i32
      %add3A_412 = arith.constant 4 : i32
      %add3A_413 = arith.addi %mul3A_411, %add3A_412 : i32
      %slice3A_414 = vector.extract_strided_slice %get3A_65 {offsets = [4], sizes = [1], strides = [1]} : vector<16xf32> to vector<1xf32>
      %squeeze3A_415 = vector.extract %slice3A_414[0] : f32 from vector<1xf32>
      %broadcast_in_dim3A_416 = vector.broadcast %squeeze3A_415 : f32 to vector<16xf32>
      %get3A_417 = arith.index_cast %add3A_413 : i32 to index
      %get3A_418 = arith.constant 0 : index
      %get3A_419 = tpu.vector_load %arg11[%get3A_417, %get3A_418] {strides = array<i32>} : memref<128x128xf32, #tpu.memory_space<vmem>>, vector<1x16xf32>,
      %get3A_420 = vector.shape_cast %get3A_419 : vector<1x16xf32> to vector<16xf32>
      %mul3A_421 = arith.mulf %get3A_420, %broadcast_in_dim3A_416 : vector<16xf32>
      %swap3A_422 = arith.index_cast %add3A_413 : i32 to index
      %swap3A_423 = arith.constant 0 : index
      %swap3A_424 = tpu.vector_load %arg11[%swap3A_422, %swap3A_423] {strides = array<i32>} : memref<128x128xf32, #tpu.memory_space<vmem>>, vector<1x16xf32>,
      %swap3A_425 = vector.shape_cast %swap3A_424 : vector<1x16xf32> to vector<16xf32>
      %swap3A_426 = vector.shape_cast %mul3A_421 : vector<16xf32> to vector<1x16xf32>
      tpu.vector_store %arg11[%swap3A_422, %swap3A_423], %swap3A_426 {strides = array<i32>} : memref<128x128xf32, #tpu.memory_space<vmem>>, vector<1x16xf32>,
      %get3A_427 = arith.index_cast %add3A_413 : i32 to index
      %get3A_428 = arith.constant 16 : index
      %get3A_429 = tpu.vector_load %arg11[%get3A_427, %get3A_428] {strides = array<i32>} : memref<128x128xf32, #tpu.memory_space<vmem>>, vector<1x16xf32>,
      %get3A_430 = vector.shape_cast %get3A_429 : vector<1x16xf32> to vector<16xf32>
      %mul3A_431 = arith.mulf %get3A_430, %broadcast_in_dim3A_416 : vector<16xf32>
      %swap3A_432 = arith.index_cast %add3A_413 : i32 to index
      %swap3A_433 = arith.constant 16 : index
      %swap3A_434 = tpu.vector_load %arg11[%swap3A_432, %swap3A_433] {strides = array<i32>} : memref<128x128xf32, #tpu.memory_space<vmem>>, vector<1x16xf32>,
      %swap3A_435 = vector.shape_cast %swap3A_434 : vector<1x16xf32> to vector<16xf32>
      %swap3A_436 = vector.shape_cast %mul3A_431 : vector<16xf32> to vector<1x16xf32>
      tpu.vector_store %arg11[%swap3A_432, %swap3A_433], %swap3A_436 {strides = array<i32>} : memref<128x128xf32, #tpu.memory_space<vmem>>, vector<1x16xf32>,
      %get3A_437 = arith.index_cast %add3A_413 : i32 to index
      %get3A_438 = arith.constant 32 : index
      %get3A_439 = tpu.vector_load %arg11[%get3A_437, %get3A_438] {strides = array<i32>} : memref<128x128xf32, #tpu.memory_space<vmem>>, vector<1x16xf32>,
      %get3A_440 = vector.shape_cast %get3A_439 : vector<1x16xf32> to vector<16xf32>
      %mul3A_441 = arith.mulf %get3A_440, %broadcast_in_dim3A_416 : vector<16xf32>
      %swap3A_442 = arith.index_cast %add3A_413 : i32 to index
      %swap3A_443 = arith.constant 32 : index
      %swap3A_444 = tpu.vector_load %arg11[%swap3A_442, %swap3A_443] {strides = array<i32>} : memref<128x128xf32, #tpu.memory_space<vmem>>, vector<1x16xf32>,
      %swap3A_445 = vector.shape_cast %swap3A_444 : vector<1x16xf32> to vector<16xf32>
      %swap3A_446 = vector.shape_cast %mul3A_441 : vector<16xf32> to vector<1x16xf32>
      tpu.vector_store %arg11[%swap3A_442, %swap3A_443], %swap3A_446 {strides = array<i32>} : memref<128x128xf32, #tpu.memory_space<vmem>>, vector<1x16xf32>,
      %get3A_447 = arith.index_cast %add3A_413 : i32 to index
      %get3A_448 = arith.constant 48 : index
      %get3A_449 = tpu.vector_load %arg11[%get3A_447, %get3A_448] {strides = array<i32>} : memref<128x128xf32, #tpu.memory_space<vmem>>, vector<1x16xf32>,
      %get3A_450 = vector.shape_cast %get3A_449 : vector<1x16xf32> to vector<16xf32>
      %mul3A_451 = arith.mulf %get3A_450, %broadcast_in_dim3A_416 : vector<16xf32>
      %swap3A_452 = arith.index_cast %add3A_413 : i32 to index
      %swap3A_453 = arith.constant 48 : index
      %swap3A_454 = tpu.vector_load %arg11[%swap3A_452, %swap3A_453] {strides = array<i32>} : memref<128x128xf32, #tpu.memory_space<vmem>>, vector<1x16xf32>,
      %swap3A_455 = vector.shape_cast %swap3A_454 : vector<1x16xf32> to vector<16xf32>
      %swap3A_456 = vector.shape_cast %mul3A_451 : vector<16xf32> to vector<1x16xf32>
      tpu.vector_store %arg11[%swap3A_452, %swap3A_453], %swap3A_456 {strides = array<i32>} : memref<128x128xf32, #tpu.memory_space<vmem>>, vector<1x16xf32>,
      %get3A_457 = arith.index_cast %add3A_413 : i32 to index
      %get3A_458 = arith.constant 64 : index
      %get3A_459 = tpu.vector_load %arg11[%get3A_457, %get3A_458] {strides = array<i32>} : memref<128x128xf32, #tpu.memory_space<vmem>>, vector<1x16xf32>,
      %get3A_460 = vector.shape_cast %get3A_459 : vector<1x16xf32> to vector<16xf32>
      %mul3A_461 = arith.mulf %get3A_460, %broadcast_in_dim3A_416 : vector<16xf32>
      %swap3A_462 = arith.index_cast %add3A_413 : i32 to index
      %swap3A_463 = arith.constant 64 : index
      %swap3A_464 = tpu.vector_load %arg11[%swap3A_462, %swap3A_463] {strides = array<i32>} : memref<128x128xf32, #tpu.memory_space<vmem>>, vector<1x16xf32>,
      %swap3A_465 = vector.shape_cast %swap3A_464 : vector<1x16xf32> to vector<16xf32>
      %swap3A_466 = vector.shape_cast %mul3A_461 : vector<16xf32> to vector<1x16xf32>
      tpu.vector_store %arg11[%swap3A_462, %swap3A_463], %swap3A_466 {strides = array<i32>} : memref<128x128xf32, #tpu.memory_space<vmem>>, vector<1x16xf32>,
      %get3A_467 = arith.index_cast %add3A_413 : i32 to index
      %get3A_468 = arith.constant 80 : index
      %get3A_469 = tpu.vector_load %arg11[%get3A_467, %get3A_468] {strides = array<i32>} : memref<128x128xf32, #tpu.memory_space<vmem>>, vector<1x16xf32>,
      %get3A_470 = vector.shape_cast %get3A_469 : vector<1x16xf32> to vector<16xf32>
      %mul3A_471 = arith.mulf %get3A_470, %broadcast_in_dim3A_416 : vector<16xf32>
      %swap3A_472 = arith.index_cast %add3A_413 : i32 to index
      %swap3A_473 = arith.constant 80 : index
      %swap3A_474 = tpu.vector_load %arg11[%swap3A_472, %swap3A_473] {strides = array<i32>} : memref<128x128xf32, #tpu.memory_space<vmem>>, vector<1x16xf32>,
      %swap3A_475 = vector.shape_cast %swap3A_474 : vector<1x16xf32> to vector<16xf32>
      %swap3A_476 = vector.shape_cast %mul3A_471 : vector<16xf32> to vector<1x16xf32>
      tpu.vector_store %arg11[%swap3A_472, %swap3A_473], %swap3A_476 {strides = array<i32>} : memref<128x128xf32, #tpu.memory_space<vmem>>, vector<1x16xf32>,
      %get3A_477 = arith.index_cast %add3A_413 : i32 to index
      %get3A_478 = arith.constant 96 : index
      %get3A_479 = tpu.vector_load %arg11[%get3A_477, %get3A_478] {strides = array<i32>} : memref<128x128xf32, #tpu.memory_space<vmem>>, vector<1x16xf32>,
      %get3A_480 = vector.shape_cast %get3A_479 : vector<1x16xf32> to vector<16xf32>
      %mul3A_481 = arith.mulf %get3A_480, %broadcast_in_dim3A_416 : vector<16xf32>
      %swap3A_482 = arith.index_cast %add3A_413 : i32 to index
      %swap3A_483 = arith.constant 96 : index
      %swap3A_484 = tpu.vector_load %arg11[%swap3A_482, %swap3A_483] {strides = array<i32>} : memref<128x128xf32, #tpu.memory_space<vmem>>, vector<1x16xf32>,
      %swap3A_485 = vector.shape_cast %swap3A_484 : vector<1x16xf32> to vector<16xf32>
      %swap3A_486 = vector.shape_cast %mul3A_481 : vector<16xf32> to vector<1x16xf32>
      tpu.vector_store %arg11[%swap3A_482, %swap3A_483], %swap3A_486 {strides = array<i32>} : memref<128x128xf32, #tpu.memory_space<vmem>>, vector<1x16xf32>,
      %get3A_487 = arith.index_cast %add3A_413 : i32 to index
      %get3A_488 = arith.constant 112 : index
      %get3A_489 = tpu.vector_load %arg11[%get3A_487, %get3A_488] {strides = array<i32>} : memref<128x128xf32, #tpu.memory_space<vmem>>, vector<1x16xf32>,
      %get3A_490 = vector.shape_cast %get3A_489 : vector<1x16xf32> to vector<16xf32>
      %mul3A_491 = arith.mulf %get3A_490, %broadcast_in_dim3A_416 : vector<16xf32>
      %swap3A_492 = arith.index_cast %add3A_413 : i32 to index
      %swap3A_493 = arith.constant 112 : index
      %swap3A_494 = tpu.vector_load %arg11[%swap3A_492, %swap3A_493] {strides = array<i32>} : memref<128x128xf32, #tpu.memory_space<vmem>>, vector<1x16xf32>,
      %swap3A_495 = vector.shape_cast %swap3A_494 : vector<1x16xf32> to vector<16xf32>
      %swap3A_496 = vector.shape_cast %mul3A_491 : vector<16xf32> to vector<1x16xf32>
      tpu.vector_store %arg11[%swap3A_492, %swap3A_493], %swap3A_496 {strides = array<i32>} : memref<128x128xf32, #tpu.memory_space<vmem>>, vector<1x16xf32>,
      %mul3A_497 = arith.constant 16 : i32
      %mul3A_498 = arith.muli %scan3A_59, %mul3A_497 : i32
      %add3A_499 = arith.constant 5 : i32
      %add3A_500 = arith.addi %mul3A_498, %add3A_499 : i32
      %slice3A_501 = vector.extract_strided_slice %get3A_65 {offsets = [5], sizes = [1], strides = [1]} : vector<16xf32> to vector<1xf32>
      %squeeze3A_502 = vector.extract %slice3A_501[0] : f32 from vector<1xf32>
      %broadcast_in_dim3A_503 = vector.broadcast %squeeze3A_502 : f32 to vector<16xf32>
      %get3A_504 = arith.index_cast %add3A_500 : i32 to index
      %get3A_505 = arith.constant 0 : index
      %get3A_506 = tpu.vector_load %arg11[%get3A_504, %get3A_505] {strides = array<i32>} : memref<128x128xf32, #tpu.memory_space<vmem>>, vector<1x16xf32>,
      %get3A_507 = vector.shape_cast %get3A_506 : vector<1x16xf32> to vector<16xf32>
      %mul3A_508 = arith.mulf %get3A_507, %broadcast_in_dim3A_503 : vector<16xf32>
      %swap3A_509 = arith.index_cast %add3A_500 : i32 to index
      %swap3A_510 = arith.constant 0 : index
      %swap3A_511 = tpu.vector_load %arg11[%swap3A_509, %swap3A_510] {strides = array<i32>} : memref<128x128xf32, #tpu.memory_space<vmem>>, vector<1x16xf32>,
      %swap3A_512 = vector.shape_cast %swap3A_511 : vector<1x16xf32> to vector<16xf32>
      %swap3A_513 = vector.shape_cast %mul3A_508 : vector<16xf32> to vector<1x16xf32>
      tpu.vector_store %arg11[%swap3A_509, %swap3A_510], %swap3A_513 {strides = array<i32>} : memref<128x128xf32, #tpu.memory_space<vmem>>, vector<1x16xf32>,
      %get3A_514 = arith.index_cast %add3A_500 : i32 to index
      %get3A_515 = arith.constant 16 : index
      %get3A_516 = tpu.vector_load %arg11[%get3A_514, %get3A_515] {strides = array<i32>} : memref<128x128xf32, #tpu.memory_space<vmem>>, vector<1x16xf32>,
      %get3A_517 = vector.shape_cast %get3A_516 : vector<1x16xf32> to vector<16xf32>
      %mul3A_518 = arith.mulf %get3A_517, %broadcast_in_dim3A_503 : vector<16xf32>
      %swap3A_519 = arith.index_cast %add3A_500 : i32 to index
      %swap3A_520 = arith.constant 16 : index
      %swap3A_521 = tpu.vector_load %arg11[%swap3A_519, %swap3A_520] {strides = array<i32>} : memref<128x128xf32, #tpu.memory_space<vmem>>, vector<1x16xf32>,
      %swap3A_522 = vector.shape_cast %swap3A_521 : vector<1x16xf32> to vector<16xf32>
      %swap3A_523 = vector.shape_cast %mul3A_518 : vector<16xf32> to vector<1x16xf32>
      tpu.vector_store %arg11[%swap3A_519, %swap3A_520], %swap3A_523 {strides = array<i32>} : memref<128x128xf32, #tpu.memory_space<vmem>>, vector<1x16xf32>,
      %get3A_524 = arith.index_cast %add3A_500 : i32 to index
      %get3A_525 = arith.constant 32 : index
      %get3A_526 = tpu.vector_load %arg11[%get3A_524, %get3A_525] {strides = array<i32>} : memref<128x128xf32, #tpu.memory_space<vmem>>, vector<1x16xf32>,
      %get3A_527 = vector.shape_cast %get3A_526 : vector<1x16xf32> to vector<16xf32>
      %mul3A_528 = arith.mulf %get3A_527, %broadcast_in_dim3A_503 : vector<16xf32>
      %swap3A_529 = arith.index_cast %add3A_500 : i32 to index
      %swap3A_530 = arith.constant 32 : index
      %swap3A_531 = tpu.vector_load %arg11[%swap3A_529, %swap3A_530] {strides = array<i32>} : memref<128x128xf32, #tpu.memory_space<vmem>>, vector<1x16xf32>,
      %swap3A_532 = vector.shape_cast %swap3A_531 : vector<1x16xf32> to vector<16xf32>
      %swap3A_533 = vector.shape_cast %mul3A_528 : vector<16xf32> to vector<1x16xf32>
      tpu.vector_store %arg11[%swap3A_529, %swap3A_530], %swap3A_533 {strides = array<i32>} : memref<128x128xf32, #tpu.memory_space<vmem>>, vector<1x16xf32>,
      %get3A_534 = arith.index_cast %add3A_500 : i32 to index
      %get3A_535 = arith.constant 48 : index
      %get3A_536 = tpu.vector_load %arg11[%get3A_534, %get3A_535] {strides = array<i32>} : memref<128x128xf32, #tpu.memory_space<vmem>>, vector<1x16xf32>,
      %get3A_537 = vector.shape_cast %get3A_536 : vector<1x16xf32> to vector<16xf32>
      %mul3A_538 = arith.mulf %get3A_537, %broadcast_in_dim3A_503 : vector<16xf32>
      %swap3A_539 = arith.index_cast %add3A_500 : i32 to index
      %swap3A_540 = arith.constant 48 : index
      %swap3A_541 = tpu.vector_load %arg11[%swap3A_539, %swap3A_540] {strides = array<i32>} : memref<128x128xf32, #tpu.memory_space<vmem>>, vector<1x16xf32>,
      %swap3A_542 = vector.shape_cast %swap3A_541 : vector<1x16xf32> to vector<16xf32>
      %swap3A_543 = vector.shape_cast %mul3A_538 : vector<16xf32> to vector<1x16xf32>
      tpu.vector_store %arg11[%swap3A_539, %swap3A_540], %swap3A_543 {strides = array<i32>} : memref<128x128xf32, #tpu.memory_space<vmem>>, vector<1x16xf32>,
      %get3A_544 = arith.index_cast %add3A_500 : i32 to index
      %get3A_545 = arith.constant 64 : index
      %get3A_546 = tpu.vector_load %arg11[%get3A_544, %get3A_545] {strides = array<i32>} : memref<128x128xf32, #tpu.memory_space<vmem>>, vector<1x16xf32>,
      %get3A_547 = vector.shape_cast %get3A_546 : vector<1x16xf32> to vector<16xf32>
      %mul3A_548 = arith.mulf %get3A_547, %broadcast_in_dim3A_503 : vector<16xf32>
      %swap3A_549 = arith.index_cast %add3A_500 : i32 to index
      %swap3A_550 = arith.constant 64 : index
      %swap3A_551 = tpu.vector_load %arg11[%swap3A_549, %swap3A_550] {strides = array<i32>} : memref<128x128xf32, #tpu.memory_space<vmem>>, vector<1x16xf32>,
      %swap3A_552 = vector.shape_cast %swap3A_551 : vector<1x16xf32> to vector<16xf32>
      %swap3A_553 = vector.shape_cast %mul3A_548 : vector<16xf32> to vector<1x16xf32>
      tpu.vector_store %arg11[%swap3A_549, %swap3A_550], %swap3A_553 {strides = array<i32>} : memref<128x128xf32, #tpu.memory_space<vmem>>, vector<1x16xf32>,
      %get3A_554 = arith.index_cast %add3A_500 : i32 to index
      %get3A_555 = arith.constant 80 : index
      %get3A_556 = tpu.vector_load %arg11[%get3A_554, %get3A_555] {strides = array<i32>} : memref<128x128xf32, #tpu.memory_space<vmem>>, vector<1x16xf32>,
      %get3A_557 = vector.shape_cast %get3A_556 : vector<1x16xf32> to vector<16xf32>
      %mul3A_558 = arith.mulf %get3A_557, %broadcast_in_dim3A_503 : vector<16xf32>
      %swap3A_559 = arith.index_cast %add3A_500 : i32 to index
      %swap3A_560 = arith.constant 80 : index
      %swap3A_561 = tpu.vector_load %arg11[%swap3A_559, %swap3A_560] {strides = array<i32>} : memref<128x128xf32, #tpu.memory_space<vmem>>, vector<1x16xf32>,
      %swap3A_562 = vector.shape_cast %swap3A_561 : vector<1x16xf32> to vector<16xf32>
      %swap3A_563 = vector.shape_cast %mul3A_558 : vector<16xf32> to vector<1x16xf32>
      tpu.vector_store %arg11[%swap3A_559, %swap3A_560], %swap3A_563 {strides = array<i32>} : memref<128x128xf32, #tpu.memory_space<vmem>>, vector<1x16xf32>,
      %get3A_564 = arith.index_cast %add3A_500 : i32 to index
      %get3A_565 = arith.constant 96 : index
      %get3A_566 = tpu.vector_load %arg11[%get3A_564, %get3A_565] {strides = array<i32>} : memref<128x128xf32, #tpu.memory_space<vmem>>, vector<1x16xf32>,
      %get3A_567 = vector.shape_cast %get3A_566 : vector<1x16xf32> to vector<16xf32>
      %mul3A_568 = arith.mulf %get3A_567, %broadcast_in_dim3A_503 : vector<16xf32>
      %swap3A_569 = arith.index_cast %add3A_500 : i32 to index
      %swap3A_570 = arith.constant 96 : index
      %swap3A_571 = tpu.vector_load %arg11[%swap3A_569, %swap3A_570] {strides = array<i32>} : memref<128x128xf32, #tpu.memory_space<vmem>>, vector<1x16xf32>,
      %swap3A_572 = vector.shape_cast %swap3A_571 : vector<1x16xf32> to vector<16xf32>
      %swap3A_573 = vector.shape_cast %mul3A_568 : vector<16xf32> to vector<1x16xf32>
      tpu.vector_store %arg11[%swap3A_569, %swap3A_570], %swap3A_573 {strides = array<i32>} : memref<128x128xf32, #tpu.memory_space<vmem>>, vector<1x16xf32>,
      %get3A_574 = arith.index_cast %add3A_500 : i32 to index
      %get3A_575 = arith.constant 112 : index
      %get3A_576 = tpu.vector_load %arg11[%get3A_574, %get3A_575] {strides = array<i32>} : memref<128x128xf32, #tpu.memory_space<vmem>>, vector<1x16xf32>,
      %get3A_577 = vector.shape_cast %get3A_576 : vector<1x16xf32> to vector<16xf32>
      %mul3A_578 = arith.mulf %get3A_577, %broadcast_in_dim3A_503 : vector<16xf32>
      %swap3A_579 = arith.index_cast %add3A_500 : i32 to index
      %swap3A_580 = arith.constant 112 : index
      %swap3A_581 = tpu.vector_load %arg11[%swap3A_579, %swap3A_580] {strides = array<i32>} : memref<128x128xf32, #tpu.memory_space<vmem>>, vector<1x16xf32>,
      %swap3A_582 = vector.shape_cast %swap3A_581 : vector<1x16xf32> to vector<16xf32>
      %swap3A_583 = vector.shape_cast %mul3A_578 : vector<16xf32> to vector<1x16xf32>
      tpu.vector_store %arg11[%swap3A_579, %swap3A_580], %swap3A_583 {strides = array<i32>} : memref<128x128xf32, #tpu.memory_space<vmem>>, vector<1x16xf32>,
      %mul3A_584 = arith.constant 16 : i32
      %mul3A_585 = arith.muli %scan3A_59, %mul3A_584 : i32
      %add3A_586 = arith.constant 6 : i32
      %add3A_587 = arith.addi %mul3A_585, %add3A_586 : i32
      %slice3A_588 = vector.extract_strided_slice %get3A_65 {offsets = [6], sizes = [1], strides = [1]} : vector<16xf32> to vector<1xf32>
      %squeeze3A_589 = vector.extract %slice3A_588[0] : f32 from vector<1xf32>
      %broadcast_in_dim3A_590 = vector.broadcast %squeeze3A_589 : f32 to vector<16xf32>
      %get3A_591 = arith.index_cast %add3A_587 : i32 to index
      %get3A_592 = arith.constant 0 : index
      %get3A_593 = tpu.vector_load %arg11[%get3A_591, %get3A_592] {strides = array<i32>} : memref<128x128xf32, #tpu.memory_space<vmem>>, vector<1x16xf32>,
      %get3A_594 = vector.shape_cast %get3A_593 : vector<1x16xf32> to vector<16xf32>
      %mul3A_595 = arith.mulf %get3A_594, %broadcast_in_dim3A_590 : vector<16xf32>
      %swap3A_596 = arith.index_cast %add3A_587 : i32 to index
      %swap3A_597 = arith.constant 0 : index
      %swap3A_598 = tpu.vector_load %arg11[%swap3A_596, %swap3A_597] {strides = array<i32>} : memref<128x128xf32, #tpu.memory_space<vmem>>, vector<1x16xf32>,
      %swap3A_599 = vector.shape_cast %swap3A_598 : vector<1x16xf32> to vector<16xf32>
      %swap3A_600 = vector.shape_cast %mul3A_595 : vector<16xf32> to vector<1x16xf32>
      tpu.vector_store %arg11[%swap3A_596, %swap3A_597], %swap3A_600 {strides = array<i32>} : memref<128x128xf32, #tpu.memory_space<vmem>>, vector<1x16xf32>,
      %get3A_601 = arith.index_cast %add3A_587 : i32 to index
      %get3A_602 = arith.constant 16 : index
      %get3A_603 = tpu.vector_load %arg11[%get3A_601, %get3A_602] {strides = array<i32>} : memref<128x128xf32, #tpu.memory_space<vmem>>, vector<1x16xf32>,
      %get3A_604 = vector.shape_cast %get3A_603 : vector<1x16xf32> to vector<16xf32>
      %mul3A_605 = arith.mulf %get3A_604, %broadcast_in_dim3A_590 : vector<16xf32>
      %swap3A_606 = arith.index_cast %add3A_587 : i32 to index
      %swap3A_607 = arith.constant 16 : index
      %swap3A_608 = tpu.vector_load %arg11[%swap3A_606, %swap3A_607] {strides = array<i32>} : memref<128x128xf32, #tpu.memory_space<vmem>>, vector<1x16xf32>,
      %swap3A_609 = vector.shape_cast %swap3A_608 : vector<1x16xf32> to vector<16xf32>
      %swap3A_610 = vector.shape_cast %mul3A_605 : vector<16xf32> to vector<1x16xf32>
      tpu.vector_store %arg11[%swap3A_606, %swap3A_607], %swap3A_610 {strides = array<i32>} : memref<128x128xf32, #tpu.memory_space<vmem>>, vector<1x16xf32>,
      %get3A_611 = arith.index_cast %add3A_587 : i32 to index
      %get3A_612 = arith.constant 32 : index
      %get3A_613 = tpu.vector_load %arg11[%get3A_611, %get3A_612] {strides = array<i32>} : memref<128x128xf32, #tpu.memory_space<vmem>>, vector<1x16xf32>,
      %get3A_614 = vector.shape_cast %get3A_613 : vector<1x16xf32> to vector<16xf32>
      %mul3A_615 = arith.mulf %get3A_614, %broadcast_in_dim3A_590 : vector<16xf32>
      %swap3A_616 = arith.index_cast %add3A_587 : i32 to index
      %swap3A_617 = arith.constant 32 : index
      %swap3A_618 = tpu.vector_load %arg11[%swap3A_616, %swap3A_617] {strides = array<i32>} : memref<128x128xf32, #tpu.memory_space<vmem>>, vector<1x16xf32>,
      %swap3A_619 = vector.shape_cast %swap3A_618 : vector<1x16xf32> to vector<16xf32>
      %swap3A_620 = vector.shape_cast %mul3A_615 : vector<16xf32> to vector<1x16xf32>
      tpu.vector_store %arg11[%swap3A_616, %swap3A_617], %swap3A_620 {strides = array<i32>} : memref<128x128xf32, #tpu.memory_space<vmem>>, vector<1x16xf32>,
      %get3A_621 = arith.index_cast %add3A_587 : i32 to index
      %get3A_622 = arith.constant 48 : index
      %get3A_623 = tpu.vector_load %arg11[%get3A_621, %get3A_622] {strides = array<i32>} : memref<128x128xf32, #tpu.memory_space<vmem>>, vector<1x16xf32>,
      %get3A_624 = vector.shape_cast %get3A_623 : vector<1x16xf32> to vector<16xf32>
      %mul3A_625 = arith.mulf %get3A_624, %broadcast_in_dim3A_590 : vector<16xf32>
      %swap3A_626 = arith.index_cast %add3A_587 : i32 to index
      %swap3A_627 = arith.constant 48 : index
      %swap3A_628 = tpu.vector_load %arg11[%swap3A_626, %swap3A_627] {strides = array<i32>} : memref<128x128xf32, #tpu.memory_space<vmem>>, vector<1x16xf32>,
      %swap3A_629 = vector.shape_cast %swap3A_628 : vector<1x16xf32> to vector<16xf32>
      %swap3A_630 = vector.shape_cast %mul3A_625 : vector<16xf32> to vector<1x16xf32>
      tpu.vector_store %arg11[%swap3A_626, %swap3A_627], %swap3A_630 {strides = array<i32>} : memref<128x128xf32, #tpu.memory_space<vmem>>, vector<1x16xf32>,
      %get3A_631 = arith.index_cast %add3A_587 : i32 to index
      %get3A_632 = arith.constant 64 : index
      %get3A_633 = tpu.vector_load %arg11[%get3A_631, %get3A_632] {strides = array<i32>} : memref<128x128xf32, #tpu.memory_space<vmem>>, vector<1x16xf32>,
      %get3A_634 = vector.shape_cast %get3A_633 : vector<1x16xf32> to vector<16xf32>
      %mul3A_635 = arith.mulf %get3A_634, %broadcast_in_dim3A_590 : vector<16xf32>
      %swap3A_636 = arith.index_cast %add3A_587 : i32 to index
      %swap3A_637 = arith.constant 64 : index
      %swap3A_638 = tpu.vector_load %arg11[%swap3A_636, %swap3A_637] {strides = array<i32>} : memref<128x128xf32, #tpu.memory_space<vmem>>, vector<1x16xf32>,
      %swap3A_639 = vector.shape_cast %swap3A_638 : vector<1x16xf32> to vector<16xf32>
      %swap3A_640 = vector.shape_cast %mul3A_635 : vector<16xf32> to vector<1x16xf32>
      tpu.vector_store %arg11[%swap3A_636, %swap3A_637], %swap3A_640 {strides = array<i32>} : memref<128x128xf32, #tpu.memory_space<vmem>>, vector<1x16xf32>,
      %get3A_641 = arith.index_cast %add3A_587 : i32 to index
      %get3A_642 = arith.constant 80 : index
      %get3A_643 = tpu.vector_load %arg11[%get3A_641, %get3A_642] {strides = array<i32>} : memref<128x128xf32, #tpu.memory_space<vmem>>, vector<1x16xf32>,
      %get3A_644 = vector.shape_cast %get3A_643 : vector<1x16xf32> to vector<16xf32>
      %mul3A_645 = arith.mulf %get3A_644, %broadcast_in_dim3A_590 : vector<16xf32>
      %swap3A_646 = arith.index_cast %add3A_587 : i32 to index
      %swap3A_647 = arith.constant 80 : index
      %swap3A_648 = tpu.vector_load %arg11[%swap3A_646, %swap3A_647] {strides = array<i32>} : memref<128x128xf32, #tpu.memory_space<vmem>>, vector<1x16xf32>,
      %swap3A_649 = vector.shape_cast %swap3A_648 : vector<1x16xf32> to vector<16xf32>
      %swap3A_650 = vector.shape_cast %mul3A_645 : vector<16xf32> to vector<1x16xf32>
      tpu.vector_store %arg11[%swap3A_646, %swap3A_647], %swap3A_650 {strides = array<i32>} : memref<128x128xf32, #tpu.memory_space<vmem>>, vector<1x16xf32>,
      %get3A_651 = arith.index_cast %add3A_587 : i32 to index
      %get3A_652 = arith.constant 96 : index
      %get3A_653 = tpu.vector_load %arg11[%get3A_651, %get3A_652] {strides = array<i32>} : memref<128x128xf32, #tpu.memory_space<vmem>>, vector<1x16xf32>,
      %get3A_654 = vector.shape_cast %get3A_653 : vector<1x16xf32> to vector<16xf32>
      %mul3A_655 = arith.mulf %get3A_654, %broadcast_in_dim3A_590 : vector<16xf32>
      %swap3A_656 = arith.index_cast %add3A_587 : i32 to index
      %swap3A_657 = arith.constant 96 : index
      %swap3A_658 = tpu.vector_load %arg11[%swap3A_656, %swap3A_657] {strides = array<i32>} : memref<128x128xf32, #tpu.memory_space<vmem>>, vector<1x16xf32>,
      %swap3A_659 = vector.shape_cast %swap3A_658 : vector<1x16xf32> to vector<16xf32>
      %swap3A_660 = vector.shape_cast %mul3A_655 : vector<16xf32> to vector<1x16xf32>
      tpu.vector_store %arg11[%swap3A_656, %swap3A_657], %swap3A_660 {strides = array<i32>} : memref<128x128xf32, #tpu.memory_space<vmem>>, vector<1x16xf32>,
      %get3A_661 = arith.index_cast %add3A_587 : i32 to index
      %get3A_662 = arith.constant 112 : index
      %get3A_663 = tpu.vector_load %arg11[%get3A_661, %get3A_662] {strides = array<i32>} : memref<128x128xf32, #tpu.memory_space<vmem>>, vector<1x16xf32>,
      %get3A_664 = vector.shape_cast %get3A_663 : vector<1x16xf32> to vector<16xf32>
      %mul3A_665 = arith.mulf %get3A_664, %broadcast_in_dim3A_590 : vector<16xf32>
      %swap3A_666 = arith.index_cast %add3A_587 : i32 to index
      %swap3A_667 = arith.constant 112 : index
      %swap3A_668 = tpu.vector_load %arg11[%swap3A_666, %swap3A_667] {strides = array<i32>} : memref<128x128xf32, #tpu.memory_space<vmem>>, vector<1x16xf32>,
      %swap3A_669 = vector.shape_cast %swap3A_668 : vector<1x16xf32> to vector<16xf32>
      %swap3A_670 = vector.shape_cast %mul3A_665 : vector<16xf32> to vector<1x16xf32>
      tpu.vector_store %arg11[%swap3A_666, %swap3A_667], %swap3A_670 {strides = array<i32>} : memref<128x128xf32, #tpu.memory_space<vmem>>, vector<1x16xf32>,
      %mul3A_671 = arith.constant 16 : i32
      %mul3A_672 = arith.muli %scan3A_59, %mul3A_671 : i32
      %add3A_673 = arith.constant 7 : i32
      %add3A_674 = arith.addi %mul3A_672, %add3A_673 : i32
      %slice3A_675 = vector.extract_strided_slice %get3A_65 {offsets = [7], sizes = [1], strides = [1]} : vector<16xf32> to vector<1xf32>
      %squeeze3A_676 = vector.extract %slice3A_675[0] : f32 from vector<1xf32>
      %broadcast_in_dim3A_677 = vector.broadcast %squeeze3A_676 : f32 to vector<16xf32>
      %get3A_678 = arith.index_cast %add3A_674 : i32 to index
      %get3A_679 = arith.constant 0 : index
      %get3A_680 = tpu.vector_load %arg11[%get3A_678, %get3A_679] {strides = array<i32>} : memref<128x128xf32, #tpu.memory_space<vmem>>, vector<1x16xf32>,
      %get3A_681 = vector.shape_cast %get3A_680 : vector<1x16xf32> to vector<16xf32>
      %mul3A_682 = arith.mulf %get3A_681, %broadcast_in_dim3A_677 : vector<16xf32>
      %swap3A_683 = arith.index_cast %add3A_674 : i32 to index
      %swap3A_684 = arith.constant 0 : index
      %swap3A_685 = tpu.vector_load %arg11[%swap3A_683, %swap3A_684] {strides = array<i32>} : memref<128x128xf32, #tpu.memory_space<vmem>>, vector<1x16xf32>,
      %swap3A_686 = vector.shape_cast %swap3A_685 : vector<1x16xf32> to vector<16xf32>
      %swap3A_687 = vector.shape_cast %mul3A_682 : vector<16xf32> to vector<1x16xf32>
      tpu.vector_store %arg11[%swap3A_683, %swap3A_684], %swap3A_687 {strides = array<i32>} : memref<128x128xf32, #tpu.memory_space<vmem>>, vector<1x16xf32>,
      %get3A_688 = arith.index_cast %add3A_674 : i32 to index
      %get3A_689 = arith.constant 16 : index
      %get3A_690 = tpu.vector_load %arg11[%get3A_688, %get3A_689] {strides = array<i32>} : memref<128x128xf32, #tpu.memory_space<vmem>>, vector<1x16xf32>,
      %get3A_691 = vector.shape_cast %get3A_690 : vector<1x16xf32> to vector<16xf32>
      %mul3A_692 = arith.mulf %get3A_691, %broadcast_in_dim3A_677 : vector<16xf32>
      %swap3A_693 = arith.index_cast %add3A_674 : i32 to index
      %swap3A_694 = arith.constant 16 : index
      %swap3A_695 = tpu.vector_load %arg11[%swap3A_693, %swap3A_694] {strides = array<i32>} : memref<128x128xf32, #tpu.memory_space<vmem>>, vector<1x16xf32>,
      %swap3A_696 = vector.shape_cast %swap3A_695 : vector<1x16xf32> to vector<16xf32>
      %swap3A_697 = vector.shape_cast %mul3A_692 : vector<16xf32> to vector<1x16xf32>
      tpu.vector_store %arg11[%swap3A_693, %swap3A_694], %swap3A_697 {strides = array<i32>} : memref<128x128xf32, #tpu.memory_space<vmem>>, vector<1x16xf32>,
      %get3A_698 = arith.index_cast %add3A_674 : i32 to index
      %get3A_699 = arith.constant 32 : index
      %get3A_700 = tpu.vector_load %arg11[%get3A_698, %get3A_699] {strides = array<i32>} : memref<128x128xf32, #tpu.memory_space<vmem>>, vector<1x16xf32>,
      %get3A_701 = vector.shape_cast %get3A_700 : vector<1x16xf32> to vector<16xf32>
      %mul3A_702 = arith.mulf %get3A_701, %broadcast_in_dim3A_677 : vector<16xf32>
      %swap3A_703 = arith.index_cast %add3A_674 : i32 to index
      %swap3A_704 = arith.constant 32 : index
      %swap3A_705 = tpu.vector_load %arg11[%swap3A_703, %swap3A_704] {strides = array<i32>} : memref<128x128xf32, #tpu.memory_space<vmem>>, vector<1x16xf32>,
      %swap3A_706 = vector.shape_cast %swap3A_705 : vector<1x16xf32> to vector<16xf32>
      %swap3A_707 = vector.shape_cast %mul3A_702 : vector<16xf32> to vector<1x16xf32>
      tpu.vector_store %arg11[%swap3A_703, %swap3A_704], %swap3A_707 {strides = array<i32>} : memref<128x128xf32, #tpu.memory_space<vmem>>, vector<1x16xf32>,
      %get3A_708 = arith.index_cast %add3A_674 : i32 to index
      %get3A_709 = arith.constant 48 : index
      %get3A_710 = tpu.vector_load %arg11[%get3A_708, %get3A_709] {strides = array<i32>} : memref<128x128xf32, #tpu.memory_space<vmem>>, vector<1x16xf32>,
      %get3A_711 = vector.shape_cast %get3A_710 : vector<1x16xf32> to vector<16xf32>
      %mul3A_712 = arith.mulf %get3A_711, %broadcast_in_dim3A_677 : vector<16xf32>
      %swap3A_713 = arith.index_cast %add3A_674 : i32 to index
      %swap3A_714 = arith.constant 48 : index
      %swap3A_715 = tpu.vector_load %arg11[%swap3A_713, %swap3A_714] {strides = array<i32>} : memref<128x128xf32, #tpu.memory_space<vmem>>, vector<1x16xf32>,
      %swap3A_716 = vector.shape_cast %swap3A_715 : vector<1x16xf32> to vector<16xf32>
      %swap3A_717 = vector.shape_cast %mul3A_712 : vector<16xf32> to vector<1x16xf32>
      tpu.vector_store %arg11[%swap3A_713, %swap3A_714], %swap3A_717 {strides = array<i32>} : memref<128x128xf32, #tpu.memory_space<vmem>>, vector<1x16xf32>,
      %get3A_718 = arith.index_cast %add3A_674 : i32 to index
      %get3A_719 = arith.constant 64 : index
      %get3A_720 = tpu.vector_load %arg11[%get3A_718, %get3A_719] {strides = array<i32>} : memref<128x128xf32, #tpu.memory_space<vmem>>, vector<1x16xf32>,
      %get3A_721 = vector.shape_cast %get3A_720 : vector<1x16xf32> to vector<16xf32>
      %mul3A_722 = arith.mulf %get3A_721, %broadcast_in_dim3A_677 : vector<16xf32>
      %swap3A_723 = arith.index_cast %add3A_674 : i32 to index
      %swap3A_724 = arith.constant 64 : index
      %swap3A_725 = tpu.vector_load %arg11[%swap3A_723, %swap3A_724] {strides = array<i32>} : memref<128x128xf32, #tpu.memory_space<vmem>>, vector<1x16xf32>,
      %swap3A_726 = vector.shape_cast %swap3A_725 : vector<1x16xf32> to vector<16xf32>
      %swap3A_727 = vector.shape_cast %mul3A_722 : vector<16xf32> to vector<1x16xf32>
      tpu.vector_store %arg11[%swap3A_723, %swap3A_724], %swap3A_727 {strides = array<i32>} : memref<128x128xf32, #tpu.memory_space<vmem>>, vector<1x16xf32>,
      %get3A_728 = arith.index_cast %add3A_674 : i32 to index
      %get3A_729 = arith.constant 80 : index
      %get3A_730 = tpu.vector_load %arg11[%get3A_728, %get3A_729] {strides = array<i32>} : memref<128x128xf32, #tpu.memory_space<vmem>>, vector<1x16xf32>,
      %get3A_731 = vector.shape_cast %get3A_730 : vector<1x16xf32> to vector<16xf32>
      %mul3A_732 = arith.mulf %get3A_731, %broadcast_in_dim3A_677 : vector<16xf32>
      %swap3A_733 = arith.index_cast %add3A_674 : i32 to index
      %swap3A_734 = arith.constant 80 : index
      %swap3A_735 = tpu.vector_load %arg11[%swap3A_733, %swap3A_734] {strides = array<i32>} : memref<128x128xf32, #tpu.memory_space<vmem>>, vector<1x16xf32>,
      %swap3A_736 = vector.shape_cast %swap3A_735 : vector<1x16xf32> to vector<16xf32>
      %swap3A_737 = vector.shape_cast %mul3A_732 : vector<16xf32> to vector<1x16xf32>
      tpu.vector_store %arg11[%swap3A_733, %swap3A_734], %swap3A_737 {strides = array<i32>} : memref<128x128xf32, #tpu.memory_space<vmem>>, vector<1x16xf32>,
      %get3A_738 = arith.index_cast %add3A_674 : i32 to index
      %get3A_739 = arith.constant 96 : index
      %get3A_740 = tpu.vector_load %arg11[%get3A_738, %get3A_739] {strides = array<i32>} : memref<128x128xf32, #tpu.memory_space<vmem>>, vector<1x16xf32>,
      %get3A_741 = vector.shape_cast %get3A_740 : vector<1x16xf32> to vector<16xf32>
      %mul3A_742 = arith.mulf %get3A_741, %broadcast_in_dim3A_677 : vector<16xf32>
      %swap3A_743 = arith.index_cast %add3A_674 : i32 to index
      %swap3A_744 = arith.constant 96 : index
      %swap3A_745 = tpu.vector_load %arg11[%swap3A_743, %swap3A_744] {strides = array<i32>} : memref<128x128xf32, #tpu.memory_space<vmem>>, vector<1x16xf32>,
      %swap3A_746 = vector.shape_cast %swap3A_745 : vector<1x16xf32> to vector<16xf32>
      %swap3A_747 = vector.shape_cast %mul3A_742 : vector<16xf32> to vector<1x16xf32>
      tpu.vector_store %arg11[%swap3A_743, %swap3A_744], %swap3A_747 {strides = array<i32>} : memref<128x128xf32, #tpu.memory_space<vmem>>, vector<1x16xf32>,
      %get3A_748 = arith.index_cast %add3A_674 : i32 to index
      %get3A_749 = arith.constant 112 : index
      %get3A_750 = tpu.vector_load %arg11[%get3A_748, %get3A_749] {strides = array<i32>} : memref<128x128xf32, #tpu.memory_space<vmem>>, vector<1x16xf32>,
      %get3A_751 = vector.shape_cast %get3A_750 : vector<1x16xf32> to vector<16xf32>
      %mul3A_752 = arith.mulf %get3A_751, %broadcast_in_dim3A_677 : vector<16xf32>
      %swap3A_753 = arith.index_cast %add3A_674 : i32 to index
      %swap3A_754 = arith.constant 112 : index
      %swap3A_755 = tpu.vector_load %arg11[%swap3A_753, %swap3A_754] {strides = array<i32>} : memref<128x128xf32, #tpu.memory_space<vmem>>, vector<1x16xf32>,
      %swap3A_756 = vector.shape_cast %swap3A_755 : vector<1x16xf32> to vector<16xf32>
      %swap3A_757 = vector.shape_cast %mul3A_752 : vector<16xf32> to vector<1x16xf32>
      tpu.vector_store %arg11[%swap3A_753, %swap3A_754], %swap3A_757 {strides = array<i32>} : memref<128x128xf32, #tpu.memory_space<vmem>>, vector<1x16xf32>,
      %mul3A_758 = arith.constant 16 : i32
      %mul3A_759 = arith.muli %scan3A_59, %mul3A_758 : i32
      %add3A_760 = arith.constant 8 : i32
      %add3A_761 = arith.addi %mul3A_759, %add3A_760 : i32
      %slice3A_762 = vector.extract_strided_slice %get3A_65 {offsets = [8], sizes = [1], strides = [1]} : vector<16xf32> to vector<1xf32>
      %squeeze3A_763 = vector.extract %slice3A_762[0] : f32 from vector<1xf32>
      %broadcast_in_dim3A_764 = vector.broadcast %squeeze3A_763 : f32 to vector<16xf32>
      %get3A_765 = arith.index_cast %add3A_761 : i32 to index
      %get3A_766 = arith.constant 0 : index
      %get3A_767 = tpu.vector_load %arg11[%get3A_765, %get3A_766] {strides = array<i32>} : memref<128x128xf32, #tpu.memory_space<vmem>>, vector<1x16xf32>,
      %get3A_768 = vector.shape_cast %get3A_767 : vector<1x16xf32> to vector<16xf32>
      %mul3A_769 = arith.mulf %get3A_768, %broadcast_in_dim3A_764 : vector<16xf32>
      %swap3A_770 = arith.index_cast %add3A_761 : i32 to index
      %swap3A_771 = arith.constant 0 : index
      %swap3A_772 = tpu.vector_load %arg11[%swap3A_770, %swap3A_771] {strides = array<i32>} : memref<128x128xf32, #tpu.memory_space<vmem>>, vector<1x16xf32>,
      %swap3A_773 = vector.shape_cast %swap3A_772 : vector<1x16xf32> to vector<16xf32>
      %swap3A_774 = vector.shape_cast %mul3A_769 : vector<16xf32> to vector<1x16xf32>
      tpu.vector_store %arg11[%swap3A_770, %swap3A_771], %swap3A_774 {strides = array<i32>} : memref<128x128xf32, #tpu.memory_space<vmem>>, vector<1x16xf32>,
      %get3A_775 = arith.index_cast %add3A_761 : i32 to index
      %get3A_776 = arith.constant 16 : index
      %get3A_777 = tpu.vector_load %arg11[%get3A_775, %get3A_776] {strides = array<i32>} : memref<128x128xf32, #tpu.memory_space<vmem>>, vector<1x16xf32>,
      %get3A_778 = vector.shape_cast %get3A_777 : vector<1x16xf32> to vector<16xf32>
      %mul3A_779 = arith.mulf %get3A_778, %broadcast_in_dim3A_764 : vector<16xf32>
      %swap3A_780 = arith.index_cast %add3A_761 : i32 to index
      %swap3A_781 = arith.constant 16 : index
      %swap3A_782 = tpu.vector_load %arg11[%swap3A_780, %swap3A_781] {strides = array<i32>} : memref<128x128xf32, #tpu.memory_space<vmem>>, vector<1x16xf32>,
      %swap3A_783 = vector.shape_cast %swap3A_782 : vector<1x16xf32> to vector<16xf32>
      %swap3A_784 = vector.shape_cast %mul3A_779 : vector<16xf32> to vector<1x16xf32>
      tpu.vector_store %arg11[%swap3A_780, %swap3A_781], %swap3A_784 {strides = array<i32>} : memref<128x128xf32, #tpu.memory_space<vmem>>, vector<1x16xf32>,
      %get3A_785 = arith.index_cast %add3A_761 : i32 to index
      %get3A_786 = arith.constant 32 : index
      %get3A_787 = tpu.vector_load %arg11[%get3A_785, %get3A_786] {strides = array<i32>} : memref<128x128xf32, #tpu.memory_space<vmem>>, vector<1x16xf32>,
      %get3A_788 = vector.shape_cast %get3A_787 : vector<1x16xf32> to vector<16xf32>
      %mul3A_789 = arith.mulf %get3A_788, %broadcast_in_dim3A_764 : vector<16xf32>
      %swap3A_790 = arith.index_cast %add3A_761 : i32 to index
      %swap3A_791 = arith.constant 32 : index
      %swap3A_792 = tpu.vector_load %arg11[%swap3A_790, %swap3A_791] {strides = array<i32>} : memref<128x128xf32, #tpu.memory_space<vmem>>, vector<1x16xf32>,
      %swap3A_793 = vector.shape_cast %swap3A_792 : vector<1x16xf32> to vector<16xf32>
      %swap3A_794 = vector.shape_cast %mul3A_789 : vector<16xf32> to vector<1x16xf32>
      tpu.vector_store %arg11[%swap3A_790, %swap3A_791], %swap3A_794 {strides = array<i32>} : memref<128x128xf32, #tpu.memory_space<vmem>>, vector<1x16xf32>,
      %get3A_795 = arith.index_cast %add3A_761 : i32 to index
      %get3A_796 = arith.constant 48 : index
      %get3A_797 = tpu.vector_load %arg11[%get3A_795, %get3A_796] {strides = array<i32>} : memref<128x128xf32, #tpu.memory_space<vmem>>, vector<1x16xf32>,
      %get3A_798 = vector.shape_cast %get3A_797 : vector<1x16xf32> to vector<16xf32>
      %mul3A_799 = arith.mulf %get3A_798, %broadcast_in_dim3A_764 : vector<16xf32>
      %swap3A_800 = arith.index_cast %add3A_761 : i32 to index
      %swap3A_801 = arith.constant 48 : index
      %swap3A_802 = tpu.vector_load %arg11[%swap3A_800, %swap3A_801] {strides = array<i32>} : memref<128x128xf32, #tpu.memory_space<vmem>>, vector<1x16xf32>,
      %swap3A_803 = vector.shape_cast %swap3A_802 : vector<1x16xf32> to vector<16xf32>
      %swap3A_804 = vector.shape_cast %mul3A_799 : vector<16xf32> to vector<1x16xf32>
      tpu.vector_store %arg11[%swap3A_800, %swap3A_801], %swap3A_804 {strides = array<i32>} : memref<128x128xf32, #tpu.memory_space<vmem>>, vector<1x16xf32>,
      %get3A_805 = arith.index_cast %add3A_761 : i32 to index
      %get3A_806 = arith.constant 64 : index
      %get3A_807 = tpu.vector_load %arg11[%get3A_805, %get3A_806] {strides = array<i32>} : memref<128x128xf32, #tpu.memory_space<vmem>>, vector<1x16xf32>,
      %get3A_808 = vector.shape_cast %get3A_807 : vector<1x16xf32> to vector<16xf32>
      %mul3A_809 = arith.mulf %get3A_808, %broadcast_in_dim3A_764 : vector<16xf32>
      %swap3A_810 = arith.index_cast %add3A_761 : i32 to index
      %swap3A_811 = arith.constant 64 : index
      %swap3A_812 = tpu.vector_load %arg11[%swap3A_810, %swap3A_811] {strides = array<i32>} : memref<128x128xf32, #tpu.memory_space<vmem>>, vector<1x16xf32>,
      %swap3A_813 = vector.shape_cast %swap3A_812 : vector<1x16xf32> to vector<16xf32>
      %swap3A_814 = vector.shape_cast %mul3A_809 : vector<16xf32> to vector<1x16xf32>
      tpu.vector_store %arg11[%swap3A_810, %swap3A_811], %swap3A_814 {strides = array<i32>} : memref<128x128xf32, #tpu.memory_space<vmem>>, vector<1x16xf32>,
      %get3A_815 = arith.index_cast %add3A_761 : i32 to index
      %get3A_816 = arith.constant 80 : index
      %get3A_817 = tpu.vector_load %arg11[%get3A_815, %get3A_816] {strides = array<i32>} : memref<128x128xf32, #tpu.memory_space<vmem>>, vector<1x16xf32>,
      %get3A_818 = vector.shape_cast %get3A_817 : vector<1x16xf32> to vector<16xf32>
      %mul3A_819 = arith.mulf %get3A_818, %broadcast_in_dim3A_764 : vector<16xf32>
      %swap3A_820 = arith.index_cast %add3A_761 : i32 to index
      %swap3A_821 = arith.constant 80 : index
      %swap3A_822 = tpu.vector_load %arg11[%swap3A_820, %swap3A_821] {strides = array<i32>} : memref<128x128xf32, #tpu.memory_space<vmem>>, vector<1x16xf32>,
      %swap3A_823 = vector.shape_cast %swap3A_822 : vector<1x16xf32> to vector<16xf32>
      %swap3A_824 = vector.shape_cast %mul3A_819 : vector<16xf32> to vector<1x16xf32>
      tpu.vector_store %arg11[%swap3A_820, %swap3A_821], %swap3A_824 {strides = array<i32>} : memref<128x128xf32, #tpu.memory_space<vmem>>, vector<1x16xf32>,
      %get3A_825 = arith.index_cast %add3A_761 : i32 to index
      %get3A_826 = arith.constant 96 : index
      %get3A_827 = tpu.vector_load %arg11[%get3A_825, %get3A_826] {strides = array<i32>} : memref<128x128xf32, #tpu.memory_space<vmem>>, vector<1x16xf32>,
      %get3A_828 = vector.shape_cast %get3A_827 : vector<1x16xf32> to vector<16xf32>
      %mul3A_829 = arith.mulf %get3A_828, %broadcast_in_dim3A_764 : vector<16xf32>
      %swap3A_830 = arith.index_cast %add3A_761 : i32 to index
      %swap3A_831 = arith.constant 96 : index
      %swap3A_832 = tpu.vector_load %arg11[%swap3A_830, %swap3A_831] {strides = array<i32>} : memref<128x128xf32, #tpu.memory_space<vmem>>, vector<1x16xf32>,
      %swap3A_833 = vector.shape_cast %swap3A_832 : vector<1x16xf32> to vector<16xf32>
      %swap3A_834 = vector.shape_cast %mul3A_829 : vector<16xf32> to vector<1x16xf32>
      tpu.vector_store %arg11[%swap3A_830, %swap3A_831], %swap3A_834 {strides = array<i32>} : memref<128x128xf32, #tpu.memory_space<vmem>>, vector<1x16xf32>,
      %get3A_835 = arith.index_cast %add3A_761 : i32 to index
      %get3A_836 = arith.constant 112 : index
      %get3A_837 = tpu.vector_load %arg11[%get3A_835, %get3A_836] {strides = array<i32>} : memref<128x128xf32, #tpu.memory_space<vmem>>, vector<1x16xf32>,
      %get3A_838 = vector.shape_cast %get3A_837 : vector<1x16xf32> to vector<16xf32>
      %mul3A_839 = arith.mulf %get3A_838, %broadcast_in_dim3A_764 : vector<16xf32>
      %swap3A_840 = arith.index_cast %add3A_761 : i32 to index
      %swap3A_841 = arith.constant 112 : index
      %swap3A_842 = tpu.vector_load %arg11[%swap3A_840, %swap3A_841] {strides = array<i32>} : memref<128x128xf32, #tpu.memory_space<vmem>>, vector<1x16xf32>,
      %swap3A_843 = vector.shape_cast %swap3A_842 : vector<1x16xf32> to vector<16xf32>
      %swap3A_844 = vector.shape_cast %mul3A_839 : vector<16xf32> to vector<1x16xf32>
      tpu.vector_store %arg11[%swap3A_840, %swap3A_841], %swap3A_844 {strides = array<i32>} : memref<128x128xf32, #tpu.memory_space<vmem>>, vector<1x16xf32>,
      %mul3A_845 = arith.constant 16 : i32
      %mul3A_846 = arith.muli %scan3A_59, %mul3A_845 : i32
      %add3A_847 = arith.constant 9 : i32
      %add3A_848 = arith.addi %mul3A_846, %add3A_847 : i32
      %slice3A_849 = vector.extract_strided_slice %get3A_65 {offsets = [9], sizes = [1], strides = [1]} : vector<16xf32> to vector<1xf32>
      %squeeze3A_850 = vector.extract %slice3A_849[0] : f32 from vector<1xf32>
      %broadcast_in_dim3A_851 = vector.broadcast %squeeze3A_850 : f32 to vector<16xf32>
      %get3A_852 = arith.index_cast %add3A_848 : i32 to index
      %get3A_853 = arith.constant 0 : index
      %get3A_854 = tpu.vector_load %arg11[%get3A_852, %get3A_853] {strides = array<i32>} : memref<128x128xf32, #tpu.memory_space<vmem>>, vector<1x16xf32>,
      %get3A_855 = vector.shape_cast %get3A_854 : vector<1x16xf32> to vector<16xf32>
      %mul3A_856 = arith.mulf %get3A_855, %broadcast_in_dim3A_851 : vector<16xf32>
      %swap3A_857 = arith.index_cast %add3A_848 : i32 to index
      %swap3A_858 = arith.constant 0 : index
      %swap3A_859 = tpu.vector_load %arg11[%swap3A_857, %swap3A_858] {strides = array<i32>} : memref<128x128xf32, #tpu.memory_space<vmem>>, vector<1x16xf32>,
      %swap3A_860 = vector.shape_cast %swap3A_859 : vector<1x16xf32> to vector<16xf32>
      %swap3A_861 = vector.shape_cast %mul3A_856 : vector<16xf32> to vector<1x16xf32>
      tpu.vector_store %arg11[%swap3A_857, %swap3A_858], %swap3A_861 {strides = array<i32>} : memref<128x128xf32, #tpu.memory_space<vmem>>, vector<1x16xf32>,
      %get3A_862 = arith.index_cast %add3A_848 : i32 to index
      %get3A_863 = arith.constant 16 : index
      %get3A_864 = tpu.vector_load %arg11[%get3A_862, %get3A_863] {strides = array<i32>} : memref<128x128xf32, #tpu.memory_space<vmem>>, vector<1x16xf32>,
      %get3A_865 = vector.shape_cast %get3A_864 : vector<1x16xf32> to vector<16xf32>
      %mul3A_866 = arith.mulf %get3A_865, %broadcast_in_dim3A_851 : vector<16xf32>
      %swap3A_867 = arith.index_cast %add3A_848 : i32 to index
      %swap3A_868 = arith.constant 16 : index
      %swap3A_869 = tpu.vector_load %arg11[%swap3A_867, %swap3A_868] {strides = array<i32>} : memref<128x128xf32, #tpu.memory_space<vmem>>, vector<1x16xf32>,
      %swap3A_870 = vector.shape_cast %swap3A_869 : vector<1x16xf32> to vector<16xf32>
      %swap3A_871 = vector.shape_cast %mul3A_866 : vector<16xf32> to vector<1x16xf32>
      tpu.vector_store %arg11[%swap3A_867, %swap3A_868], %swap3A_871 {strides = array<i32>} : memref<128x128xf32, #tpu.memory_space<vmem>>, vector<1x16xf32>,
      %get3A_872 = arith.index_cast %add3A_848 : i32 to index
      %get3A_873 = arith.constant 32 : index
      %get3A_874 = tpu.vector_load %arg11[%get3A_872, %get3A_873] {strides = array<i32>} : memref<128x128xf32, #tpu.memory_space<vmem>>, vector<1x16xf32>,
      %get3A_875 = vector.shape_cast %get3A_874 : vector<1x16xf32> to vector<16xf32>
      %mul3A_876 = arith.mulf %get3A_875, %broadcast_in_dim3A_851 : vector<16xf32>
      %swap3A_877 = arith.index_cast %add3A_848 : i32 to index
      %swap3A_878 = arith.constant 32 : index
      %swap3A_879 = tpu.vector_load %arg11[%swap3A_877, %swap3A_878] {strides = array<i32>} : memref<128x128xf32, #tpu.memory_space<vmem>>, vector<1x16xf32>,
      %swap3A_880 = vector.shape_cast %swap3A_879 : vector<1x16xf32> to vector<16xf32>
      %swap3A_881 = vector.shape_cast %mul3A_876 : vector<16xf32> to vector<1x16xf32>
      tpu.vector_store %arg11[%swap3A_877, %swap3A_878], %swap3A_881 {strides = array<i32>} : memref<128x128xf32, #tpu.memory_space<vmem>>, vector<1x16xf32>,
      %get3A_882 = arith.index_cast %add3A_848 : i32 to index
      %get3A_883 = arith.constant 48 : index
      %get3A_884 = tpu.vector_load %arg11[%get3A_882, %get3A_883] {strides = array<i32>} : memref<128x128xf32, #tpu.memory_space<vmem>>, vector<1x16xf32>,
      %get3A_885 = vector.shape_cast %get3A_884 : vector<1x16xf32> to vector<16xf32>
      %mul3A_886 = arith.mulf %get3A_885, %broadcast_in_dim3A_851 : vector<16xf32>
      %swap3A_887 = arith.index_cast %add3A_848 : i32 to index
      %swap3A_888 = arith.constant 48 : index
      %swap3A_889 = tpu.vector_load %arg11[%swap3A_887, %swap3A_888] {strides = array<i32>} : memref<128x128xf32, #tpu.memory_space<vmem>>, vector<1x16xf32>,
      %swap3A_890 = vector.shape_cast %swap3A_889 : vector<1x16xf32> to vector<16xf32>
      %swap3A_891 = vector.shape_cast %mul3A_886 : vector<16xf32> to vector<1x16xf32>
      tpu.vector_store %arg11[%swap3A_887, %swap3A_888], %swap3A_891 {strides = array<i32>} : memref<128x128xf32, #tpu.memory_space<vmem>>, vector<1x16xf32>,
      %get3A_892 = arith.index_cast %add3A_848 : i32 to index
      %get3A_893 = arith.constant 64 : index
      %get3A_894 = tpu.vector_load %arg11[%get3A_892, %get3A_893] {strides = array<i32>} : memref<128x128xf32, #tpu.memory_space<vmem>>, vector<1x16xf32>,
      %get3A_895 = vector.shape_cast %get3A_894 : vector<1x16xf32> to vector<16xf32>
      %mul3A_896 = arith.mulf %get3A_895, %broadcast_in_dim3A_851 : vector<16xf32>
      %swap3A_897 = arith.index_cast %add3A_848 : i32 to index
      %swap3A_898 = arith.constant 64 : index
      %swap3A_899 = tpu.vector_load %arg11[%swap3A_897, %swap3A_898] {strides = array<i32>} : memref<128x128xf32, #tpu.memory_space<vmem>>, vector<1x16xf32>,
      %swap3A_900 = vector.shape_cast %swap3A_899 : vector<1x16xf32> to vector<16xf32>
      %swap3A_901 = vector.shape_cast %mul3A_896 : vector<16xf32> to vector<1x16xf32>
      tpu.vector_store %arg11[%swap3A_897, %swap3A_898], %swap3A_901 {strides = array<i32>} : memref<128x128xf32, #tpu.memory_space<vmem>>, vector<1x16xf32>,
      %get3A_902 = arith.index_cast %add3A_848 : i32 to index
      %get3A_903 = arith.constant 80 : index
      %get3A_904 = tpu.vector_load %arg11[%get3A_902, %get3A_903] {strides = array<i32>} : memref<128x128xf32, #tpu.memory_space<vmem>>, vector<1x16xf32>,
      %get3A_905 = vector.shape_cast %get3A_904 : vector<1x16xf32> to vector<16xf32>
      %mul3A_906 = arith.mulf %get3A_905, %broadcast_in_dim3A_851 : vector<16xf32>
      %swap3A_907 = arith.index_cast %add3A_848 : i32 to index
      %swap3A_908 = arith.constant 80 : index
      %swap3A_909 = tpu.vector_load %arg11[%swap3A_907, %swap3A_908] {strides = array<i32>} : memref<128x128xf32, #tpu.memory_space<vmem>>, vector<1x16xf32>,
      %swap3A_910 = vector.shape_cast %swap3A_909 : vector<1x16xf32> to vector<16xf32>
      %swap3A_911 = vector.shape_cast %mul3A_906 : vector<16xf32> to vector<1x16xf32>
      tpu.vector_store %arg11[%swap3A_907, %swap3A_908], %swap3A_911 {strides = array<i32>} : memref<128x128xf32, #tpu.memory_space<vmem>>, vector<1x16xf32>,
      %get3A_912 = arith.index_cast %add3A_848 : i32 to index
      %get3A_913 = arith.constant 96 : index
      %get3A_914 = tpu.vector_load %arg11[%get3A_912, %get3A_913] {strides = array<i32>} : memref<128x128xf32, #tpu.memory_space<vmem>>, vector<1x16xf32>,
      %get3A_915 = vector.shape_cast %get3A_914 : vector<1x16xf32> to vector<16xf32>
      %mul3A_916 = arith.mulf %get3A_915, %broadcast_in_dim3A_851 : vector<16xf32>
      %swap3A_917 = arith.index_cast %add3A_848 : i32 to index
      %swap3A_918 = arith.constant 96 : index
      %swap3A_919 = tpu.vector_load %arg11[%swap3A_917, %swap3A_918] {strides = array<i32>} : memref<128x128xf32, #tpu.memory_space<vmem>>, vector<1x16xf32>,
      %swap3A_920 = vector.shape_cast %swap3A_919 : vector<1x16xf32> to vector<16xf32>
      %swap3A_921 = vector.shape_cast %mul3A_916 : vector<16xf32> to vector<1x16xf32>
      tpu.vector_store %arg11[%swap3A_917, %swap3A_918], %swap3A_921 {strides = array<i32>} : memref<128x128xf32, #tpu.memory_space<vmem>>, vector<1x16xf32>,
      %get3A_922 = arith.index_cast %add3A_848 : i32 to index
      %get3A_923 = arith.constant 112 : index
      %get3A_924 = tpu.vector_load %arg11[%get3A_922, %get3A_923] {strides = array<i32>} : memref<128x128xf32, #tpu.memory_space<vmem>>, vector<1x16xf32>,
      %get3A_925 = vector.shape_cast %get3A_924 : vector<1x16xf32> to vector<16xf32>
      %mul3A_926 = arith.mulf %get3A_925, %broadcast_in_dim3A_851 : vector<16xf32>
      %swap3A_927 = arith.index_cast %add3A_848 : i32 to index
      %swap3A_928 = arith.constant 112 : index
      %swap3A_929 = tpu.vector_load %arg11[%swap3A_927, %swap3A_928] {strides = array<i32>} : memref<128x128xf32, #tpu.memory_space<vmem>>, vector<1x16xf32>,
      %swap3A_930 = vector.shape_cast %swap3A_929 : vector<1x16xf32> to vector<16xf32>
      %swap3A_931 = vector.shape_cast %mul3A_926 : vector<16xf32> to vector<1x16xf32>
      tpu.vector_store %arg11[%swap3A_927, %swap3A_928], %swap3A_931 {strides = array<i32>} : memref<128x128xf32, #tpu.memory_space<vmem>>, vector<1x16xf32>,
      %mul3A_932 = arith.constant 16 : i32
      %mul3A_933 = arith.muli %scan3A_59, %mul3A_932 : i32
      %add3A_934 = arith.constant 10 : i32
      %add3A_935 = arith.addi %mul3A_933, %add3A_934 : i32
      %slice3A_936 = vector.extract_strided_slice %get3A_65 {offsets = [10], sizes = [1], strides = [1]} : vector<16xf32> to vector<1xf32>
      %squeeze3A_937 = vector.extract %slice3A_936[0] : f32 from vector<1xf32>
      %broadcast_in_dim3A_938 = vector.broadcast %squeeze3A_937 : f32 to vector<16xf32>
      %get3A_939 = arith.index_cast %add3A_935 : i32 to index
      %get3A_940 = arith.constant 0 : index
      %get3A_941 = tpu.vector_load %arg11[%get3A_939, %get3A_940] {strides = array<i32>} : memref<128x128xf32, #tpu.memory_space<vmem>>, vector<1x16xf32>,
      %get3A_942 = vector.shape_cast %get3A_941 : vector<1x16xf32> to vector<16xf32>
      %mul3A_943 = arith.mulf %get3A_942, %broadcast_in_dim3A_938 : vector<16xf32>
      %swap3A_944 = arith.index_cast %add3A_935 : i32 to index
      %swap3A_945 = arith.constant 0 : index
      %swap3A_946 = tpu.vector_load %arg11[%swap3A_944, %swap3A_945] {strides = array<i32>} : memref<128x128xf32, #tpu.memory_space<vmem>>, vector<1x16xf32>,
      %swap3A_947 = vector.shape_cast %swap3A_946 : vector<1x16xf32> to vector<16xf32>
      %swap3A_948 = vector.shape_cast %mul3A_943 : vector<16xf32> to vector<1x16xf32>
      tpu.vector_store %arg11[%swap3A_944, %swap3A_945], %swap3A_948 {strides = array<i32>} : memref<128x128xf32, #tpu.memory_space<vmem>>, vector<1x16xf32>,
      %get3A_949 = arith.index_cast %add3A_935 : i32 to index
      %get3A_950 = arith.constant 16 : index
      %get3A_951 = tpu.vector_load %arg11[%get3A_949, %get3A_950] {strides = array<i32>} : memref<128x128xf32, #tpu.memory_space<vmem>>, vector<1x16xf32>,
      %get3A_952 = vector.shape_cast %get3A_951 : vector<1x16xf32> to vector<16xf32>
      %mul3A_953 = arith.mulf %get3A_952, %broadcast_in_dim3A_938 : vector<16xf32>
      %swap3A_954 = arith.index_cast %add3A_935 : i32 to index
      %swap3A_955 = arith.constant 16 : index
      %swap3A_956 = tpu.vector_load %arg11[%swap3A_954, %swap3A_955] {strides = array<i32>} : memref<128x128xf32, #tpu.memory_space<vmem>>, vector<1x16xf32>,
      %swap3A_957 = vector.shape_cast %swap3A_956 : vector<1x16xf32> to vector<16xf32>
      %swap3A_958 = vector.shape_cast %mul3A_953 : vector<16xf32> to vector<1x16xf32>
      tpu.vector_store %arg11[%swap3A_954, %swap3A_955], %swap3A_958 {strides = array<i32>} : memref<128x128xf32, #tpu.memory_space<vmem>>, vector<1x16xf32>,
      %get3A_959 = arith.index_cast %add3A_935 : i32 to index
      %get3A_960 = arith.constant 32 : index
      %get3A_961 = tpu.vector_load %arg11[%get3A_959, %get3A_960] {strides = array<i32>} : memref<128x128xf32, #tpu.memory_space<vmem>>, vector<1x16xf32>,
      %get3A_962 = vector.shape_cast %get3A_961 : vector<1x16xf32> to vector<16xf32>
      %mul3A_963 = arith.mulf %get3A_962, %broadcast_in_dim3A_938 : vector<16xf32>
      %swap3A_964 = arith.index_cast %add3A_935 : i32 to index
      %swap3A_965 = arith.constant 32 : index
      %swap3A_966 = tpu.vector_load %arg11[%swap3A_964, %swap3A_965] {strides = array<i32>} : memref<128x128xf32, #tpu.memory_space<vmem>>, vector<1x16xf32>,
      %swap3A_967 = vector.shape_cast %swap3A_966 : vector<1x16xf32> to vector<16xf32>
      %swap3A_968 = vector.shape_cast %mul3A_963 : vector<16xf32> to vector<1x16xf32>
      tpu.vector_store %arg11[%swap3A_964, %swap3A_965], %swap3A_968 {strides = array<i32>} : memref<128x128xf32, #tpu.memory_space<vmem>>, vector<1x16xf32>,
      %get3A_969 = arith.index_cast %add3A_935 : i32 to index
      %get3A_970 = arith.constant 48 : index
      %get3A_971 = tpu.vector_load %arg11[%get3A_969, %get3A_970] {strides = array<i32>} : memref<128x128xf32, #tpu.memory_space<vmem>>, vector<1x16xf32>,
      %get3A_972 = vector.shape_cast %get3A_971 : vector<1x16xf32> to vector<16xf32>
      %mul3A_973 = arith.mulf %get3A_972, %broadcast_in_dim3A_938 : vector<16xf32>
      %swap3A_974 = arith.index_cast %add3A_935 : i32 to index
      %swap3A_975 = arith.constant 48 : index
      %swap3A_976 = tpu.vector_load %arg11[%swap3A_974, %swap3A_975] {strides = array<i32>} : memref<128x128xf32, #tpu.memory_space<vmem>>, vector<1x16xf32>,
      %swap3A_977 = vector.shape_cast %swap3A_976 : vector<1x16xf32> to vector<16xf32>
      %swap3A_978 = vector.shape_cast %mul3A_973 : vector<16xf32> to vector<1x16xf32>
      tpu.vector_store %arg11[%swap3A_974, %swap3A_975], %swap3A_978 {strides = array<i32>} : memref<128x128xf32, #tpu.memory_space<vmem>>, vector<1x16xf32>,
      %get3A_979 = arith.index_cast %add3A_935 : i32 to index
      %get3A_980 = arith.constant 64 : index
      %get3A_981 = tpu.vector_load %arg11[%get3A_979, %get3A_980] {strides = array<i32>} : memref<128x128xf32, #tpu.memory_space<vmem>>, vector<1x16xf32>,
      %get3A_982 = vector.shape_cast %get3A_981 : vector<1x16xf32> to vector<16xf32>
      %mul3A_983 = arith.mulf %get3A_982, %broadcast_in_dim3A_938 : vector<16xf32>
      %swap3A_984 = arith.index_cast %add3A_935 : i32 to index
      %swap3A_985 = arith.constant 64 : index
      %swap3A_986 = tpu.vector_load %arg11[%swap3A_984, %swap3A_985] {strides = array<i32>} : memref<128x128xf32, #tpu.memory_space<vmem>>, vector<1x16xf32>,
      %swap3A_987 = vector.shape_cast %swap3A_986 : vector<1x16xf32> to vector<16xf32>
      %swap3A_988 = vector.shape_cast %mul3A_983 : vector<16xf32> to vector<1x16xf32>
      tpu.vector_store %arg11[%swap3A_984, %swap3A_985], %swap3A_988 {strides = array<i32>} : memref<128x128xf32, #tpu.memory_space<vmem>>, vector<1x16xf32>,
      %get3A_989 = arith.index_cast %add3A_935 : i32 to index
      %get3A_990 = arith.constant 80 : index
      %get3A_991 = tpu.vector_load %arg11[%get3A_989, %get3A_990] {strides = array<i32>} : memref<128x128xf32, #tpu.memory_space<vmem>>, vector<1x16xf32>,
      %get3A_992 = vector.shape_cast %get3A_991 : vector<1x16xf32> to vector<16xf32>
      %mul3A_993 = arith.mulf %get3A_992, %broadcast_in_dim3A_938 : vector<16xf32>
      %swap3A_994 = arith.index_cast %add3A_935 : i32 to index
      %swap3A_995 = arith.constant 80 : index
      %swap3A_996 = tpu.vector_load %arg11[%swap3A_994, %swap3A_995] {strides = array<i32>} : memref<128x128xf32, #tpu.memory_space<vmem>>, vector<1x16xf32>,
      %swap3A_997 = vector.shape_cast %swap3A_996 : vector<1x16xf32> to vector<16xf32>
      %swap3A_998 = vector.shape_cast %mul3A_993 : vector<16xf32> to vector<1x16xf32>
      tpu.vector_store %arg11[%swap3A_994, %swap3A_995], %swap3A_998 {strides = array<i32>} : memref<128x128xf32, #tpu.memory_space<vmem>>, vector<1x16xf32>,
      %get3A_999 = arith.index_cast %add3A_935 : i32 to index
      %get3A_1000 = arith.constant 96 : index
      %get3A_1001 = tpu.vector_load %arg11[%get3A_999, %get3A_1000] {strides = array<i32>} : memref<128x128xf32, #tpu.memory_space<vmem>>, vector<1x16xf32>,
      %get3A_1002 = vector.shape_cast %get3A_1001 : vector<1x16xf32> to vector<16xf32>
      %mul3A_1003 = arith.mulf %get3A_1002, %broadcast_in_dim3A_938 : vector<16xf32>
      %swap3A_1004 = arith.index_cast %add3A_935 : i32 to index
      %swap3A_1005 = arith.constant 96 : index
      %swap3A_1006 = tpu.vector_load %arg11[%swap3A_1004, %swap3A_1005] {strides = array<i32>} : memref<128x128xf32, #tpu.memory_space<vmem>>, vector<1x16xf32>,
      %swap3A_1007 = vector.shape_cast %swap3A_1006 : vector<1x16xf32> to vector<16xf32>
      %swap3A_1008 = vector.shape_cast %mul3A_1003 : vector<16xf32> to vector<1x16xf32>
      tpu.vector_store %arg11[%swap3A_1004, %swap3A_1005], %swap3A_1008 {strides = array<i32>} : memref<128x128xf32, #tpu.memory_space<vmem>>, vector<1x16xf32>,
      %get3A_1009 = arith.index_cast %add3A_935 : i32 to index
      %get3A_1010 = arith.constant 112 : index
      %get3A_1011 = tpu.vector_load %arg11[%get3A_1009, %get3A_1010] {strides = array<i32>} : memref<128x128xf32, #tpu.memory_space<vmem>>, vector<1x16xf32>,
      %get3A_1012 = vector.shape_cast %get3A_1011 : vector<1x16xf32> to vector<16xf32>
      %mul3A_1013 = arith.mulf %get3A_1012, %broadcast_in_dim3A_938 : vector<16xf32>
      %swap3A_1014 = arith.index_cast %add3A_935 : i32 to index
      %swap3A_1015 = arith.constant 112 : index
      %swap3A_1016 = tpu.vector_load %arg11[%swap3A_1014, %swap3A_1015] {strides = array<i32>} : memref<128x128xf32, #tpu.memory_space<vmem>>, vector<1x16xf32>,
      %swap3A_1017 = vector.shape_cast %swap3A_1016 : vector<1x16xf32> to vector<16xf32>
      %swap3A_1018 = vector.shape_cast %mul3A_1013 : vector<16xf32> to vector<1x16xf32>
      tpu.vector_store %arg11[%swap3A_1014, %swap3A_1015], %swap3A_1018 {strides = array<i32>} : memref<128x128xf32, #tpu.memory_space<vmem>>, vector<1x16xf32>,
      %mul3A_1019 = arith.constant 16 : i32
      %mul3A_1020 = arith.muli %scan3A_59, %mul3A_1019 : i32
      %add3A_1021 = arith.constant 11 : i32
      %add3A_1022 = arith.addi %mul3A_1020, %add3A_1021 : i32
      %slice3A_1023 = vector.extract_strided_slice %get3A_65 {offsets = [11], sizes = [1], strides = [1]} : vector<16xf32> to vector<1xf32>
      %squeeze3A_1024 = vector.extract %slice3A_1023[0] : f32 from vector<1xf32>
      %broadcast_in_dim3A_1025 = vector.broadcast %squeeze3A_1024 : f32 to vector<16xf32>
      %get3A_1026 = arith.index_cast %add3A_1022 : i32 to index
      %get3A_1027 = arith.constant 0 : index
      %get3A_1028 = tpu.vector_load %arg11[%get3A_1026, %get3A_1027] {strides = array<i32>} : memref<128x128xf32, #tpu.memory_space<vmem>>, vector<1x16xf32>,
      %get3A_1029 = vector.shape_cast %get3A_1028 : vector<1x16xf32> to vector<16xf32>
      %mul3A_1030 = arith.mulf %get3A_1029, %broadcast_in_dim3A_1025 : vector<16xf32>
      %swap3A_1031 = arith.index_cast %add3A_1022 : i32 to index
      %swap3A_1032 = arith.constant 0 : index
      %swap3A_1033 = tpu.vector_load %arg11[%swap3A_1031, %swap3A_1032] {strides = array<i32>} : memref<128x128xf32, #tpu.memory_space<vmem>>, vector<1x16xf32>,
      %swap3A_1034 = vector.shape_cast %swap3A_1033 : vector<1x16xf32> to vector<16xf32>
      %swap3A_1035 = vector.shape_cast %mul3A_1030 : vector<16xf32> to vector<1x16xf32>
      tpu.vector_store %arg11[%swap3A_1031, %swap3A_1032], %swap3A_1035 {strides = array<i32>} : memref<128x128xf32, #tpu.memory_space<vmem>>, vector<1x16xf32>,
      %get3A_1036 = arith.index_cast %add3A_1022 : i32 to index
      %get3A_1037 = arith.constant 16 : index
      %get3A_1038 = tpu.vector_load %arg11[%get3A_1036, %get3A_1037] {strides = array<i32>} : memref<128x128xf32, #tpu.memory_space<vmem>>, vector<1x16xf32>,
      %get3A_1039 = vector.shape_cast %get3A_1038 : vector<1x16xf32> to vector<16xf32>
      %mul3A_1040 = arith.mulf %get3A_1039, %broadcast_in_dim3A_1025 : vector<16xf32>
      %swap3A_1041 = arith.index_cast %add3A_1022 : i32 to index
      %swap3A_1042 = arith.constant 16 : index
      %swap3A_1043 = tpu.vector_load %arg11[%swap3A_1041, %swap3A_1042] {strides = array<i32>} : memref<128x128xf32, #tpu.memory_space<vmem>>, vector<1x16xf32>,
      %swap3A_1044 = vector.shape_cast %swap3A_1043 : vector<1x16xf32> to vector<16xf32>
      %swap3A_1045 = vector.shape_cast %mul3A_1040 : vector<16xf32> to vector<1x16xf32>
      tpu.vector_store %arg11[%swap3A_1041, %swap3A_1042], %swap3A_1045 {strides = array<i32>} : memref<128x128xf32, #tpu.memory_space<vmem>>, vector<1x16xf32>,
      %get3A_1046 = arith.index_cast %add3A_1022 : i32 to index
      %get3A_1047 = arith.constant 32 : index
      %get3A_1048 = tpu.vector_load %arg11[%get3A_1046, %get3A_1047] {strides = array<i32>} : memref<128x128xf32, #tpu.memory_space<vmem>>, vector<1x16xf32>,
      %get3A_1049 = vector.shape_cast %get3A_1048 : vector<1x16xf32> to vector<16xf32>
      %mul3A_1050 = arith.mulf %get3A_1049, %broadcast_in_dim3A_1025 : vector<16xf32>
      %swap3A_1051 = arith.index_cast %add3A_1022 : i32 to index
      %swap3A_1052 = arith.constant 32 : index
      %swap3A_1053 = tpu.vector_load %arg11[%swap3A_1051, %swap3A_1052] {strides = array<i32>} : memref<128x128xf32, #tpu.memory_space<vmem>>, vector<1x16xf32>,
      %swap3A_1054 = vector.shape_cast %swap3A_1053 : vector<1x16xf32> to vector<16xf32>
      %swap3A_1055 = vector.shape_cast %mul3A_1050 : vector<16xf32> to vector<1x16xf32>
      tpu.vector_store %arg11[%swap3A_1051, %swap3A_1052], %swap3A_1055 {strides = array<i32>} : memref<128x128xf32, #tpu.memory_space<vmem>>, vector<1x16xf32>,
      %get3A_1056 = arith.index_cast %add3A_1022 : i32 to index
      %get3A_1057 = arith.constant 48 : index
      %get3A_1058 = tpu.vector_load %arg11[%get3A_1056, %get3A_1057] {strides = array<i32>} : memref<128x128xf32, #tpu.memory_space<vmem>>, vector<1x16xf32>,
      %get3A_1059 = vector.shape_cast %get3A_1058 : vector<1x16xf32> to vector<16xf32>
      %mul3A_1060 = arith.mulf %get3A_1059, %broadcast_in_dim3A_1025 : vector<16xf32>
      %swap3A_1061 = arith.index_cast %add3A_1022 : i32 to index
      %swap3A_1062 = arith.constant 48 : index
      %swap3A_1063 = tpu.vector_load %arg11[%swap3A_1061, %swap3A_1062] {strides = array<i32>} : memref<128x128xf32, #tpu.memory_space<vmem>>, vector<1x16xf32>,
      %swap3A_1064 = vector.shape_cast %swap3A_1063 : vector<1x16xf32> to vector<16xf32>
      %swap3A_1065 = vector.shape_cast %mul3A_1060 : vector<16xf32> to vector<1x16xf32>
      tpu.vector_store %arg11[%swap3A_1061, %swap3A_1062], %swap3A_1065 {strides = array<i32>} : memref<128x128xf32, #tpu.memory_space<vmem>>, vector<1x16xf32>,
      %get3A_1066 = arith.index_cast %add3A_1022 : i32 to index
      %get3A_1067 = arith.constant 64 : index
      %get3A_1068 = tpu.vector_load %arg11[%get3A_1066, %get3A_1067] {strides = array<i32>} : memref<128x128xf32, #tpu.memory_space<vmem>>, vector<1x16xf32>,
      %get3A_1069 = vector.shape_cast %get3A_1068 : vector<1x16xf32> to vector<16xf32>
      %mul3A_1070 = arith.mulf %get3A_1069, %broadcast_in_dim3A_1025 : vector<16xf32>
      %swap3A_1071 = arith.index_cast %add3A_1022 : i32 to index
      %swap3A_1072 = arith.constant 64 : index
      %swap3A_1073 = tpu.vector_load %arg11[%swap3A_1071, %swap3A_1072] {strides = array<i32>} : memref<128x128xf32, #tpu.memory_space<vmem>>, vector<1x16xf32>,
      %swap3A_1074 = vector.shape_cast %swap3A_1073 : vector<1x16xf32> to vector<16xf32>
      %swap3A_1075 = vector.shape_cast %mul3A_1070 : vector<16xf32> to vector<1x16xf32>
      tpu.vector_store %arg11[%swap3A_1071, %swap3A_1072], %swap3A_1075 {strides = array<i32>} : memref<128x128xf32, #tpu.memory_space<vmem>>, vector<1x16xf32>,
      %get3A_1076 = arith.index_cast %add3A_1022 : i32 to index
      %get3A_1077 = arith.constant 80 : index
      %get3A_1078 = tpu.vector_load %arg11[%get3A_1076, %get3A_1077] {strides = array<i32>} : memref<128x128xf32, #tpu.memory_space<vmem>>, vector<1x16xf32>,
      %get3A_1079 = vector.shape_cast %get3A_1078 : vector<1x16xf32> to vector<16xf32>
      %mul3A_1080 = arith.mulf %get3A_1079, %broadcast_in_dim3A_1025 : vector<16xf32>
      %swap3A_1081 = arith.index_cast %add3A_1022 : i32 to index
      %swap3A_1082 = arith.constant 80 : index
      %swap3A_1083 = tpu.vector_load %arg11[%swap3A_1081, %swap3A_1082] {strides = array<i32>} : memref<128x128xf32, #tpu.memory_space<vmem>>, vector<1x16xf32>,
      %swap3A_1084 = vector.shape_cast %swap3A_1083 : vector<1x16xf32> to vector<16xf32>
      %swap3A_1085 = vector.shape_cast %mul3A_1080 : vector<16xf32> to vector<1x16xf32>
      tpu.vector_store %arg11[%swap3A_1081, %swap3A_1082], %swap3A_1085 {strides = array<i32>} : memref<128x128xf32, #tpu.memory_space<vmem>>, vector<1x16xf32>,
      %get3A_1086 = arith.index_cast %add3A_1022 : i32 to index
      %get3A_1087 = arith.constant 96 : index
      %get3A_1088 = tpu.vector_load %arg11[%get3A_1086, %get3A_1087] {strides = array<i32>} : memref<128x128xf32, #tpu.memory_space<vmem>>, vector<1x16xf32>,
      %get3A_1089 = vector.shape_cast %get3A_1088 : vector<1x16xf32> to vector<16xf32>
      %mul3A_1090 = arith.mulf %get3A_1089, %broadcast_in_dim3A_1025 : vector<16xf32>
      %swap3A_1091 = arith.index_cast %add3A_1022 : i32 to index
      %swap3A_1092 = arith.constant 96 : index
      %swap3A_1093 = tpu.vector_load %arg11[%swap3A_1091, %swap3A_1092] {strides = array<i32>} : memref<128x128xf32, #tpu.memory_space<vmem>>, vector<1x16xf32>,
      %swap3A_1094 = vector.shape_cast %swap3A_1093 : vector<1x16xf32> to vector<16xf32>
      %swap3A_1095 = vector.shape_cast %mul3A_1090 : vector<16xf32> to vector<1x16xf32>
      tpu.vector_store %arg11[%swap3A_1091, %swap3A_1092], %swap3A_1095 {strides = array<i32>} : memref<128x128xf32, #tpu.memory_space<vmem>>, vector<1x16xf32>,
      %get3A_1096 = arith.index_cast %add3A_1022 : i32 to index
      %get3A_1097 = arith.constant 112 : index
      %get3A_1098 = tpu.vector_load %arg11[%get3A_1096, %get3A_1097] {strides = array<i32>} : memref<128x128xf32, #tpu.memory_space<vmem>>, vector<1x16xf32>,
      %get3A_1099 = vector.shape_cast %get3A_1098 : vector<1x16xf32> to vector<16xf32>
      %mul3A_1100 = arith.mulf %get3A_1099, %broadcast_in_dim3A_1025 : vector<16xf32>
      %swap3A_1101 = arith.index_cast %add3A_1022 : i32 to index
      %swap3A_1102 = arith.constant 112 : index
      %swap3A_1103 = tpu.vector_load %arg11[%swap3A_1101, %swap3A_1102] {strides = array<i32>} : memref<128x128xf32, #tpu.memory_space<vmem>>, vector<1x16xf32>,
      %swap3A_1104 = vector.shape_cast %swap3A_1103 : vector<1x16xf32> to vector<16xf32>
      %swap3A_1105 = vector.shape_cast %mul3A_1100 : vector<16xf32> to vector<1x16xf32>
      tpu.vector_store %arg11[%swap3A_1101, %swap3A_1102], %swap3A_1105 {strides = array<i32>} : memref<128x128xf32, #tpu.memory_space<vmem>>, vector<1x16xf32>,
      %mul3A_1106 = arith.constant 16 : i32
      %mul3A_1107 = arith.muli %scan3A_59, %mul3A_1106 : i32
      %add3A_1108 = arith.constant 12 : i32
      %add3A_1109 = arith.addi %mul3A_1107, %add3A_1108 : i32
      %slice3A_1110 = vector.extract_strided_slice %get3A_65 {offsets = [12], sizes = [1], strides = [1]} : vector<16xf32> to vector<1xf32>
      %squeeze3A_1111 = vector.extract %slice3A_1110[0] : f32 from vector<1xf32>
      %broadcast_in_dim3A_1112 = vector.broadcast %squeeze3A_1111 : f32 to vector<16xf32>
      %get3A_1113 = arith.index_cast %add3A_1109 : i32 to index
      %get3A_1114 = arith.constant 0 : index
      %get3A_1115 = tpu.vector_load %arg11[%get3A_1113, %get3A_1114] {strides = array<i32>} : memref<128x128xf32, #tpu.memory_space<vmem>>, vector<1x16xf32>,
      %get3A_1116 = vector.shape_cast %get3A_1115 : vector<1x16xf32> to vector<16xf32>
      %mul3A_1117 = arith.mulf %get3A_1116, %broadcast_in_dim3A_1112 : vector<16xf32>
      %swap3A_1118 = arith.index_cast %add3A_1109 : i32 to index
      %swap3A_1119 = arith.constant 0 : index
      %swap3A_1120 = tpu.vector_load %arg11[%swap3A_1118, %swap3A_1119] {strides = array<i32>} : memref<128x128xf32, #tpu.memory_space<vmem>>, vector<1x16xf32>,
      %swap3A_1121 = vector.shape_cast %swap3A_1120 : vector<1x16xf32> to vector<16xf32>
      %swap3A_1122 = vector.shape_cast %mul3A_1117 : vector<16xf32> to vector<1x16xf32>
      tpu.vector_store %arg11[%swap3A_1118, %swap3A_1119], %swap3A_1122 {strides = array<i32>} : memref<128x128xf32, #tpu.memory_space<vmem>>, vector<1x16xf32>,
      %get3A_1123 = arith.index_cast %add3A_1109 : i32 to index
      %get3A_1124 = arith.constant 16 : index
      %get3A_1125 = tpu.vector_load %arg11[%get3A_1123, %get3A_1124] {strides = array<i32>} : memref<128x128xf32, #tpu.memory_space<vmem>>, vector<1x16xf32>,
      %get3A_1126 = vector.shape_cast %get3A_1125 : vector<1x16xf32> to vector<16xf32>
      %mul3A_1127 = arith.mulf %get3A_1126, %broadcast_in_dim3A_1112 : vector<16xf32>
      %swap3A_1128 = arith.index_cast %add3A_1109 : i32 to index
      %swap3A_1129 = arith.constant 16 : index
      %swap3A_1130 = tpu.vector_load %arg11[%swap3A_1128, %swap3A_1129] {strides = array<i32>} : memref<128x128xf32, #tpu.memory_space<vmem>>, vector<1x16xf32>,
      %swap3A_1131 = vector.shape_cast %swap3A_1130 : vector<1x16xf32> to vector<16xf32>
      %swap3A_1132 = vector.shape_cast %mul3A_1127 : vector<16xf32> to vector<1x16xf32>
      tpu.vector_store %arg11[%swap3A_1128, %swap3A_1129], %swap3A_1132 {strides = array<i32>} : memref<128x128xf32, #tpu.memory_space<vmem>>, vector<1x16xf32>,
      %get3A_1133 = arith.index_cast %add3A_1109 : i32 to index
      %get3A_1134 = arith.constant 32 : index
      %get3A_1135 = tpu.vector_load %arg11[%get3A_1133, %get3A_1134] {strides = array<i32>} : memref<128x128xf32, #tpu.memory_space<vmem>>, vector<1x16xf32>,
      %get3A_1136 = vector.shape_cast %get3A_1135 : vector<1x16xf32> to vector<16xf32>
      %mul3A_1137 = arith.mulf %get3A_1136, %broadcast_in_dim3A_1112 : vector<16xf32>
      %swap3A_1138 = arith.index_cast %add3A_1109 : i32 to index
      %swap3A_1139 = arith.constant 32 : index
      %swap3A_1140 = tpu.vector_load %arg11[%swap3A_1138, %swap3A_1139] {strides = array<i32>} : memref<128x128xf32, #tpu.memory_space<vmem>>, vector<1x16xf32>,
      %swap3A_1141 = vector.shape_cast %swap3A_1140 : vector<1x16xf32> to vector<16xf32>
      %swap3A_1142 = vector.shape_cast %mul3A_1137 : vector<16xf32> to vector<1x16xf32>
      tpu.vector_store %arg11[%swap3A_1138, %swap3A_1139], %swap3A_1142 {strides = array<i32>} : memref<128x128xf32, #tpu.memory_space<vmem>>, vector<1x16xf32>,
      %get3A_1143 = arith.index_cast %add3A_1109 : i32 to index
      %get3A_1144 = arith.constant 48 : index
      %get3A_1145 = tpu.vector_load %arg11[%get3A_1143, %get3A_1144] {strides = array<i32>} : memref<128x128xf32, #tpu.memory_space<vmem>>, vector<1x16xf32>,
      %get3A_1146 = vector.shape_cast %get3A_1145 : vector<1x16xf32> to vector<16xf32>
      %mul3A_1147 = arith.mulf %get3A_1146, %broadcast_in_dim3A_1112 : vector<16xf32>
      %swap3A_1148 = arith.index_cast %add3A_1109 : i32 to index
      %swap3A_1149 = arith.constant 48 : index
      %swap3A_1150 = tpu.vector_load %arg11[%swap3A_1148, %swap3A_1149] {strides = array<i32>} : memref<128x128xf32, #tpu.memory_space<vmem>>, vector<1x16xf32>,
      %swap3A_1151 = vector.shape_cast %swap3A_1150 : vector<1x16xf32> to vector<16xf32>
      %swap3A_1152 = vector.shape_cast %mul3A_1147 : vector<16xf32> to vector<1x16xf32>
      tpu.vector_store %arg11[%swap3A_1148, %swap3A_1149], %swap3A_1152 {strides = array<i32>} : memref<128x128xf32, #tpu.memory_space<vmem>>, vector<1x16xf32>,
      %get3A_1153 = arith.index_cast %add3A_1109 : i32 to index
      %get3A_1154 = arith.constant 64 : index
      %get3A_1155 = tpu.vector_load %arg11[%get3A_1153, %get3A_1154] {strides = array<i32>} : memref<128x128xf32, #tpu.memory_space<vmem>>, vector<1x16xf32>,
      %get3A_1156 = vector.shape_cast %get3A_1155 : vector<1x16xf32> to vector<16xf32>
      %mul3A_1157 = arith.mulf %get3A_1156, %broadcast_in_dim3A_1112 : vector<16xf32>
      %swap3A_1158 = arith.index_cast %add3A_1109 : i32 to index
      %swap3A_1159 = arith.constant 64 : index
      %swap3A_1160 = tpu.vector_load %arg11[%swap3A_1158, %swap3A_1159] {strides = array<i32>} : memref<128x128xf32, #tpu.memory_space<vmem>>, vector<1x16xf32>,
      %swap3A_1161 = vector.shape_cast %swap3A_1160 : vector<1x16xf32> to vector<16xf32>
      %swap3A_1162 = vector.shape_cast %mul3A_1157 : vector<16xf32> to vector<1x16xf32>
      tpu.vector_store %arg11[%swap3A_1158, %swap3A_1159], %swap3A_1162 {strides = array<i32>} : memref<128x128xf32, #tpu.memory_space<vmem>>, vector<1x16xf32>,
      %get3A_1163 = arith.index_cast %add3A_1109 : i32 to index
      %get3A_1164 = arith.constant 80 : index
      %get3A_1165 = tpu.vector_load %arg11[%get3A_1163, %get3A_1164] {strides = array<i32>} : memref<128x128xf32, #tpu.memory_space<vmem>>, vector<1x16xf32>,
      %get3A_1166 = vector.shape_cast %get3A_1165 : vector<1x16xf32> to vector<16xf32>
      %mul3A_1167 = arith.mulf %get3A_1166, %broadcast_in_dim3A_1112 : vector<16xf32>
      %swap3A_1168 = arith.index_cast %add3A_1109 : i32 to index
      %swap3A_1169 = arith.constant 80 : index
      %swap3A_1170 = tpu.vector_load %arg11[%swap3A_1168, %swap3A_1169] {strides = array<i32>} : memref<128x128xf32, #tpu.memory_space<vmem>>, vector<1x16xf32>,
      %swap3A_1171 = vector.shape_cast %swap3A_1170 : vector<1x16xf32> to vector<16xf32>
      %swap3A_1172 = vector.shape_cast %mul3A_1167 : vector<16xf32> to vector<1x16xf32>
      tpu.vector_store %arg11[%swap3A_1168, %swap3A_1169], %swap3A_1172 {strides = array<i32>} : memref<128x128xf32, #tpu.memory_space<vmem>>, vector<1x16xf32>,
      %get3A_1173 = arith.index_cast %add3A_1109 : i32 to index
      %get3A_1174 = arith.constant 96 : index
      %get3A_1175 = tpu.vector_load %arg11[%get3A_1173, %get3A_1174] {strides = array<i32>} : memref<128x128xf32, #tpu.memory_space<vmem>>, vector<1x16xf32>,
      %get3A_1176 = vector.shape_cast %get3A_1175 : vector<1x16xf32> to vector<16xf32>
      %mul3A_1177 = arith.mulf %get3A_1176, %broadcast_in_dim3A_1112 : vector<16xf32>
      %swap3A_1178 = arith.index_cast %add3A_1109 : i32 to index
      %swap3A_1179 = arith.constant 96 : index
      %swap3A_1180 = tpu.vector_load %arg11[%swap3A_1178, %swap3A_1179] {strides = array<i32>} : memref<128x128xf32, #tpu.memory_space<vmem>>, vector<1x16xf32>,
      %swap3A_1181 = vector.shape_cast %swap3A_1180 : vector<1x16xf32> to vector<16xf32>
      %swap3A_1182 = vector.shape_cast %mul3A_1177 : vector<16xf32> to vector<1x16xf32>
      tpu.vector_store %arg11[%swap3A_1178, %swap3A_1179], %swap3A_1182 {strides = array<i32>} : memref<128x128xf32, #tpu.memory_space<vmem>>, vector<1x16xf32>,
      %get3A_1183 = arith.index_cast %add3A_1109 : i32 to index
      %get3A_1184 = arith.constant 112 : index
      %get3A_1185 = tpu.vector_load %arg11[%get3A_1183, %get3A_1184] {strides = array<i32>} : memref<128x128xf32, #tpu.memory_space<vmem>>, vector<1x16xf32>,
      %get3A_1186 = vector.shape_cast %get3A_1185 : vector<1x16xf32> to vector<16xf32>
      %mul3A_1187 = arith.mulf %get3A_1186, %broadcast_in_dim3A_1112 : vector<16xf32>
      %swap3A_1188 = arith.index_cast %add3A_1109 : i32 to index
      %swap3A_1189 = arith.constant 112 : index
      %swap3A_1190 = tpu.vector_load %arg11[%swap3A_1188, %swap3A_1189] {strides = array<i32>} : memref<128x128xf32, #tpu.memory_space<vmem>>, vector<1x16xf32>,
      %swap3A_1191 = vector.shape_cast %swap3A_1190 : vector<1x16xf32> to vector<16xf32>
      %swap3A_1192 = vector.shape_cast %mul3A_1187 : vector<16xf32> to vector<1x16xf32>
      tpu.vector_store %arg11[%swap3A_1188, %swap3A_1189], %swap3A_1192 {strides = array<i32>} : memref<128x128xf32, #tpu.memory_space<vmem>>, vector<1x16xf32>,
      %mul3A_1193 = arith.constant 16 : i32
      %mul3A_1194 = arith.muli %scan3A_59, %mul3A_1193 : i32
      %add3A_1195 = arith.constant 13 : i32
      %add3A_1196 = arith.addi %mul3A_1194, %add3A_1195 : i32
      %slice3A_1197 = vector.extract_strided_slice %get3A_65 {offsets = [13], sizes = [1], strides = [1]} : vector<16xf32> to vector<1xf32>
      %squeeze3A_1198 = vector.extract %slice3A_1197[0] : f32 from vector<1xf32>
      %broadcast_in_dim3A_1199 = vector.broadcast %squeeze3A_1198 : f32 to vector<16xf32>
      %get3A_1200 = arith.index_cast %add3A_1196 : i32 to index
      %get3A_1201 = arith.constant 0 : index
      %get3A_1202 = tpu.vector_load %arg11[%get3A_1200, %get3A_1201] {strides = array<i32>} : memref<128x128xf32, #tpu.memory_space<vmem>>, vector<1x16xf32>,
      %get3A_1203 = vector.shape_cast %get3A_1202 : vector<1x16xf32> to vector<16xf32>
      %mul3A_1204 = arith.mulf %get3A_1203, %broadcast_in_dim3A_1199 : vector<16xf32>
      %swap3A_1205 = arith.index_cast %add3A_1196 : i32 to index
      %swap3A_1206 = arith.constant 0 : index
      %swap3A_1207 = tpu.vector_load %arg11[%swap3A_1205, %swap3A_1206] {strides = array<i32>} : memref<128x128xf32, #tpu.memory_space<vmem>>, vector<1x16xf32>,
      %swap3A_1208 = vector.shape_cast %swap3A_1207 : vector<1x16xf32> to vector<16xf32>
      %swap3A_1209 = vector.shape_cast %mul3A_1204 : vector<16xf32> to vector<1x16xf32>
      tpu.vector_store %arg11[%swap3A_1205, %swap3A_1206], %swap3A_1209 {strides = array<i32>} : memref<128x128xf32, #tpu.memory_space<vmem>>, vector<1x16xf32>,
      %get3A_1210 = arith.index_cast %add3A_1196 : i32 to index
      %get3A_1211 = arith.constant 16 : index
      %get3A_1212 = tpu.vector_load %arg11[%get3A_1210, %get3A_1211] {strides = array<i32>} : memref<128x128xf32, #tpu.memory_space<vmem>>, vector<1x16xf32>,
      %get3A_1213 = vector.shape_cast %get3A_1212 : vector<1x16xf32> to vector<16xf32>
      %mul3A_1214 = arith.mulf %get3A_1213, %broadcast_in_dim3A_1199 : vector<16xf32>
      %swap3A_1215 = arith.index_cast %add3A_1196 : i32 to index
      %swap3A_1216 = arith.constant 16 : index
      %swap3A_1217 = tpu.vector_load %arg11[%swap3A_1215, %swap3A_1216] {strides = array<i32>} : memref<128x128xf32, #tpu.memory_space<vmem>>, vector<1x16xf32>,
      %swap3A_1218 = vector.shape_cast %swap3A_1217 : vector<1x16xf32> to vector<16xf32>
      %swap3A_1219 = vector.shape_cast %mul3A_1214 : vector<16xf32> to vector<1x16xf32>
      tpu.vector_store %arg11[%swap3A_1215, %swap3A_1216], %swap3A_1219 {strides = array<i32>} : memref<128x128xf32, #tpu.memory_space<vmem>>, vector<1x16xf32>,
      %get3A_1220 = arith.index_cast %add3A_1196 : i32 to index
      %get3A_1221 = arith.constant 32 : index
      %get3A_1222 = tpu.vector_load %arg11[%get3A_1220, %get3A_1221] {strides = array<i32>} : memref<128x128xf32, #tpu.memory_space<vmem>>, vector<1x16xf32>,
      %get3A_1223 = vector.shape_cast %get3A_1222 : vector<1x16xf32> to vector<16xf32>
      %mul3A_1224 = arith.mulf %get3A_1223, %broadcast_in_dim3A_1199 : vector<16xf32>
      %swap3A_1225 = arith.index_cast %add3A_1196 : i32 to index
      %swap3A_1226 = arith.constant 32 : index
      %swap3A_1227 = tpu.vector_load %arg11[%swap3A_1225, %swap3A_1226] {strides = array<i32>} : memref<128x128xf32, #tpu.memory_space<vmem>>, vector<1x16xf32>,
      %swap3A_1228 = vector.shape_cast %swap3A_1227 : vector<1x16xf32> to vector<16xf32>
      %swap3A_1229 = vector.shape_cast %mul3A_1224 : vector<16xf32> to vector<1x16xf32>
      tpu.vector_store %arg11[%swap3A_1225, %swap3A_1226], %swap3A_1229 {strides = array<i32>} : memref<128x128xf32, #tpu.memory_space<vmem>>, vector<1x16xf32>,
      %get3A_1230 = arith.index_cast %add3A_1196 : i32 to index
      %get3A_1231 = arith.constant 48 : index
      %get3A_1232 = tpu.vector_load %arg11[%get3A_1230, %get3A_1231] {strides = array<i32>} : memref<128x128xf32, #tpu.memory_space<vmem>>, vector<1x16xf32>,
      %get3A_1233 = vector.shape_cast %get3A_1232 : vector<1x16xf32> to vector<16xf32>
      %mul3A_1234 = arith.mulf %get3A_1233, %broadcast_in_dim3A_1199 : vector<16xf32>
      %swap3A_1235 = arith.index_cast %add3A_1196 : i32 to index
      %swap3A_1236 = arith.constant 48 : index
      %swap3A_1237 = tpu.vector_load %arg11[%swap3A_1235, %swap3A_1236] {strides = array<i32>} : memref<128x128xf32, #tpu.memory_space<vmem>>, vector<1x16xf32>,
      %swap3A_1238 = vector.shape_cast %swap3A_1237 : vector<1x16xf32> to vector<16xf32>
      %swap3A_1239 = vector.shape_cast %mul3A_1234 : vector<16xf32> to vector<1x16xf32>
      tpu.vector_store %arg11[%swap3A_1235, %swap3A_1236], %swap3A_1239 {strides = array<i32>} : memref<128x128xf32, #tpu.memory_space<vmem>>, vector<1x16xf32>,
      %get3A_1240 = arith.index_cast %add3A_1196 : i32 to index
      %get3A_1241 = arith.constant 64 : index
      %get3A_1242 = tpu.vector_load %arg11[%get3A_1240, %get3A_1241] {strides = array<i32>} : memref<128x128xf32, #tpu.memory_space<vmem>>, vector<1x16xf32>,
      %get3A_1243 = vector.shape_cast %get3A_1242 : vector<1x16xf32> to vector<16xf32>
      %mul3A_1244 = arith.mulf %get3A_1243, %broadcast_in_dim3A_1199 : vector<16xf32>
      %swap3A_1245 = arith.index_cast %add3A_1196 : i32 to index
      %swap3A_1246 = arith.constant 64 : index
      %swap3A_1247 = tpu.vector_load %arg11[%swap3A_1245, %swap3A_1246] {strides = array<i32>} : memref<128x128xf32, #tpu.memory_space<vmem>>, vector<1x16xf32>,
      %swap3A_1248 = vector.shape_cast %swap3A_1247 : vector<1x16xf32> to vector<16xf32>
      %swap3A_1249 = vector.shape_cast %mul3A_1244 : vector<16xf32> to vector<1x16xf32>
      tpu.vector_store %arg11[%swap3A_1245, %swap3A_1246], %swap3A_1249 {strides = array<i32>} : memref<128x128xf32, #tpu.memory_space<vmem>>, vector<1x16xf32>,
      %get3A_1250 = arith.index_cast %add3A_1196 : i32 to index
      %get3A_1251 = arith.constant 80 : index
      %get3A_1252 = tpu.vector_load %arg11[%get3A_1250, %get3A_1251] {strides = array<i32>} : memref<128x128xf32, #tpu.memory_space<vmem>>, vector<1x16xf32>,
      %get3A_1253 = vector.shape_cast %get3A_1252 : vector<1x16xf32> to vector<16xf32>
      %mul3A_1254 = arith.mulf %get3A_1253, %broadcast_in_dim3A_1199 : vector<16xf32>
      %swap3A_1255 = arith.index_cast %add3A_1196 : i32 to index
      %swap3A_1256 = arith.constant 80 : index
      %swap3A_1257 = tpu.vector_load %arg11[%swap3A_1255, %swap3A_1256] {strides = array<i32>} : memref<128x128xf32, #tpu.memory_space<vmem>>, vector<1x16xf32>,
      %swap3A_1258 = vector.shape_cast %swap3A_1257 : vector<1x16xf32> to vector<16xf32>
      %swap3A_1259 = vector.shape_cast %mul3A_1254 : vector<16xf32> to vector<1x16xf32>
      tpu.vector_store %arg11[%swap3A_1255, %swap3A_1256], %swap3A_1259 {strides = array<i32>} : memref<128x128xf32, #tpu.memory_space<vmem>>, vector<1x16xf32>,
      %get3A_1260 = arith.index_cast %add3A_1196 : i32 to index
      %get3A_1261 = arith.constant 96 : index
      %get3A_1262 = tpu.vector_load %arg11[%get3A_1260, %get3A_1261] {strides = array<i32>} : memref<128x128xf32, #tpu.memory_space<vmem>>, vector<1x16xf32>,
      %get3A_1263 = vector.shape_cast %get3A_1262 : vector<1x16xf32> to vector<16xf32>
      %mul3A_1264 = arith.mulf %get3A_1263, %broadcast_in_dim3A_1199 : vector<16xf32>
      %swap3A_1265 = arith.index_cast %add3A_1196 : i32 to index
      %swap3A_1266 = arith.constant 96 : index
      %swap3A_1267 = tpu.vector_load %arg11[%swap3A_1265, %swap3A_1266] {strides = array<i32>} : memref<128x128xf32, #tpu.memory_space<vmem>>, vector<1x16xf32>,
      %swap3A_1268 = vector.shape_cast %swap3A_1267 : vector<1x16xf32> to vector<16xf32>
      %swap3A_1269 = vector.shape_cast %mul3A_1264 : vector<16xf32> to vector<1x16xf32>
      tpu.vector_store %arg11[%swap3A_1265, %swap3A_1266], %swap3A_1269 {strides = array<i32>} : memref<128x128xf32, #tpu.memory_space<vmem>>, vector<1x16xf32>,
      %get3A_1270 = arith.index_cast %add3A_1196 : i32 to index
      %get3A_1271 = arith.constant 112 : index
      %get3A_1272 = tpu.vector_load %arg11[%get3A_1270, %get3A_1271] {strides = array<i32>} : memref<128x128xf32, #tpu.memory_space<vmem>>, vector<1x16xf32>,
      %get3A_1273 = vector.shape_cast %get3A_1272 : vector<1x16xf32> to vector<16xf32>
      %mul3A_1274 = arith.mulf %get3A_1273, %broadcast_in_dim3A_1199 : vector<16xf32>
      %swap3A_1275 = arith.index_cast %add3A_1196 : i32 to index
      %swap3A_1276 = arith.constant 112 : index
      %swap3A_1277 = tpu.vector_load %arg11[%swap3A_1275, %swap3A_1276] {strides = array<i32>} : memref<128x128xf32, #tpu.memory_space<vmem>>, vector<1x16xf32>,
      %swap3A_1278 = vector.shape_cast %swap3A_1277 : vector<1x16xf32> to vector<16xf32>
      %swap3A_1279 = vector.shape_cast %mul3A_1274 : vector<16xf32> to vector<1x16xf32>
      tpu.vector_store %arg11[%swap3A_1275, %swap3A_1276], %swap3A_1279 {strides = array<i32>} : memref<128x128xf32, #tpu.memory_space<vmem>>, vector<1x16xf32>,
      %mul3A_1280 = arith.constant 16 : i32
      %mul3A_1281 = arith.muli %scan3A_59, %mul3A_1280 : i32
      %add3A_1282 = arith.constant 14 : i32
      %add3A_1283 = arith.addi %mul3A_1281, %add3A_1282 : i32
      %slice3A_1284 = vector.extract_strided_slice %get3A_65 {offsets = [14], sizes = [1], strides = [1]} : vector<16xf32> to vector<1xf32>
      %squeeze3A_1285 = vector.extract %slice3A_1284[0] : f32 from vector<1xf32>
      %broadcast_in_dim3A_1286 = vector.broadcast %squeeze3A_1285 : f32 to vector<16xf32>
      %get3A_1287 = arith.index_cast %add3A_1283 : i32 to index
      %get3A_1288 = arith.constant 0 : index
      %get3A_1289 = tpu.vector_load %arg11[%get3A_1287, %get3A_1288] {strides = array<i32>} : memref<128x128xf32, #tpu.memory_space<vmem>>, vector<1x16xf32>,
      %get3A_1290 = vector.shape_cast %get3A_1289 : vector<1x16xf32> to vector<16xf32>
      %mul3A_1291 = arith.mulf %get3A_1290, %broadcast_in_dim3A_1286 : vector<16xf32>
      %swap3A_1292 = arith.index_cast %add3A_1283 : i32 to index
      %swap3A_1293 = arith.constant 0 : index
      %swap3A_1294 = tpu.vector_load %arg11[%swap3A_1292, %swap3A_1293] {strides = array<i32>} : memref<128x128xf32, #tpu.memory_space<vmem>>, vector<1x16xf32>,
      %swap3A_1295 = vector.shape_cast %swap3A_1294 : vector<1x16xf32> to vector<16xf32>
      %swap3A_1296 = vector.shape_cast %mul3A_1291 : vector<16xf32> to vector<1x16xf32>
      tpu.vector_store %arg11[%swap3A_1292, %swap3A_1293], %swap3A_1296 {strides = array<i32>} : memref<128x128xf32, #tpu.memory_space<vmem>>, vector<1x16xf32>,
      %get3A_1297 = arith.index_cast %add3A_1283 : i32 to index
      %get3A_1298 = arith.constant 16 : index
      %get3A_1299 = tpu.vector_load %arg11[%get3A_1297, %get3A_1298] {strides = array<i32>} : memref<128x128xf32, #tpu.memory_space<vmem>>, vector<1x16xf32>,
      %get3A_1300 = vector.shape_cast %get3A_1299 : vector<1x16xf32> to vector<16xf32>
      %mul3A_1301 = arith.mulf %get3A_1300, %broadcast_in_dim3A_1286 : vector<16xf32>
      %swap3A_1302 = arith.index_cast %add3A_1283 : i32 to index
      %swap3A_1303 = arith.constant 16 : index
      %swap3A_1304 = tpu.vector_load %arg11[%swap3A_1302, %swap3A_1303] {strides = array<i32>} : memref<128x128xf32, #tpu.memory_space<vmem>>, vector<1x16xf32>,
      %swap3A_1305 = vector.shape_cast %swap3A_1304 : vector<1x16xf32> to vector<16xf32>
      %swap3A_1306 = vector.shape_cast %mul3A_1301 : vector<16xf32> to vector<1x16xf32>
      tpu.vector_store %arg11[%swap3A_1302, %swap3A_1303], %swap3A_1306 {strides = array<i32>} : memref<128x128xf32, #tpu.memory_space<vmem>>, vector<1x16xf32>,
      %get3A_1307 = arith.index_cast %add3A_1283 : i32 to index
      %get3A_1308 = arith.constant 32 : index
      %get3A_1309 = tpu.vector_load %arg11[%get3A_1307, %get3A_1308] {strides = array<i32>} : memref<128x128xf32, #tpu.memory_space<vmem>>, vector<1x16xf32>,
      %get3A_1310 = vector.shape_cast %get3A_1309 : vector<1x16xf32> to vector<16xf32>
      %mul3A_1311 = arith.mulf %get3A_1310, %broadcast_in_dim3A_1286 : vector<16xf32>
      %swap3A_1312 = arith.index_cast %add3A_1283 : i32 to index
      %swap3A_1313 = arith.constant 32 : index
      %swap3A_1314 = tpu.vector_load %arg11[%swap3A_1312, %swap3A_1313] {strides = array<i32>} : memref<128x128xf32, #tpu.memory_space<vmem>>, vector<1x16xf32>,
      %swap3A_1315 = vector.shape_cast %swap3A_1314 : vector<1x16xf32> to vector<16xf32>
      %swap3A_1316 = vector.shape_cast %mul3A_1311 : vector<16xf32> to vector<1x16xf32>
      tpu.vector_store %arg11[%swap3A_1312, %swap3A_1313], %swap3A_1316 {strides = array<i32>} : memref<128x128xf32, #tpu.memory_space<vmem>>, vector<1x16xf32>,
      %get3A_1317 = arith.index_cast %add3A_1283 : i32 to index
      %get3A_1318 = arith.constant 48 : index
      %get3A_1319 = tpu.vector_load %arg11[%get3A_1317, %get3A_1318] {strides = array<i32>} : memref<128x128xf32, #tpu.memory_space<vmem>>, vector<1x16xf32>,
      %get3A_1320 = vector.shape_cast %get3A_1319 : vector<1x16xf32> to vector<16xf32>
      %mul3A_1321 = arith.mulf %get3A_1320, %broadcast_in_dim3A_1286 : vector<16xf32>
      %swap3A_1322 = arith.index_cast %add3A_1283 : i32 to index
      %swap3A_1323 = arith.constant 48 : index
      %swap3A_1324 = tpu.vector_load %arg11[%swap3A_1322, %swap3A_1323] {strides = array<i32>} : memref<128x128xf32, #tpu.memory_space<vmem>>, vector<1x16xf32>,
      %swap3A_1325 = vector.shape_cast %swap3A_1324 : vector<1x16xf32> to vector<16xf32>
      %swap3A_1326 = vector.shape_cast %mul3A_1321 : vector<16xf32> to vector<1x16xf32>
      tpu.vector_store %arg11[%swap3A_1322, %swap3A_1323], %swap3A_1326 {strides = array<i32>} : memref<128x128xf32, #tpu.memory_space<vmem>>, vector<1x16xf32>,
      %get3A_1327 = arith.index_cast %add3A_1283 : i32 to index
      %get3A_1328 = arith.constant 64 : index
      %get3A_1329 = tpu.vector_load %arg11[%get3A_1327, %get3A_1328] {strides = array<i32>} : memref<128x128xf32, #tpu.memory_space<vmem>>, vector<1x16xf32>,
      %get3A_1330 = vector.shape_cast %get3A_1329 : vector<1x16xf32> to vector<16xf32>
      %mul3A_1331 = arith.mulf %get3A_1330, %broadcast_in_dim3A_1286 : vector<16xf32>
      %swap3A_1332 = arith.index_cast %add3A_1283 : i32 to index
      %swap3A_1333 = arith.constant 64 : index
      %swap3A_1334 = tpu.vector_load %arg11[%swap3A_1332, %swap3A_1333] {strides = array<i32>} : memref<128x128xf32, #tpu.memory_space<vmem>>, vector<1x16xf32>,
      %swap3A_1335 = vector.shape_cast %swap3A_1334 : vector<1x16xf32> to vector<16xf32>
      %swap3A_1336 = vector.shape_cast %mul3A_1331 : vector<16xf32> to vector<1x16xf32>
      tpu.vector_store %arg11[%swap3A_1332, %swap3A_1333], %swap3A_1336 {strides = array<i32>} : memref<128x128xf32, #tpu.memory_space<vmem>>, vector<1x16xf32>,
      %get3A_1337 = arith.index_cast %add3A_1283 : i32 to index
      %get3A_1338 = arith.constant 80 : index
      %get3A_1339 = tpu.vector_load %arg11[%get3A_1337, %get3A_1338] {strides = array<i32>} : memref<128x128xf32, #tpu.memory_space<vmem>>, vector<1x16xf32>,
      %get3A_1340 = vector.shape_cast %get3A_1339 : vector<1x16xf32> to vector<16xf32>
      %mul3A_1341 = arith.mulf %get3A_1340, %broadcast_in_dim3A_1286 : vector<16xf32>
      %swap3A_1342 = arith.index_cast %add3A_1283 : i32 to index
      %swap3A_1343 = arith.constant 80 : index
      %swap3A_1344 = tpu.vector_load %arg11[%swap3A_1342, %swap3A_1343] {strides = array<i32>} : memref<128x128xf32, #tpu.memory_space<vmem>>, vector<1x16xf32>,
      %swap3A_1345 = vector.shape_cast %swap3A_1344 : vector<1x16xf32> to vector<16xf32>
      %swap3A_1346 = vector.shape_cast %mul3A_1341 : vector<16xf32> to vector<1x16xf32>
      tpu.vector_store %arg11[%swap3A_1342, %swap3A_1343], %swap3A_1346 {strides = array<i32>} : memref<128x128xf32, #tpu.memory_space<vmem>>, vector<1x16xf32>,
      %get3A_1347 = arith.index_cast %add3A_1283 : i32 to index
      %get3A_1348 = arith.constant 96 : index
      %get3A_1349 = tpu.vector_load %arg11[%get3A_1347, %get3A_1348] {strides = array<i32>} : memref<128x128xf32, #tpu.memory_space<vmem>>, vector<1x16xf32>,
      %get3A_1350 = vector.shape_cast %get3A_1349 : vector<1x16xf32> to vector<16xf32>
      %mul3A_1351 = arith.mulf %get3A_1350, %broadcast_in_dim3A_1286 : vector<16xf32>
      %swap3A_1352 = arith.index_cast %add3A_1283 : i32 to index
      %swap3A_1353 = arith.constant 96 : index
      %swap3A_1354 = tpu.vector_load %arg11[%swap3A_1352, %swap3A_1353] {strides = array<i32>} : memref<128x128xf32, #tpu.memory_space<vmem>>, vector<1x16xf32>,
      %swap3A_1355 = vector.shape_cast %swap3A_1354 : vector<1x16xf32> to vector<16xf32>
      %swap3A_1356 = vector.shape_cast %mul3A_1351 : vector<16xf32> to vector<1x16xf32>
      tpu.vector_store %arg11[%swap3A_1352, %swap3A_1353], %swap3A_1356 {strides = array<i32>} : memref<128x128xf32, #tpu.memory_space<vmem>>, vector<1x16xf32>,
      %get3A_1357 = arith.index_cast %add3A_1283 : i32 to index
      %get3A_1358 = arith.constant 112 : index
      %get3A_1359 = tpu.vector_load %arg11[%get3A_1357, %get3A_1358] {strides = array<i32>} : memref<128x128xf32, #tpu.memory_space<vmem>>, vector<1x16xf32>,
      %get3A_1360 = vector.shape_cast %get3A_1359 : vector<1x16xf32> to vector<16xf32>
      %mul3A_1361 = arith.mulf %get3A_1360, %broadcast_in_dim3A_1286 : vector<16xf32>
      %swap3A_1362 = arith.index_cast %add3A_1283 : i32 to index
      %swap3A_1363 = arith.constant 112 : index
      %swap3A_1364 = tpu.vector_load %arg11[%swap3A_1362, %swap3A_1363] {strides = array<i32>} : memref<128x128xf32, #tpu.memory_space<vmem>>, vector<1x16xf32>,
      %swap3A_1365 = vector.shape_cast %swap3A_1364 : vector<1x16xf32> to vector<16xf32>
      %swap3A_1366 = vector.shape_cast %mul3A_1361 : vector<16xf32> to vector<1x16xf32>
      tpu.vector_store %arg11[%swap3A_1362, %swap3A_1363], %swap3A_1366 {strides = array<i32>} : memref<128x128xf32, #tpu.memory_space<vmem>>, vector<1x16xf32>,
      %mul3A_1367 = arith.constant 16 : i32
      %mul3A_1368 = arith.muli %scan3A_59, %mul3A_1367 : i32
      %add3A_1369 = arith.constant 15 : i32
      %add3A_1370 = arith.addi %mul3A_1368, %add3A_1369 : i32
      %slice3A_1371 = vector.extract_strided_slice %get3A_65 {offsets = [15], sizes = [1], strides = [1]} : vector<16xf32> to vector<1xf32>
      %squeeze3A_1372 = vector.extract %slice3A_1371[0] : f32 from vector<1xf32>
      %broadcast_in_dim3A_1373 = vector.broadcast %squeeze3A_1372 : f32 to vector<16xf32>
      %get3A_1374 = arith.index_cast %add3A_1370 : i32 to index
      %get3A_1375 = arith.constant 0 : index
      %get3A_1376 = tpu.vector_load %arg11[%get3A_1374, %get3A_1375] {strides = array<i32>} : memref<128x128xf32, #tpu.memory_space<vmem>>, vector<1x16xf32>,
      %get3A_1377 = vector.shape_cast %get3A_1376 : vector<1x16xf32> to vector<16xf32>
      %mul3A_1378 = arith.mulf %get3A_1377, %broadcast_in_dim3A_1373 : vector<16xf32>
      %swap3A_1379 = arith.index_cast %add3A_1370 : i32 to index
      %swap3A_1380 = arith.constant 0 : index
      %swap3A_1381 = tpu.vector_load %arg11[%swap3A_1379, %swap3A_1380] {strides = array<i32>} : memref<128x128xf32, #tpu.memory_space<vmem>>, vector<1x16xf32>,
      %swap3A_1382 = vector.shape_cast %swap3A_1381 : vector<1x16xf32> to vector<16xf32>
      %swap3A_1383 = vector.shape_cast %mul3A_1378 : vector<16xf32> to vector<1x16xf32>
      tpu.vector_store %arg11[%swap3A_1379, %swap3A_1380], %swap3A_1383 {strides = array<i32>} : memref<128x128xf32, #tpu.memory_space<vmem>>, vector<1x16xf32>,
      %get3A_1384 = arith.index_cast %add3A_1370 : i32 to index
      %get3A_1385 = arith.constant 16 : index
      %get3A_1386 = tpu.vector_load %arg11[%get3A_1384, %get3A_1385] {strides = array<i32>} : memref<128x128xf32, #tpu.memory_space<vmem>>, vector<1x16xf32>,
      %get3A_1387 = vector.shape_cast %get3A_1386 : vector<1x16xf32> to vector<16xf32>
      %mul3A_1388 = arith.mulf %get3A_1387, %broadcast_in_dim3A_1373 : vector<16xf32>
      %swap3A_1389 = arith.index_cast %add3A_1370 : i32 to index
      %swap3A_1390 = arith.constant 16 : index
      %swap3A_1391 = tpu.vector_load %arg11[%swap3A_1389, %swap3A_1390] {strides = array<i32>} : memref<128x128xf32, #tpu.memory_space<vmem>>, vector<1x16xf32>,
      %swap3A_1392 = vector.shape_cast %swap3A_1391 : vector<1x16xf32> to vector<16xf32>
      %swap3A_1393 = vector.shape_cast %mul3A_1388 : vector<16xf32> to vector<1x16xf32>
      tpu.vector_store %arg11[%swap3A_1389, %swap3A_1390], %swap3A_1393 {strides = array<i32>} : memref<128x128xf32, #tpu.memory_space<vmem>>, vector<1x16xf32>,
      %get3A_1394 = arith.index_cast %add3A_1370 : i32 to index
      %get3A_1395 = arith.constant 32 : index
      %get3A_1396 = tpu.vector_load %arg11[%get3A_1394, %get3A_1395] {strides = array<i32>} : memref<128x128xf32, #tpu.memory_space<vmem>>, vector<1x16xf32>,
      %get3A_1397 = vector.shape_cast %get3A_1396 : vector<1x16xf32> to vector<16xf32>
      %mul3A_1398 = arith.mulf %get3A_1397, %broadcast_in_dim3A_1373 : vector<16xf32>
      %swap3A_1399 = arith.index_cast %add3A_1370 : i32 to index
      %swap3A_1400 = arith.constant 32 : index
      %swap3A_1401 = tpu.vector_load %arg11[%swap3A_1399, %swap3A_1400] {strides = array<i32>} : memref<128x128xf32, #tpu.memory_space<vmem>>, vector<1x16xf32>,
      %swap3A_1402 = vector.shape_cast %swap3A_1401 : vector<1x16xf32> to vector<16xf32>
      %swap3A_1403 = vector.shape_cast %mul3A_1398 : vector<16xf32> to vector<1x16xf32>
      tpu.vector_store %arg11[%swap3A_1399, %swap3A_1400], %swap3A_1403 {strides = array<i32>} : memref<128x128xf32, #tpu.memory_space<vmem>>, vector<1x16xf32>,
      %get3A_1404 = arith.index_cast %add3A_1370 : i32 to index
      %get3A_1405 = arith.constant 48 : index
      %get3A_1406 = tpu.vector_load %arg11[%get3A_1404, %get3A_1405] {strides = array<i32>} : memref<128x128xf32, #tpu.memory_space<vmem>>, vector<1x16xf32>,
      %get3A_1407 = vector.shape_cast %get3A_1406 : vector<1x16xf32> to vector<16xf32>
      %mul3A_1408 = arith.mulf %get3A_1407, %broadcast_in_dim3A_1373 : vector<16xf32>
      %swap3A_1409 = arith.index_cast %add3A_1370 : i32 to index
      %swap3A_1410 = arith.constant 48 : index
      %swap3A_1411 = tpu.vector_load %arg11[%swap3A_1409, %swap3A_1410] {strides = array<i32>} : memref<128x128xf32, #tpu.memory_space<vmem>>, vector<1x16xf32>,
      %swap3A_1412 = vector.shape_cast %swap3A_1411 : vector<1x16xf32> to vector<16xf32>
      %swap3A_1413 = vector.shape_cast %mul3A_1408 : vector<16xf32> to vector<1x16xf32>
      tpu.vector_store %arg11[%swap3A_1409, %swap3A_1410], %swap3A_1413 {strides = array<i32>} : memref<128x128xf32, #tpu.memory_space<vmem>>, vector<1x16xf32>,
      %get3A_1414 = arith.index_cast %add3A_1370 : i32 to index
      %get3A_1415 = arith.constant 64 : index
      %get3A_1416 = tpu.vector_load %arg11[%get3A_1414, %get3A_1415] {strides = array<i32>} : memref<128x128xf32, #tpu.memory_space<vmem>>, vector<1x16xf32>,
      %get3A_1417 = vector.shape_cast %get3A_1416 : vector<1x16xf32> to vector<16xf32>
      %mul3A_1418 = arith.mulf %get3A_1417, %broadcast_in_dim3A_1373 : vector<16xf32>
      %swap3A_1419 = arith.index_cast %add3A_1370 : i32 to index
      %swap3A_1420 = arith.constant 64 : index
      %swap3A_1421 = tpu.vector_load %arg11[%swap3A_1419, %swap3A_1420] {strides = array<i32>} : memref<128x128xf32, #tpu.memory_space<vmem>>, vector<1x16xf32>,
      %swap3A_1422 = vector.shape_cast %swap3A_1421 : vector<1x16xf32> to vector<16xf32>
      %swap3A_1423 = vector.shape_cast %mul3A_1418 : vector<16xf32> to vector<1x16xf32>
      tpu.vector_store %arg11[%swap3A_1419, %swap3A_1420], %swap3A_1423 {strides = array<i32>} : memref<128x128xf32, #tpu.memory_space<vmem>>, vector<1x16xf32>,
      %get3A_1424 = arith.index_cast %add3A_1370 : i32 to index
      %get3A_1425 = arith.constant 80 : index
      %get3A_1426 = tpu.vector_load %arg11[%get3A_1424, %get3A_1425] {strides = array<i32>} : memref<128x128xf32, #tpu.memory_space<vmem>>, vector<1x16xf32>,
      %get3A_1427 = vector.shape_cast %get3A_1426 : vector<1x16xf32> to vector<16xf32>
      %mul3A_1428 = arith.mulf %get3A_1427, %broadcast_in_dim3A_1373 : vector<16xf32>
      %swap3A_1429 = arith.index_cast %add3A_1370 : i32 to index
      %swap3A_1430 = arith.constant 80 : index
      %swap3A_1431 = tpu.vector_load %arg11[%swap3A_1429, %swap3A_1430] {strides = array<i32>} : memref<128x128xf32, #tpu.memory_space<vmem>>, vector<1x16xf32>,
      %swap3A_1432 = vector.shape_cast %swap3A_1431 : vector<1x16xf32> to vector<16xf32>
      %swap3A_1433 = vector.shape_cast %mul3A_1428 : vector<16xf32> to vector<1x16xf32>
      tpu.vector_store %arg11[%swap3A_1429, %swap3A_1430], %swap3A_1433 {strides = array<i32>} : memref<128x128xf32, #tpu.memory_space<vmem>>, vector<1x16xf32>,
      %get3A_1434 = arith.index_cast %add3A_1370 : i32 to index
      %get3A_1435 = arith.constant 96 : index
      %get3A_1436 = tpu.vector_load %arg11[%get3A_1434, %get3A_1435] {strides = array<i32>} : memref<128x128xf32, #tpu.memory_space<vmem>>, vector<1x16xf32>,
      %get3A_1437 = vector.shape_cast %get3A_1436 : vector<1x16xf32> to vector<16xf32>
      %mul3A_1438 = arith.mulf %get3A_1437, %broadcast_in_dim3A_1373 : vector<16xf32>
      %swap3A_1439 = arith.index_cast %add3A_1370 : i32 to index
      %swap3A_1440 = arith.constant 96 : index
      %swap3A_1441 = tpu.vector_load %arg11[%swap3A_1439, %swap3A_1440] {strides = array<i32>} : memref<128x128xf32, #tpu.memory_space<vmem>>, vector<1x16xf32>,
      %swap3A_1442 = vector.shape_cast %swap3A_1441 : vector<1x16xf32> to vector<16xf32>
      %swap3A_1443 = vector.shape_cast %mul3A_1438 : vector<16xf32> to vector<1x16xf32>
      tpu.vector_store %arg11[%swap3A_1439, %swap3A_1440], %swap3A_1443 {strides = array<i32>} : memref<128x128xf32, #tpu.memory_space<vmem>>, vector<1x16xf32>,
      %get3A_1444 = arith.index_cast %add3A_1370 : i32 to index
      %get3A_1445 = arith.constant 112 : index
      %get3A_1446 = tpu.vector_load %arg11[%get3A_1444, %get3A_1445] {strides = array<i32>} : memref<128x128xf32, #tpu.memory_space<vmem>>, vector<1x16xf32>,
      %get3A_1447 = vector.shape_cast %get3A_1446 : vector<1x16xf32> to vector<16xf32>
      %mul3A_1448 = arith.mulf %get3A_1447, %broadcast_in_dim3A_1373 : vector<16xf32>
      %swap3A_1449 = arith.index_cast %add3A_1370 : i32 to index
      %swap3A_1450 = arith.constant 112 : index
      %swap3A_1451 = tpu.vector_load %arg11[%swap3A_1449, %swap3A_1450] {strides = array<i32>} : memref<128x128xf32, #tpu.memory_space<vmem>>, vector<1x16xf32>,
      %swap3A_1452 = vector.shape_cast %swap3A_1451 : vector<1x16xf32> to vector<16xf32>
      %swap3A_1453 = vector.shape_cast %mul3A_1448 : vector<16xf32> to vector<1x16xf32>
      tpu.vector_store %arg11[%swap3A_1449, %swap3A_1450], %swap3A_1453 {strides = array<i32>} : memref<128x128xf32, #tpu.memory_space<vmem>>, vector<1x16xf32>,
    }
    %scan3A_31 = arith.constant 8 : i32
    %run_scoped3A_32 = arith.constant 0 : i32
    "tpu.region"() ({
      %run_scoped3A_59 = tpu.sem_alloc : memref<!tpu.dma_semaphore, #tpu.memory_space<semaphore_mem>>
      %dma_start3A_60 = arith.constant 0 : i32
      %dma_start3A_61 = tpu.memref_slice %arg9[%run_scoped3A_32, %dma_start3A_60] : memref<79x128xi32, #tpu.memory_space<vmem>> -> memref<1x128xi32, #tpu.memory_space<vmem>>
      %dma_start3A_62 = tpu.memref_squeeze %dma_start3A_61 : memref<1x128xi32, #tpu.memory_space<vmem>> -> memref<128xi32, #tpu.memory_space<vmem>>
      %dma_start3A_63 = arith.constant 0 : i32
      %dma_start3A_64 = arith.constant 0 : i32
      %dma_start3A_65 = tpu.memref_slice %arg12[%dma_start3A_63, %dma_start3A_64] : memref<10240x128xf32, #tpu.memory_space<vmem_shared>> -> memref<10240x128xf32, #tpu.memory_space<vmem_shared>>
      tpu.enqueue_indirect_dma source(%arg11 : memref<128x128xf32, #tpu.memory_space<vmem>>) target(%dma_start3A_65 : memref<10240x128xf32, #tpu.memory_space<vmem_shared>>) offsets(%dma_start3A_62 : memref<128xi32, #tpu.memory_space<vmem>>) semaphore(%run_scoped3A_59 : memref<!tpu.dma_semaphore, #tpu.memory_space<semaphore_mem>>) {add = true}
      %dma_wait3A_66 = arith.constant 0 : i32
      %dma_wait3A_67 = tpu.memref_slice %arg9[%run_scoped3A_32, %dma_wait3A_66] : memref<79x128xi32, #tpu.memory_space<vmem>> -> memref<1x128xi32, #tpu.memory_space<vmem>>
      %dma_wait3A_68 = tpu.memref_squeeze %dma_wait3A_67 : memref<1x128xi32, #tpu.memory_space<vmem>> -> memref<128xi32, #tpu.memory_space<vmem>>
      %dma_wait3A_69 = arith.constant 0 : i32
      %dma_wait3A_70 = arith.constant 0 : i32
      %dma_wait3A_71 = tpu.memref_slice %arg12[%dma_wait3A_69, %dma_wait3A_70] : memref<10240x128xf32, #tpu.memory_space<vmem_shared>> -> memref<10240x128xf32, #tpu.memory_space<vmem_shared>>
      tpu.wait_indirect_dma semaphore(%run_scoped3A_59 : memref<!tpu.dma_semaphore, #tpu.memory_space<semaphore_mem>>) src(%arg11 : memref<128x128xf32, #tpu.memory_space<vmem>>) dst(%dma_wait3A_71 : memref<10240x128xf32, #tpu.memory_space<vmem_shared>>)
      tpu.yield
    }) : () -> ()
    %dma_start3A = arith.constant 0 : i32
    %dma_start3A_33 = arith.constant 0 : i32
    %dma_start3A_34 = arith.constant 0 : i32
    %dma_start3A_35 = tpu.memref_slice %arg10[%dma_start3A, %dma_start3A_34] : memref<79x128xf32, #tpu.memory_space<vmem>> -> memref<1x128xf32, #tpu.memory_space<vmem>>
    %dma_start3A_36 = tpu.memref_squeeze %dma_start3A_35 : memref<1x128xf32, #tpu.memory_space<vmem>> -> memref<128xf32, #tpu.memory_space<vmem>>
    %dma_start3A_37 = arith.constant 0 : i32
    %dma_start3A_38 = tpu.memref_slice %arg8[%dma_start3A_33, %dma_start3A_37] : memref<79x128xi32, #tpu.memory_space<vmem>> -> memref<1x128xi32, #tpu.memory_space<vmem>>
    %dma_start3A_39 = tpu.memref_squeeze %dma_start3A_38 : memref<1x128xi32, #tpu.memory_space<vmem>> -> memref<128xi32, #tpu.memory_space<vmem>>
    %dma_start3A_40 = arith.constant 0 : i32
    %dma_start3A_41 = tpu.memref_slice %arg13[%dma_start3A_40] : memref<10240xf32, #tpu.memory_space<vmem_shared>> -> memref<10240xf32, #tpu.memory_space<vmem_shared>>
    tpu.enqueue_indirect_dma source(%dma_start3A_36 : memref<128xf32, #tpu.memory_space<vmem>>) target(%dma_start3A_41 : memref<10240xf32, #tpu.memory_space<vmem_shared>>) offsets(%dma_start3A_39 : memref<128xi32, #tpu.memory_space<vmem>>) semaphore(%arg14 : memref<!tpu.dma_semaphore, #tpu.memory_space<semaphore_mem>>) {add = true}
    %scan3A_42 = arith.constant 1 : i32
    %scan3A_43 = arith.constant 78 : i32
    %scan3A_44 = arith.addi %scan3A_42, %scan3A_43 : i32
    %scan3A_45 = arith.constant 1 : i32
    scf.for %scan3A_59 = %scan3A_42 to %scan3A_44 step %scan3A_45  : i32 {
      "tpu.region"() ({
        %run_scoped3A_83 = tpu.sem_alloc : memref<!tpu.dma_semaphore, #tpu.memory_space<semaphore_mem>>
        %dma_start3A_84 = arith.constant 0 : i32
        %dma_start3A_85 = tpu.memref_slice %arg8[%scan3A_59, %dma_start3A_84] : memref<79x128xi32, #tpu.memory_space<vmem>> -> memref<1x128xi32, #tpu.memory_space<vmem>>
        %dma_start3A_86 = tpu.memref_squeeze %dma_start3A_85 : memref<1x128xi32, #tpu.memory_space<vmem>> -> memref<128xi32, #tpu.memory_space<vmem>>
        %dma_start3A_87 = arith.constant 0 : i32
        %dma_start3A_88 = arith.constant 0 : i32
        %dma_start3A_89 = tpu.memref_slice %arg2[%dma_start3A_87, %dma_start3A_88] : memref<10000x128xf32, #tpu.memory_space<hbm>> -> memref<10000x128xf32, #tpu.memory_space<hbm>>
        tpu.enqueue_indirect_dma source(%dma_start3A_89 : memref<10000x128xf32, #tpu.memory_space<hbm>>) target(%arg11 : memref<128x128xf32, #tpu.memory_space<vmem>>) offsets(%dma_start3A_86 : memref<128xi32, #tpu.memory_space<vmem>>) semaphore(%run_scoped3A_83 : memref<!tpu.dma_semaphore, #tpu.memory_space<semaphore_mem>>)
        %dma_wait3A_90 = arith.constant 0 : i32
        %dma_wait3A_91 = tpu.memref_slice %arg8[%scan3A_59, %dma_wait3A_90] : memref<79x128xi32, #tpu.memory_space<vmem>> -> memref<1x128xi32, #tpu.memory_space<vmem>>
        %dma_wait3A_92 = tpu.memref_squeeze %dma_wait3A_91 : memref<1x128xi32, #tpu.memory_space<vmem>> -> memref<128xi32, #tpu.memory_space<vmem>>
        %dma_wait3A_93 = arith.constant 0 : i32
        %dma_wait3A_94 = arith.constant 0 : i32
        %dma_wait3A_95 = tpu.memref_slice %arg2[%dma_wait3A_93, %dma_wait3A_94] : memref<10000x128xf32, #tpu.memory_space<hbm>> -> memref<10000x128xf32, #tpu.memory_space<hbm>>
        tpu.wait_indirect_dma semaphore(%run_scoped3A_83 : memref<!tpu.dma_semaphore, #tpu.memory_space<semaphore_mem>>) src(%dma_wait3A_95 : memref<10000x128xf32, #tpu.memory_space<hbm>>) dst(%arg11 : memref<128x128xf32, #tpu.memory_space<vmem>>)
        tpu.yield
      }) : () -> ()
      %scan3A_60 = arith.constant 0 : i32
      %scan3A_61 = arith.constant 8 : i32
      %scan3A_62 = arith.addi %scan3A_60, %scan3A_61 : i32
      %scan3A_63 = arith.constant 1 : i32
      scf.for %scan3A_83 = %scan3A_60 to %scan3A_62 step %scan3A_63  : i32 {
        %mul3A_84 = arith.constant 16 : i32
        %mul3A_85 = arith.muli %scan3A_83, %mul3A_84 : i32
        %get3A = arith.index_cast %scan3A_59 : i32 to index
        %get3A_86 = arith.index_cast %mul3A_85 : i32 to index
        %get3A_87 = tpu.vector_load %arg10[%get3A, %get3A_86] {strides = array<i32>} : memref<79x128xf32, #tpu.memory_space<vmem>>, vector<1x16xf32>,
        %get3A_88 = vector.shape_cast %get3A_87 : vector<1x16xf32> to vector<16xf32>
        %mul3A_89 = arith.constant 16 : i32
        %mul3A_90 = arith.muli %scan3A_83, %mul3A_89 : i32
        %add3A_91 = arith.constant 0 : i32
        %add3A_92 = arith.addi %mul3A_90, %add3A_91 : i32
        %slice3A = vector.extract_strided_slice %get3A_88 {offsets = [0], sizes = [1], strides = [1]} : vector<16xf32> to vector<1xf32>
        %squeeze3A = vector.extract %slice3A[0] : f32 from vector<1xf32>
        %broadcast_in_dim3A = vector.broadcast %squeeze3A : f32 to vector<16xf32>
        %get3A_93 = arith.index_cast %add3A_92 : i32 to index
        %get3A_94 = arith.constant 0 : index
        %get3A_95 = tpu.vector_load %arg11[%get3A_93, %get3A_94] {strides = array<i32>} : memref<128x128xf32, #tpu.memory_space<vmem>>, vector<1x16xf32>,
        %get3A_96 = vector.shape_cast %get3A_95 : vector<1x16xf32> to vector<16xf32>
        %mul3A_97 = arith.mulf %get3A_96, %broadcast_in_dim3A : vector<16xf32>
        %swap3A = arith.index_cast %add3A_92 : i32 to index
        %swap3A_98 = arith.constant 0 : index
        %swap3A_99 = tpu.vector_load %arg11[%swap3A, %swap3A_98] {strides = array<i32>} : memref<128x128xf32, #tpu.memory_space<vmem>>, vector<1x16xf32>,
        %swap3A_100 = vector.shape_cast %swap3A_99 : vector<1x16xf32> to vector<16xf32>
        %swap3A_101 = vector.shape_cast %mul3A_97 : vector<16xf32> to vector<1x16xf32>
        tpu.vector_store %arg11[%swap3A, %swap3A_98], %swap3A_101 {strides = array<i32>} : memref<128x128xf32, #tpu.memory_space<vmem>>, vector<1x16xf32>,
        %get3A_102 = arith.index_cast %add3A_92 : i32 to index
        %get3A_103 = arith.constant 16 : index
        %get3A_104 = tpu.vector_load %arg11[%get3A_102, %get3A_103] {strides = array<i32>} : memref<128x128xf32, #tpu.memory_space<vmem>>, vector<1x16xf32>,
        %get3A_105 = vector.shape_cast %get3A_104 : vector<1x16xf32> to vector<16xf32>
        %mul3A_106 = arith.mulf %get3A_105, %broadcast_in_dim3A : vector<16xf32>
        %swap3A_107 = arith.index_cast %add3A_92 : i32 to index
        %swap3A_108 = arith.constant 16 : index
        %swap3A_109 = tpu.vector_load %arg11[%swap3A_107, %swap3A_108] {strides = array<i32>} : memref<128x128xf32, #tpu.memory_space<vmem>>, vector<1x16xf32>,
        %swap3A_110 = vector.shape_cast %swap3A_109 : vector<1x16xf32> to vector<16xf32>
        %swap3A_111 = vector.shape_cast %mul3A_106 : vector<16xf32> to vector<1x16xf32>
        tpu.vector_store %arg11[%swap3A_107, %swap3A_108], %swap3A_111 {strides = array<i32>} : memref<128x128xf32, #tpu.memory_space<vmem>>, vector<1x16xf32>,
        %get3A_112 = arith.index_cast %add3A_92 : i32 to index
        %get3A_113 = arith.constant 32 : index
        %get3A_114 = tpu.vector_load %arg11[%get3A_112, %get3A_113] {strides = array<i32>} : memref<128x128xf32, #tpu.memory_space<vmem>>, vector<1x16xf32>,
        %get3A_115 = vector.shape_cast %get3A_114 : vector<1x16xf32> to vector<16xf32>
        %mul3A_116 = arith.mulf %get3A_115, %broadcast_in_dim3A : vector<16xf32>
        %swap3A_117 = arith.index_cast %add3A_92 : i32 to index
        %swap3A_118 = arith.constant 32 : index
        %swap3A_119 = tpu.vector_load %arg11[%swap3A_117, %swap3A_118] {strides = array<i32>} : memref<128x128xf32, #tpu.memory_space<vmem>>, vector<1x16xf32>,
        %swap3A_120 = vector.shape_cast %swap3A_119 : vector<1x16xf32> to vector<16xf32>
        %swap3A_121 = vector.shape_cast %mul3A_116 : vector<16xf32> to vector<1x16xf32>
        tpu.vector_store %arg11[%swap3A_117, %swap3A_118], %swap3A_121 {strides = array<i32>} : memref<128x128xf32, #tpu.memory_space<vmem>>, vector<1x16xf32>,
        %get3A_122 = arith.index_cast %add3A_92 : i32 to index
        %get3A_123 = arith.constant 48 : index
        %get3A_124 = tpu.vector_load %arg11[%get3A_122, %get3A_123] {strides = array<i32>} : memref<128x128xf32, #tpu.memory_space<vmem>>, vector<1x16xf32>,
        %get3A_125 = vector.shape_cast %get3A_124 : vector<1x16xf32> to vector<16xf32>
        %mul3A_126 = arith.mulf %get3A_125, %broadcast_in_dim3A : vector<16xf32>
        %swap3A_127 = arith.index_cast %add3A_92 : i32 to index
        %swap3A_128 = arith.constant 48 : index
        %swap3A_129 = tpu.vector_load %arg11[%swap3A_127, %swap3A_128] {strides = array<i32>} : memref<128x128xf32, #tpu.memory_space<vmem>>, vector<1x16xf32>,
        %swap3A_130 = vector.shape_cast %swap3A_129 : vector<1x16xf32> to vector<16xf32>
        %swap3A_131 = vector.shape_cast %mul3A_126 : vector<16xf32> to vector<1x16xf32>
        tpu.vector_store %arg11[%swap3A_127, %swap3A_128], %swap3A_131 {strides = array<i32>} : memref<128x128xf32, #tpu.memory_space<vmem>>, vector<1x16xf32>,
        %get3A_132 = arith.index_cast %add3A_92 : i32 to index
        %get3A_133 = arith.constant 64 : index
        %get3A_134 = tpu.vector_load %arg11[%get3A_132, %get3A_133] {strides = array<i32>} : memref<128x128xf32, #tpu.memory_space<vmem>>, vector<1x16xf32>,
        %get3A_135 = vector.shape_cast %get3A_134 : vector<1x16xf32> to vector<16xf32>
        %mul3A_136 = arith.mulf %get3A_135, %broadcast_in_dim3A : vector<16xf32>
        %swap3A_137 = arith.index_cast %add3A_92 : i32 to index
        %swap3A_138 = arith.constant 64 : index
        %swap3A_139 = tpu.vector_load %arg11[%swap3A_137, %swap3A_138] {strides = array<i32>} : memref<128x128xf32, #tpu.memory_space<vmem>>, vector<1x16xf32>,
        %swap3A_140 = vector.shape_cast %swap3A_139 : vector<1x16xf32> to vector<16xf32>
        %swap3A_141 = vector.shape_cast %mul3A_136 : vector<16xf32> to vector<1x16xf32>
        tpu.vector_store %arg11[%swap3A_137, %swap3A_138], %swap3A_141 {strides = array<i32>} : memref<128x128xf32, #tpu.memory_space<vmem>>, vector<1x16xf32>,
        %get3A_142 = arith.index_cast %add3A_92 : i32 to index
        %get3A_143 = arith.constant 80 : index
        %get3A_144 = tpu.vector_load %arg11[%get3A_142, %get3A_143] {strides = array<i32>} : memref<128x128xf32, #tpu.memory_space<vmem>>, vector<1x16xf32>,
        %get3A_145 = vector.shape_cast %get3A_144 : vector<1x16xf32> to vector<16xf32>
        %mul3A_146 = arith.mulf %get3A_145, %broadcast_in_dim3A : vector<16xf32>
        %swap3A_147 = arith.index_cast %add3A_92 : i32 to index
        %swap3A_148 = arith.constant 80 : index
        %swap3A_149 = tpu.vector_load %arg11[%swap3A_147, %swap3A_148] {strides = array<i32>} : memref<128x128xf32, #tpu.memory_space<vmem>>, vector<1x16xf32>,
        %swap3A_150 = vector.shape_cast %swap3A_149 : vector<1x16xf32> to vector<16xf32>
        %swap3A_151 = vector.shape_cast %mul3A_146 : vector<16xf32> to vector<1x16xf32>
        tpu.vector_store %arg11[%swap3A_147, %swap3A_148], %swap3A_151 {strides = array<i32>} : memref<128x128xf32, #tpu.memory_space<vmem>>, vector<1x16xf32>,
        %get3A_152 = arith.index_cast %add3A_92 : i32 to index
        %get3A_153 = arith.constant 96 : index
        %get3A_154 = tpu.vector_load %arg11[%get3A_152, %get3A_153] {strides = array<i32>} : memref<128x128xf32, #tpu.memory_space<vmem>>, vector<1x16xf32>,
        %get3A_155 = vector.shape_cast %get3A_154 : vector<1x16xf32> to vector<16xf32>
        %mul3A_156 = arith.mulf %get3A_155, %broadcast_in_dim3A : vector<16xf32>
        %swap3A_157 = arith.index_cast %add3A_92 : i32 to index
        %swap3A_158 = arith.constant 96 : index
        %swap3A_159 = tpu.vector_load %arg11[%swap3A_157, %swap3A_158] {strides = array<i32>} : memref<128x128xf32, #tpu.memory_space<vmem>>, vector<1x16xf32>,
        %swap3A_160 = vector.shape_cast %swap3A_159 : vector<1x16xf32> to vector<16xf32>
        %swap3A_161 = vector.shape_cast %mul3A_156 : vector<16xf32> to vector<1x16xf32>
        tpu.vector_store %arg11[%swap3A_157, %swap3A_158], %swap3A_161 {strides = array<i32>} : memref<128x128xf32, #tpu.memory_space<vmem>>, vector<1x16xf32>,
        %get3A_162 = arith.index_cast %add3A_92 : i32 to index
        %get3A_163 = arith.constant 112 : index
        %get3A_164 = tpu.vector_load %arg11[%get3A_162, %get3A_163] {strides = array<i32>} : memref<128x128xf32, #tpu.memory_space<vmem>>, vector<1x16xf32>,
        %get3A_165 = vector.shape_cast %get3A_164 : vector<1x16xf32> to vector<16xf32>
        %mul3A_166 = arith.mulf %get3A_165, %broadcast_in_dim3A : vector<16xf32>
        %swap3A_167 = arith.index_cast %add3A_92 : i32 to index
        %swap3A_168 = arith.constant 112 : index
        %swap3A_169 = tpu.vector_load %arg11[%swap3A_167, %swap3A_168] {strides = array<i32>} : memref<128x128xf32, #tpu.memory_space<vmem>>, vector<1x16xf32>,
        %swap3A_170 = vector.shape_cast %swap3A_169 : vector<1x16xf32> to vector<16xf32>
        %swap3A_171 = vector.shape_cast %mul3A_166 : vector<16xf32> to vector<1x16xf32>
        tpu.vector_store %arg11[%swap3A_167, %swap3A_168], %swap3A_171 {strides = array<i32>} : memref<128x128xf32, #tpu.memory_space<vmem>>, vector<1x16xf32>,
        %mul3A_172 = arith.constant 16 : i32
        %mul3A_173 = arith.muli %scan3A_83, %mul3A_172 : i32
        %add3A_174 = arith.constant 1 : i32
        %add3A_175 = arith.addi %mul3A_173, %add3A_174 : i32
        %slice3A_176 = vector.extract_strided_slice %get3A_88 {offsets = [1], sizes = [1], strides = [1]} : vector<16xf32> to vector<1xf32>
        %squeeze3A_177 = vector.extract %slice3A_176[0] : f32 from vector<1xf32>
        %broadcast_in_dim3A_178 = vector.broadcast %squeeze3A_177 : f32 to vector<16xf32>
        %get3A_179 = arith.index_cast %add3A_175 : i32 to index
        %get3A_180 = arith.constant 0 : index
        %get3A_181 = tpu.vector_load %arg11[%get3A_179, %get3A_180] {strides = array<i32>} : memref<128x128xf32, #tpu.memory_space<vmem>>, vector<1x16xf32>,
        %get3A_182 = vector.shape_cast %get3A_181 : vector<1x16xf32> to vector<16xf32>
        %mul3A_183 = arith.mulf %get3A_182, %broadcast_in_dim3A_178 : vector<16xf32>
        %swap3A_184 = arith.index_cast %add3A_175 : i32 to index
        %swap3A_185 = arith.constant 0 : index
        %swap3A_186 = tpu.vector_load %arg11[%swap3A_184, %swap3A_185] {strides = array<i32>} : memref<128x128xf32, #tpu.memory_space<vmem>>, vector<1x16xf32>,
        %swap3A_187 = vector.shape_cast %swap3A_186 : vector<1x16xf32> to vector<16xf32>
        %swap3A_188 = vector.shape_cast %mul3A_183 : vector<16xf32> to vector<1x16xf32>
        tpu.vector_store %arg11[%swap3A_184, %swap3A_185], %swap3A_188 {strides = array<i32>} : memref<128x128xf32, #tpu.memory_space<vmem>>, vector<1x16xf32>,
        %get3A_189 = arith.index_cast %add3A_175 : i32 to index
        %get3A_190 = arith.constant 16 : index
        %get3A_191 = tpu.vector_load %arg11[%get3A_189, %get3A_190] {strides = array<i32>} : memref<128x128xf32, #tpu.memory_space<vmem>>, vector<1x16xf32>,
        %get3A_192 = vector.shape_cast %get3A_191 : vector<1x16xf32> to vector<16xf32>
        %mul3A_193 = arith.mulf %get3A_192, %broadcast_in_dim3A_178 : vector<16xf32>
        %swap3A_194 = arith.index_cast %add3A_175 : i32 to index
        %swap3A_195 = arith.constant 16 : index
        %swap3A_196 = tpu.vector_load %arg11[%swap3A_194, %swap3A_195] {strides = array<i32>} : memref<128x128xf32, #tpu.memory_space<vmem>>, vector<1x16xf32>,
        %swap3A_197 = vector.shape_cast %swap3A_196 : vector<1x16xf32> to vector<16xf32>
        %swap3A_198 = vector.shape_cast %mul3A_193 : vector<16xf32> to vector<1x16xf32>
        tpu.vector_store %arg11[%swap3A_194, %swap3A_195], %swap3A_198 {strides = array<i32>} : memref<128x128xf32, #tpu.memory_space<vmem>>, vector<1x16xf32>,
        %get3A_199 = arith.index_cast %add3A_175 : i32 to index
        %get3A_200 = arith.constant 32 : index
        %get3A_201 = tpu.vector_load %arg11[%get3A_199, %get3A_200] {strides = array<i32>} : memref<128x128xf32, #tpu.memory_space<vmem>>, vector<1x16xf32>,
        %get3A_202 = vector.shape_cast %get3A_201 : vector<1x16xf32> to vector<16xf32>
        %mul3A_203 = arith.mulf %get3A_202, %broadcast_in_dim3A_178 : vector<16xf32>
        %swap3A_204 = arith.index_cast %add3A_175 : i32 to index
        %swap3A_205 = arith.constant 32 : index
        %swap3A_206 = tpu.vector_load %arg11[%swap3A_204, %swap3A_205] {strides = array<i32>} : memref<128x128xf32, #tpu.memory_space<vmem>>, vector<1x16xf32>,
        %swap3A_207 = vector.shape_cast %swap3A_206 : vector<1x16xf32> to vector<16xf32>
        %swap3A_208 = vector.shape_cast %mul3A_203 : vector<16xf32> to vector<1x16xf32>
        tpu.vector_store %arg11[%swap3A_204, %swap3A_205], %swap3A_208 {strides = array<i32>} : memref<128x128xf32, #tpu.memory_space<vmem>>, vector<1x16xf32>,
        %get3A_209 = arith.index_cast %add3A_175 : i32 to index
        %get3A_210 = arith.constant 48 : index
        %get3A_211 = tpu.vector_load %arg11[%get3A_209, %get3A_210] {strides = array<i32>} : memref<128x128xf32, #tpu.memory_space<vmem>>, vector<1x16xf32>,
        %get3A_212 = vector.shape_cast %get3A_211 : vector<1x16xf32> to vector<16xf32>
        %mul3A_213 = arith.mulf %get3A_212, %broadcast_in_dim3A_178 : vector<16xf32>
        %swap3A_214 = arith.index_cast %add3A_175 : i32 to index
        %swap3A_215 = arith.constant 48 : index
        %swap3A_216 = tpu.vector_load %arg11[%swap3A_214, %swap3A_215] {strides = array<i32>} : memref<128x128xf32, #tpu.memory_space<vmem>>, vector<1x16xf32>,
        %swap3A_217 = vector.shape_cast %swap3A_216 : vector<1x16xf32> to vector<16xf32>
        %swap3A_218 = vector.shape_cast %mul3A_213 : vector<16xf32> to vector<1x16xf32>
        tpu.vector_store %arg11[%swap3A_214, %swap3A_215], %swap3A_218 {strides = array<i32>} : memref<128x128xf32, #tpu.memory_space<vmem>>, vector<1x16xf32>,
        %get3A_219 = arith.index_cast %add3A_175 : i32 to index
        %get3A_220 = arith.constant 64 : index
        %get3A_221 = tpu.vector_load %arg11[%get3A_219, %get3A_220] {strides = array<i32>} : memref<128x128xf32, #tpu.memory_space<vmem>>, vector<1x16xf32>,
        %get3A_222 = vector.shape_cast %get3A_221 : vector<1x16xf32> to vector<16xf32>
        %mul3A_223 = arith.mulf %get3A_222, %broadcast_in_dim3A_178 : vector<16xf32>
        %swap3A_224 = arith.index_cast %add3A_175 : i32 to index
        %swap3A_225 = arith.constant 64 : index
        %swap3A_226 = tpu.vector_load %arg11[%swap3A_224, %swap3A_225] {strides = array<i32>} : memref<128x128xf32, #tpu.memory_space<vmem>>, vector<1x16xf32>,
        %swap3A_227 = vector.shape_cast %swap3A_226 : vector<1x16xf32> to vector<16xf32>
        %swap3A_228 = vector.shape_cast %mul3A_223 : vector<16xf32> to vector<1x16xf32>
        tpu.vector_store %arg11[%swap3A_224, %swap3A_225], %swap3A_228 {strides = array<i32>} : memref<128x128xf32, #tpu.memory_space<vmem>>, vector<1x16xf32>,
        %get3A_229 = arith.index_cast %add3A_175 : i32 to index
        %get3A_230 = arith.constant 80 : index
        %get3A_231 = tpu.vector_load %arg11[%get3A_229, %get3A_230] {strides = array<i32>} : memref<128x128xf32, #tpu.memory_space<vmem>>, vector<1x16xf32>,
        %get3A_232 = vector.shape_cast %get3A_231 : vector<1x16xf32> to vector<16xf32>
        %mul3A_233 = arith.mulf %get3A_232, %broadcast_in_dim3A_178 : vector<16xf32>
        %swap3A_234 = arith.index_cast %add3A_175 : i32 to index
        %swap3A_235 = arith.constant 80 : index
        %swap3A_236 = tpu.vector_load %arg11[%swap3A_234, %swap3A_235] {strides = array<i32>} : memref<128x128xf32, #tpu.memory_space<vmem>>, vector<1x16xf32>,
        %swap3A_237 = vector.shape_cast %swap3A_236 : vector<1x16xf32> to vector<16xf32>
        %swap3A_238 = vector.shape_cast %mul3A_233 : vector<16xf32> to vector<1x16xf32>
        tpu.vector_store %arg11[%swap3A_234, %swap3A_235], %swap3A_238 {strides = array<i32>} : memref<128x128xf32, #tpu.memory_space<vmem>>, vector<1x16xf32>,
        %get3A_239 = arith.index_cast %add3A_175 : i32 to index
        %get3A_240 = arith.constant 96 : index
        %get3A_241 = tpu.vector_load %arg11[%get3A_239, %get3A_240] {strides = array<i32>} : memref<128x128xf32, #tpu.memory_space<vmem>>, vector<1x16xf32>,
        %get3A_242 = vector.shape_cast %get3A_241 : vector<1x16xf32> to vector<16xf32>
        %mul3A_243 = arith.mulf %get3A_242, %broadcast_in_dim3A_178 : vector<16xf32>
        %swap3A_244 = arith.index_cast %add3A_175 : i32 to index
        %swap3A_245 = arith.constant 96 : index
        %swap3A_246 = tpu.vector_load %arg11[%swap3A_244, %swap3A_245] {strides = array<i32>} : memref<128x128xf32, #tpu.memory_space<vmem>>, vector<1x16xf32>,
        %swap3A_247 = vector.shape_cast %swap3A_246 : vector<1x16xf32> to vector<16xf32>
        %swap3A_248 = vector.shape_cast %mul3A_243 : vector<16xf32> to vector<1x16xf32>
        tpu.vector_store %arg11[%swap3A_244, %swap3A_245], %swap3A_248 {strides = array<i32>} : memref<128x128xf32, #tpu.memory_space<vmem>>, vector<1x16xf32>,
        %get3A_249 = arith.index_cast %add3A_175 : i32 to index
        %get3A_250 = arith.constant 112 : index
        %get3A_251 = tpu.vector_load %arg11[%get3A_249, %get3A_250] {strides = array<i32>} : memref<128x128xf32, #tpu.memory_space<vmem>>, vector<1x16xf32>,
        %get3A_252 = vector.shape_cast %get3A_251 : vector<1x16xf32> to vector<16xf32>
        %mul3A_253 = arith.mulf %get3A_252, %broadcast_in_dim3A_178 : vector<16xf32>
        %swap3A_254 = arith.index_cast %add3A_175 : i32 to index
        %swap3A_255 = arith.constant 112 : index
        %swap3A_256 = tpu.vector_load %arg11[%swap3A_254, %swap3A_255] {strides = array<i32>} : memref<128x128xf32, #tpu.memory_space<vmem>>, vector<1x16xf32>,
        %swap3A_257 = vector.shape_cast %swap3A_256 : vector<1x16xf32> to vector<16xf32>
        %swap3A_258 = vector.shape_cast %mul3A_253 : vector<16xf32> to vector<1x16xf32>
        tpu.vector_store %arg11[%swap3A_254, %swap3A_255], %swap3A_258 {strides = array<i32>} : memref<128x128xf32, #tpu.memory_space<vmem>>, vector<1x16xf32>,
        %mul3A_259 = arith.constant 16 : i32
        %mul3A_260 = arith.muli %scan3A_83, %mul3A_259 : i32
        %add3A_261 = arith.constant 2 : i32
        %add3A_262 = arith.addi %mul3A_260, %add3A_261 : i32
        %slice3A_263 = vector.extract_strided_slice %get3A_88 {offsets = [2], sizes = [1], strides = [1]} : vector<16xf32> to vector<1xf32>
        %squeeze3A_264 = vector.extract %slice3A_263[0] : f32 from vector<1xf32>
        %broadcast_in_dim3A_265 = vector.broadcast %squeeze3A_264 : f32 to vector<16xf32>
        %get3A_266 = arith.index_cast %add3A_262 : i32 to index
        %get3A_267 = arith.constant 0 : index
        %get3A_268 = tpu.vector_load %arg11[%get3A_266, %get3A_267] {strides = array<i32>} : memref<128x128xf32, #tpu.memory_space<vmem>>, vector<1x16xf32>,
        %get3A_269 = vector.shape_cast %get3A_268 : vector<1x16xf32> to vector<16xf32>
        %mul3A_270 = arith.mulf %get3A_269, %broadcast_in_dim3A_265 : vector<16xf32>
        %swap3A_271 = arith.index_cast %add3A_262 : i32 to index
        %swap3A_272 = arith.constant 0 : index
        %swap3A_273 = tpu.vector_load %arg11[%swap3A_271, %swap3A_272] {strides = array<i32>} : memref<128x128xf32, #tpu.memory_space<vmem>>, vector<1x16xf32>,
        %swap3A_274 = vector.shape_cast %swap3A_273 : vector<1x16xf32> to vector<16xf32>
        %swap3A_275 = vector.shape_cast %mul3A_270 : vector<16xf32> to vector<1x16xf32>
        tpu.vector_store %arg11[%swap3A_271, %swap3A_272], %swap3A_275 {strides = array<i32>} : memref<128x128xf32, #tpu.memory_space<vmem>>, vector<1x16xf32>,
        %get3A_276 = arith.index_cast %add3A_262 : i32 to index
        %get3A_277 = arith.constant 16 : index
        %get3A_278 = tpu.vector_load %arg11[%get3A_276, %get3A_277] {strides = array<i32>} : memref<128x128xf32, #tpu.memory_space<vmem>>, vector<1x16xf32>,
        %get3A_279 = vector.shape_cast %get3A_278 : vector<1x16xf32> to vector<16xf32>
        %mul3A_280 = arith.mulf %get3A_279, %broadcast_in_dim3A_265 : vector<16xf32>
        %swap3A_281 = arith.index_cast %add3A_262 : i32 to index
        %swap3A_282 = arith.constant 16 : index
        %swap3A_283 = tpu.vector_load %arg11[%swap3A_281, %swap3A_282] {strides = array<i32>} : memref<128x128xf32, #tpu.memory_space<vmem>>, vector<1x16xf32>,
        %swap3A_284 = vector.shape_cast %swap3A_283 : vector<1x16xf32> to vector<16xf32>
        %swap3A_285 = vector.shape_cast %mul3A_280 : vector<16xf32> to vector<1x16xf32>
        tpu.vector_store %arg11[%swap3A_281, %swap3A_282], %swap3A_285 {strides = array<i32>} : memref<128x128xf32, #tpu.memory_space<vmem>>, vector<1x16xf32>,
        %get3A_286 = arith.index_cast %add3A_262 : i32 to index
        %get3A_287 = arith.constant 32 : index
        %get3A_288 = tpu.vector_load %arg11[%get3A_286, %get3A_287] {strides = array<i32>} : memref<128x128xf32, #tpu.memory_space<vmem>>, vector<1x16xf32>,
        %get3A_289 = vector.shape_cast %get3A_288 : vector<1x16xf32> to vector<16xf32>
        %mul3A_290 = arith.mulf %get3A_289, %broadcast_in_dim3A_265 : vector<16xf32>
        %swap3A_291 = arith.index_cast %add3A_262 : i32 to index
        %swap3A_292 = arith.constant 32 : index
        %swap3A_293 = tpu.vector_load %arg11[%swap3A_291, %swap3A_292] {strides = array<i32>} : memref<128x128xf32, #tpu.memory_space<vmem>>, vector<1x16xf32>,
        %swap3A_294 = vector.shape_cast %swap3A_293 : vector<1x16xf32> to vector<16xf32>
        %swap3A_295 = vector.shape_cast %mul3A_290 : vector<16xf32> to vector<1x16xf32>
        tpu.vector_store %arg11[%swap3A_291, %swap3A_292], %swap3A_295 {strides = array<i32>} : memref<128x128xf32, #tpu.memory_space<vmem>>, vector<1x16xf32>,
        %get3A_296 = arith.index_cast %add3A_262 : i32 to index
        %get3A_297 = arith.constant 48 : index
        %get3A_298 = tpu.vector_load %arg11[%get3A_296, %get3A_297] {strides = array<i32>} : memref<128x128xf32, #tpu.memory_space<vmem>>, vector<1x16xf32>,
        %get3A_299 = vector.shape_cast %get3A_298 : vector<1x16xf32> to vector<16xf32>
        %mul3A_300 = arith.mulf %get3A_299, %broadcast_in_dim3A_265 : vector<16xf32>
        %swap3A_301 = arith.index_cast %add3A_262 : i32 to index
        %swap3A_302 = arith.constant 48 : index
        %swap3A_303 = tpu.vector_load %arg11[%swap3A_301, %swap3A_302] {strides = array<i32>} : memref<128x128xf32, #tpu.memory_space<vmem>>, vector<1x16xf32>,
        %swap3A_304 = vector.shape_cast %swap3A_303 : vector<1x16xf32> to vector<16xf32>
        %swap3A_305 = vector.shape_cast %mul3A_300 : vector<16xf32> to vector<1x16xf32>
        tpu.vector_store %arg11[%swap3A_301, %swap3A_302], %swap3A_305 {strides = array<i32>} : memref<128x128xf32, #tpu.memory_space<vmem>>, vector<1x16xf32>,
        %get3A_306 = arith.index_cast %add3A_262 : i32 to index
        %get3A_307 = arith.constant 64 : index
        %get3A_308 = tpu.vector_load %arg11[%get3A_306, %get3A_307] {strides = array<i32>} : memref<128x128xf32, #tpu.memory_space<vmem>>, vector<1x16xf32>,
        %get3A_309 = vector.shape_cast %get3A_308 : vector<1x16xf32> to vector<16xf32>
        %mul3A_310 = arith.mulf %get3A_309, %broadcast_in_dim3A_265 : vector<16xf32>
        %swap3A_311 = arith.index_cast %add3A_262 : i32 to index
        %swap3A_312 = arith.constant 64 : index
        %swap3A_313 = tpu.vector_load %arg11[%swap3A_311, %swap3A_312] {strides = array<i32>} : memref<128x128xf32, #tpu.memory_space<vmem>>, vector<1x16xf32>,
        %swap3A_314 = vector.shape_cast %swap3A_313 : vector<1x16xf32> to vector<16xf32>
        %swap3A_315 = vector.shape_cast %mul3A_310 : vector<16xf32> to vector<1x16xf32>
        tpu.vector_store %arg11[%swap3A_311, %swap3A_312], %swap3A_315 {strides = array<i32>} : memref<128x128xf32, #tpu.memory_space<vmem>>, vector<1x16xf32>,
        %get3A_316 = arith.index_cast %add3A_262 : i32 to index
        %get3A_317 = arith.constant 80 : index
        %get3A_318 = tpu.vector_load %arg11[%get3A_316, %get3A_317] {strides = array<i32>} : memref<128x128xf32, #tpu.memory_space<vmem>>, vector<1x16xf32>,
        %get3A_319 = vector.shape_cast %get3A_318 : vector<1x16xf32> to vector<16xf32>
        %mul3A_320 = arith.mulf %get3A_319, %broadcast_in_dim3A_265 : vector<16xf32>
        %swap3A_321 = arith.index_cast %add3A_262 : i32 to index
        %swap3A_322 = arith.constant 80 : index
        %swap3A_323 = tpu.vector_load %arg11[%swap3A_321, %swap3A_322] {strides = array<i32>} : memref<128x128xf32, #tpu.memory_space<vmem>>, vector<1x16xf32>,
        %swap3A_324 = vector.shape_cast %swap3A_323 : vector<1x16xf32> to vector<16xf32>
        %swap3A_325 = vector.shape_cast %mul3A_320 : vector<16xf32> to vector<1x16xf32>
        tpu.vector_store %arg11[%swap3A_321, %swap3A_322], %swap3A_325 {strides = array<i32>} : memref<128x128xf32, #tpu.memory_space<vmem>>, vector<1x16xf32>,
        %get3A_326 = arith.index_cast %add3A_262 : i32 to index
        %get3A_327 = arith.constant 96 : index
        %get3A_328 = tpu.vector_load %arg11[%get3A_326, %get3A_327] {strides = array<i32>} : memref<128x128xf32, #tpu.memory_space<vmem>>, vector<1x16xf32>,
        %get3A_329 = vector.shape_cast %get3A_328 : vector<1x16xf32> to vector<16xf32>
        %mul3A_330 = arith.mulf %get3A_329, %broadcast_in_dim3A_265 : vector<16xf32>
        %swap3A_331 = arith.index_cast %add3A_262 : i32 to index
        %swap3A_332 = arith.constant 96 : index
        %swap3A_333 = tpu.vector_load %arg11[%swap3A_331, %swap3A_332] {strides = array<i32>} : memref<128x128xf32, #tpu.memory_space<vmem>>, vector<1x16xf32>,
        %swap3A_334 = vector.shape_cast %swap3A_333 : vector<1x16xf32> to vector<16xf32>
        %swap3A_335 = vector.shape_cast %mul3A_330 : vector<16xf32> to vector<1x16xf32>
        tpu.vector_store %arg11[%swap3A_331, %swap3A_332], %swap3A_335 {strides = array<i32>} : memref<128x128xf32, #tpu.memory_space<vmem>>, vector<1x16xf32>,
        %get3A_336 = arith.index_cast %add3A_262 : i32 to index
        %get3A_337 = arith.constant 112 : index
        %get3A_338 = tpu.vector_load %arg11[%get3A_336, %get3A_337] {strides = array<i32>} : memref<128x128xf32, #tpu.memory_space<vmem>>, vector<1x16xf32>,
        %get3A_339 = vector.shape_cast %get3A_338 : vector<1x16xf32> to vector<16xf32>
        %mul3A_340 = arith.mulf %get3A_339, %broadcast_in_dim3A_265 : vector<16xf32>
        %swap3A_341 = arith.index_cast %add3A_262 : i32 to index
        %swap3A_342 = arith.constant 112 : index
        %swap3A_343 = tpu.vector_load %arg11[%swap3A_341, %swap3A_342] {strides = array<i32>} : memref<128x128xf32, #tpu.memory_space<vmem>>, vector<1x16xf32>,
        %swap3A_344 = vector.shape_cast %swap3A_343 : vector<1x16xf32> to vector<16xf32>
        %swap3A_345 = vector.shape_cast %mul3A_340 : vector<16xf32> to vector<1x16xf32>
        tpu.vector_store %arg11[%swap3A_341, %swap3A_342], %swap3A_345 {strides = array<i32>} : memref<128x128xf32, #tpu.memory_space<vmem>>, vector<1x16xf32>,
        %mul3A_346 = arith.constant 16 : i32
        %mul3A_347 = arith.muli %scan3A_83, %mul3A_346 : i32
        %add3A_348 = arith.constant 3 : i32
        %add3A_349 = arith.addi %mul3A_347, %add3A_348 : i32
        %slice3A_350 = vector.extract_strided_slice %get3A_88 {offsets = [3], sizes = [1], strides = [1]} : vector<16xf32> to vector<1xf32>
        %squeeze3A_351 = vector.extract %slice3A_350[0] : f32 from vector<1xf32>
        %broadcast_in_dim3A_352 = vector.broadcast %squeeze3A_351 : f32 to vector<16xf32>
        %get3A_353 = arith.index_cast %add3A_349 : i32 to index
        %get3A_354 = arith.constant 0 : index
        %get3A_355 = tpu.vector_load %arg11[%get3A_353, %get3A_354] {strides = array<i32>} : memref<128x128xf32, #tpu.memory_space<vmem>>, vector<1x16xf32>,
        %get3A_356 = vector.shape_cast %get3A_355 : vector<1x16xf32> to vector<16xf32>
        %mul3A_357 = arith.mulf %get3A_356, %broadcast_in_dim3A_352 : vector<16xf32>
        %swap3A_358 = arith.index_cast %add3A_349 : i32 to index
        %swap3A_359 = arith.constant 0 : index
        %swap3A_360 = tpu.vector_load %arg11[%swap3A_358, %swap3A_359] {strides = array<i32>} : memref<128x128xf32, #tpu.memory_space<vmem>>, vector<1x16xf32>,
        %swap3A_361 = vector.shape_cast %swap3A_360 : vector<1x16xf32> to vector<16xf32>
        %swap3A_362 = vector.shape_cast %mul3A_357 : vector<16xf32> to vector<1x16xf32>
        tpu.vector_store %arg11[%swap3A_358, %swap3A_359], %swap3A_362 {strides = array<i32>} : memref<128x128xf32, #tpu.memory_space<vmem>>, vector<1x16xf32>,
        %get3A_363 = arith.index_cast %add3A_349 : i32 to index
        %get3A_364 = arith.constant 16 : index
        %get3A_365 = tpu.vector_load %arg11[%get3A_363, %get3A_364] {strides = array<i32>} : memref<128x128xf32, #tpu.memory_space<vmem>>, vector<1x16xf32>,
        %get3A_366 = vector.shape_cast %get3A_365 : vector<1x16xf32> to vector<16xf32>
        %mul3A_367 = arith.mulf %get3A_366, %broadcast_in_dim3A_352 : vector<16xf32>
        %swap3A_368 = arith.index_cast %add3A_349 : i32 to index
        %swap3A_369 = arith.constant 16 : index
        %swap3A_370 = tpu.vector_load %arg11[%swap3A_368, %swap3A_369] {strides = array<i32>} : memref<128x128xf32, #tpu.memory_space<vmem>>, vector<1x16xf32>,
        %swap3A_371 = vector.shape_cast %swap3A_370 : vector<1x16xf32> to vector<16xf32>
        %swap3A_372 = vector.shape_cast %mul3A_367 : vector<16xf32> to vector<1x16xf32>
        tpu.vector_store %arg11[%swap3A_368, %swap3A_369], %swap3A_372 {strides = array<i32>} : memref<128x128xf32, #tpu.memory_space<vmem>>, vector<1x16xf32>,
        %get3A_373 = arith.index_cast %add3A_349 : i32 to index
        %get3A_374 = arith.constant 32 : index
        %get3A_375 = tpu.vector_load %arg11[%get3A_373, %get3A_374] {strides = array<i32>} : memref<128x128xf32, #tpu.memory_space<vmem>>, vector<1x16xf32>,
        %get3A_376 = vector.shape_cast %get3A_375 : vector<1x16xf32> to vector<16xf32>
        %mul3A_377 = arith.mulf %get3A_376, %broadcast_in_dim3A_352 : vector<16xf32>
        %swap3A_378 = arith.index_cast %add3A_349 : i32 to index
        %swap3A_379 = arith.constant 32 : index
        %swap3A_380 = tpu.vector_load %arg11[%swap3A_378, %swap3A_379] {strides = array<i32>} : memref<128x128xf32, #tpu.memory_space<vmem>>, vector<1x16xf32>,
        %swap3A_381 = vector.shape_cast %swap3A_380 : vector<1x16xf32> to vector<16xf32>
        %swap3A_382 = vector.shape_cast %mul3A_377 : vector<16xf32> to vector<1x16xf32>
        tpu.vector_store %arg11[%swap3A_378, %swap3A_379], %swap3A_382 {strides = array<i32>} : memref<128x128xf32, #tpu.memory_space<vmem>>, vector<1x16xf32>,
        %get3A_383 = arith.index_cast %add3A_349 : i32 to index
        %get3A_384 = arith.constant 48 : index
        %get3A_385 = tpu.vector_load %arg11[%get3A_383, %get3A_384] {strides = array<i32>} : memref<128x128xf32, #tpu.memory_space<vmem>>, vector<1x16xf32>,
        %get3A_386 = vector.shape_cast %get3A_385 : vector<1x16xf32> to vector<16xf32>
        %mul3A_387 = arith.mulf %get3A_386, %broadcast_in_dim3A_352 : vector<16xf32>
        %swap3A_388 = arith.index_cast %add3A_349 : i32 to index
        %swap3A_389 = arith.constant 48 : index
        %swap3A_390 = tpu.vector_load %arg11[%swap3A_388, %swap3A_389] {strides = array<i32>} : memref<128x128xf32, #tpu.memory_space<vmem>>, vector<1x16xf32>,
        %swap3A_391 = vector.shape_cast %swap3A_390 : vector<1x16xf32> to vector<16xf32>
        %swap3A_392 = vector.shape_cast %mul3A_387 : vector<16xf32> to vector<1x16xf32>
        tpu.vector_store %arg11[%swap3A_388, %swap3A_389], %swap3A_392 {strides = array<i32>} : memref<128x128xf32, #tpu.memory_space<vmem>>, vector<1x16xf32>,
        %get3A_393 = arith.index_cast %add3A_349 : i32 to index
        %get3A_394 = arith.constant 64 : index
        %get3A_395 = tpu.vector_load %arg11[%get3A_393, %get3A_394] {strides = array<i32>} : memref<128x128xf32, #tpu.memory_space<vmem>>, vector<1x16xf32>,
        %get3A_396 = vector.shape_cast %get3A_395 : vector<1x16xf32> to vector<16xf32>
        %mul3A_397 = arith.mulf %get3A_396, %broadcast_in_dim3A_352 : vector<16xf32>
        %swap3A_398 = arith.index_cast %add3A_349 : i32 to index
        %swap3A_399 = arith.constant 64 : index
        %swap3A_400 = tpu.vector_load %arg11[%swap3A_398, %swap3A_399] {strides = array<i32>} : memref<128x128xf32, #tpu.memory_space<vmem>>, vector<1x16xf32>,
        %swap3A_401 = vector.shape_cast %swap3A_400 : vector<1x16xf32> to vector<16xf32>
        %swap3A_402 = vector.shape_cast %mul3A_397 : vector<16xf32> to vector<1x16xf32>
        tpu.vector_store %arg11[%swap3A_398, %swap3A_399], %swap3A_402 {strides = array<i32>} : memref<128x128xf32, #tpu.memory_space<vmem>>, vector<1x16xf32>,
        %get3A_403 = arith.index_cast %add3A_349 : i32 to index
        %get3A_404 = arith.constant 80 : index
        %get3A_405 = tpu.vector_load %arg11[%get3A_403, %get3A_404] {strides = array<i32>} : memref<128x128xf32, #tpu.memory_space<vmem>>, vector<1x16xf32>,
        %get3A_406 = vector.shape_cast %get3A_405 : vector<1x16xf32> to vector<16xf32>
        %mul3A_407 = arith.mulf %get3A_406, %broadcast_in_dim3A_352 : vector<16xf32>
        %swap3A_408 = arith.index_cast %add3A_349 : i32 to index
        %swap3A_409 = arith.constant 80 : index
        %swap3A_410 = tpu.vector_load %arg11[%swap3A_408, %swap3A_409] {strides = array<i32>} : memref<128x128xf32, #tpu.memory_space<vmem>>, vector<1x16xf32>,
        %swap3A_411 = vector.shape_cast %swap3A_410 : vector<1x16xf32> to vector<16xf32>
        %swap3A_412 = vector.shape_cast %mul3A_407 : vector<16xf32> to vector<1x16xf32>
        tpu.vector_store %arg11[%swap3A_408, %swap3A_409], %swap3A_412 {strides = array<i32>} : memref<128x128xf32, #tpu.memory_space<vmem>>, vector<1x16xf32>,
        %get3A_413 = arith.index_cast %add3A_349 : i32 to index
        %get3A_414 = arith.constant 96 : index
        %get3A_415 = tpu.vector_load %arg11[%get3A_413, %get3A_414] {strides = array<i32>} : memref<128x128xf32, #tpu.memory_space<vmem>>, vector<1x16xf32>,
        %get3A_416 = vector.shape_cast %get3A_415 : vector<1x16xf32> to vector<16xf32>
        %mul3A_417 = arith.mulf %get3A_416, %broadcast_in_dim3A_352 : vector<16xf32>
        %swap3A_418 = arith.index_cast %add3A_349 : i32 to index
        %swap3A_419 = arith.constant 96 : index
        %swap3A_420 = tpu.vector_load %arg11[%swap3A_418, %swap3A_419] {strides = array<i32>} : memref<128x128xf32, #tpu.memory_space<vmem>>, vector<1x16xf32>,
        %swap3A_421 = vector.shape_cast %swap3A_420 : vector<1x16xf32> to vector<16xf32>
        %swap3A_422 = vector.shape_cast %mul3A_417 : vector<16xf32> to vector<1x16xf32>
        tpu.vector_store %arg11[%swap3A_418, %swap3A_419], %swap3A_422 {strides = array<i32>} : memref<128x128xf32, #tpu.memory_space<vmem>>, vector<1x16xf32>,
        %get3A_423 = arith.index_cast %add3A_349 : i32 to index
        %get3A_424 = arith.constant 112 : index
        %get3A_425 = tpu.vector_load %arg11[%get3A_423, %get3A_424] {strides = array<i32>} : memref<128x128xf32, #tpu.memory_space<vmem>>, vector<1x16xf32>,
        %get3A_426 = vector.shape_cast %get3A_425 : vector<1x16xf32> to vector<16xf32>
        %mul3A_427 = arith.mulf %get3A_426, %broadcast_in_dim3A_352 : vector<16xf32>
        %swap3A_428 = arith.index_cast %add3A_349 : i32 to index
        %swap3A_429 = arith.constant 112 : index
        %swap3A_430 = tpu.vector_load %arg11[%swap3A_428, %swap3A_429] {strides = array<i32>} : memref<128x128xf32, #tpu.memory_space<vmem>>, vector<1x16xf32>,
        %swap3A_431 = vector.shape_cast %swap3A_430 : vector<1x16xf32> to vector<16xf32>
        %swap3A_432 = vector.shape_cast %mul3A_427 : vector<16xf32> to vector<1x16xf32>
        tpu.vector_store %arg11[%swap3A_428, %swap3A_429], %swap3A_432 {strides = array<i32>} : memref<128x128xf32, #tpu.memory_space<vmem>>, vector<1x16xf32>,
        %mul3A_433 = arith.constant 16 : i32
        %mul3A_434 = arith.muli %scan3A_83, %mul3A_433 : i32
        %add3A_435 = arith.constant 4 : i32
        %add3A_436 = arith.addi %mul3A_434, %add3A_435 : i32
        %slice3A_437 = vector.extract_strided_slice %get3A_88 {offsets = [4], sizes = [1], strides = [1]} : vector<16xf32> to vector<1xf32>
        %squeeze3A_438 = vector.extract %slice3A_437[0] : f32 from vector<1xf32>
        %broadcast_in_dim3A_439 = vector.broadcast %squeeze3A_438 : f32 to vector<16xf32>
        %get3A_440 = arith.index_cast %add3A_436 : i32 to index
        %get3A_441 = arith.constant 0 : index
        %get3A_442 = tpu.vector_load %arg11[%get3A_440, %get3A_441] {strides = array<i32>} : memref<128x128xf32, #tpu.memory_space<vmem>>, vector<1x16xf32>,
        %get3A_443 = vector.shape_cast %get3A_442 : vector<1x16xf32> to vector<16xf32>
        %mul3A_444 = arith.mulf %get3A_443, %broadcast_in_dim3A_439 : vector<16xf32>
        %swap3A_445 = arith.index_cast %add3A_436 : i32 to index
        %swap3A_446 = arith.constant 0 : index
        %swap3A_447 = tpu.vector_load %arg11[%swap3A_445, %swap3A_446] {strides = array<i32>} : memref<128x128xf32, #tpu.memory_space<vmem>>, vector<1x16xf32>,
        %swap3A_448 = vector.shape_cast %swap3A_447 : vector<1x16xf32> to vector<16xf32>
        %swap3A_449 = vector.shape_cast %mul3A_444 : vector<16xf32> to vector<1x16xf32>
        tpu.vector_store %arg11[%swap3A_445, %swap3A_446], %swap3A_449 {strides = array<i32>} : memref<128x128xf32, #tpu.memory_space<vmem>>, vector<1x16xf32>,
        %get3A_450 = arith.index_cast %add3A_436 : i32 to index
        %get3A_451 = arith.constant 16 : index
        %get3A_452 = tpu.vector_load %arg11[%get3A_450, %get3A_451] {strides = array<i32>} : memref<128x128xf32, #tpu.memory_space<vmem>>, vector<1x16xf32>,
        %get3A_453 = vector.shape_cast %get3A_452 : vector<1x16xf32> to vector<16xf32>
        %mul3A_454 = arith.mulf %get3A_453, %broadcast_in_dim3A_439 : vector<16xf32>
        %swap3A_455 = arith.index_cast %add3A_436 : i32 to index
        %swap3A_456 = arith.constant 16 : index
        %swap3A_457 = tpu.vector_load %arg11[%swap3A_455, %swap3A_456] {strides = array<i32>} : memref<128x128xf32, #tpu.memory_space<vmem>>, vector<1x16xf32>,
        %swap3A_458 = vector.shape_cast %swap3A_457 : vector<1x16xf32> to vector<16xf32>
        %swap3A_459 = vector.shape_cast %mul3A_454 : vector<16xf32> to vector<1x16xf32>
        tpu.vector_store %arg11[%swap3A_455, %swap3A_456], %swap3A_459 {strides = array<i32>} : memref<128x128xf32, #tpu.memory_space<vmem>>, vector<1x16xf32>,
        %get3A_460 = arith.index_cast %add3A_436 : i32 to index
        %get3A_461 = arith.constant 32 : index
        %get3A_462 = tpu.vector_load %arg11[%get3A_460, %get3A_461] {strides = array<i32>} : memref<128x128xf32, #tpu.memory_space<vmem>>, vector<1x16xf32>,
        %get3A_463 = vector.shape_cast %get3A_462 : vector<1x16xf32> to vector<16xf32>
        %mul3A_464 = arith.mulf %get3A_463, %broadcast_in_dim3A_439 : vector<16xf32>
        %swap3A_465 = arith.index_cast %add3A_436 : i32 to index
        %swap3A_466 = arith.constant 32 : index
        %swap3A_467 = tpu.vector_load %arg11[%swap3A_465, %swap3A_466] {strides = array<i32>} : memref<128x128xf32, #tpu.memory_space<vmem>>, vector<1x16xf32>,
        %swap3A_468 = vector.shape_cast %swap3A_467 : vector<1x16xf32> to vector<16xf32>
        %swap3A_469 = vector.shape_cast %mul3A_464 : vector<16xf32> to vector<1x16xf32>
        tpu.vector_store %arg11[%swap3A_465, %swap3A_466], %swap3A_469 {strides = array<i32>} : memref<128x128xf32, #tpu.memory_space<vmem>>, vector<1x16xf32>,
        %get3A_470 = arith.index_cast %add3A_436 : i32 to index
        %get3A_471 = arith.constant 48 : index
        %get3A_472 = tpu.vector_load %arg11[%get3A_470, %get3A_471] {strides = array<i32>} : memref<128x128xf32, #tpu.memory_space<vmem>>, vector<1x16xf32>,
        %get3A_473 = vector.shape_cast %get3A_472 : vector<1x16xf32> to vector<16xf32>
        %mul3A_474 = arith.mulf %get3A_473, %broadcast_in_dim3A_439 : vector<16xf32>
        %swap3A_475 = arith.index_cast %add3A_436 : i32 to index
        %swap3A_476 = arith.constant 48 : index
        %swap3A_477 = tpu.vector_load %arg11[%swap3A_475, %swap3A_476] {strides = array<i32>} : memref<128x128xf32, #tpu.memory_space<vmem>>, vector<1x16xf32>,
        %swap3A_478 = vector.shape_cast %swap3A_477 : vector<1x16xf32> to vector<16xf32>
        %swap3A_479 = vector.shape_cast %mul3A_474 : vector<16xf32> to vector<1x16xf32>
        tpu.vector_store %arg11[%swap3A_475, %swap3A_476], %swap3A_479 {strides = array<i32>} : memref<128x128xf32, #tpu.memory_space<vmem>>, vector<1x16xf32>,
        %get3A_480 = arith.index_cast %add3A_436 : i32 to index
        %get3A_481 = arith.constant 64 : index
        %get3A_482 = tpu.vector_load %arg11[%get3A_480, %get3A_481] {strides = array<i32>} : memref<128x128xf32, #tpu.memory_space<vmem>>, vector<1x16xf32>,
        %get3A_483 = vector.shape_cast %get3A_482 : vector<1x16xf32> to vector<16xf32>
        %mul3A_484 = arith.mulf %get3A_483, %broadcast_in_dim3A_439 : vector<16xf32>
        %swap3A_485 = arith.index_cast %add3A_436 : i32 to index
        %swap3A_486 = arith.constant 64 : index
        %swap3A_487 = tpu.vector_load %arg11[%swap3A_485, %swap3A_486] {strides = array<i32>} : memref<128x128xf32, #tpu.memory_space<vmem>>, vector<1x16xf32>,
        %swap3A_488 = vector.shape_cast %swap3A_487 : vector<1x16xf32> to vector<16xf32>
        %swap3A_489 = vector.shape_cast %mul3A_484 : vector<16xf32> to vector<1x16xf32>
        tpu.vector_store %arg11[%swap3A_485, %swap3A_486], %swap3A_489 {strides = array<i32>} : memref<128x128xf32, #tpu.memory_space<vmem>>, vector<1x16xf32>,
        %get3A_490 = arith.index_cast %add3A_436 : i32 to index
        %get3A_491 = arith.constant 80 : index
        %get3A_492 = tpu.vector_load %arg11[%get3A_490, %get3A_491] {strides = array<i32>} : memref<128x128xf32, #tpu.memory_space<vmem>>, vector<1x16xf32>,
        %get3A_493 = vector.shape_cast %get3A_492 : vector<1x16xf32> to vector<16xf32>
        %mul3A_494 = arith.mulf %get3A_493, %broadcast_in_dim3A_439 : vector<16xf32>
        %swap3A_495 = arith.index_cast %add3A_436 : i32 to index
        %swap3A_496 = arith.constant 80 : index
        %swap3A_497 = tpu.vector_load %arg11[%swap3A_495, %swap3A_496] {strides = array<i32>} : memref<128x128xf32, #tpu.memory_space<vmem>>, vector<1x16xf32>,
        %swap3A_498 = vector.shape_cast %swap3A_497 : vector<1x16xf32> to vector<16xf32>
        %swap3A_499 = vector.shape_cast %mul3A_494 : vector<16xf32> to vector<1x16xf32>
        tpu.vector_store %arg11[%swap3A_495, %swap3A_496], %swap3A_499 {strides = array<i32>} : memref<128x128xf32, #tpu.memory_space<vmem>>, vector<1x16xf32>,
        %get3A_500 = arith.index_cast %add3A_436 : i32 to index
        %get3A_501 = arith.constant 96 : index
        %get3A_502 = tpu.vector_load %arg11[%get3A_500, %get3A_501] {strides = array<i32>} : memref<128x128xf32, #tpu.memory_space<vmem>>, vector<1x16xf32>,
        %get3A_503 = vector.shape_cast %get3A_502 : vector<1x16xf32> to vector<16xf32>
        %mul3A_504 = arith.mulf %get3A_503, %broadcast_in_dim3A_439 : vector<16xf32>
        %swap3A_505 = arith.index_cast %add3A_436 : i32 to index
        %swap3A_506 = arith.constant 96 : index
        %swap3A_507 = tpu.vector_load %arg11[%swap3A_505, %swap3A_506] {strides = array<i32>} : memref<128x128xf32, #tpu.memory_space<vmem>>, vector<1x16xf32>,
        %swap3A_508 = vector.shape_cast %swap3A_507 : vector<1x16xf32> to vector<16xf32>
        %swap3A_509 = vector.shape_cast %mul3A_504 : vector<16xf32> to vector<1x16xf32>
        tpu.vector_store %arg11[%swap3A_505, %swap3A_506], %swap3A_509 {strides = array<i32>} : memref<128x128xf32, #tpu.memory_space<vmem>>, vector<1x16xf32>,
        %get3A_510 = arith.index_cast %add3A_436 : i32 to index
        %get3A_511 = arith.constant 112 : index
        %get3A_512 = tpu.vector_load %arg11[%get3A_510, %get3A_511] {strides = array<i32>} : memref<128x128xf32, #tpu.memory_space<vmem>>, vector<1x16xf32>,
        %get3A_513 = vector.shape_cast %get3A_512 : vector<1x16xf32> to vector<16xf32>
        %mul3A_514 = arith.mulf %get3A_513, %broadcast_in_dim3A_439 : vector<16xf32>
        %swap3A_515 = arith.index_cast %add3A_436 : i32 to index
        %swap3A_516 = arith.constant 112 : index
        %swap3A_517 = tpu.vector_load %arg11[%swap3A_515, %swap3A_516] {strides = array<i32>} : memref<128x128xf32, #tpu.memory_space<vmem>>, vector<1x16xf32>,
        %swap3A_518 = vector.shape_cast %swap3A_517 : vector<1x16xf32> to vector<16xf32>
        %swap3A_519 = vector.shape_cast %mul3A_514 : vector<16xf32> to vector<1x16xf32>
        tpu.vector_store %arg11[%swap3A_515, %swap3A_516], %swap3A_519 {strides = array<i32>} : memref<128x128xf32, #tpu.memory_space<vmem>>, vector<1x16xf32>,
        %mul3A_520 = arith.constant 16 : i32
        %mul3A_521 = arith.muli %scan3A_83, %mul3A_520 : i32
        %add3A_522 = arith.constant 5 : i32
        %add3A_523 = arith.addi %mul3A_521, %add3A_522 : i32
        %slice3A_524 = vector.extract_strided_slice %get3A_88 {offsets = [5], sizes = [1], strides = [1]} : vector<16xf32> to vector<1xf32>
        %squeeze3A_525 = vector.extract %slice3A_524[0] : f32 from vector<1xf32>
        %broadcast_in_dim3A_526 = vector.broadcast %squeeze3A_525 : f32 to vector<16xf32>
        %get3A_527 = arith.index_cast %add3A_523 : i32 to index
        %get3A_528 = arith.constant 0 : index
        %get3A_529 = tpu.vector_load %arg11[%get3A_527, %get3A_528] {strides = array<i32>} : memref<128x128xf32, #tpu.memory_space<vmem>>, vector<1x16xf32>,
        %get3A_530 = vector.shape_cast %get3A_529 : vector<1x16xf32> to vector<16xf32>
        %mul3A_531 = arith.mulf %get3A_530, %broadcast_in_dim3A_526 : vector<16xf32>
        %swap3A_532 = arith.index_cast %add3A_523 : i32 to index
        %swap3A_533 = arith.constant 0 : index
        %swap3A_534 = tpu.vector_load %arg11[%swap3A_532, %swap3A_533] {strides = array<i32>} : memref<128x128xf32, #tpu.memory_space<vmem>>, vector<1x16xf32>,
        %swap3A_535 = vector.shape_cast %swap3A_534 : vector<1x16xf32> to vector<16xf32>
        %swap3A_536 = vector.shape_cast %mul3A_531 : vector<16xf32> to vector<1x16xf32>
        tpu.vector_store %arg11[%swap3A_532, %swap3A_533], %swap3A_536 {strides = array<i32>} : memref<128x128xf32, #tpu.memory_space<vmem>>, vector<1x16xf32>,
        %get3A_537 = arith.index_cast %add3A_523 : i32 to index
        %get3A_538 = arith.constant 16 : index
        %get3A_539 = tpu.vector_load %arg11[%get3A_537, %get3A_538] {strides = array<i32>} : memref<128x128xf32, #tpu.memory_space<vmem>>, vector<1x16xf32>,
        %get3A_540 = vector.shape_cast %get3A_539 : vector<1x16xf32> to vector<16xf32>
        %mul3A_541 = arith.mulf %get3A_540, %broadcast_in_dim3A_526 : vector<16xf32>
        %swap3A_542 = arith.index_cast %add3A_523 : i32 to index
        %swap3A_543 = arith.constant 16 : index
        %swap3A_544 = tpu.vector_load %arg11[%swap3A_542, %swap3A_543] {strides = array<i32>} : memref<128x128xf32, #tpu.memory_space<vmem>>, vector<1x16xf32>,
        %swap3A_545 = vector.shape_cast %swap3A_544 : vector<1x16xf32> to vector<16xf32>
        %swap3A_546 = vector.shape_cast %mul3A_541 : vector<16xf32> to vector<1x16xf32>
        tpu.vector_store %arg11[%swap3A_542, %swap3A_543], %swap3A_546 {strides = array<i32>} : memref<128x128xf32, #tpu.memory_space<vmem>>, vector<1x16xf32>,
        %get3A_547 = arith.index_cast %add3A_523 : i32 to index
        %get3A_548 = arith.constant 32 : index
        %get3A_549 = tpu.vector_load %arg11[%get3A_547, %get3A_548] {strides = array<i32>} : memref<128x128xf32, #tpu.memory_space<vmem>>, vector<1x16xf32>,
        %get3A_550 = vector.shape_cast %get3A_549 : vector<1x16xf32> to vector<16xf32>
        %mul3A_551 = arith.mulf %get3A_550, %broadcast_in_dim3A_526 : vector<16xf32>
        %swap3A_552 = arith.index_cast %add3A_523 : i32 to index
        %swap3A_553 = arith.constant 32 : index
        %swap3A_554 = tpu.vector_load %arg11[%swap3A_552, %swap3A_553] {strides = array<i32>} : memref<128x128xf32, #tpu.memory_space<vmem>>, vector<1x16xf32>,
        %swap3A_555 = vector.shape_cast %swap3A_554 : vector<1x16xf32> to vector<16xf32>
        %swap3A_556 = vector.shape_cast %mul3A_551 : vector<16xf32> to vector<1x16xf32>
        tpu.vector_store %arg11[%swap3A_552, %swap3A_553], %swap3A_556 {strides = array<i32>} : memref<128x128xf32, #tpu.memory_space<vmem>>, vector<1x16xf32>,
        %get3A_557 = arith.index_cast %add3A_523 : i32 to index
        %get3A_558 = arith.constant 48 : index
        %get3A_559 = tpu.vector_load %arg11[%get3A_557, %get3A_558] {strides = array<i32>} : memref<128x128xf32, #tpu.memory_space<vmem>>, vector<1x16xf32>,
        %get3A_560 = vector.shape_cast %get3A_559 : vector<1x16xf32> to vector<16xf32>
        %mul3A_561 = arith.mulf %get3A_560, %broadcast_in_dim3A_526 : vector<16xf32>
        %swap3A_562 = arith.index_cast %add3A_523 : i32 to index
        %swap3A_563 = arith.constant 48 : index
        %swap3A_564 = tpu.vector_load %arg11[%swap3A_562, %swap3A_563] {strides = array<i32>} : memref<128x128xf32, #tpu.memory_space<vmem>>, vector<1x16xf32>,
        %swap3A_565 = vector.shape_cast %swap3A_564 : vector<1x16xf32> to vector<16xf32>
        %swap3A_566 = vector.shape_cast %mul3A_561 : vector<16xf32> to vector<1x16xf32>
        tpu.vector_store %arg11[%swap3A_562, %swap3A_563], %swap3A_566 {strides = array<i32>} : memref<128x128xf32, #tpu.memory_space<vmem>>, vector<1x16xf32>,
        %get3A_567 = arith.index_cast %add3A_523 : i32 to index
        %get3A_568 = arith.constant 64 : index
        %get3A_569 = tpu.vector_load %arg11[%get3A_567, %get3A_568] {strides = array<i32>} : memref<128x128xf32, #tpu.memory_space<vmem>>, vector<1x16xf32>,
        %get3A_570 = vector.shape_cast %get3A_569 : vector<1x16xf32> to vector<16xf32>
        %mul3A_571 = arith.mulf %get3A_570, %broadcast_in_dim3A_526 : vector<16xf32>
        %swap3A_572 = arith.index_cast %add3A_523 : i32 to index
        %swap3A_573 = arith.constant 64 : index
        %swap3A_574 = tpu.vector_load %arg11[%swap3A_572, %swap3A_573] {strides = array<i32>} : memref<128x128xf32, #tpu.memory_space<vmem>>, vector<1x16xf32>,
        %swap3A_575 = vector.shape_cast %swap3A_574 : vector<1x16xf32> to vector<16xf32>
        %swap3A_576 = vector.shape_cast %mul3A_571 : vector<16xf32> to vector<1x16xf32>
        tpu.vector_store %arg11[%swap3A_572, %swap3A_573], %swap3A_576 {strides = array<i32>} : memref<128x128xf32, #tpu.memory_space<vmem>>, vector<1x16xf32>,
        %get3A_577 = arith.index_cast %add3A_523 : i32 to index
        %get3A_578 = arith.constant 80 : index
        %get3A_579 = tpu.vector_load %arg11[%get3A_577, %get3A_578] {strides = array<i32>} : memref<128x128xf32, #tpu.memory_space<vmem>>, vector<1x16xf32>,
        %get3A_580 = vector.shape_cast %get3A_579 : vector<1x16xf32> to vector<16xf32>
        %mul3A_581 = arith.mulf %get3A_580, %broadcast_in_dim3A_526 : vector<16xf32>
        %swap3A_582 = arith.index_cast %add3A_523 : i32 to index
        %swap3A_583 = arith.constant 80 : index
        %swap3A_584 = tpu.vector_load %arg11[%swap3A_582, %swap3A_583] {strides = array<i32>} : memref<128x128xf32, #tpu.memory_space<vmem>>, vector<1x16xf32>,
        %swap3A_585 = vector.shape_cast %swap3A_584 : vector<1x16xf32> to vector<16xf32>
        %swap3A_586 = vector.shape_cast %mul3A_581 : vector<16xf32> to vector<1x16xf32>
        tpu.vector_store %arg11[%swap3A_582, %swap3A_583], %swap3A_586 {strides = array<i32>} : memref<128x128xf32, #tpu.memory_space<vmem>>, vector<1x16xf32>,
        %get3A_587 = arith.index_cast %add3A_523 : i32 to index
        %get3A_588 = arith.constant 96 : index
        %get3A_589 = tpu.vector_load %arg11[%get3A_587, %get3A_588] {strides = array<i32>} : memref<128x128xf32, #tpu.memory_space<vmem>>, vector<1x16xf32>,
        %get3A_590 = vector.shape_cast %get3A_589 : vector<1x16xf32> to vector<16xf32>
        %mul3A_591 = arith.mulf %get3A_590, %broadcast_in_dim3A_526 : vector<16xf32>
        %swap3A_592 = arith.index_cast %add3A_523 : i32 to index
        %swap3A_593 = arith.constant 96 : index
        %swap3A_594 = tpu.vector_load %arg11[%swap3A_592, %swap3A_593] {strides = array<i32>} : memref<128x128xf32, #tpu.memory_space<vmem>>, vector<1x16xf32>,
        %swap3A_595 = vector.shape_cast %swap3A_594 : vector<1x16xf32> to vector<16xf32>
        %swap3A_596 = vector.shape_cast %mul3A_591 : vector<16xf32> to vector<1x16xf32>
        tpu.vector_store %arg11[%swap3A_592, %swap3A_593], %swap3A_596 {strides = array<i32>} : memref<128x128xf32, #tpu.memory_space<vmem>>, vector<1x16xf32>,
        %get3A_597 = arith.index_cast %add3A_523 : i32 to index
        %get3A_598 = arith.constant 112 : index
        %get3A_599 = tpu.vector_load %arg11[%get3A_597, %get3A_598] {strides = array<i32>} : memref<128x128xf32, #tpu.memory_space<vmem>>, vector<1x16xf32>,
        %get3A_600 = vector.shape_cast %get3A_599 : vector<1x16xf32> to vector<16xf32>
        %mul3A_601 = arith.mulf %get3A_600, %broadcast_in_dim3A_526 : vector<16xf32>
        %swap3A_602 = arith.index_cast %add3A_523 : i32 to index
        %swap3A_603 = arith.constant 112 : index
        %swap3A_604 = tpu.vector_load %arg11[%swap3A_602, %swap3A_603] {strides = array<i32>} : memref<128x128xf32, #tpu.memory_space<vmem>>, vector<1x16xf32>,
        %swap3A_605 = vector.shape_cast %swap3A_604 : vector<1x16xf32> to vector<16xf32>
        %swap3A_606 = vector.shape_cast %mul3A_601 : vector<16xf32> to vector<1x16xf32>
        tpu.vector_store %arg11[%swap3A_602, %swap3A_603], %swap3A_606 {strides = array<i32>} : memref<128x128xf32, #tpu.memory_space<vmem>>, vector<1x16xf32>,
        %mul3A_607 = arith.constant 16 : i32
        %mul3A_608 = arith.muli %scan3A_83, %mul3A_607 : i32
        %add3A_609 = arith.constant 6 : i32
        %add3A_610 = arith.addi %mul3A_608, %add3A_609 : i32
        %slice3A_611 = vector.extract_strided_slice %get3A_88 {offsets = [6], sizes = [1], strides = [1]} : vector<16xf32> to vector<1xf32>
        %squeeze3A_612 = vector.extract %slice3A_611[0] : f32 from vector<1xf32>
        %broadcast_in_dim3A_613 = vector.broadcast %squeeze3A_612 : f32 to vector<16xf32>
        %get3A_614 = arith.index_cast %add3A_610 : i32 to index
        %get3A_615 = arith.constant 0 : index
        %get3A_616 = tpu.vector_load %arg11[%get3A_614, %get3A_615] {strides = array<i32>} : memref<128x128xf32, #tpu.memory_space<vmem>>, vector<1x16xf32>,
        %get3A_617 = vector.shape_cast %get3A_616 : vector<1x16xf32> to vector<16xf32>
        %mul3A_618 = arith.mulf %get3A_617, %broadcast_in_dim3A_613 : vector<16xf32>
        %swap3A_619 = arith.index_cast %add3A_610 : i32 to index
        %swap3A_620 = arith.constant 0 : index
        %swap3A_621 = tpu.vector_load %arg11[%swap3A_619, %swap3A_620] {strides = array<i32>} : memref<128x128xf32, #tpu.memory_space<vmem>>, vector<1x16xf32>,
        %swap3A_622 = vector.shape_cast %swap3A_621 : vector<1x16xf32> to vector<16xf32>
        %swap3A_623 = vector.shape_cast %mul3A_618 : vector<16xf32> to vector<1x16xf32>
        tpu.vector_store %arg11[%swap3A_619, %swap3A_620], %swap3A_623 {strides = array<i32>} : memref<128x128xf32, #tpu.memory_space<vmem>>, vector<1x16xf32>,
        %get3A_624 = arith.index_cast %add3A_610 : i32 to index
        %get3A_625 = arith.constant 16 : index
        %get3A_626 = tpu.vector_load %arg11[%get3A_624, %get3A_625] {strides = array<i32>} : memref<128x128xf32, #tpu.memory_space<vmem>>, vector<1x16xf32>,
        %get3A_627 = vector.shape_cast %get3A_626 : vector<1x16xf32> to vector<16xf32>
        %mul3A_628 = arith.mulf %get3A_627, %broadcast_in_dim3A_613 : vector<16xf32>
        %swap3A_629 = arith.index_cast %add3A_610 : i32 to index
        %swap3A_630 = arith.constant 16 : index
        %swap3A_631 = tpu.vector_load %arg11[%swap3A_629, %swap3A_630] {strides = array<i32>} : memref<128x128xf32, #tpu.memory_space<vmem>>, vector<1x16xf32>,
        %swap3A_632 = vector.shape_cast %swap3A_631 : vector<1x16xf32> to vector<16xf32>
        %swap3A_633 = vector.shape_cast %mul3A_628 : vector<16xf32> to vector<1x16xf32>
        tpu.vector_store %arg11[%swap3A_629, %swap3A_630], %swap3A_633 {strides = array<i32>} : memref<128x128xf32, #tpu.memory_space<vmem>>, vector<1x16xf32>,
        %get3A_634 = arith.index_cast %add3A_610 : i32 to index
        %get3A_635 = arith.constant 32 : index
        %get3A_636 = tpu.vector_load %arg11[%get3A_634, %get3A_635] {strides = array<i32>} : memref<128x128xf32, #tpu.memory_space<vmem>>, vector<1x16xf32>,
        %get3A_637 = vector.shape_cast %get3A_636 : vector<1x16xf32> to vector<16xf32>
        %mul3A_638 = arith.mulf %get3A_637, %broadcast_in_dim3A_613 : vector<16xf32>
        %swap3A_639 = arith.index_cast %add3A_610 : i32 to index
        %swap3A_640 = arith.constant 32 : index
        %swap3A_641 = tpu.vector_load %arg11[%swap3A_639, %swap3A_640] {strides = array<i32>} : memref<128x128xf32, #tpu.memory_space<vmem>>, vector<1x16xf32>,
        %swap3A_642 = vector.shape_cast %swap3A_641 : vector<1x16xf32> to vector<16xf32>
        %swap3A_643 = vector.shape_cast %mul3A_638 : vector<16xf32> to vector<1x16xf32>
        tpu.vector_store %arg11[%swap3A_639, %swap3A_640], %swap3A_643 {strides = array<i32>} : memref<128x128xf32, #tpu.memory_space<vmem>>, vector<1x16xf32>,
        %get3A_644 = arith.index_cast %add3A_610 : i32 to index
        %get3A_645 = arith.constant 48 : index
        %get3A_646 = tpu.vector_load %arg11[%get3A_644, %get3A_645] {strides = array<i32>} : memref<128x128xf32, #tpu.memory_space<vmem>>, vector<1x16xf32>,
        %get3A_647 = vector.shape_cast %get3A_646 : vector<1x16xf32> to vector<16xf32>
        %mul3A_648 = arith.mulf %get3A_647, %broadcast_in_dim3A_613 : vector<16xf32>
        %swap3A_649 = arith.index_cast %add3A_610 : i32 to index
        %swap3A_650 = arith.constant 48 : index
        %swap3A_651 = tpu.vector_load %arg11[%swap3A_649, %swap3A_650] {strides = array<i32>} : memref<128x128xf32, #tpu.memory_space<vmem>>, vector<1x16xf32>,
        %swap3A_652 = vector.shape_cast %swap3A_651 : vector<1x16xf32> to vector<16xf32>
        %swap3A_653 = vector.shape_cast %mul3A_648 : vector<16xf32> to vector<1x16xf32>
        tpu.vector_store %arg11[%swap3A_649, %swap3A_650], %swap3A_653 {strides = array<i32>} : memref<128x128xf32, #tpu.memory_space<vmem>>, vector<1x16xf32>,
        %get3A_654 = arith.index_cast %add3A_610 : i32 to index
        %get3A_655 = arith.constant 64 : index
        %get3A_656 = tpu.vector_load %arg11[%get3A_654, %get3A_655] {strides = array<i32>} : memref<128x128xf32, #tpu.memory_space<vmem>>, vector<1x16xf32>,
        %get3A_657 = vector.shape_cast %get3A_656 : vector<1x16xf32> to vector<16xf32>
        %mul3A_658 = arith.mulf %get3A_657, %broadcast_in_dim3A_613 : vector<16xf32>
        %swap3A_659 = arith.index_cast %add3A_610 : i32 to index
        %swap3A_660 = arith.constant 64 : index
        %swap3A_661 = tpu.vector_load %arg11[%swap3A_659, %swap3A_660] {strides = array<i32>} : memref<128x128xf32, #tpu.memory_space<vmem>>, vector<1x16xf32>,
        %swap3A_662 = vector.shape_cast %swap3A_661 : vector<1x16xf32> to vector<16xf32>
        %swap3A_663 = vector.shape_cast %mul3A_658 : vector<16xf32> to vector<1x16xf32>
        tpu.vector_store %arg11[%swap3A_659, %swap3A_660], %swap3A_663 {strides = array<i32>} : memref<128x128xf32, #tpu.memory_space<vmem>>, vector<1x16xf32>,
        %get3A_664 = arith.index_cast %add3A_610 : i32 to index
        %get3A_665 = arith.constant 80 : index
        %get3A_666 = tpu.vector_load %arg11[%get3A_664, %get3A_665] {strides = array<i32>} : memref<128x128xf32, #tpu.memory_space<vmem>>, vector<1x16xf32>,
        %get3A_667 = vector.shape_cast %get3A_666 : vector<1x16xf32> to vector<16xf32>
        %mul3A_668 = arith.mulf %get3A_667, %broadcast_in_dim3A_613 : vector<16xf32>
        %swap3A_669 = arith.index_cast %add3A_610 : i32 to index
        %swap3A_670 = arith.constant 80 : index
        %swap3A_671 = tpu.vector_load %arg11[%swap3A_669, %swap3A_670] {strides = array<i32>} : memref<128x128xf32, #tpu.memory_space<vmem>>, vector<1x16xf32>,
        %swap3A_672 = vector.shape_cast %swap3A_671 : vector<1x16xf32> to vector<16xf32>
        %swap3A_673 = vector.shape_cast %mul3A_668 : vector<16xf32> to vector<1x16xf32>
        tpu.vector_store %arg11[%swap3A_669, %swap3A_670], %swap3A_673 {strides = array<i32>} : memref<128x128xf32, #tpu.memory_space<vmem>>, vector<1x16xf32>,
        %get3A_674 = arith.index_cast %add3A_610 : i32 to index
        %get3A_675 = arith.constant 96 : index
        %get3A_676 = tpu.vector_load %arg11[%get3A_674, %get3A_675] {strides = array<i32>} : memref<128x128xf32, #tpu.memory_space<vmem>>, vector<1x16xf32>,
        %get3A_677 = vector.shape_cast %get3A_676 : vector<1x16xf32> to vector<16xf32>
        %mul3A_678 = arith.mulf %get3A_677, %broadcast_in_dim3A_613 : vector<16xf32>
        %swap3A_679 = arith.index_cast %add3A_610 : i32 to index
        %swap3A_680 = arith.constant 96 : index
        %swap3A_681 = tpu.vector_load %arg11[%swap3A_679, %swap3A_680] {strides = array<i32>} : memref<128x128xf32, #tpu.memory_space<vmem>>, vector<1x16xf32>,
        %swap3A_682 = vector.shape_cast %swap3A_681 : vector<1x16xf32> to vector<16xf32>
        %swap3A_683 = vector.shape_cast %mul3A_678 : vector<16xf32> to vector<1x16xf32>
        tpu.vector_store %arg11[%swap3A_679, %swap3A_680], %swap3A_683 {strides = array<i32>} : memref<128x128xf32, #tpu.memory_space<vmem>>, vector<1x16xf32>,
        %get3A_684 = arith.index_cast %add3A_610 : i32 to index
        %get3A_685 = arith.constant 112 : index
        %get3A_686 = tpu.vector_load %arg11[%get3A_684, %get3A_685] {strides = array<i32>} : memref<128x128xf32, #tpu.memory_space<vmem>>, vector<1x16xf32>,
        %get3A_687 = vector.shape_cast %get3A_686 : vector<1x16xf32> to vector<16xf32>
        %mul3A_688 = arith.mulf %get3A_687, %broadcast_in_dim3A_613 : vector<16xf32>
        %swap3A_689 = arith.index_cast %add3A_610 : i32 to index
        %swap3A_690 = arith.constant 112 : index
        %swap3A_691 = tpu.vector_load %arg11[%swap3A_689, %swap3A_690] {strides = array<i32>} : memref<128x128xf32, #tpu.memory_space<vmem>>, vector<1x16xf32>,
        %swap3A_692 = vector.shape_cast %swap3A_691 : vector<1x16xf32> to vector<16xf32>
        %swap3A_693 = vector.shape_cast %mul3A_688 : vector<16xf32> to vector<1x16xf32>
        tpu.vector_store %arg11[%swap3A_689, %swap3A_690], %swap3A_693 {strides = array<i32>} : memref<128x128xf32, #tpu.memory_space<vmem>>, vector<1x16xf32>,
        %mul3A_694 = arith.constant 16 : i32
        %mul3A_695 = arith.muli %scan3A_83, %mul3A_694 : i32
        %add3A_696 = arith.constant 7 : i32
        %add3A_697 = arith.addi %mul3A_695, %add3A_696 : i32
        %slice3A_698 = vector.extract_strided_slice %get3A_88 {offsets = [7], sizes = [1], strides = [1]} : vector<16xf32> to vector<1xf32>
        %squeeze3A_699 = vector.extract %slice3A_698[0] : f32 from vector<1xf32>
        %broadcast_in_dim3A_700 = vector.broadcast %squeeze3A_699 : f32 to vector<16xf32>
        %get3A_701 = arith.index_cast %add3A_697 : i32 to index
        %get3A_702 = arith.constant 0 : index
        %get3A_703 = tpu.vector_load %arg11[%get3A_701, %get3A_702] {strides = array<i32>} : memref<128x128xf32, #tpu.memory_space<vmem>>, vector<1x16xf32>,
        %get3A_704 = vector.shape_cast %get3A_703 : vector<1x16xf32> to vector<16xf32>
        %mul3A_705 = arith.mulf %get3A_704, %broadcast_in_dim3A_700 : vector<16xf32>
        %swap3A_706 = arith.index_cast %add3A_697 : i32 to index
        %swap3A_707 = arith.constant 0 : index
        %swap3A_708 = tpu.vector_load %arg11[%swap3A_706, %swap3A_707] {strides = array<i32>} : memref<128x128xf32, #tpu.memory_space<vmem>>, vector<1x16xf32>,
        %swap3A_709 = vector.shape_cast %swap3A_708 : vector<1x16xf32> to vector<16xf32>
        %swap3A_710 = vector.shape_cast %mul3A_705 : vector<16xf32> to vector<1x16xf32>
        tpu.vector_store %arg11[%swap3A_706, %swap3A_707], %swap3A_710 {strides = array<i32>} : memref<128x128xf32, #tpu.memory_space<vmem>>, vector<1x16xf32>,
        %get3A_711 = arith.index_cast %add3A_697 : i32 to index
        %get3A_712 = arith.constant 16 : index
        %get3A_713 = tpu.vector_load %arg11[%get3A_711, %get3A_712] {strides = array<i32>} : memref<128x128xf32, #tpu.memory_space<vmem>>, vector<1x16xf32>,
        %get3A_714 = vector.shape_cast %get3A_713 : vector<1x16xf32> to vector<16xf32>
        %mul3A_715 = arith.mulf %get3A_714, %broadcast_in_dim3A_700 : vector<16xf32>
        %swap3A_716 = arith.index_cast %add3A_697 : i32 to index
        %swap3A_717 = arith.constant 16 : index
        %swap3A_718 = tpu.vector_load %arg11[%swap3A_716, %swap3A_717] {strides = array<i32>} : memref<128x128xf32, #tpu.memory_space<vmem>>, vector<1x16xf32>,
        %swap3A_719 = vector.shape_cast %swap3A_718 : vector<1x16xf32> to vector<16xf32>
        %swap3A_720 = vector.shape_cast %mul3A_715 : vector<16xf32> to vector<1x16xf32>
        tpu.vector_store %arg11[%swap3A_716, %swap3A_717], %swap3A_720 {strides = array<i32>} : memref<128x128xf32, #tpu.memory_space<vmem>>, vector<1x16xf32>,
        %get3A_721 = arith.index_cast %add3A_697 : i32 to index
        %get3A_722 = arith.constant 32 : index
        %get3A_723 = tpu.vector_load %arg11[%get3A_721, %get3A_722] {strides = array<i32>} : memref<128x128xf32, #tpu.memory_space<vmem>>, vector<1x16xf32>,
        %get3A_724 = vector.shape_cast %get3A_723 : vector<1x16xf32> to vector<16xf32>
        %mul3A_725 = arith.mulf %get3A_724, %broadcast_in_dim3A_700 : vector<16xf32>
        %swap3A_726 = arith.index_cast %add3A_697 : i32 to index
        %swap3A_727 = arith.constant 32 : index
        %swap3A_728 = tpu.vector_load %arg11[%swap3A_726, %swap3A_727] {strides = array<i32>} : memref<128x128xf32, #tpu.memory_space<vmem>>, vector<1x16xf32>,
        %swap3A_729 = vector.shape_cast %swap3A_728 : vector<1x16xf32> to vector<16xf32>
        %swap3A_730 = vector.shape_cast %mul3A_725 : vector<16xf32> to vector<1x16xf32>
        tpu.vector_store %arg11[%swap3A_726, %swap3A_727], %swap3A_730 {strides = array<i32>} : memref<128x128xf32, #tpu.memory_space<vmem>>, vector<1x16xf32>,
        %get3A_731 = arith.index_cast %add3A_697 : i32 to index
        %get3A_732 = arith.constant 48 : index
        %get3A_733 = tpu.vector_load %arg11[%get3A_731, %get3A_732] {strides = array<i32>} : memref<128x128xf32, #tpu.memory_space<vmem>>, vector<1x16xf32>,
        %get3A_734 = vector.shape_cast %get3A_733 : vector<1x16xf32> to vector<16xf32>
        %mul3A_735 = arith.mulf %get3A_734, %broadcast_in_dim3A_700 : vector<16xf32>
        %swap3A_736 = arith.index_cast %add3A_697 : i32 to index
        %swap3A_737 = arith.constant 48 : index
        %swap3A_738 = tpu.vector_load %arg11[%swap3A_736, %swap3A_737] {strides = array<i32>} : memref<128x128xf32, #tpu.memory_space<vmem>>, vector<1x16xf32>,
        %swap3A_739 = vector.shape_cast %swap3A_738 : vector<1x16xf32> to vector<16xf32>
        %swap3A_740 = vector.shape_cast %mul3A_735 : vector<16xf32> to vector<1x16xf32>
        tpu.vector_store %arg11[%swap3A_736, %swap3A_737], %swap3A_740 {strides = array<i32>} : memref<128x128xf32, #tpu.memory_space<vmem>>, vector<1x16xf32>,
        %get3A_741 = arith.index_cast %add3A_697 : i32 to index
        %get3A_742 = arith.constant 64 : index
        %get3A_743 = tpu.vector_load %arg11[%get3A_741, %get3A_742] {strides = array<i32>} : memref<128x128xf32, #tpu.memory_space<vmem>>, vector<1x16xf32>,
        %get3A_744 = vector.shape_cast %get3A_743 : vector<1x16xf32> to vector<16xf32>
        %mul3A_745 = arith.mulf %get3A_744, %broadcast_in_dim3A_700 : vector<16xf32>
        %swap3A_746 = arith.index_cast %add3A_697 : i32 to index
        %swap3A_747 = arith.constant 64 : index
        %swap3A_748 = tpu.vector_load %arg11[%swap3A_746, %swap3A_747] {strides = array<i32>} : memref<128x128xf32, #tpu.memory_space<vmem>>, vector<1x16xf32>,
        %swap3A_749 = vector.shape_cast %swap3A_748 : vector<1x16xf32> to vector<16xf32>
        %swap3A_750 = vector.shape_cast %mul3A_745 : vector<16xf32> to vector<1x16xf32>
        tpu.vector_store %arg11[%swap3A_746, %swap3A_747], %swap3A_750 {strides = array<i32>} : memref<128x128xf32, #tpu.memory_space<vmem>>, vector<1x16xf32>,
        %get3A_751 = arith.index_cast %add3A_697 : i32 to index
        %get3A_752 = arith.constant 80 : index
        %get3A_753 = tpu.vector_load %arg11[%get3A_751, %get3A_752] {strides = array<i32>} : memref<128x128xf32, #tpu.memory_space<vmem>>, vector<1x16xf32>,
        %get3A_754 = vector.shape_cast %get3A_753 : vector<1x16xf32> to vector<16xf32>
        %mul3A_755 = arith.mulf %get3A_754, %broadcast_in_dim3A_700 : vector<16xf32>
        %swap3A_756 = arith.index_cast %add3A_697 : i32 to index
        %swap3A_757 = arith.constant 80 : index
        %swap3A_758 = tpu.vector_load %arg11[%swap3A_756, %swap3A_757] {strides = array<i32>} : memref<128x128xf32, #tpu.memory_space<vmem>>, vector<1x16xf32>,
        %swap3A_759 = vector.shape_cast %swap3A_758 : vector<1x16xf32> to vector<16xf32>
        %swap3A_760 = vector.shape_cast %mul3A_755 : vector<16xf32> to vector<1x16xf32>
        tpu.vector_store %arg11[%swap3A_756, %swap3A_757], %swap3A_760 {strides = array<i32>} : memref<128x128xf32, #tpu.memory_space<vmem>>, vector<1x16xf32>,
        %get3A_761 = arith.index_cast %add3A_697 : i32 to index
        %get3A_762 = arith.constant 96 : index
        %get3A_763 = tpu.vector_load %arg11[%get3A_761, %get3A_762] {strides = array<i32>} : memref<128x128xf32, #tpu.memory_space<vmem>>, vector<1x16xf32>,
        %get3A_764 = vector.shape_cast %get3A_763 : vector<1x16xf32> to vector<16xf32>
        %mul3A_765 = arith.mulf %get3A_764, %broadcast_in_dim3A_700 : vector<16xf32>
        %swap3A_766 = arith.index_cast %add3A_697 : i32 to index
        %swap3A_767 = arith.constant 96 : index
        %swap3A_768 = tpu.vector_load %arg11[%swap3A_766, %swap3A_767] {strides = array<i32>} : memref<128x128xf32, #tpu.memory_space<vmem>>, vector<1x16xf32>,
        %swap3A_769 = vector.shape_cast %swap3A_768 : vector<1x16xf32> to vector<16xf32>
        %swap3A_770 = vector.shape_cast %mul3A_765 : vector<16xf32> to vector<1x16xf32>
        tpu.vector_store %arg11[%swap3A_766, %swap3A_767], %swap3A_770 {strides = array<i32>} : memref<128x128xf32, #tpu.memory_space<vmem>>, vector<1x16xf32>,
        %get3A_771 = arith.index_cast %add3A_697 : i32 to index
        %get3A_772 = arith.constant 112 : index
        %get3A_773 = tpu.vector_load %arg11[%get3A_771, %get3A_772] {strides = array<i32>} : memref<128x128xf32, #tpu.memory_space<vmem>>, vector<1x16xf32>,
        %get3A_774 = vector.shape_cast %get3A_773 : vector<1x16xf32> to vector<16xf32>
        %mul3A_775 = arith.mulf %get3A_774, %broadcast_in_dim3A_700 : vector<16xf32>
        %swap3A_776 = arith.index_cast %add3A_697 : i32 to index
        %swap3A_777 = arith.constant 112 : index
        %swap3A_778 = tpu.vector_load %arg11[%swap3A_776, %swap3A_777] {strides = array<i32>} : memref<128x128xf32, #tpu.memory_space<vmem>>, vector<1x16xf32>,
        %swap3A_779 = vector.shape_cast %swap3A_778 : vector<1x16xf32> to vector<16xf32>
        %swap3A_780 = vector.shape_cast %mul3A_775 : vector<16xf32> to vector<1x16xf32>
        tpu.vector_store %arg11[%swap3A_776, %swap3A_777], %swap3A_780 {strides = array<i32>} : memref<128x128xf32, #tpu.memory_space<vmem>>, vector<1x16xf32>,
        %mul3A_781 = arith.constant 16 : i32
        %mul3A_782 = arith.muli %scan3A_83, %mul3A_781 : i32
        %add3A_783 = arith.constant 8 : i32
        %add3A_784 = arith.addi %mul3A_782, %add3A_783 : i32
        %slice3A_785 = vector.extract_strided_slice %get3A_88 {offsets = [8], sizes = [1], strides = [1]} : vector<16xf32> to vector<1xf32>
        %squeeze3A_786 = vector.extract %slice3A_785[0] : f32 from vector<1xf32>
        %broadcast_in_dim3A_787 = vector.broadcast %squeeze3A_786 : f32 to vector<16xf32>
        %get3A_788 = arith.index_cast %add3A_784 : i32 to index
        %get3A_789 = arith.constant 0 : index
        %get3A_790 = tpu.vector_load %arg11[%get3A_788, %get3A_789] {strides = array<i32>} : memref<128x128xf32, #tpu.memory_space<vmem>>, vector<1x16xf32>,
        %get3A_791 = vector.shape_cast %get3A_790 : vector<1x16xf32> to vector<16xf32>
        %mul3A_792 = arith.mulf %get3A_791, %broadcast_in_dim3A_787 : vector<16xf32>
        %swap3A_793 = arith.index_cast %add3A_784 : i32 to index
        %swap3A_794 = arith.constant 0 : index
        %swap3A_795 = tpu.vector_load %arg11[%swap3A_793, %swap3A_794] {strides = array<i32>} : memref<128x128xf32, #tpu.memory_space<vmem>>, vector<1x16xf32>,
        %swap3A_796 = vector.shape_cast %swap3A_795 : vector<1x16xf32> to vector<16xf32>
        %swap3A_797 = vector.shape_cast %mul3A_792 : vector<16xf32> to vector<1x16xf32>
        tpu.vector_store %arg11[%swap3A_793, %swap3A_794], %swap3A_797 {strides = array<i32>} : memref<128x128xf32, #tpu.memory_space<vmem>>, vector<1x16xf32>,
        %get3A_798 = arith.index_cast %add3A_784 : i32 to index
        %get3A_799 = arith.constant 16 : index
        %get3A_800 = tpu.vector_load %arg11[%get3A_798, %get3A_799] {strides = array<i32>} : memref<128x128xf32, #tpu.memory_space<vmem>>, vector<1x16xf32>,
        %get3A_801 = vector.shape_cast %get3A_800 : vector<1x16xf32> to vector<16xf32>
        %mul3A_802 = arith.mulf %get3A_801, %broadcast_in_dim3A_787 : vector<16xf32>
        %swap3A_803 = arith.index_cast %add3A_784 : i32 to index
        %swap3A_804 = arith.constant 16 : index
        %swap3A_805 = tpu.vector_load %arg11[%swap3A_803, %swap3A_804] {strides = array<i32>} : memref<128x128xf32, #tpu.memory_space<vmem>>, vector<1x16xf32>,
        %swap3A_806 = vector.shape_cast %swap3A_805 : vector<1x16xf32> to vector<16xf32>
        %swap3A_807 = vector.shape_cast %mul3A_802 : vector<16xf32> to vector<1x16xf32>
        tpu.vector_store %arg11[%swap3A_803, %swap3A_804], %swap3A_807 {strides = array<i32>} : memref<128x128xf32, #tpu.memory_space<vmem>>, vector<1x16xf32>,
        %get3A_808 = arith.index_cast %add3A_784 : i32 to index
        %get3A_809 = arith.constant 32 : index
        %get3A_810 = tpu.vector_load %arg11[%get3A_808, %get3A_809] {strides = array<i32>} : memref<128x128xf32, #tpu.memory_space<vmem>>, vector<1x16xf32>,
        %get3A_811 = vector.shape_cast %get3A_810 : vector<1x16xf32> to vector<16xf32>
        %mul3A_812 = arith.mulf %get3A_811, %broadcast_in_dim3A_787 : vector<16xf32>
        %swap3A_813 = arith.index_cast %add3A_784 : i32 to index
        %swap3A_814 = arith.constant 32 : index
        %swap3A_815 = tpu.vector_load %arg11[%swap3A_813, %swap3A_814] {strides = array<i32>} : memref<128x128xf32, #tpu.memory_space<vmem>>, vector<1x16xf32>,
        %swap3A_816 = vector.shape_cast %swap3A_815 : vector<1x16xf32> to vector<16xf32>
        %swap3A_817 = vector.shape_cast %mul3A_812 : vector<16xf32> to vector<1x16xf32>
        tpu.vector_store %arg11[%swap3A_813, %swap3A_814], %swap3A_817 {strides = array<i32>} : memref<128x128xf32, #tpu.memory_space<vmem>>, vector<1x16xf32>,
        %get3A_818 = arith.index_cast %add3A_784 : i32 to index
        %get3A_819 = arith.constant 48 : index
        %get3A_820 = tpu.vector_load %arg11[%get3A_818, %get3A_819] {strides = array<i32>} : memref<128x128xf32, #tpu.memory_space<vmem>>, vector<1x16xf32>,
        %get3A_821 = vector.shape_cast %get3A_820 : vector<1x16xf32> to vector<16xf32>
        %mul3A_822 = arith.mulf %get3A_821, %broadcast_in_dim3A_787 : vector<16xf32>
        %swap3A_823 = arith.index_cast %add3A_784 : i32 to index
        %swap3A_824 = arith.constant 48 : index
        %swap3A_825 = tpu.vector_load %arg11[%swap3A_823, %swap3A_824] {strides = array<i32>} : memref<128x128xf32, #tpu.memory_space<vmem>>, vector<1x16xf32>,
        %swap3A_826 = vector.shape_cast %swap3A_825 : vector<1x16xf32> to vector<16xf32>
        %swap3A_827 = vector.shape_cast %mul3A_822 : vector<16xf32> to vector<1x16xf32>
        tpu.vector_store %arg11[%swap3A_823, %swap3A_824], %swap3A_827 {strides = array<i32>} : memref<128x128xf32, #tpu.memory_space<vmem>>, vector<1x16xf32>,
        %get3A_828 = arith.index_cast %add3A_784 : i32 to index
        %get3A_829 = arith.constant 64 : index
        %get3A_830 = tpu.vector_load %arg11[%get3A_828, %get3A_829] {strides = array<i32>} : memref<128x128xf32, #tpu.memory_space<vmem>>, vector<1x16xf32>,
        %get3A_831 = vector.shape_cast %get3A_830 : vector<1x16xf32> to vector<16xf32>
        %mul3A_832 = arith.mulf %get3A_831, %broadcast_in_dim3A_787 : vector<16xf32>
        %swap3A_833 = arith.index_cast %add3A_784 : i32 to index
        %swap3A_834 = arith.constant 64 : index
        %swap3A_835 = tpu.vector_load %arg11[%swap3A_833, %swap3A_834] {strides = array<i32>} : memref<128x128xf32, #tpu.memory_space<vmem>>, vector<1x16xf32>,
        %swap3A_836 = vector.shape_cast %swap3A_835 : vector<1x16xf32> to vector<16xf32>
        %swap3A_837 = vector.shape_cast %mul3A_832 : vector<16xf32> to vector<1x16xf32>
        tpu.vector_store %arg11[%swap3A_833, %swap3A_834], %swap3A_837 {strides = array<i32>} : memref<128x128xf32, #tpu.memory_space<vmem>>, vector<1x16xf32>,
        %get3A_838 = arith.index_cast %add3A_784 : i32 to index
        %get3A_839 = arith.constant 80 : index
        %get3A_840 = tpu.vector_load %arg11[%get3A_838, %get3A_839] {strides = array<i32>} : memref<128x128xf32, #tpu.memory_space<vmem>>, vector<1x16xf32>,
        %get3A_841 = vector.shape_cast %get3A_840 : vector<1x16xf32> to vector<16xf32>
        %mul3A_842 = arith.mulf %get3A_841, %broadcast_in_dim3A_787 : vector<16xf32>
        %swap3A_843 = arith.index_cast %add3A_784 : i32 to index
        %swap3A_844 = arith.constant 80 : index
        %swap3A_845 = tpu.vector_load %arg11[%swap3A_843, %swap3A_844] {strides = array<i32>} : memref<128x128xf32, #tpu.memory_space<vmem>>, vector<1x16xf32>,
        %swap3A_846 = vector.shape_cast %swap3A_845 : vector<1x16xf32> to vector<16xf32>
        %swap3A_847 = vector.shape_cast %mul3A_842 : vector<16xf32> to vector<1x16xf32>
        tpu.vector_store %arg11[%swap3A_843, %swap3A_844], %swap3A_847 {strides = array<i32>} : memref<128x128xf32, #tpu.memory_space<vmem>>, vector<1x16xf32>,
        %get3A_848 = arith.index_cast %add3A_784 : i32 to index
        %get3A_849 = arith.constant 96 : index
        %get3A_850 = tpu.vector_load %arg11[%get3A_848, %get3A_849] {strides = array<i32>} : memref<128x128xf32, #tpu.memory_space<vmem>>, vector<1x16xf32>,
        %get3A_851 = vector.shape_cast %get3A_850 : vector<1x16xf32> to vector<16xf32>
        %mul3A_852 = arith.mulf %get3A_851, %broadcast_in_dim3A_787 : vector<16xf32>
        %swap3A_853 = arith.index_cast %add3A_784 : i32 to index
        %swap3A_854 = arith.constant 96 : index
        %swap3A_855 = tpu.vector_load %arg11[%swap3A_853, %swap3A_854] {strides = array<i32>} : memref<128x128xf32, #tpu.memory_space<vmem>>, vector<1x16xf32>,
        %swap3A_856 = vector.shape_cast %swap3A_855 : vector<1x16xf32> to vector<16xf32>
        %swap3A_857 = vector.shape_cast %mul3A_852 : vector<16xf32> to vector<1x16xf32>
        tpu.vector_store %arg11[%swap3A_853, %swap3A_854], %swap3A_857 {strides = array<i32>} : memref<128x128xf32, #tpu.memory_space<vmem>>, vector<1x16xf32>,
        %get3A_858 = arith.index_cast %add3A_784 : i32 to index
        %get3A_859 = arith.constant 112 : index
        %get3A_860 = tpu.vector_load %arg11[%get3A_858, %get3A_859] {strides = array<i32>} : memref<128x128xf32, #tpu.memory_space<vmem>>, vector<1x16xf32>,
        %get3A_861 = vector.shape_cast %get3A_860 : vector<1x16xf32> to vector<16xf32>
        %mul3A_862 = arith.mulf %get3A_861, %broadcast_in_dim3A_787 : vector<16xf32>
        %swap3A_863 = arith.index_cast %add3A_784 : i32 to index
        %swap3A_864 = arith.constant 112 : index
        %swap3A_865 = tpu.vector_load %arg11[%swap3A_863, %swap3A_864] {strides = array<i32>} : memref<128x128xf32, #tpu.memory_space<vmem>>, vector<1x16xf32>,
        %swap3A_866 = vector.shape_cast %swap3A_865 : vector<1x16xf32> to vector<16xf32>
        %swap3A_867 = vector.shape_cast %mul3A_862 : vector<16xf32> to vector<1x16xf32>
        tpu.vector_store %arg11[%swap3A_863, %swap3A_864], %swap3A_867 {strides = array<i32>} : memref<128x128xf32, #tpu.memory_space<vmem>>, vector<1x16xf32>,
        %mul3A_868 = arith.constant 16 : i32
        %mul3A_869 = arith.muli %scan3A_83, %mul3A_868 : i32
        %add3A_870 = arith.constant 9 : i32
        %add3A_871 = arith.addi %mul3A_869, %add3A_870 : i32
        %slice3A_872 = vector.extract_strided_slice %get3A_88 {offsets = [9], sizes = [1], strides = [1]} : vector<16xf32> to vector<1xf32>
        %squeeze3A_873 = vector.extract %slice3A_872[0] : f32 from vector<1xf32>
        %broadcast_in_dim3A_874 = vector.broadcast %squeeze3A_873 : f32 to vector<16xf32>
        %get3A_875 = arith.index_cast %add3A_871 : i32 to index
        %get3A_876 = arith.constant 0 : index
        %get3A_877 = tpu.vector_load %arg11[%get3A_875, %get3A_876] {strides = array<i32>} : memref<128x128xf32, #tpu.memory_space<vmem>>, vector<1x16xf32>,
        %get3A_878 = vector.shape_cast %get3A_877 : vector<1x16xf32> to vector<16xf32>
        %mul3A_879 = arith.mulf %get3A_878, %broadcast_in_dim3A_874 : vector<16xf32>
        %swap3A_880 = arith.index_cast %add3A_871 : i32 to index
        %swap3A_881 = arith.constant 0 : index
        %swap3A_882 = tpu.vector_load %arg11[%swap3A_880, %swap3A_881] {strides = array<i32>} : memref<128x128xf32, #tpu.memory_space<vmem>>, vector<1x16xf32>,
        %swap3A_883 = vector.shape_cast %swap3A_882 : vector<1x16xf32> to vector<16xf32>
        %swap3A_884 = vector.shape_cast %mul3A_879 : vector<16xf32> to vector<1x16xf32>
        tpu.vector_store %arg11[%swap3A_880, %swap3A_881], %swap3A_884 {strides = array<i32>} : memref<128x128xf32, #tpu.memory_space<vmem>>, vector<1x16xf32>,
        %get3A_885 = arith.index_cast %add3A_871 : i32 to index
        %get3A_886 = arith.constant 16 : index
        %get3A_887 = tpu.vector_load %arg11[%get3A_885, %get3A_886] {strides = array<i32>} : memref<128x128xf32, #tpu.memory_space<vmem>>, vector<1x16xf32>,
        %get3A_888 = vector.shape_cast %get3A_887 : vector<1x16xf32> to vector<16xf32>
        %mul3A_889 = arith.mulf %get3A_888, %broadcast_in_dim3A_874 : vector<16xf32>
        %swap3A_890 = arith.index_cast %add3A_871 : i32 to index
        %swap3A_891 = arith.constant 16 : index
        %swap3A_892 = tpu.vector_load %arg11[%swap3A_890, %swap3A_891] {strides = array<i32>} : memref<128x128xf32, #tpu.memory_space<vmem>>, vector<1x16xf32>,
        %swap3A_893 = vector.shape_cast %swap3A_892 : vector<1x16xf32> to vector<16xf32>
        %swap3A_894 = vector.shape_cast %mul3A_889 : vector<16xf32> to vector<1x16xf32>
        tpu.vector_store %arg11[%swap3A_890, %swap3A_891], %swap3A_894 {strides = array<i32>} : memref<128x128xf32, #tpu.memory_space<vmem>>, vector<1x16xf32>,
        %get3A_895 = arith.index_cast %add3A_871 : i32 to index
        %get3A_896 = arith.constant 32 : index
        %get3A_897 = tpu.vector_load %arg11[%get3A_895, %get3A_896] {strides = array<i32>} : memref<128x128xf32, #tpu.memory_space<vmem>>, vector<1x16xf32>,
        %get3A_898 = vector.shape_cast %get3A_897 : vector<1x16xf32> to vector<16xf32>
        %mul3A_899 = arith.mulf %get3A_898, %broadcast_in_dim3A_874 : vector<16xf32>
        %swap3A_900 = arith.index_cast %add3A_871 : i32 to index
        %swap3A_901 = arith.constant 32 : index
        %swap3A_902 = tpu.vector_load %arg11[%swap3A_900, %swap3A_901] {strides = array<i32>} : memref<128x128xf32, #tpu.memory_space<vmem>>, vector<1x16xf32>,
        %swap3A_903 = vector.shape_cast %swap3A_902 : vector<1x16xf32> to vector<16xf32>
        %swap3A_904 = vector.shape_cast %mul3A_899 : vector<16xf32> to vector<1x16xf32>
        tpu.vector_store %arg11[%swap3A_900, %swap3A_901], %swap3A_904 {strides = array<i32>} : memref<128x128xf32, #tpu.memory_space<vmem>>, vector<1x16xf32>,
        %get3A_905 = arith.index_cast %add3A_871 : i32 to index
        %get3A_906 = arith.constant 48 : index
        %get3A_907 = tpu.vector_load %arg11[%get3A_905, %get3A_906] {strides = array<i32>} : memref<128x128xf32, #tpu.memory_space<vmem>>, vector<1x16xf32>,
        %get3A_908 = vector.shape_cast %get3A_907 : vector<1x16xf32> to vector<16xf32>
        %mul3A_909 = arith.mulf %get3A_908, %broadcast_in_dim3A_874 : vector<16xf32>
        %swap3A_910 = arith.index_cast %add3A_871 : i32 to index
        %swap3A_911 = arith.constant 48 : index
        %swap3A_912 = tpu.vector_load %arg11[%swap3A_910, %swap3A_911] {strides = array<i32>} : memref<128x128xf32, #tpu.memory_space<vmem>>, vector<1x16xf32>,
        %swap3A_913 = vector.shape_cast %swap3A_912 : vector<1x16xf32> to vector<16xf32>
        %swap3A_914 = vector.shape_cast %mul3A_909 : vector<16xf32> to vector<1x16xf32>
        tpu.vector_store %arg11[%swap3A_910, %swap3A_911], %swap3A_914 {strides = array<i32>} : memref<128x128xf32, #tpu.memory_space<vmem>>, vector<1x16xf32>,
        %get3A_915 = arith.index_cast %add3A_871 : i32 to index
        %get3A_916 = arith.constant 64 : index
        %get3A_917 = tpu.vector_load %arg11[%get3A_915, %get3A_916] {strides = array<i32>} : memref<128x128xf32, #tpu.memory_space<vmem>>, vector<1x16xf32>,
        %get3A_918 = vector.shape_cast %get3A_917 : vector<1x16xf32> to vector<16xf32>
        %mul3A_919 = arith.mulf %get3A_918, %broadcast_in_dim3A_874 : vector<16xf32>
        %swap3A_920 = arith.index_cast %add3A_871 : i32 to index
        %swap3A_921 = arith.constant 64 : index
        %swap3A_922 = tpu.vector_load %arg11[%swap3A_920, %swap3A_921] {strides = array<i32>} : memref<128x128xf32, #tpu.memory_space<vmem>>, vector<1x16xf32>,
        %swap3A_923 = vector.shape_cast %swap3A_922 : vector<1x16xf32> to vector<16xf32>
        %swap3A_924 = vector.shape_cast %mul3A_919 : vector<16xf32> to vector<1x16xf32>
        tpu.vector_store %arg11[%swap3A_920, %swap3A_921], %swap3A_924 {strides = array<i32>} : memref<128x128xf32, #tpu.memory_space<vmem>>, vector<1x16xf32>,
        %get3A_925 = arith.index_cast %add3A_871 : i32 to index
        %get3A_926 = arith.constant 80 : index
        %get3A_927 = tpu.vector_load %arg11[%get3A_925, %get3A_926] {strides = array<i32>} : memref<128x128xf32, #tpu.memory_space<vmem>>, vector<1x16xf32>,
        %get3A_928 = vector.shape_cast %get3A_927 : vector<1x16xf32> to vector<16xf32>
        %mul3A_929 = arith.mulf %get3A_928, %broadcast_in_dim3A_874 : vector<16xf32>
        %swap3A_930 = arith.index_cast %add3A_871 : i32 to index
        %swap3A_931 = arith.constant 80 : index
        %swap3A_932 = tpu.vector_load %arg11[%swap3A_930, %swap3A_931] {strides = array<i32>} : memref<128x128xf32, #tpu.memory_space<vmem>>, vector<1x16xf32>,
        %swap3A_933 = vector.shape_cast %swap3A_932 : vector<1x16xf32> to vector<16xf32>
        %swap3A_934 = vector.shape_cast %mul3A_929 : vector<16xf32> to vector<1x16xf32>
        tpu.vector_store %arg11[%swap3A_930, %swap3A_931], %swap3A_934 {strides = array<i32>} : memref<128x128xf32, #tpu.memory_space<vmem>>, vector<1x16xf32>,
        %get3A_935 = arith.index_cast %add3A_871 : i32 to index
        %get3A_936 = arith.constant 96 : index
        %get3A_937 = tpu.vector_load %arg11[%get3A_935, %get3A_936] {strides = array<i32>} : memref<128x128xf32, #tpu.memory_space<vmem>>, vector<1x16xf32>,
        %get3A_938 = vector.shape_cast %get3A_937 : vector<1x16xf32> to vector<16xf32>
        %mul3A_939 = arith.mulf %get3A_938, %broadcast_in_dim3A_874 : vector<16xf32>
        %swap3A_940 = arith.index_cast %add3A_871 : i32 to index
        %swap3A_941 = arith.constant 96 : index
        %swap3A_942 = tpu.vector_load %arg11[%swap3A_940, %swap3A_941] {strides = array<i32>} : memref<128x128xf32, #tpu.memory_space<vmem>>, vector<1x16xf32>,
        %swap3A_943 = vector.shape_cast %swap3A_942 : vector<1x16xf32> to vector<16xf32>
        %swap3A_944 = vector.shape_cast %mul3A_939 : vector<16xf32> to vector<1x16xf32>
        tpu.vector_store %arg11[%swap3A_940, %swap3A_941], %swap3A_944 {strides = array<i32>} : memref<128x128xf32, #tpu.memory_space<vmem>>, vector<1x16xf32>,
        %get3A_945 = arith.index_cast %add3A_871 : i32 to index
        %get3A_946 = arith.constant 112 : index
        %get3A_947 = tpu.vector_load %arg11[%get3A_945, %get3A_946] {strides = array<i32>} : memref<128x128xf32, #tpu.memory_space<vmem>>, vector<1x16xf32>,
        %get3A_948 = vector.shape_cast %get3A_947 : vector<1x16xf32> to vector<16xf32>
        %mul3A_949 = arith.mulf %get3A_948, %broadcast_in_dim3A_874 : vector<16xf32>
        %swap3A_950 = arith.index_cast %add3A_871 : i32 to index
        %swap3A_951 = arith.constant 112 : index
        %swap3A_952 = tpu.vector_load %arg11[%swap3A_950, %swap3A_951] {strides = array<i32>} : memref<128x128xf32, #tpu.memory_space<vmem>>, vector<1x16xf32>,
        %swap3A_953 = vector.shape_cast %swap3A_952 : vector<1x16xf32> to vector<16xf32>
        %swap3A_954 = vector.shape_cast %mul3A_949 : vector<16xf32> to vector<1x16xf32>
        tpu.vector_store %arg11[%swap3A_950, %swap3A_951], %swap3A_954 {strides = array<i32>} : memref<128x128xf32, #tpu.memory_space<vmem>>, vector<1x16xf32>,
        %mul3A_955 = arith.constant 16 : i32
        %mul3A_956 = arith.muli %scan3A_83, %mul3A_955 : i32
        %add3A_957 = arith.constant 10 : i32
        %add3A_958 = arith.addi %mul3A_956, %add3A_957 : i32
        %slice3A_959 = vector.extract_strided_slice %get3A_88 {offsets = [10], sizes = [1], strides = [1]} : vector<16xf32> to vector<1xf32>
        %squeeze3A_960 = vector.extract %slice3A_959[0] : f32 from vector<1xf32>
        %broadcast_in_dim3A_961 = vector.broadcast %squeeze3A_960 : f32 to vector<16xf32>
        %get3A_962 = arith.index_cast %add3A_958 : i32 to index
        %get3A_963 = arith.constant 0 : index
        %get3A_964 = tpu.vector_load %arg11[%get3A_962, %get3A_963] {strides = array<i32>} : memref<128x128xf32, #tpu.memory_space<vmem>>, vector<1x16xf32>,
        %get3A_965 = vector.shape_cast %get3A_964 : vector<1x16xf32> to vector<16xf32>
        %mul3A_966 = arith.mulf %get3A_965, %broadcast_in_dim3A_961 : vector<16xf32>
        %swap3A_967 = arith.index_cast %add3A_958 : i32 to index
        %swap3A_968 = arith.constant 0 : index
        %swap3A_969 = tpu.vector_load %arg11[%swap3A_967, %swap3A_968] {strides = array<i32>} : memref<128x128xf32, #tpu.memory_space<vmem>>, vector<1x16xf32>,
        %swap3A_970 = vector.shape_cast %swap3A_969 : vector<1x16xf32> to vector<16xf32>
        %swap3A_971 = vector.shape_cast %mul3A_966 : vector<16xf32> to vector<1x16xf32>
        tpu.vector_store %arg11[%swap3A_967, %swap3A_968], %swap3A_971 {strides = array<i32>} : memref<128x128xf32, #tpu.memory_space<vmem>>, vector<1x16xf32>,
        %get3A_972 = arith.index_cast %add3A_958 : i32 to index
        %get3A_973 = arith.constant 16 : index
        %get3A_974 = tpu.vector_load %arg11[%get3A_972, %get3A_973] {strides = array<i32>} : memref<128x128xf32, #tpu.memory_space<vmem>>, vector<1x16xf32>,
        %get3A_975 = vector.shape_cast %get3A_974 : vector<1x16xf32> to vector<16xf32>
        %mul3A_976 = arith.mulf %get3A_975, %broadcast_in_dim3A_961 : vector<16xf32>
        %swap3A_977 = arith.index_cast %add3A_958 : i32 to index
        %swap3A_978 = arith.constant 16 : index
        %swap3A_979 = tpu.vector_load %arg11[%swap3A_977, %swap3A_978] {strides = array<i32>} : memref<128x128xf32, #tpu.memory_space<vmem>>, vector<1x16xf32>,
        %swap3A_980 = vector.shape_cast %swap3A_979 : vector<1x16xf32> to vector<16xf32>
        %swap3A_981 = vector.shape_cast %mul3A_976 : vector<16xf32> to vector<1x16xf32>
        tpu.vector_store %arg11[%swap3A_977, %swap3A_978], %swap3A_981 {strides = array<i32>} : memref<128x128xf32, #tpu.memory_space<vmem>>, vector<1x16xf32>,
        %get3A_982 = arith.index_cast %add3A_958 : i32 to index
        %get3A_983 = arith.constant 32 : index
        %get3A_984 = tpu.vector_load %arg11[%get3A_982, %get3A_983] {strides = array<i32>} : memref<128x128xf32, #tpu.memory_space<vmem>>, vector<1x16xf32>,
        %get3A_985 = vector.shape_cast %get3A_984 : vector<1x16xf32> to vector<16xf32>
        %mul3A_986 = arith.mulf %get3A_985, %broadcast_in_dim3A_961 : vector<16xf32>
        %swap3A_987 = arith.index_cast %add3A_958 : i32 to index
        %swap3A_988 = arith.constant 32 : index
        %swap3A_989 = tpu.vector_load %arg11[%swap3A_987, %swap3A_988] {strides = array<i32>} : memref<128x128xf32, #tpu.memory_space<vmem>>, vector<1x16xf32>,
        %swap3A_990 = vector.shape_cast %swap3A_989 : vector<1x16xf32> to vector<16xf32>
        %swap3A_991 = vector.shape_cast %mul3A_986 : vector<16xf32> to vector<1x16xf32>
        tpu.vector_store %arg11[%swap3A_987, %swap3A_988], %swap3A_991 {strides = array<i32>} : memref<128x128xf32, #tpu.memory_space<vmem>>, vector<1x16xf32>,
        %get3A_992 = arith.index_cast %add3A_958 : i32 to index
        %get3A_993 = arith.constant 48 : index
        %get3A_994 = tpu.vector_load %arg11[%get3A_992, %get3A_993] {strides = array<i32>} : memref<128x128xf32, #tpu.memory_space<vmem>>, vector<1x16xf32>,
        %get3A_995 = vector.shape_cast %get3A_994 : vector<1x16xf32> to vector<16xf32>
        %mul3A_996 = arith.mulf %get3A_995, %broadcast_in_dim3A_961 : vector<16xf32>
        %swap3A_997 = arith.index_cast %add3A_958 : i32 to index
        %swap3A_998 = arith.constant 48 : index
        %swap3A_999 = tpu.vector_load %arg11[%swap3A_997, %swap3A_998] {strides = array<i32>} : memref<128x128xf32, #tpu.memory_space<vmem>>, vector<1x16xf32>,
        %swap3A_1000 = vector.shape_cast %swap3A_999 : vector<1x16xf32> to vector<16xf32>
        %swap3A_1001 = vector.shape_cast %mul3A_996 : vector<16xf32> to vector<1x16xf32>
        tpu.vector_store %arg11[%swap3A_997, %swap3A_998], %swap3A_1001 {strides = array<i32>} : memref<128x128xf32, #tpu.memory_space<vmem>>, vector<1x16xf32>,
        %get3A_1002 = arith.index_cast %add3A_958 : i32 to index
        %get3A_1003 = arith.constant 64 : index
        %get3A_1004 = tpu.vector_load %arg11[%get3A_1002, %get3A_1003] {strides = array<i32>} : memref<128x128xf32, #tpu.memory_space<vmem>>, vector<1x16xf32>,
        %get3A_1005 = vector.shape_cast %get3A_1004 : vector<1x16xf32> to vector<16xf32>
        %mul3A_1006 = arith.mulf %get3A_1005, %broadcast_in_dim3A_961 : vector<16xf32>
        %swap3A_1007 = arith.index_cast %add3A_958 : i32 to index
        %swap3A_1008 = arith.constant 64 : index
        %swap3A_1009 = tpu.vector_load %arg11[%swap3A_1007, %swap3A_1008] {strides = array<i32>} : memref<128x128xf32, #tpu.memory_space<vmem>>, vector<1x16xf32>,
        %swap3A_1010 = vector.shape_cast %swap3A_1009 : vector<1x16xf32> to vector<16xf32>
        %swap3A_1011 = vector.shape_cast %mul3A_1006 : vector<16xf32> to vector<1x16xf32>
        tpu.vector_store %arg11[%swap3A_1007, %swap3A_1008], %swap3A_1011 {strides = array<i32>} : memref<128x128xf32, #tpu.memory_space<vmem>>, vector<1x16xf32>,
        %get3A_1012 = arith.index_cast %add3A_958 : i32 to index
        %get3A_1013 = arith.constant 80 : index
        %get3A_1014 = tpu.vector_load %arg11[%get3A_1012, %get3A_1013] {strides = array<i32>} : memref<128x128xf32, #tpu.memory_space<vmem>>, vector<1x16xf32>,
        %get3A_1015 = vector.shape_cast %get3A_1014 : vector<1x16xf32> to vector<16xf32>
        %mul3A_1016 = arith.mulf %get3A_1015, %broadcast_in_dim3A_961 : vector<16xf32>
        %swap3A_1017 = arith.index_cast %add3A_958 : i32 to index
        %swap3A_1018 = arith.constant 80 : index
        %swap3A_1019 = tpu.vector_load %arg11[%swap3A_1017, %swap3A_1018] {strides = array<i32>} : memref<128x128xf32, #tpu.memory_space<vmem>>, vector<1x16xf32>,
        %swap3A_1020 = vector.shape_cast %swap3A_1019 : vector<1x16xf32> to vector<16xf32>
        %swap3A_1021 = vector.shape_cast %mul3A_1016 : vector<16xf32> to vector<1x16xf32>
        tpu.vector_store %arg11[%swap3A_1017, %swap3A_1018], %swap3A_1021 {strides = array<i32>} : memref<128x128xf32, #tpu.memory_space<vmem>>, vector<1x16xf32>,
        %get3A_1022 = arith.index_cast %add3A_958 : i32 to index
        %get3A_1023 = arith.constant 96 : index
        %get3A_1024 = tpu.vector_load %arg11[%get3A_1022, %get3A_1023] {strides = array<i32>} : memref<128x128xf32, #tpu.memory_space<vmem>>, vector<1x16xf32>,
        %get3A_1025 = vector.shape_cast %get3A_1024 : vector<1x16xf32> to vector<16xf32>
        %mul3A_1026 = arith.mulf %get3A_1025, %broadcast_in_dim3A_961 : vector<16xf32>
        %swap3A_1027 = arith.index_cast %add3A_958 : i32 to index
        %swap3A_1028 = arith.constant 96 : index
        %swap3A_1029 = tpu.vector_load %arg11[%swap3A_1027, %swap3A_1028] {strides = array<i32>} : memref<128x128xf32, #tpu.memory_space<vmem>>, vector<1x16xf32>,
        %swap3A_1030 = vector.shape_cast %swap3A_1029 : vector<1x16xf32> to vector<16xf32>
        %swap3A_1031 = vector.shape_cast %mul3A_1026 : vector<16xf32> to vector<1x16xf32>
        tpu.vector_store %arg11[%swap3A_1027, %swap3A_1028], %swap3A_1031 {strides = array<i32>} : memref<128x128xf32, #tpu.memory_space<vmem>>, vector<1x16xf32>,
        %get3A_1032 = arith.index_cast %add3A_958 : i32 to index
        %get3A_1033 = arith.constant 112 : index
        %get3A_1034 = tpu.vector_load %arg11[%get3A_1032, %get3A_1033] {strides = array<i32>} : memref<128x128xf32, #tpu.memory_space<vmem>>, vector<1x16xf32>,
        %get3A_1035 = vector.shape_cast %get3A_1034 : vector<1x16xf32> to vector<16xf32>
        %mul3A_1036 = arith.mulf %get3A_1035, %broadcast_in_dim3A_961 : vector<16xf32>
        %swap3A_1037 = arith.index_cast %add3A_958 : i32 to index
        %swap3A_1038 = arith.constant 112 : index
        %swap3A_1039 = tpu.vector_load %arg11[%swap3A_1037, %swap3A_1038] {strides = array<i32>} : memref<128x128xf32, #tpu.memory_space<vmem>>, vector<1x16xf32>,
        %swap3A_1040 = vector.shape_cast %swap3A_1039 : vector<1x16xf32> to vector<16xf32>
        %swap3A_1041 = vector.shape_cast %mul3A_1036 : vector<16xf32> to vector<1x16xf32>
        tpu.vector_store %arg11[%swap3A_1037, %swap3A_1038], %swap3A_1041 {strides = array<i32>} : memref<128x128xf32, #tpu.memory_space<vmem>>, vector<1x16xf32>,
        %mul3A_1042 = arith.constant 16 : i32
        %mul3A_1043 = arith.muli %scan3A_83, %mul3A_1042 : i32
        %add3A_1044 = arith.constant 11 : i32
        %add3A_1045 = arith.addi %mul3A_1043, %add3A_1044 : i32
        %slice3A_1046 = vector.extract_strided_slice %get3A_88 {offsets = [11], sizes = [1], strides = [1]} : vector<16xf32> to vector<1xf32>
        %squeeze3A_1047 = vector.extract %slice3A_1046[0] : f32 from vector<1xf32>
        %broadcast_in_dim3A_1048 = vector.broadcast %squeeze3A_1047 : f32 to vector<16xf32>
        %get3A_1049 = arith.index_cast %add3A_1045 : i32 to index
        %get3A_1050 = arith.constant 0 : index
        %get3A_1051 = tpu.vector_load %arg11[%get3A_1049, %get3A_1050] {strides = array<i32>} : memref<128x128xf32, #tpu.memory_space<vmem>>, vector<1x16xf32>,
        %get3A_1052 = vector.shape_cast %get3A_1051 : vector<1x16xf32> to vector<16xf32>
        %mul3A_1053 = arith.mulf %get3A_1052, %broadcast_in_dim3A_1048 : vector<16xf32>
        %swap3A_1054 = arith.index_cast %add3A_1045 : i32 to index
        %swap3A_1055 = arith.constant 0 : index
        %swap3A_1056 = tpu.vector_load %arg11[%swap3A_1054, %swap3A_1055] {strides = array<i32>} : memref<128x128xf32, #tpu.memory_space<vmem>>, vector<1x16xf32>,
        %swap3A_1057 = vector.shape_cast %swap3A_1056 : vector<1x16xf32> to vector<16xf32>
        %swap3A_1058 = vector.shape_cast %mul3A_1053 : vector<16xf32> to vector<1x16xf32>
        tpu.vector_store %arg11[%swap3A_1054, %swap3A_1055], %swap3A_1058 {strides = array<i32>} : memref<128x128xf32, #tpu.memory_space<vmem>>, vector<1x16xf32>,
        %get3A_1059 = arith.index_cast %add3A_1045 : i32 to index
        %get3A_1060 = arith.constant 16 : index
        %get3A_1061 = tpu.vector_load %arg11[%get3A_1059, %get3A_1060] {strides = array<i32>} : memref<128x128xf32, #tpu.memory_space<vmem>>, vector<1x16xf32>,
        %get3A_1062 = vector.shape_cast %get3A_1061 : vector<1x16xf32> to vector<16xf32>
        %mul3A_1063 = arith.mulf %get3A_1062, %broadcast_in_dim3A_1048 : vector<16xf32>
        %swap3A_1064 = arith.index_cast %add3A_1045 : i32 to index
        %swap3A_1065 = arith.constant 16 : index
        %swap3A_1066 = tpu.vector_load %arg11[%swap3A_1064, %swap3A_1065] {strides = array<i32>} : memref<128x128xf32, #tpu.memory_space<vmem>>, vector<1x16xf32>,
        %swap3A_1067 = vector.shape_cast %swap3A_1066 : vector<1x16xf32> to vector<16xf32>
        %swap3A_1068 = vector.shape_cast %mul3A_1063 : vector<16xf32> to vector<1x16xf32>
        tpu.vector_store %arg11[%swap3A_1064, %swap3A_1065], %swap3A_1068 {strides = array<i32>} : memref<128x128xf32, #tpu.memory_space<vmem>>, vector<1x16xf32>,
        %get3A_1069 = arith.index_cast %add3A_1045 : i32 to index
        %get3A_1070 = arith.constant 32 : index
        %get3A_1071 = tpu.vector_load %arg11[%get3A_1069, %get3A_1070] {strides = array<i32>} : memref<128x128xf32, #tpu.memory_space<vmem>>, vector<1x16xf32>,
        %get3A_1072 = vector.shape_cast %get3A_1071 : vector<1x16xf32> to vector<16xf32>
        %mul3A_1073 = arith.mulf %get3A_1072, %broadcast_in_dim3A_1048 : vector<16xf32>
        %swap3A_1074 = arith.index_cast %add3A_1045 : i32 to index
        %swap3A_1075 = arith.constant 32 : index
        %swap3A_1076 = tpu.vector_load %arg11[%swap3A_1074, %swap3A_1075] {strides = array<i32>} : memref<128x128xf32, #tpu.memory_space<vmem>>, vector<1x16xf32>,
        %swap3A_1077 = vector.shape_cast %swap3A_1076 : vector<1x16xf32> to vector<16xf32>
        %swap3A_1078 = vector.shape_cast %mul3A_1073 : vector<16xf32> to vector<1x16xf32>
        tpu.vector_store %arg11[%swap3A_1074, %swap3A_1075], %swap3A_1078 {strides = array<i32>} : memref<128x128xf32, #tpu.memory_space<vmem>>, vector<1x16xf32>,
        %get3A_1079 = arith.index_cast %add3A_1045 : i32 to index
        %get3A_1080 = arith.constant 48 : index
        %get3A_1081 = tpu.vector_load %arg11[%get3A_1079, %get3A_1080] {strides = array<i32>} : memref<128x128xf32, #tpu.memory_space<vmem>>, vector<1x16xf32>,
        %get3A_1082 = vector.shape_cast %get3A_1081 : vector<1x16xf32> to vector<16xf32>
        %mul3A_1083 = arith.mulf %get3A_1082, %broadcast_in_dim3A_1048 : vector<16xf32>
        %swap3A_1084 = arith.index_cast %add3A_1045 : i32 to index
        %swap3A_1085 = arith.constant 48 : index
        %swap3A_1086 = tpu.vector_load %arg11[%swap3A_1084, %swap3A_1085] {strides = array<i32>} : memref<128x128xf32, #tpu.memory_space<vmem>>, vector<1x16xf32>,
        %swap3A_1087 = vector.shape_cast %swap3A_1086 : vector<1x16xf32> to vector<16xf32>
        %swap3A_1088 = vector.shape_cast %mul3A_1083 : vector<16xf32> to vector<1x16xf32>
        tpu.vector_store %arg11[%swap3A_1084, %swap3A_1085], %swap3A_1088 {strides = array<i32>} : memref<128x128xf32, #tpu.memory_space<vmem>>, vector<1x16xf32>,
        %get3A_1089 = arith.index_cast %add3A_1045 : i32 to index
        %get3A_1090 = arith.constant 64 : index
        %get3A_1091 = tpu.vector_load %arg11[%get3A_1089, %get3A_1090] {strides = array<i32>} : memref<128x128xf32, #tpu.memory_space<vmem>>, vector<1x16xf32>,
        %get3A_1092 = vector.shape_cast %get3A_1091 : vector<1x16xf32> to vector<16xf32>
        %mul3A_1093 = arith.mulf %get3A_1092, %broadcast_in_dim3A_1048 : vector<16xf32>
        %swap3A_1094 = arith.index_cast %add3A_1045 : i32 to index
        %swap3A_1095 = arith.constant 64 : index
        %swap3A_1096 = tpu.vector_load %arg11[%swap3A_1094, %swap3A_1095] {strides = array<i32>} : memref<128x128xf32, #tpu.memory_space<vmem>>, vector<1x16xf32>,
        %swap3A_1097 = vector.shape_cast %swap3A_1096 : vector<1x16xf32> to vector<16xf32>
        %swap3A_1098 = vector.shape_cast %mul3A_1093 : vector<16xf32> to vector<1x16xf32>
        tpu.vector_store %arg11[%swap3A_1094, %swap3A_1095], %swap3A_1098 {strides = array<i32>} : memref<128x128xf32, #tpu.memory_space<vmem>>, vector<1x16xf32>,
        %get3A_1099 = arith.index_cast %add3A_1045 : i32 to index
        %get3A_1100 = arith.constant 80 : index
        %get3A_1101 = tpu.vector_load %arg11[%get3A_1099, %get3A_1100] {strides = array<i32>} : memref<128x128xf32, #tpu.memory_space<vmem>>, vector<1x16xf32>,
        %get3A_1102 = vector.shape_cast %get3A_1101 : vector<1x16xf32> to vector<16xf32>
        %mul3A_1103 = arith.mulf %get3A_1102, %broadcast_in_dim3A_1048 : vector<16xf32>
        %swap3A_1104 = arith.index_cast %add3A_1045 : i32 to index
        %swap3A_1105 = arith.constant 80 : index
        %swap3A_1106 = tpu.vector_load %arg11[%swap3A_1104, %swap3A_1105] {strides = array<i32>} : memref<128x128xf32, #tpu.memory_space<vmem>>, vector<1x16xf32>,
        %swap3A_1107 = vector.shape_cast %swap3A_1106 : vector<1x16xf32> to vector<16xf32>
        %swap3A_1108 = vector.shape_cast %mul3A_1103 : vector<16xf32> to vector<1x16xf32>
        tpu.vector_store %arg11[%swap3A_1104, %swap3A_1105], %swap3A_1108 {strides = array<i32>} : memref<128x128xf32, #tpu.memory_space<vmem>>, vector<1x16xf32>,
        %get3A_1109 = arith.index_cast %add3A_1045 : i32 to index
        %get3A_1110 = arith.constant 96 : index
        %get3A_1111 = tpu.vector_load %arg11[%get3A_1109, %get3A_1110] {strides = array<i32>} : memref<128x128xf32, #tpu.memory_space<vmem>>, vector<1x16xf32>,
        %get3A_1112 = vector.shape_cast %get3A_1111 : vector<1x16xf32> to vector<16xf32>
        %mul3A_1113 = arith.mulf %get3A_1112, %broadcast_in_dim3A_1048 : vector<16xf32>
        %swap3A_1114 = arith.index_cast %add3A_1045 : i32 to index
        %swap3A_1115 = arith.constant 96 : index
        %swap3A_1116 = tpu.vector_load %arg11[%swap3A_1114, %swap3A_1115] {strides = array<i32>} : memref<128x128xf32, #tpu.memory_space<vmem>>, vector<1x16xf32>,
        %swap3A_1117 = vector.shape_cast %swap3A_1116 : vector<1x16xf32> to vector<16xf32>
        %swap3A_1118 = vector.shape_cast %mul3A_1113 : vector<16xf32> to vector<1x16xf32>
        tpu.vector_store %arg11[%swap3A_1114, %swap3A_1115], %swap3A_1118 {strides = array<i32>} : memref<128x128xf32, #tpu.memory_space<vmem>>, vector<1x16xf32>,
        %get3A_1119 = arith.index_cast %add3A_1045 : i32 to index
        %get3A_1120 = arith.constant 112 : index
        %get3A_1121 = tpu.vector_load %arg11[%get3A_1119, %get3A_1120] {strides = array<i32>} : memref<128x128xf32, #tpu.memory_space<vmem>>, vector<1x16xf32>,
        %get3A_1122 = vector.shape_cast %get3A_1121 : vector<1x16xf32> to vector<16xf32>
        %mul3A_1123 = arith.mulf %get3A_1122, %broadcast_in_dim3A_1048 : vector<16xf32>
        %swap3A_1124 = arith.index_cast %add3A_1045 : i32 to index
        %swap3A_1125 = arith.constant 112 : index
        %swap3A_1126 = tpu.vector_load %arg11[%swap3A_1124, %swap3A_1125] {strides = array<i32>} : memref<128x128xf32, #tpu.memory_space<vmem>>, vector<1x16xf32>,
        %swap3A_1127 = vector.shape_cast %swap3A_1126 : vector<1x16xf32> to vector<16xf32>
        %swap3A_1128 = vector.shape_cast %mul3A_1123 : vector<16xf32> to vector<1x16xf32>
        tpu.vector_store %arg11[%swap3A_1124, %swap3A_1125], %swap3A_1128 {strides = array<i32>} : memref<128x128xf32, #tpu.memory_space<vmem>>, vector<1x16xf32>,
        %mul3A_1129 = arith.constant 16 : i32
        %mul3A_1130 = arith.muli %scan3A_83, %mul3A_1129 : i32
        %add3A_1131 = arith.constant 12 : i32
        %add3A_1132 = arith.addi %mul3A_1130, %add3A_1131 : i32
        %slice3A_1133 = vector.extract_strided_slice %get3A_88 {offsets = [12], sizes = [1], strides = [1]} : vector<16xf32> to vector<1xf32>
        %squeeze3A_1134 = vector.extract %slice3A_1133[0] : f32 from vector<1xf32>
        %broadcast_in_dim3A_1135 = vector.broadcast %squeeze3A_1134 : f32 to vector<16xf32>
        %get3A_1136 = arith.index_cast %add3A_1132 : i32 to index
        %get3A_1137 = arith.constant 0 : index
        %get3A_1138 = tpu.vector_load %arg11[%get3A_1136, %get3A_1137] {strides = array<i32>} : memref<128x128xf32, #tpu.memory_space<vmem>>, vector<1x16xf32>,
        %get3A_1139 = vector.shape_cast %get3A_1138 : vector<1x16xf32> to vector<16xf32>
        %mul3A_1140 = arith.mulf %get3A_1139, %broadcast_in_dim3A_1135 : vector<16xf32>
        %swap3A_1141 = arith.index_cast %add3A_1132 : i32 to index
        %swap3A_1142 = arith.constant 0 : index
        %swap3A_1143 = tpu.vector_load %arg11[%swap3A_1141, %swap3A_1142] {strides = array<i32>} : memref<128x128xf32, #tpu.memory_space<vmem>>, vector<1x16xf32>,
        %swap3A_1144 = vector.shape_cast %swap3A_1143 : vector<1x16xf32> to vector<16xf32>
        %swap3A_1145 = vector.shape_cast %mul3A_1140 : vector<16xf32> to vector<1x16xf32>
        tpu.vector_store %arg11[%swap3A_1141, %swap3A_1142], %swap3A_1145 {strides = array<i32>} : memref<128x128xf32, #tpu.memory_space<vmem>>, vector<1x16xf32>,
        %get3A_1146 = arith.index_cast %add3A_1132 : i32 to index
        %get3A_1147 = arith.constant 16 : index
        %get3A_1148 = tpu.vector_load %arg11[%get3A_1146, %get3A_1147] {strides = array<i32>} : memref<128x128xf32, #tpu.memory_space<vmem>>, vector<1x16xf32>,
        %get3A_1149 = vector.shape_cast %get3A_1148 : vector<1x16xf32> to vector<16xf32>
        %mul3A_1150 = arith.mulf %get3A_1149, %broadcast_in_dim3A_1135 : vector<16xf32>
        %swap3A_1151 = arith.index_cast %add3A_1132 : i32 to index
        %swap3A_1152 = arith.constant 16 : index
        %swap3A_1153 = tpu.vector_load %arg11[%swap3A_1151, %swap3A_1152] {strides = array<i32>} : memref<128x128xf32, #tpu.memory_space<vmem>>, vector<1x16xf32>,
        %swap3A_1154 = vector.shape_cast %swap3A_1153 : vector<1x16xf32> to vector<16xf32>
        %swap3A_1155 = vector.shape_cast %mul3A_1150 : vector<16xf32> to vector<1x16xf32>
        tpu.vector_store %arg11[%swap3A_1151, %swap3A_1152], %swap3A_1155 {strides = array<i32>} : memref<128x128xf32, #tpu.memory_space<vmem>>, vector<1x16xf32>,
        %get3A_1156 = arith.index_cast %add3A_1132 : i32 to index
        %get3A_1157 = arith.constant 32 : index
        %get3A_1158 = tpu.vector_load %arg11[%get3A_1156, %get3A_1157] {strides = array<i32>} : memref<128x128xf32, #tpu.memory_space<vmem>>, vector<1x16xf32>,
        %get3A_1159 = vector.shape_cast %get3A_1158 : vector<1x16xf32> to vector<16xf32>
        %mul3A_1160 = arith.mulf %get3A_1159, %broadcast_in_dim3A_1135 : vector<16xf32>
        %swap3A_1161 = arith.index_cast %add3A_1132 : i32 to index
        %swap3A_1162 = arith.constant 32 : index
        %swap3A_1163 = tpu.vector_load %arg11[%swap3A_1161, %swap3A_1162] {strides = array<i32>} : memref<128x128xf32, #tpu.memory_space<vmem>>, vector<1x16xf32>,
        %swap3A_1164 = vector.shape_cast %swap3A_1163 : vector<1x16xf32> to vector<16xf32>
        %swap3A_1165 = vector.shape_cast %mul3A_1160 : vector<16xf32> to vector<1x16xf32>
        tpu.vector_store %arg11[%swap3A_1161, %swap3A_1162], %swap3A_1165 {strides = array<i32>} : memref<128x128xf32, #tpu.memory_space<vmem>>, vector<1x16xf32>,
        %get3A_1166 = arith.index_cast %add3A_1132 : i32 to index
        %get3A_1167 = arith.constant 48 : index
        %get3A_1168 = tpu.vector_load %arg11[%get3A_1166, %get3A_1167] {strides = array<i32>} : memref<128x128xf32, #tpu.memory_space<vmem>>, vector<1x16xf32>,
        %get3A_1169 = vector.shape_cast %get3A_1168 : vector<1x16xf32> to vector<16xf32>
        %mul3A_1170 = arith.mulf %get3A_1169, %broadcast_in_dim3A_1135 : vector<16xf32>
        %swap3A_1171 = arith.index_cast %add3A_1132 : i32 to index
        %swap3A_1172 = arith.constant 48 : index
        %swap3A_1173 = tpu.vector_load %arg11[%swap3A_1171, %swap3A_1172] {strides = array<i32>} : memref<128x128xf32, #tpu.memory_space<vmem>>, vector<1x16xf32>,
        %swap3A_1174 = vector.shape_cast %swap3A_1173 : vector<1x16xf32> to vector<16xf32>
        %swap3A_1175 = vector.shape_cast %mul3A_1170 : vector<16xf32> to vector<1x16xf32>
        tpu.vector_store %arg11[%swap3A_1171, %swap3A_1172], %swap3A_1175 {strides = array<i32>} : memref<128x128xf32, #tpu.memory_space<vmem>>, vector<1x16xf32>,
        %get3A_1176 = arith.index_cast %add3A_1132 : i32 to index
        %get3A_1177 = arith.constant 64 : index
        %get3A_1178 = tpu.vector_load %arg11[%get3A_1176, %get3A_1177] {strides = array<i32>} : memref<128x128xf32, #tpu.memory_space<vmem>>, vector<1x16xf32>,
        %get3A_1179 = vector.shape_cast %get3A_1178 : vector<1x16xf32> to vector<16xf32>
        %mul3A_1180 = arith.mulf %get3A_1179, %broadcast_in_dim3A_1135 : vector<16xf32>
        %swap3A_1181 = arith.index_cast %add3A_1132 : i32 to index
        %swap3A_1182 = arith.constant 64 : index
        %swap3A_1183 = tpu.vector_load %arg11[%swap3A_1181, %swap3A_1182] {strides = array<i32>} : memref<128x128xf32, #tpu.memory_space<vmem>>, vector<1x16xf32>,
        %swap3A_1184 = vector.shape_cast %swap3A_1183 : vector<1x16xf32> to vector<16xf32>
        %swap3A_1185 = vector.shape_cast %mul3A_1180 : vector<16xf32> to vector<1x16xf32>
        tpu.vector_store %arg11[%swap3A_1181, %swap3A_1182], %swap3A_1185 {strides = array<i32>} : memref<128x128xf32, #tpu.memory_space<vmem>>, vector<1x16xf32>,
        %get3A_1186 = arith.index_cast %add3A_1132 : i32 to index
        %get3A_1187 = arith.constant 80 : index
        %get3A_1188 = tpu.vector_load %arg11[%get3A_1186, %get3A_1187] {strides = array<i32>} : memref<128x128xf32, #tpu.memory_space<vmem>>, vector<1x16xf32>,
        %get3A_1189 = vector.shape_cast %get3A_1188 : vector<1x16xf32> to vector<16xf32>
        %mul3A_1190 = arith.mulf %get3A_1189, %broadcast_in_dim3A_1135 : vector<16xf32>
        %swap3A_1191 = arith.index_cast %add3A_1132 : i32 to index
        %swap3A_1192 = arith.constant 80 : index
        %swap3A_1193 = tpu.vector_load %arg11[%swap3A_1191, %swap3A_1192] {strides = array<i32>} : memref<128x128xf32, #tpu.memory_space<vmem>>, vector<1x16xf32>,
        %swap3A_1194 = vector.shape_cast %swap3A_1193 : vector<1x16xf32> to vector<16xf32>
        %swap3A_1195 = vector.shape_cast %mul3A_1190 : vector<16xf32> to vector<1x16xf32>
        tpu.vector_store %arg11[%swap3A_1191, %swap3A_1192], %swap3A_1195 {strides = array<i32>} : memref<128x128xf32, #tpu.memory_space<vmem>>, vector<1x16xf32>,
        %get3A_1196 = arith.index_cast %add3A_1132 : i32 to index
        %get3A_1197 = arith.constant 96 : index
        %get3A_1198 = tpu.vector_load %arg11[%get3A_1196, %get3A_1197] {strides = array<i32>} : memref<128x128xf32, #tpu.memory_space<vmem>>, vector<1x16xf32>,
        %get3A_1199 = vector.shape_cast %get3A_1198 : vector<1x16xf32> to vector<16xf32>
        %mul3A_1200 = arith.mulf %get3A_1199, %broadcast_in_dim3A_1135 : vector<16xf32>
        %swap3A_1201 = arith.index_cast %add3A_1132 : i32 to index
        %swap3A_1202 = arith.constant 96 : index
        %swap3A_1203 = tpu.vector_load %arg11[%swap3A_1201, %swap3A_1202] {strides = array<i32>} : memref<128x128xf32, #tpu.memory_space<vmem>>, vector<1x16xf32>,
        %swap3A_1204 = vector.shape_cast %swap3A_1203 : vector<1x16xf32> to vector<16xf32>
        %swap3A_1205 = vector.shape_cast %mul3A_1200 : vector<16xf32> to vector<1x16xf32>
        tpu.vector_store %arg11[%swap3A_1201, %swap3A_1202], %swap3A_1205 {strides = array<i32>} : memref<128x128xf32, #tpu.memory_space<vmem>>, vector<1x16xf32>,
        %get3A_1206 = arith.index_cast %add3A_1132 : i32 to index
        %get3A_1207 = arith.constant 112 : index
        %get3A_1208 = tpu.vector_load %arg11[%get3A_1206, %get3A_1207] {strides = array<i32>} : memref<128x128xf32, #tpu.memory_space<vmem>>, vector<1x16xf32>,
        %get3A_1209 = vector.shape_cast %get3A_1208 : vector<1x16xf32> to vector<16xf32>
        %mul3A_1210 = arith.mulf %get3A_1209, %broadcast_in_dim3A_1135 : vector<16xf32>
        %swap3A_1211 = arith.index_cast %add3A_1132 : i32 to index
        %swap3A_1212 = arith.constant 112 : index
        %swap3A_1213 = tpu.vector_load %arg11[%swap3A_1211, %swap3A_1212] {strides = array<i32>} : memref<128x128xf32, #tpu.memory_space<vmem>>, vector<1x16xf32>,
        %swap3A_1214 = vector.shape_cast %swap3A_1213 : vector<1x16xf32> to vector<16xf32>
        %swap3A_1215 = vector.shape_cast %mul3A_1210 : vector<16xf32> to vector<1x16xf32>
        tpu.vector_store %arg11[%swap3A_1211, %swap3A_1212], %swap3A_1215 {strides = array<i32>} : memref<128x128xf32, #tpu.memory_space<vmem>>, vector<1x16xf32>,
        %mul3A_1216 = arith.constant 16 : i32
        %mul3A_1217 = arith.muli %scan3A_83, %mul3A_1216 : i32
        %add3A_1218 = arith.constant 13 : i32
        %add3A_1219 = arith.addi %mul3A_1217, %add3A_1218 : i32
        %slice3A_1220 = vector.extract_strided_slice %get3A_88 {offsets = [13], sizes = [1], strides = [1]} : vector<16xf32> to vector<1xf32>
        %squeeze3A_1221 = vector.extract %slice3A_1220[0] : f32 from vector<1xf32>
        %broadcast_in_dim3A_1222 = vector.broadcast %squeeze3A_1221 : f32 to vector<16xf32>
        %get3A_1223 = arith.index_cast %add3A_1219 : i32 to index
        %get3A_1224 = arith.constant 0 : index
        %get3A_1225 = tpu.vector_load %arg11[%get3A_1223, %get3A_1224] {strides = array<i32>} : memref<128x128xf32, #tpu.memory_space<vmem>>, vector<1x16xf32>,
        %get3A_1226 = vector.shape_cast %get3A_1225 : vector<1x16xf32> to vector<16xf32>
        %mul3A_1227 = arith.mulf %get3A_1226, %broadcast_in_dim3A_1222 : vector<16xf32>
        %swap3A_1228 = arith.index_cast %add3A_1219 : i32 to index
        %swap3A_1229 = arith.constant 0 : index
        %swap3A_1230 = tpu.vector_load %arg11[%swap3A_1228, %swap3A_1229] {strides = array<i32>} : memref<128x128xf32, #tpu.memory_space<vmem>>, vector<1x16xf32>,
        %swap3A_1231 = vector.shape_cast %swap3A_1230 : vector<1x16xf32> to vector<16xf32>
        %swap3A_1232 = vector.shape_cast %mul3A_1227 : vector<16xf32> to vector<1x16xf32>
        tpu.vector_store %arg11[%swap3A_1228, %swap3A_1229], %swap3A_1232 {strides = array<i32>} : memref<128x128xf32, #tpu.memory_space<vmem>>, vector<1x16xf32>,
        %get3A_1233 = arith.index_cast %add3A_1219 : i32 to index
        %get3A_1234 = arith.constant 16 : index
        %get3A_1235 = tpu.vector_load %arg11[%get3A_1233, %get3A_1234] {strides = array<i32>} : memref<128x128xf32, #tpu.memory_space<vmem>>, vector<1x16xf32>,
        %get3A_1236 = vector.shape_cast %get3A_1235 : vector<1x16xf32> to vector<16xf32>
        %mul3A_1237 = arith.mulf %get3A_1236, %broadcast_in_dim3A_1222 : vector<16xf32>
        %swap3A_1238 = arith.index_cast %add3A_1219 : i32 to index
        %swap3A_1239 = arith.constant 16 : index
        %swap3A_1240 = tpu.vector_load %arg11[%swap3A_1238, %swap3A_1239] {strides = array<i32>} : memref<128x128xf32, #tpu.memory_space<vmem>>, vector<1x16xf32>,
        %swap3A_1241 = vector.shape_cast %swap3A_1240 : vector<1x16xf32> to vector<16xf32>
        %swap3A_1242 = vector.shape_cast %mul3A_1237 : vector<16xf32> to vector<1x16xf32>
        tpu.vector_store %arg11[%swap3A_1238, %swap3A_1239], %swap3A_1242 {strides = array<i32>} : memref<128x128xf32, #tpu.memory_space<vmem>>, vector<1x16xf32>,
        %get3A_1243 = arith.index_cast %add3A_1219 : i32 to index
        %get3A_1244 = arith.constant 32 : index
        %get3A_1245 = tpu.vector_load %arg11[%get3A_1243, %get3A_1244] {strides = array<i32>} : memref<128x128xf32, #tpu.memory_space<vmem>>, vector<1x16xf32>,
        %get3A_1246 = vector.shape_cast %get3A_1245 : vector<1x16xf32> to vector<16xf32>
        %mul3A_1247 = arith.mulf %get3A_1246, %broadcast_in_dim3A_1222 : vector<16xf32>
        %swap3A_1248 = arith.index_cast %add3A_1219 : i32 to index
        %swap3A_1249 = arith.constant 32 : index
        %swap3A_1250 = tpu.vector_load %arg11[%swap3A_1248, %swap3A_1249] {strides = array<i32>} : memref<128x128xf32, #tpu.memory_space<vmem>>, vector<1x16xf32>,
        %swap3A_1251 = vector.shape_cast %swap3A_1250 : vector<1x16xf32> to vector<16xf32>
        %swap3A_1252 = vector.shape_cast %mul3A_1247 : vector<16xf32> to vector<1x16xf32>
        tpu.vector_store %arg11[%swap3A_1248, %swap3A_1249], %swap3A_1252 {strides = array<i32>} : memref<128x128xf32, #tpu.memory_space<vmem>>, vector<1x16xf32>,
        %get3A_1253 = arith.index_cast %add3A_1219 : i32 to index
        %get3A_1254 = arith.constant 48 : index
        %get3A_1255 = tpu.vector_load %arg11[%get3A_1253, %get3A_1254] {strides = array<i32>} : memref<128x128xf32, #tpu.memory_space<vmem>>, vector<1x16xf32>,
        %get3A_1256 = vector.shape_cast %get3A_1255 : vector<1x16xf32> to vector<16xf32>
        %mul3A_1257 = arith.mulf %get3A_1256, %broadcast_in_dim3A_1222 : vector<16xf32>
        %swap3A_1258 = arith.index_cast %add3A_1219 : i32 to index
        %swap3A_1259 = arith.constant 48 : index
        %swap3A_1260 = tpu.vector_load %arg11[%swap3A_1258, %swap3A_1259] {strides = array<i32>} : memref<128x128xf32, #tpu.memory_space<vmem>>, vector<1x16xf32>,
        %swap3A_1261 = vector.shape_cast %swap3A_1260 : vector<1x16xf32> to vector<16xf32>
        %swap3A_1262 = vector.shape_cast %mul3A_1257 : vector<16xf32> to vector<1x16xf32>
        tpu.vector_store %arg11[%swap3A_1258, %swap3A_1259], %swap3A_1262 {strides = array<i32>} : memref<128x128xf32, #tpu.memory_space<vmem>>, vector<1x16xf32>,
        %get3A_1263 = arith.index_cast %add3A_1219 : i32 to index
        %get3A_1264 = arith.constant 64 : index
        %get3A_1265 = tpu.vector_load %arg11[%get3A_1263, %get3A_1264] {strides = array<i32>} : memref<128x128xf32, #tpu.memory_space<vmem>>, vector<1x16xf32>,
        %get3A_1266 = vector.shape_cast %get3A_1265 : vector<1x16xf32> to vector<16xf32>
        %mul3A_1267 = arith.mulf %get3A_1266, %broadcast_in_dim3A_1222 : vector<16xf32>
        %swap3A_1268 = arith.index_cast %add3A_1219 : i32 to index
        %swap3A_1269 = arith.constant 64 : index
        %swap3A_1270 = tpu.vector_load %arg11[%swap3A_1268, %swap3A_1269] {strides = array<i32>} : memref<128x128xf32, #tpu.memory_space<vmem>>, vector<1x16xf32>,
        %swap3A_1271 = vector.shape_cast %swap3A_1270 : vector<1x16xf32> to vector<16xf32>
        %swap3A_1272 = vector.shape_cast %mul3A_1267 : vector<16xf32> to vector<1x16xf32>
        tpu.vector_store %arg11[%swap3A_1268, %swap3A_1269], %swap3A_1272 {strides = array<i32>} : memref<128x128xf32, #tpu.memory_space<vmem>>, vector<1x16xf32>,
        %get3A_1273 = arith.index_cast %add3A_1219 : i32 to index
        %get3A_1274 = arith.constant 80 : index
        %get3A_1275 = tpu.vector_load %arg11[%get3A_1273, %get3A_1274] {strides = array<i32>} : memref<128x128xf32, #tpu.memory_space<vmem>>, vector<1x16xf32>,
        %get3A_1276 = vector.shape_cast %get3A_1275 : vector<1x16xf32> to vector<16xf32>
        %mul3A_1277 = arith.mulf %get3A_1276, %broadcast_in_dim3A_1222 : vector<16xf32>
        %swap3A_1278 = arith.index_cast %add3A_1219 : i32 to index
        %swap3A_1279 = arith.constant 80 : index
        %swap3A_1280 = tpu.vector_load %arg11[%swap3A_1278, %swap3A_1279] {strides = array<i32>} : memref<128x128xf32, #tpu.memory_space<vmem>>, vector<1x16xf32>,
        %swap3A_1281 = vector.shape_cast %swap3A_1280 : vector<1x16xf32> to vector<16xf32>
        %swap3A_1282 = vector.shape_cast %mul3A_1277 : vector<16xf32> to vector<1x16xf32>
        tpu.vector_store %arg11[%swap3A_1278, %swap3A_1279], %swap3A_1282 {strides = array<i32>} : memref<128x128xf32, #tpu.memory_space<vmem>>, vector<1x16xf32>,
        %get3A_1283 = arith.index_cast %add3A_1219 : i32 to index
        %get3A_1284 = arith.constant 96 : index
        %get3A_1285 = tpu.vector_load %arg11[%get3A_1283, %get3A_1284] {strides = array<i32>} : memref<128x128xf32, #tpu.memory_space<vmem>>, vector<1x16xf32>,
        %get3A_1286 = vector.shape_cast %get3A_1285 : vector<1x16xf32> to vector<16xf32>
        %mul3A_1287 = arith.mulf %get3A_1286, %broadcast_in_dim3A_1222 : vector<16xf32>
        %swap3A_1288 = arith.index_cast %add3A_1219 : i32 to index
        %swap3A_1289 = arith.constant 96 : index
        %swap3A_1290 = tpu.vector_load %arg11[%swap3A_1288, %swap3A_1289] {strides = array<i32>} : memref<128x128xf32, #tpu.memory_space<vmem>>, vector<1x16xf32>,
        %swap3A_1291 = vector.shape_cast %swap3A_1290 : vector<1x16xf32> to vector<16xf32>
        %swap3A_1292 = vector.shape_cast %mul3A_1287 : vector<16xf32> to vector<1x16xf32>
        tpu.vector_store %arg11[%swap3A_1288, %swap3A_1289], %swap3A_1292 {strides = array<i32>} : memref<128x128xf32, #tpu.memory_space<vmem>>, vector<1x16xf32>,
        %get3A_1293 = arith.index_cast %add3A_1219 : i32 to index
        %get3A_1294 = arith.constant 112 : index
        %get3A_1295 = tpu.vector_load %arg11[%get3A_1293, %get3A_1294] {strides = array<i32>} : memref<128x128xf32, #tpu.memory_space<vmem>>, vector<1x16xf32>,
        %get3A_1296 = vector.shape_cast %get3A_1295 : vector<1x16xf32> to vector<16xf32>
        %mul3A_1297 = arith.mulf %get3A_1296, %broadcast_in_dim3A_1222 : vector<16xf32>
        %swap3A_1298 = arith.index_cast %add3A_1219 : i32 to index
        %swap3A_1299 = arith.constant 112 : index
        %swap3A_1300 = tpu.vector_load %arg11[%swap3A_1298, %swap3A_1299] {strides = array<i32>} : memref<128x128xf32, #tpu.memory_space<vmem>>, vector<1x16xf32>,
        %swap3A_1301 = vector.shape_cast %swap3A_1300 : vector<1x16xf32> to vector<16xf32>
        %swap3A_1302 = vector.shape_cast %mul3A_1297 : vector<16xf32> to vector<1x16xf32>
        tpu.vector_store %arg11[%swap3A_1298, %swap3A_1299], %swap3A_1302 {strides = array<i32>} : memref<128x128xf32, #tpu.memory_space<vmem>>, vector<1x16xf32>,
        %mul3A_1303 = arith.constant 16 : i32
        %mul3A_1304 = arith.muli %scan3A_83, %mul3A_1303 : i32
        %add3A_1305 = arith.constant 14 : i32
        %add3A_1306 = arith.addi %mul3A_1304, %add3A_1305 : i32
        %slice3A_1307 = vector.extract_strided_slice %get3A_88 {offsets = [14], sizes = [1], strides = [1]} : vector<16xf32> to vector<1xf32>
        %squeeze3A_1308 = vector.extract %slice3A_1307[0] : f32 from vector<1xf32>
        %broadcast_in_dim3A_1309 = vector.broadcast %squeeze3A_1308 : f32 to vector<16xf32>
        %get3A_1310 = arith.index_cast %add3A_1306 : i32 to index
        %get3A_1311 = arith.constant 0 : index
        %get3A_1312 = tpu.vector_load %arg11[%get3A_1310, %get3A_1311] {strides = array<i32>} : memref<128x128xf32, #tpu.memory_space<vmem>>, vector<1x16xf32>,
        %get3A_1313 = vector.shape_cast %get3A_1312 : vector<1x16xf32> to vector<16xf32>
        %mul3A_1314 = arith.mulf %get3A_1313, %broadcast_in_dim3A_1309 : vector<16xf32>
        %swap3A_1315 = arith.index_cast %add3A_1306 : i32 to index
        %swap3A_1316 = arith.constant 0 : index
        %swap3A_1317 = tpu.vector_load %arg11[%swap3A_1315, %swap3A_1316] {strides = array<i32>} : memref<128x128xf32, #tpu.memory_space<vmem>>, vector<1x16xf32>,
        %swap3A_1318 = vector.shape_cast %swap3A_1317 : vector<1x16xf32> to vector<16xf32>
        %swap3A_1319 = vector.shape_cast %mul3A_1314 : vector<16xf32> to vector<1x16xf32>
        tpu.vector_store %arg11[%swap3A_1315, %swap3A_1316], %swap3A_1319 {strides = array<i32>} : memref<128x128xf32, #tpu.memory_space<vmem>>, vector<1x16xf32>,
        %get3A_1320 = arith.index_cast %add3A_1306 : i32 to index
        %get3A_1321 = arith.constant 16 : index
        %get3A_1322 = tpu.vector_load %arg11[%get3A_1320, %get3A_1321] {strides = array<i32>} : memref<128x128xf32, #tpu.memory_space<vmem>>, vector<1x16xf32>,
        %get3A_1323 = vector.shape_cast %get3A_1322 : vector<1x16xf32> to vector<16xf32>
        %mul3A_1324 = arith.mulf %get3A_1323, %broadcast_in_dim3A_1309 : vector<16xf32>
        %swap3A_1325 = arith.index_cast %add3A_1306 : i32 to index
        %swap3A_1326 = arith.constant 16 : index
        %swap3A_1327 = tpu.vector_load %arg11[%swap3A_1325, %swap3A_1326] {strides = array<i32>} : memref<128x128xf32, #tpu.memory_space<vmem>>, vector<1x16xf32>,
        %swap3A_1328 = vector.shape_cast %swap3A_1327 : vector<1x16xf32> to vector<16xf32>
        %swap3A_1329 = vector.shape_cast %mul3A_1324 : vector<16xf32> to vector<1x16xf32>
        tpu.vector_store %arg11[%swap3A_1325, %swap3A_1326], %swap3A_1329 {strides = array<i32>} : memref<128x128xf32, #tpu.memory_space<vmem>>, vector<1x16xf32>,
        %get3A_1330 = arith.index_cast %add3A_1306 : i32 to index
        %get3A_1331 = arith.constant 32 : index
        %get3A_1332 = tpu.vector_load %arg11[%get3A_1330, %get3A_1331] {strides = array<i32>} : memref<128x128xf32, #tpu.memory_space<vmem>>, vector<1x16xf32>,
        %get3A_1333 = vector.shape_cast %get3A_1332 : vector<1x16xf32> to vector<16xf32>
        %mul3A_1334 = arith.mulf %get3A_1333, %broadcast_in_dim3A_1309 : vector<16xf32>
        %swap3A_1335 = arith.index_cast %add3A_1306 : i32 to index
        %swap3A_1336 = arith.constant 32 : index
        %swap3A_1337 = tpu.vector_load %arg11[%swap3A_1335, %swap3A_1336] {strides = array<i32>} : memref<128x128xf32, #tpu.memory_space<vmem>>, vector<1x16xf32>,
        %swap3A_1338 = vector.shape_cast %swap3A_1337 : vector<1x16xf32> to vector<16xf32>
        %swap3A_1339 = vector.shape_cast %mul3A_1334 : vector<16xf32> to vector<1x16xf32>
        tpu.vector_store %arg11[%swap3A_1335, %swap3A_1336], %swap3A_1339 {strides = array<i32>} : memref<128x128xf32, #tpu.memory_space<vmem>>, vector<1x16xf32>,
        %get3A_1340 = arith.index_cast %add3A_1306 : i32 to index
        %get3A_1341 = arith.constant 48 : index
        %get3A_1342 = tpu.vector_load %arg11[%get3A_1340, %get3A_1341] {strides = array<i32>} : memref<128x128xf32, #tpu.memory_space<vmem>>, vector<1x16xf32>,
        %get3A_1343 = vector.shape_cast %get3A_1342 : vector<1x16xf32> to vector<16xf32>
        %mul3A_1344 = arith.mulf %get3A_1343, %broadcast_in_dim3A_1309 : vector<16xf32>
        %swap3A_1345 = arith.index_cast %add3A_1306 : i32 to index
        %swap3A_1346 = arith.constant 48 : index
        %swap3A_1347 = tpu.vector_load %arg11[%swap3A_1345, %swap3A_1346] {strides = array<i32>} : memref<128x128xf32, #tpu.memory_space<vmem>>, vector<1x16xf32>,
        %swap3A_1348 = vector.shape_cast %swap3A_1347 : vector<1x16xf32> to vector<16xf32>
        %swap3A_1349 = vector.shape_cast %mul3A_1344 : vector<16xf32> to vector<1x16xf32>
        tpu.vector_store %arg11[%swap3A_1345, %swap3A_1346], %swap3A_1349 {strides = array<i32>} : memref<128x128xf32, #tpu.memory_space<vmem>>, vector<1x16xf32>,
        %get3A_1350 = arith.index_cast %add3A_1306 : i32 to index
        %get3A_1351 = arith.constant 64 : index
        %get3A_1352 = tpu.vector_load %arg11[%get3A_1350, %get3A_1351] {strides = array<i32>} : memref<128x128xf32, #tpu.memory_space<vmem>>, vector<1x16xf32>,
        %get3A_1353 = vector.shape_cast %get3A_1352 : vector<1x16xf32> to vector<16xf32>
        %mul3A_1354 = arith.mulf %get3A_1353, %broadcast_in_dim3A_1309 : vector<16xf32>
        %swap3A_1355 = arith.index_cast %add3A_1306 : i32 to index
        %swap3A_1356 = arith.constant 64 : index
        %swap3A_1357 = tpu.vector_load %arg11[%swap3A_1355, %swap3A_1356] {strides = array<i32>} : memref<128x128xf32, #tpu.memory_space<vmem>>, vector<1x16xf32>,
        %swap3A_1358 = vector.shape_cast %swap3A_1357 : vector<1x16xf32> to vector<16xf32>
        %swap3A_1359 = vector.shape_cast %mul3A_1354 : vector<16xf32> to vector<1x16xf32>
        tpu.vector_store %arg11[%swap3A_1355, %swap3A_1356], %swap3A_1359 {strides = array<i32>} : memref<128x128xf32, #tpu.memory_space<vmem>>, vector<1x16xf32>,
        %get3A_1360 = arith.index_cast %add3A_1306 : i32 to index
        %get3A_1361 = arith.constant 80 : index
        %get3A_1362 = tpu.vector_load %arg11[%get3A_1360, %get3A_1361] {strides = array<i32>} : memref<128x128xf32, #tpu.memory_space<vmem>>, vector<1x16xf32>,
        %get3A_1363 = vector.shape_cast %get3A_1362 : vector<1x16xf32> to vector<16xf32>
        %mul3A_1364 = arith.mulf %get3A_1363, %broadcast_in_dim3A_1309 : vector<16xf32>
        %swap3A_1365 = arith.index_cast %add3A_1306 : i32 to index
        %swap3A_1366 = arith.constant 80 : index
        %swap3A_1367 = tpu.vector_load %arg11[%swap3A_1365, %swap3A_1366] {strides = array<i32>} : memref<128x128xf32, #tpu.memory_space<vmem>>, vector<1x16xf32>,
        %swap3A_1368 = vector.shape_cast %swap3A_1367 : vector<1x16xf32> to vector<16xf32>
        %swap3A_1369 = vector.shape_cast %mul3A_1364 : vector<16xf32> to vector<1x16xf32>
        tpu.vector_store %arg11[%swap3A_1365, %swap3A_1366], %swap3A_1369 {strides = array<i32>} : memref<128x128xf32, #tpu.memory_space<vmem>>, vector<1x16xf32>,
        %get3A_1370 = arith.index_cast %add3A_1306 : i32 to index
        %get3A_1371 = arith.constant 96 : index
        %get3A_1372 = tpu.vector_load %arg11[%get3A_1370, %get3A_1371] {strides = array<i32>} : memref<128x128xf32, #tpu.memory_space<vmem>>, vector<1x16xf32>,
        %get3A_1373 = vector.shape_cast %get3A_1372 : vector<1x16xf32> to vector<16xf32>
        %mul3A_1374 = arith.mulf %get3A_1373, %broadcast_in_dim3A_1309 : vector<16xf32>
        %swap3A_1375 = arith.index_cast %add3A_1306 : i32 to index
        %swap3A_1376 = arith.constant 96 : index
        %swap3A_1377 = tpu.vector_load %arg11[%swap3A_1375, %swap3A_1376] {strides = array<i32>} : memref<128x128xf32, #tpu.memory_space<vmem>>, vector<1x16xf32>,
        %swap3A_1378 = vector.shape_cast %swap3A_1377 : vector<1x16xf32> to vector<16xf32>
        %swap3A_1379 = vector.shape_cast %mul3A_1374 : vector<16xf32> to vector<1x16xf32>
        tpu.vector_store %arg11[%swap3A_1375, %swap3A_1376], %swap3A_1379 {strides = array<i32>} : memref<128x128xf32, #tpu.memory_space<vmem>>, vector<1x16xf32>,
        %get3A_1380 = arith.index_cast %add3A_1306 : i32 to index
        %get3A_1381 = arith.constant 112 : index
        %get3A_1382 = tpu.vector_load %arg11[%get3A_1380, %get3A_1381] {strides = array<i32>} : memref<128x128xf32, #tpu.memory_space<vmem>>, vector<1x16xf32>,
        %get3A_1383 = vector.shape_cast %get3A_1382 : vector<1x16xf32> to vector<16xf32>
        %mul3A_1384 = arith.mulf %get3A_1383, %broadcast_in_dim3A_1309 : vector<16xf32>
        %swap3A_1385 = arith.index_cast %add3A_1306 : i32 to index
        %swap3A_1386 = arith.constant 112 : index
        %swap3A_1387 = tpu.vector_load %arg11[%swap3A_1385, %swap3A_1386] {strides = array<i32>} : memref<128x128xf32, #tpu.memory_space<vmem>>, vector<1x16xf32>,
        %swap3A_1388 = vector.shape_cast %swap3A_1387 : vector<1x16xf32> to vector<16xf32>
        %swap3A_1389 = vector.shape_cast %mul3A_1384 : vector<16xf32> to vector<1x16xf32>
        tpu.vector_store %arg11[%swap3A_1385, %swap3A_1386], %swap3A_1389 {strides = array<i32>} : memref<128x128xf32, #tpu.memory_space<vmem>>, vector<1x16xf32>,
        %mul3A_1390 = arith.constant 16 : i32
        %mul3A_1391 = arith.muli %scan3A_83, %mul3A_1390 : i32
        %add3A_1392 = arith.constant 15 : i32
        %add3A_1393 = arith.addi %mul3A_1391, %add3A_1392 : i32
        %slice3A_1394 = vector.extract_strided_slice %get3A_88 {offsets = [15], sizes = [1], strides = [1]} : vector<16xf32> to vector<1xf32>
        %squeeze3A_1395 = vector.extract %slice3A_1394[0] : f32 from vector<1xf32>
        %broadcast_in_dim3A_1396 = vector.broadcast %squeeze3A_1395 : f32 to vector<16xf32>
        %get3A_1397 = arith.index_cast %add3A_1393 : i32 to index
        %get3A_1398 = arith.constant 0 : index
        %get3A_1399 = tpu.vector_load %arg11[%get3A_1397, %get3A_1398] {strides = array<i32>} : memref<128x128xf32, #tpu.memory_space<vmem>>, vector<1x16xf32>,
        %get3A_1400 = vector.shape_cast %get3A_1399 : vector<1x16xf32> to vector<16xf32>
        %mul3A_1401 = arith.mulf %get3A_1400, %broadcast_in_dim3A_1396 : vector<16xf32>
        %swap3A_1402 = arith.index_cast %add3A_1393 : i32 to index
        %swap3A_1403 = arith.constant 0 : index
        %swap3A_1404 = tpu.vector_load %arg11[%swap3A_1402, %swap3A_1403] {strides = array<i32>} : memref<128x128xf32, #tpu.memory_space<vmem>>, vector<1x16xf32>,
        %swap3A_1405 = vector.shape_cast %swap3A_1404 : vector<1x16xf32> to vector<16xf32>
        %swap3A_1406 = vector.shape_cast %mul3A_1401 : vector<16xf32> to vector<1x16xf32>
        tpu.vector_store %arg11[%swap3A_1402, %swap3A_1403], %swap3A_1406 {strides = array<i32>} : memref<128x128xf32, #tpu.memory_space<vmem>>, vector<1x16xf32>,
        %get3A_1407 = arith.index_cast %add3A_1393 : i32 to index
        %get3A_1408 = arith.constant 16 : index
        %get3A_1409 = tpu.vector_load %arg11[%get3A_1407, %get3A_1408] {strides = array<i32>} : memref<128x128xf32, #tpu.memory_space<vmem>>, vector<1x16xf32>,
        %get3A_1410 = vector.shape_cast %get3A_1409 : vector<1x16xf32> to vector<16xf32>
        %mul3A_1411 = arith.mulf %get3A_1410, %broadcast_in_dim3A_1396 : vector<16xf32>
        %swap3A_1412 = arith.index_cast %add3A_1393 : i32 to index
        %swap3A_1413 = arith.constant 16 : index
        %swap3A_1414 = tpu.vector_load %arg11[%swap3A_1412, %swap3A_1413] {strides = array<i32>} : memref<128x128xf32, #tpu.memory_space<vmem>>, vector<1x16xf32>,
        %swap3A_1415 = vector.shape_cast %swap3A_1414 : vector<1x16xf32> to vector<16xf32>
        %swap3A_1416 = vector.shape_cast %mul3A_1411 : vector<16xf32> to vector<1x16xf32>
        tpu.vector_store %arg11[%swap3A_1412, %swap3A_1413], %swap3A_1416 {strides = array<i32>} : memref<128x128xf32, #tpu.memory_space<vmem>>, vector<1x16xf32>,
        %get3A_1417 = arith.index_cast %add3A_1393 : i32 to index
        %get3A_1418 = arith.constant 32 : index
        %get3A_1419 = tpu.vector_load %arg11[%get3A_1417, %get3A_1418] {strides = array<i32>} : memref<128x128xf32, #tpu.memory_space<vmem>>, vector<1x16xf32>,
        %get3A_1420 = vector.shape_cast %get3A_1419 : vector<1x16xf32> to vector<16xf32>
        %mul3A_1421 = arith.mulf %get3A_1420, %broadcast_in_dim3A_1396 : vector<16xf32>
        %swap3A_1422 = arith.index_cast %add3A_1393 : i32 to index
        %swap3A_1423 = arith.constant 32 : index
        %swap3A_1424 = tpu.vector_load %arg11[%swap3A_1422, %swap3A_1423] {strides = array<i32>} : memref<128x128xf32, #tpu.memory_space<vmem>>, vector<1x16xf32>,
        %swap3A_1425 = vector.shape_cast %swap3A_1424 : vector<1x16xf32> to vector<16xf32>
        %swap3A_1426 = vector.shape_cast %mul3A_1421 : vector<16xf32> to vector<1x16xf32>
        tpu.vector_store %arg11[%swap3A_1422, %swap3A_1423], %swap3A_1426 {strides = array<i32>} : memref<128x128xf32, #tpu.memory_space<vmem>>, vector<1x16xf32>,
        %get3A_1427 = arith.index_cast %add3A_1393 : i32 to index
        %get3A_1428 = arith.constant 48 : index
        %get3A_1429 = tpu.vector_load %arg11[%get3A_1427, %get3A_1428] {strides = array<i32>} : memref<128x128xf32, #tpu.memory_space<vmem>>, vector<1x16xf32>,
        %get3A_1430 = vector.shape_cast %get3A_1429 : vector<1x16xf32> to vector<16xf32>
        %mul3A_1431 = arith.mulf %get3A_1430, %broadcast_in_dim3A_1396 : vector<16xf32>
        %swap3A_1432 = arith.index_cast %add3A_1393 : i32 to index
        %swap3A_1433 = arith.constant 48 : index
        %swap3A_1434 = tpu.vector_load %arg11[%swap3A_1432, %swap3A_1433] {strides = array<i32>} : memref<128x128xf32, #tpu.memory_space<vmem>>, vector<1x16xf32>,
        %swap3A_1435 = vector.shape_cast %swap3A_1434 : vector<1x16xf32> to vector<16xf32>
        %swap3A_1436 = vector.shape_cast %mul3A_1431 : vector<16xf32> to vector<1x16xf32>
        tpu.vector_store %arg11[%swap3A_1432, %swap3A_1433], %swap3A_1436 {strides = array<i32>} : memref<128x128xf32, #tpu.memory_space<vmem>>, vector<1x16xf32>,
        %get3A_1437 = arith.index_cast %add3A_1393 : i32 to index
        %get3A_1438 = arith.constant 64 : index
        %get3A_1439 = tpu.vector_load %arg11[%get3A_1437, %get3A_1438] {strides = array<i32>} : memref<128x128xf32, #tpu.memory_space<vmem>>, vector<1x16xf32>,
        %get3A_1440 = vector.shape_cast %get3A_1439 : vector<1x16xf32> to vector<16xf32>
        %mul3A_1441 = arith.mulf %get3A_1440, %broadcast_in_dim3A_1396 : vector<16xf32>
        %swap3A_1442 = arith.index_cast %add3A_1393 : i32 to index
        %swap3A_1443 = arith.constant 64 : index
        %swap3A_1444 = tpu.vector_load %arg11[%swap3A_1442, %swap3A_1443] {strides = array<i32>} : memref<128x128xf32, #tpu.memory_space<vmem>>, vector<1x16xf32>,
        %swap3A_1445 = vector.shape_cast %swap3A_1444 : vector<1x16xf32> to vector<16xf32>
        %swap3A_1446 = vector.shape_cast %mul3A_1441 : vector<16xf32> to vector<1x16xf32>
        tpu.vector_store %arg11[%swap3A_1442, %swap3A_1443], %swap3A_1446 {strides = array<i32>} : memref<128x128xf32, #tpu.memory_space<vmem>>, vector<1x16xf32>,
        %get3A_1447 = arith.index_cast %add3A_1393 : i32 to index
        %get3A_1448 = arith.constant 80 : index
        %get3A_1449 = tpu.vector_load %arg11[%get3A_1447, %get3A_1448] {strides = array<i32>} : memref<128x128xf32, #tpu.memory_space<vmem>>, vector<1x16xf32>,
        %get3A_1450 = vector.shape_cast %get3A_1449 : vector<1x16xf32> to vector<16xf32>
        %mul3A_1451 = arith.mulf %get3A_1450, %broadcast_in_dim3A_1396 : vector<16xf32>
        %swap3A_1452 = arith.index_cast %add3A_1393 : i32 to index
        %swap3A_1453 = arith.constant 80 : index
        %swap3A_1454 = tpu.vector_load %arg11[%swap3A_1452, %swap3A_1453] {strides = array<i32>} : memref<128x128xf32, #tpu.memory_space<vmem>>, vector<1x16xf32>,
        %swap3A_1455 = vector.shape_cast %swap3A_1454 : vector<1x16xf32> to vector<16xf32>
        %swap3A_1456 = vector.shape_cast %mul3A_1451 : vector<16xf32> to vector<1x16xf32>
        tpu.vector_store %arg11[%swap3A_1452, %swap3A_1453], %swap3A_1456 {strides = array<i32>} : memref<128x128xf32, #tpu.memory_space<vmem>>, vector<1x16xf32>,
        %get3A_1457 = arith.index_cast %add3A_1393 : i32 to index
        %get3A_1458 = arith.constant 96 : index
        %get3A_1459 = tpu.vector_load %arg11[%get3A_1457, %get3A_1458] {strides = array<i32>} : memref<128x128xf32, #tpu.memory_space<vmem>>, vector<1x16xf32>,
        %get3A_1460 = vector.shape_cast %get3A_1459 : vector<1x16xf32> to vector<16xf32>
        %mul3A_1461 = arith.mulf %get3A_1460, %broadcast_in_dim3A_1396 : vector<16xf32>
        %swap3A_1462 = arith.index_cast %add3A_1393 : i32 to index
        %swap3A_1463 = arith.constant 96 : index
        %swap3A_1464 = tpu.vector_load %arg11[%swap3A_1462, %swap3A_1463] {strides = array<i32>} : memref<128x128xf32, #tpu.memory_space<vmem>>, vector<1x16xf32>,
        %swap3A_1465 = vector.shape_cast %swap3A_1464 : vector<1x16xf32> to vector<16xf32>
        %swap3A_1466 = vector.shape_cast %mul3A_1461 : vector<16xf32> to vector<1x16xf32>
        tpu.vector_store %arg11[%swap3A_1462, %swap3A_1463], %swap3A_1466 {strides = array<i32>} : memref<128x128xf32, #tpu.memory_space<vmem>>, vector<1x16xf32>,
        %get3A_1467 = arith.index_cast %add3A_1393 : i32 to index
        %get3A_1468 = arith.constant 112 : index
        %get3A_1469 = tpu.vector_load %arg11[%get3A_1467, %get3A_1468] {strides = array<i32>} : memref<128x128xf32, #tpu.memory_space<vmem>>, vector<1x16xf32>,
        %get3A_1470 = vector.shape_cast %get3A_1469 : vector<1x16xf32> to vector<16xf32>
        %mul3A_1471 = arith.mulf %get3A_1470, %broadcast_in_dim3A_1396 : vector<16xf32>
        %swap3A_1472 = arith.index_cast %add3A_1393 : i32 to index
        %swap3A_1473 = arith.constant 112 : index
        %swap3A_1474 = tpu.vector_load %arg11[%swap3A_1472, %swap3A_1473] {strides = array<i32>} : memref<128x128xf32, #tpu.memory_space<vmem>>, vector<1x16xf32>,
        %swap3A_1475 = vector.shape_cast %swap3A_1474 : vector<1x16xf32> to vector<16xf32>
        %swap3A_1476 = vector.shape_cast %mul3A_1471 : vector<16xf32> to vector<1x16xf32>
        tpu.vector_store %arg11[%swap3A_1472, %swap3A_1473], %swap3A_1476 {strides = array<i32>} : memref<128x128xf32, #tpu.memory_space<vmem>>, vector<1x16xf32>,
      }
      %scan3A_64 = arith.constant 8 : i32
      "tpu.region"() ({
        %run_scoped3A_83 = tpu.sem_alloc : memref<!tpu.dma_semaphore, #tpu.memory_space<semaphore_mem>>
        %dma_start3A_84 = arith.constant 0 : i32
        %dma_start3A_85 = tpu.memref_slice %arg9[%scan3A_59, %dma_start3A_84] : memref<79x128xi32, #tpu.memory_space<vmem>> -> memref<1x128xi32, #tpu.memory_space<vmem>>
        %dma_start3A_86 = tpu.memref_squeeze %dma_start3A_85 : memref<1x128xi32, #tpu.memory_space<vmem>> -> memref<128xi32, #tpu.memory_space<vmem>>
        %dma_start3A_87 = arith.constant 0 : i32
        %dma_start3A_88 = arith.constant 0 : i32
        %dma_start3A_89 = tpu.memref_slice %arg12[%dma_start3A_87, %dma_start3A_88] : memref<10240x128xf32, #tpu.memory_space<vmem_shared>> -> memref<10240x128xf32, #tpu.memory_space<vmem_shared>>
        tpu.enqueue_indirect_dma source(%arg11 : memref<128x128xf32, #tpu.memory_space<vmem>>) target(%dma_start3A_89 : memref<10240x128xf32, #tpu.memory_space<vmem_shared>>) offsets(%dma_start3A_86 : memref<128xi32, #tpu.memory_space<vmem>>) semaphore(%run_scoped3A_83 : memref<!tpu.dma_semaphore, #tpu.memory_space<semaphore_mem>>) {add = true}
        %dma_wait3A_90 = arith.constant 0 : i32
        %dma_wait3A_91 = tpu.memref_slice %arg9[%scan3A_59, %dma_wait3A_90] : memref<79x128xi32, #tpu.memory_space<vmem>> -> memref<1x128xi32, #tpu.memory_space<vmem>>
        %dma_wait3A_92 = tpu.memref_squeeze %dma_wait3A_91 : memref<1x128xi32, #tpu.memory_space<vmem>> -> memref<128xi32, #tpu.memory_space<vmem>>
        %dma_wait3A_93 = arith.constant 0 : i32
        %dma_wait3A_94 = arith.constant 0 : i32
        %dma_wait3A_95 = tpu.memref_slice %arg12[%dma_wait3A_93, %dma_wait3A_94] : memref<10240x128xf32, #tpu.memory_space<vmem_shared>> -> memref<10240x128xf32, #tpu.memory_space<vmem_shared>>
        tpu.wait_indirect_dma semaphore(%run_scoped3A_83 : memref<!tpu.dma_semaphore, #tpu.memory_space<semaphore_mem>>) src(%arg11 : memref<128x128xf32, #tpu.memory_space<vmem>>) dst(%dma_wait3A_95 : memref<10240x128xf32, #tpu.memory_space<vmem_shared>>)
        tpu.yield
      }) : () -> ()
      %dma_wait3A_65 = arith.constant 0 : i32
      %dma_wait3A_66 = arith.constant 0 : i32
      %dma_wait3A_67 = arith.constant 0 : i32
      %dma_wait3A_68 = tpu.memref_slice %arg10[%dma_wait3A_65, %dma_wait3A_67] : memref<79x128xf32, #tpu.memory_space<vmem>> -> memref<1x128xf32, #tpu.memory_space<vmem>>
      %dma_wait3A_69 = tpu.memref_squeeze %dma_wait3A_68 : memref<1x128xf32, #tpu.memory_space<vmem>> -> memref<128xf32, #tpu.memory_space<vmem>>
      %dma_wait3A_70 = arith.constant 0 : i32
      %dma_wait3A_71 = tpu.memref_slice %arg8[%dma_wait3A_66, %dma_wait3A_70] : memref<79x128xi32, #tpu.memory_space<vmem>> -> memref<1x128xi32, #tpu.memory_space<vmem>>
      %dma_wait3A_72 = tpu.memref_squeeze %dma_wait3A_71 : memref<1x128xi32, #tpu.memory_space<vmem>> -> memref<128xi32, #tpu.memory_space<vmem>>
      %dma_wait3A_73 = arith.constant 0 : i32
      %dma_wait3A_74 = tpu.memref_slice %arg13[%dma_wait3A_73] : memref<10240xf32, #tpu.memory_space<vmem_shared>> -> memref<10240xf32, #tpu.memory_space<vmem_shared>>
      tpu.wait_indirect_dma semaphore(%arg14 : memref<!tpu.dma_semaphore, #tpu.memory_space<semaphore_mem>>) src(%dma_wait3A_69 : memref<128xf32, #tpu.memory_space<vmem>>) dst(%dma_wait3A_74 : memref<10240xf32, #tpu.memory_space<vmem_shared>>)
      %dma_start3A_75 = arith.constant 0 : i32
      %dma_start3A_76 = tpu.memref_slice %arg10[%scan3A_59, %dma_start3A_75] : memref<79x128xf32, #tpu.memory_space<vmem>> -> memref<1x128xf32, #tpu.memory_space<vmem>>
      %dma_start3A_77 = tpu.memref_squeeze %dma_start3A_76 : memref<1x128xf32, #tpu.memory_space<vmem>> -> memref<128xf32, #tpu.memory_space<vmem>>
      %dma_start3A_78 = arith.constant 0 : i32
      %dma_start3A_79 = tpu.memref_slice %arg8[%scan3A_59, %dma_start3A_78] : memref<79x128xi32, #tpu.memory_space<vmem>> -> memref<1x128xi32, #tpu.memory_space<vmem>>
      %dma_start3A_80 = tpu.memref_squeeze %dma_start3A_79 : memref<1x128xi32, #tpu.memory_space<vmem>> -> memref<128xi32, #tpu.memory_space<vmem>>
      %dma_start3A_81 = arith.constant 0 : i32
      %dma_start3A_82 = tpu.memref_slice %arg13[%dma_start3A_81] : memref<10240xf32, #tpu.memory_space<vmem_shared>> -> memref<10240xf32, #tpu.memory_space<vmem_shared>>
      tpu.enqueue_indirect_dma source(%dma_start3A_77 : memref<128xf32, #tpu.memory_space<vmem>>) target(%dma_start3A_82 : memref<10240xf32, #tpu.memory_space<vmem_shared>>) offsets(%dma_start3A_80 : memref<128xi32, #tpu.memory_space<vmem>>) semaphore(%arg14 : memref<!tpu.dma_semaphore, #tpu.memory_space<semaphore_mem>>) {add = true}
    }
    %scan3A_46 = arith.constant 78 : i32
    %dma_wait3A = arith.constant 0 : i32
    %dma_wait3A_47 = arith.constant 0 : i32
    %dma_wait3A_48 = arith.constant 0 : i32
    %dma_wait3A_49 = tpu.memref_slice %arg10[%dma_wait3A, %dma_wait3A_48] : memref<79x128xf32, #tpu.memory_space<vmem>> -> memref<1x128xf32, #tpu.memory_space<vmem>>
    %dma_wait3A_50 = tpu.memref_squeeze %dma_wait3A_49 : memref<1x128xf32, #tpu.memory_space<vmem>> -> memref<128xf32, #tpu.memory_space<vmem>>
    %dma_wait3A_51 = arith.constant 0 : i32
    %dma_wait3A_52 = tpu.memref_slice %arg8[%dma_wait3A_47, %dma_wait3A_51] : memref<79x128xi32, #tpu.memory_space<vmem>> -> memref<1x128xi32, #tpu.memory_space<vmem>>
    %dma_wait3A_53 = tpu.memref_squeeze %dma_wait3A_52 : memref<1x128xi32, #tpu.memory_space<vmem>> -> memref<128xi32, #tpu.memory_space<vmem>>
    %dma_wait3A_54 = arith.constant 0 : i32
    %dma_wait3A_55 = tpu.memref_slice %arg13[%dma_wait3A_54] : memref<10240xf32, #tpu.memory_space<vmem_shared>> -> memref<10240xf32, #tpu.memory_space<vmem_shared>>
    tpu.wait_indirect_dma semaphore(%arg14 : memref<!tpu.dma_semaphore, #tpu.memory_space<semaphore_mem>>) src(%dma_wait3A_50 : memref<128xf32, #tpu.memory_space<vmem>>) dst(%dma_wait3A_55 : memref<10240xf32, #tpu.memory_space<vmem_shared>>)
    %barrier3A_56 = arith.constant 0 : index
    tpu.barrier barrier_id(%barrier3A_56)
    %mul3A_57 = arith.constant 640 : i32
    %mul3A_58 = arith.muli %arg1, %mul3A_57 : i32
    "tpu.region"() ({
      %run_scoped3A_59 = tpu.sem_alloc : memref<!tpu.dma_semaphore, #tpu.memory_space<semaphore_mem>>
      %dma_start3A_60 = arith.constant 0 : i32
      %dma_start3A_61 = tpu.memref_slice %arg6[%arg0, %mul3A_58, %dma_start3A_60] : memref<2x10240x128xf32, #tpu.memory_space<hbm>> -> memref<1x640x128xf32, #tpu.memory_space<hbm>>
      %dma_start3A_62 = tpu.memref_squeeze %dma_start3A_61 : memref<1x640x128xf32, #tpu.memory_space<hbm>> -> memref<640x128xf32, #tpu.memory_space<hbm>>
      %dma_start3A_63 = arith.constant 0 : i32
      %dma_start3A_64 = tpu.memref_slice %arg12[%mul3A_58, %dma_start3A_63] : memref<10240x128xf32, #tpu.memory_space<vmem_shared>> -> memref<640x128xf32, #tpu.memory_space<vmem_shared>>
      tpu.enqueue_dma source(%dma_start3A_64 : memref<640x128xf32, #tpu.memory_space<vmem_shared>>) target(%dma_start3A_62 : memref<640x128xf32, #tpu.memory_space<hbm>>) target_semaphore(%run_scoped3A_59 : memref<!tpu.dma_semaphore, #tpu.memory_space<semaphore_mem>>)
      %dma_wait3A_65 = arith.constant 0 : i32
      %dma_wait3A_66 = tpu.memref_slice %arg6[%arg0, %mul3A_58, %dma_wait3A_65] : memref<2x10240x128xf32, #tpu.memory_space<hbm>> -> memref<1x640x128xf32, #tpu.memory_space<hbm>>
      %dma_wait3A_67 = tpu.memref_squeeze %dma_wait3A_66 : memref<1x640x128xf32, #tpu.memory_space<hbm>> -> memref<640x128xf32, #tpu.memory_space<hbm>>
      %dma_wait3A_68 = arith.constant 0 : i32
      %dma_wait3A_69 = tpu.memref_slice %arg12[%mul3A_58, %dma_wait3A_68] : memref<10240x128xf32, #tpu.memory_space<vmem_shared>> -> memref<640x128xf32, #tpu.memory_space<vmem_shared>>
      tpu.wait_dma2 semaphore(%run_scoped3A_59 : memref<!tpu.dma_semaphore, #tpu.memory_space<semaphore_mem>>) src(%dma_wait3A_69 : memref<640x128xf32, #tpu.memory_space<vmem_shared>>) dst(%dma_wait3A_67 : memref<640x128xf32, #tpu.memory_space<hbm>>)
      tpu.yield
    }) : () -> ()
    "tpu.region"() ({
      %run_scoped3A_59 = tpu.sem_alloc : memref<!tpu.dma_semaphore, #tpu.memory_space<semaphore_mem>>
      %dma_start3A_60 = tpu.memref_slice %arg7[%arg0, %mul3A_58] : memref<2x10240xf32, #tpu.memory_space<hbm>> -> memref<1x640xf32, #tpu.memory_space<hbm>>
      %dma_start3A_61 = tpu.memref_squeeze %dma_start3A_60 : memref<1x640xf32, #tpu.memory_space<hbm>> -> memref<640xf32, #tpu.memory_space<hbm>>
      %dma_start3A_62 = tpu.memref_slice %arg13[%mul3A_58] : memref<10240xf32, #tpu.memory_space<vmem_shared>> -> memref<640xf32, #tpu.memory_space<vmem_shared>>
      tpu.enqueue_dma source(%dma_start3A_62 : memref<640xf32, #tpu.memory_space<vmem_shared>>) target(%dma_start3A_61 : memref<640xf32, #tpu.memory_space<hbm>>) target_semaphore(%run_scoped3A_59 : memref<!tpu.dma_semaphore, #tpu.memory_space<semaphore_mem>>)
      %dma_wait3A_63 = tpu.memref_slice %arg7[%arg0, %mul3A_58] : memref<2x10240xf32, #tpu.memory_space<hbm>> -> memref<1x640xf32, #tpu.memory_space<hbm>>
      %dma_wait3A_64 = tpu.memref_squeeze %dma_wait3A_63 : memref<1x640xf32, #tpu.memory_space<hbm>> -> memref<640xf32, #tpu.memory_space<hbm>>
      %dma_wait3A_65 = tpu.memref_slice %arg13[%mul3A_58] : memref<10240xf32, #tpu.memory_space<vmem_shared>> -> memref<640xf32, #tpu.memory_space<vmem_shared>>
      tpu.wait_dma2 semaphore(%run_scoped3A_59 : memref<!tpu.dma_semaphore, #tpu.memory_space<semaphore_mem>>) src(%dma_wait3A_65 : memref<640xf32, #tpu.memory_space<vmem_shared>>) dst(%dma_wait3A_64 : memref<640xf32, #tpu.memory_space<hbm>>)
      tpu.yield
    }) : () -> ()
    return
  }
}

module attributes {stable_mosaic.version = 14 : i64} {
  func.func @_mm_body(%arg0: memref<10000x128xf32, #tpu.memory_space<vmem>>, %arg1: memref<128x128xf32, #tpu.memory_space<vmem>>, %arg2: memref<10000x128xf32, #tpu.memory_space<vmem>>) attributes {dimension_semantics = [], scalar_prefetch = 0 : i64, scratch_operands = 0 : i64, tpu.core_type = #tpu.core_type<tc>} {
    %get3A = arith.constant 0 : index
    %get3A_0 = arith.constant 0 : index
    %get3A_1 = vector.load %arg0[%get3A, %get3A_0] : memref<10000x128xf32, #tpu.memory_space<vmem>>, vector<10000x128xf32>
    %get3A_2 = arith.constant 0 : index
    %get3A_3 = arith.constant 0 : index
    %get3A_4 = vector.load %arg1[%get3A_2, %get3A_3] : memref<128x128xf32, #tpu.memory_space<vmem>>, vector<128x128xf32>
    %dot_general3A = arith.constant dense<0.000000e+00> : vector<10000x128xf32>
    %dot_general3A_5 = tpu.matmul %get3A_1, %get3A_4, %dot_general3A {dimension_numbers = #tpu.dot_dimension_numbers<[1], [0], [0], [1], [0, 0, 1, 1], [], []>, transpose_lhs_hint = false} : vector<10000x128xf32>, vector<128x128xf32>, vector<10000x128xf32> -> vector<10000x128xf32>
    %swap3A = arith.constant 0 : index
    %swap3A_6 = arith.constant 0 : index
    %swap3A_7 = vector.load %arg2[%swap3A, %swap3A_6] : memref<10000x128xf32, #tpu.memory_space<vmem>>, vector<10000x128xf32>
    tpu.vector_store %arg2[%swap3A, %swap3A_6], %dot_general3A_5 {strides = array<i32>} : memref<10000x128xf32, #tpu.memory_space<vmem>>, vector<10000x128xf32>,
    return
  }
}

module attributes {stable_mosaic.version = 14 : i64} {
  func.func @_reduce_body(%arg0: i32, %arg1: memref<1024x128xf32, #tpu.memory_space<vmem>>, %arg2: memref<1024x128xf32, #tpu.memory_space<vmem>>, %arg3: memref<1024x1xf32, #tpu.memory_space<vmem>>, %arg4: memref<1024x1xf32, #tpu.memory_space<vmem>>, %arg5: memref<128x16xf32, #tpu.memory_space<vmem>>, %arg6: memref<1x16xf32, #tpu.memory_space<vmem>>) attributes {dimension_semantics = [#tpu.dimension_semantics<arbitrary>], iteration_bounds = array<i64: 10>, scalar_prefetch = 0 : i64, scratch_operands = 0 : i64, tpu.core_type = #tpu.core_type<tc>, window_params = [{transform_indices = @transform_0, window_bounds = array<i64: 1024, 128>}, {transform_indices = @transform_1, window_bounds = array<i64: 1024, 128>}, {transform_indices = @transform_2, window_bounds = array<i64: 1024, 1>}, {transform_indices = @transform_3, window_bounds = array<i64: 1024, 1>}, {pipeline_mode = #tpu.pipeline_mode<synchronous>, transform_indices = @transform_4, window_bounds = array<i64: 128, 16>}, {pipeline_mode = #tpu.pipeline_mode<synchronous>, transform_indices = @transform_5, window_bounds = array<i64: 1, 16>}]} {
    %get3A = arith.constant 0 : index
    %get3A_0 = arith.constant 0 : index
    %get3A_1 = vector.load %arg1[%get3A, %get3A_0] : memref<1024x128xf32, #tpu.memory_space<vmem>>, vector<1024x128xf32>
    %get3A_2 = arith.constant 0 : index
    %get3A_3 = arith.constant 0 : index
    %get3A_4 = vector.load %arg2[%get3A_2, %get3A_3] : memref<1024x128xf32, #tpu.memory_space<vmem>>, vector<1024x128xf32>
    %add3A = arith.addf %get3A_1, %get3A_4 : vector<1024x128xf32>
    %max3A = arith.constant 0.000000e+00 : f32
    %max3A_5 = vector.broadcast %max3A : f32 to vector<1024x128xf32>
    %max3A_6 = arith.maximumf %add3A, %max3A_5 : vector<1024x128xf32>
    %get3A_7 = arith.constant 0 : index
    %get3A_8 = arith.constant 0 : index
    %get3A_9 = vector.load %arg3[%get3A_7, %get3A_8] : memref<1024x1xf32, #tpu.memory_space<vmem>>, vector<1024x1xf32>
    %get3A_10 = arith.constant 0 : index
    %get3A_11 = arith.constant 0 : index
    %get3A_12 = vector.load %arg4[%get3A_10, %get3A_11] : memref<1024x1xf32, #tpu.memory_space<vmem>>, vector<1024x1xf32>
    %add3A_13 = arith.addf %get3A_9, %get3A_12 : vector<1024x1xf32>
    %mul3A = vector.broadcast %add3A_13 : vector<1024x1xf32> to vector<1024x128xf32>
    %mul3A_14 = arith.mulf %max3A_6, %mul3A : vector<1024x128xf32>
    %reduce_sum3A = arith.constant dense<0.000000e+00> : vector<128xf32>
    %reduce_sum3A_15 = vector.multi_reduction <add>, %mul3A_14, %reduce_sum3A [0] : vector<1024x128xf32> to vector<128xf32>
    %broadcast_in_dim3A = vector.shape_cast %reduce_sum3A_15 : vector<128xf32> to vector<1x128xf32>
    %get3A_16 = arith.constant 0 : index
    %get3A_17 = arith.constant 0 : index
    %get3A_18 = vector.load %arg5[%get3A_16, %get3A_17] : memref<128x16xf32, #tpu.memory_space<vmem>>, vector<128x16xf32>
    %dot_general3A = arith.constant dense<0.000000e+00> : vector<1x16xf32>
    %dot_general3A_19 = tpu.matmul %broadcast_in_dim3A, %get3A_18, %dot_general3A {dimension_numbers = #tpu.dot_dimension_numbers<[1], [0], [0], [1], [0, 0, 1, 1], [], []>, transpose_lhs_hint = false} : vector<1x128xf32>, vector<128x16xf32>, vector<1x16xf32> -> vector<1x16xf32>
    %mul3A_20 = arith.constant 9.99999974E-5 : f32
    %mul3A_21 = vector.broadcast %mul3A_20 : f32 to vector<1x16xf32>
    %mul3A_22 = arith.mulf %dot_general3A_19, %mul3A_21 : vector<1x16xf32>
    %eq3A = arith.constant 0 : i32
    %eq3A_23 = arith.cmpi eq, %arg0, %eq3A : i32
    %convert_element_type3A = arith.extui %eq3A_23 : i1 to i32
    %cond3A = arith.constant 0 : i32
    %cond3A_24 = arith.cmpi ne, %convert_element_type3A, %cond3A : i32
    scf.if %cond3A_24 {
      %swap3A = arith.constant 0 : index
      %swap3A_29 = arith.constant 0 : index
      %swap3A_30 = vector.load %arg6[%swap3A, %swap3A_29] : memref<1x16xf32, #tpu.memory_space<vmem>>, vector<1x16xf32>
      tpu.vector_store %arg6[%swap3A, %swap3A_29], %mul3A_22 {strides = array<i32>} : memref<1x16xf32, #tpu.memory_space<vmem>>, vector<1x16xf32>,
    } else {
    }
    %gt3A = arith.constant 0 : i32
    %gt3A_25 = arith.cmpi sgt, %arg0, %gt3A : i32
    %convert_element_type3A_26 = arith.extui %gt3A_25 : i1 to i32
    %cond3A_27 = arith.constant 0 : i32
    %cond3A_28 = arith.cmpi ne, %convert_element_type3A_26, %cond3A_27 : i32
    scf.if %cond3A_28 {
      %get3A_29 = arith.constant 0 : index
      %get3A_30 = arith.constant 0 : index
      %get3A_31 = vector.load %arg6[%get3A_29, %get3A_30] : memref<1x16xf32, #tpu.memory_space<vmem>>, vector<1x16xf32>
      %add3A_32 = arith.addf %get3A_31, %mul3A_22 : vector<1x16xf32>
      %swap3A = arith.constant 0 : index
      %swap3A_33 = arith.constant 0 : index
      %swap3A_34 = vector.load %arg6[%swap3A, %swap3A_33] : memref<1x16xf32, #tpu.memory_space<vmem>>, vector<1x16xf32>
      tpu.vector_store %arg6[%swap3A, %swap3A_33], %add3A_32 {strides = array<i32>} : memref<1x16xf32, #tpu.memory_space<vmem>>, vector<1x16xf32>,
    } else {
    }
    return
  }
  func.func @transform_0(%arg0: i32) -> (i32, i32) {
    %c0_i32 = arith.constant 0 : i32
    %c0_i32_0 = arith.constant 0 : i32
    return %arg0, %c0_i32 : i32, i32
  }
  func.func @transform_1(%arg0: i32) -> (i32, i32) {
    %c0_i32 = arith.constant 0 : i32
    %c0_i32_0 = arith.constant 0 : i32
    return %arg0, %c0_i32 : i32, i32
  }
  func.func @transform_2(%arg0: i32) -> (i32, i32) {
    %c0_i32 = arith.constant 0 : i32
    %c0_i32_0 = arith.constant 0 : i32
    return %arg0, %c0_i32 : i32, i32
  }
  func.func @transform_3(%arg0: i32) -> (i32, i32) {
    %c0_i32 = arith.constant 0 : i32
    %c0_i32_0 = arith.constant 0 : i32
    return %arg0, %c0_i32 : i32, i32
  }
  func.func @transform_4(%arg0: i32) -> (i32, i32) {
    %c0_i32 = arith.constant 0 : i32
    %c0_i32_0 = arith.constant 0 : i32
    %c0_i32_1 = arith.constant 0 : i32
    return %c0_i32, %c0_i32_0 : i32, i32
  }
  func.func @transform_5(%arg0: i32) -> (i32, i32) {
    %c0_i32 = arith.constant 0 : i32
    %c0_i32_0 = arith.constant 0 : i32
    %c0_i32_1 = arith.constant 0 : i32
    return %c0_i32, %c0_i32_0 : i32, i32
  }
}

</mosaic_0001>

<sc_bundles>
// kernel: kernel.5.cloned.1.call-start
scs
__scs_entry_jumppad:
0x0: {  	(pc) =	sbr.rel $0x88, $3  }
0x1: {  	(tag) =	ssettag $0x0;
	lr =	simm.s32 $0x1  }
0x2: {  	[smem:$0x3F9C] =	sst lr;
	_ =	strace $0xD0000000  }
0x3: {  	_ = 	snop  }
0x4: {  	_ = 	snop  }
0x5: {  	_ = 	snop  }
0x6: {  	_ = 	snop  }
0x7: {  	_ = 	snop  }
__scs_overlays_trampoline_lowered:
0x8: {  	[smem:$0x3FAB] =	sst s0  }
0x9: {  	[smem:$0x3FAC] =	sst s1  }
0xa: {  	[smem:$0x3FAD] =	sst s2  }
0xb: {  	[smem:$0x3FAE] =	sst s3  }
0xc: {  	[smem:$0x3FAF] =	sst s4  }
0xd: {  	[smem:$0x3FB0] =	sst s5  }
0xe: {  	[smem:$0x3FB1] =	sst s6  }
0xf: {  	[smem:$0x3FB2] =	sst s7  }
0x10: {  	[smem:$0x3FB3] =	sst s8  }
0x11: {  	[smem:$0x3FB4] =	sst s9;
	s0 =	simm.s32 @!p0 $0x0  }
0x12: {  	s1 =	sld [smem:$0x3F9A];
	s0 =	simm.s32 @p0 $0x1  }
0x13: {  	[smem:$0x3FB5] =	sst s0;
	s0 =	simm.s32 @!p1 $0x0  }
0x14: {  	s2 =	sld [smem:$0x3F99];
	s0 =	simm.s32 @p1 $0x1  }
0x15: {  	[smem:$0x3FB6] =	sst s0;
	s0 =	simm.s32 @!p2 $0x0  }
0x16: {  	s3 =	sld [smem:$0x3FDB];
	s0 =	simm.s32 @p2 $0x1  }
0x17: {  	s4 =	simm.s32 $0x1BF5;
	[smem:$0x3FB8] =	sst s0  }
0x18: {  	s0 =	sld [smem:$0x3F9B];
	_ =	swait.ge [sflag:s4], $0x0  }
0x19: {  	s7 =	sld [smem:$0x3F9C]  }
0x1a: {  	s8 =	sadd.s32 $0xFFFFE003, lr  }
0x1b: {  	s9 =	sadd.s32 $0xFFFFFEF7, lr;
	s5 =	simm.s32 $0xFFFFFFFF;
	p2 =	slt.u32 s8, $0xFFFFF086  }
0x1c: {  	p1 =	slt.u32 s9, $0xF7A;
	s5 =	simm.s32 @!p2 $0x0  }
0x1d: {  	s5 =	simm.s32 @p1 $0x1;
	p0 =	seq.s32 s7, s2  }
0x1e: {  	s7 =	smul.u32 @!p0 $0xF7A, s2;
	p2 =	seq.s32 @!p0 s5, $0x0  }
0x1f: {  	s9 =	smul.u32 $0xF7A, s1;
	s8 =	simm.s32 @!p0 $0x1BF5;
	p2 =	por !p2, p0  }
0x20: {  	[sflag:s8] =	ssyncset.s32 @!p0 $0xFFFFF086;
	s6 =	sadd.s32 @!p0 s3, s7;
	s7 =	simm.s32 @!p0 $0x108  }
0x21: {  	s3 =	sadd.s32 s3, s9;
	s6 =	sadd.s32 @!p0 $0x88, s6;
	s7 =	simm.s32 @p2 $0x1082  }
0x22: {  	[simem:s7], [sflag:s8] =	dma.local @!p0 [hbm:s6], $0xF7A  }
0x23: {  	s9 =	sor.u32 $0xD0000000, s2;
	s6 =	simm.s32 $0x108;
	_ =	swait.ge @!p0 [sflag:s8], $0x0  }
0x24: {  	s3 =	sadd.s32 $0x88, s3;
	s6 =	simm.s32 @!p1 $0x1082;
	[sflag:s4] =	ssyncset.s32 $0xFFFFF086  }
0x25: {  	[simem:s6], [sflag:s4] =	dma.local [hbm:s3], $0xF7A  }
0x26: {  	[smem:$0x3F9C] =	sst s1;
	(tag) =	ssettag s2;
	_ =	strace s9  }
0x27: {  	s1 =	sld [smem:$0x3FAC]  }
0x28: {  	s2 =	sld [smem:$0x3FAD]  }
0x29: {  	s4 =	sld [smem:$0x3FAF]  }
0x2a: {  	p0 =	seq.s32 s5, $0x0;
	s5 =	sld [smem:$0x3FB0]  }
0x2b: {  	s6 =	sld [smem:$0x3FB1]  }
0x2c: {  	s7 =	sld [smem:$0x3FB2]  }
0x2d: {  	s3 =	simm.s32 $0x108;
	s8 =	sld [smem:$0x3FB3]  }
0x2e: {  	s3 =	simm.s32 @!p0 $0x1082;
	s9 =	sld [smem:$0x3FB4]  }
0x2f: {  	lr =	sadd.s32 s0, s3;
	s0 =	sld [smem:$0x3FAB]  }
0x30: {  	s3 =	sld [smem:$0x3FAE]  }
0x31: {  	[smem:$0x3FB7] =	sst s10  }
0x32: {  	s10 =	sld [smem:$0x3FB5];
	_ =	sdelay $0x3  }
0x33: {  	p0 =	seq.s32 s10, $0x1;
	s10 =	sld [smem:$0x3FB7];
	_ =	sdelay $0x3  }
0x34: {  	[smem:$0x3FB7] =	sst s10  }
0x35: {  	s10 =	sld [smem:$0x3FB6];
	_ =	sdelay $0x3  }
0x36: {  	p1 =	seq.s32 s10, $0x1;
	s10 =	sld [smem:$0x3FB7];
	_ =	sdelay $0x3  }
0x37: {  	[smem:$0x3FB7] =	sst s10  }
0x38: {  	s10 =	sld [smem:$0x3FB8]  }
0x39: {  	_ = 	snop;
	(pc) =	sbr.ind lr, $3  }
0x3a: {  	_ = 	snop  }
0x3b: {  	_ = 	snop  }
0x3c: {  	p2 =	seq.s32 s10, $0x1;
	s10 =	sld [smem:$0x3FB7]  }
0x3d: {  	_ =	shalt  }
0x3e: {  	_ =	shalt  }
0x3f: {  	_ =	shalt  }
0x40: {  	_ =	shalt  }
0x41: {  	_ =	shalt  }
0x42: {  	_ =	shalt  }
0x43: {  	_ =	shalt  }
0x44: {  	_ =	shalt  }
0x45: {  	_ =	shalt  }
0x46: {  	_ =	shalt  }
0x47: {  	_ =	shalt  }
0x48: {  	_ =	shalt  }
0x49: {  	_ =	shalt  }
0x4a: {  	_ =	shalt  }
0x4b: {  	_ =	shalt  }
0x4c: {  	_ =	shalt  }
0x4d: {  	_ =	shalt  }
0x4e: {  	_ =	shalt  }
0x4f: {  	_ =	shalt  }
0x50: {  	_ =	shalt  }
0x51: {  	_ =	shalt  }
0x52: {  	_ =	shalt  }
0x53: {  	_ =	shalt  }
0x54: {  	_ =	shalt  }
0x55: {  	_ =	shalt  }
0x56: {  	_ =	shalt  }
0x57: {  	_ =	shalt  }
0x58: {  	_ =	shalt  }
0x59: {  	_ =	shalt  }
0x5a: {  	_ =	shalt  }
0x5b: {  	_ =	shalt  }
0x5c: {  	_ =	shalt  }
0x5d: {  	_ =	shalt  }
0x5e: {  	_ =	shalt  }
0x5f: {  	_ =	shalt  }
0x60: {  	_ =	shalt  }
0x61: {  	_ =	shalt  }
0x62: {  	_ =	shalt  }
0x63: {  	_ =	shalt  }
0x64: {  	_ =	shalt  }
0x65: {  	_ =	shalt  }
0x66: {  	_ =	shalt  }
0x67: {  	_ =	shalt  }
0x68: {  	_ =	shalt  }
0x69: {  	_ =	shalt  }
0x6a: {  	_ =	shalt  }
0x6b: {  	_ =	shalt  }
0x6c: {  	_ =	shalt  }
0x6d: {  	_ =	shalt  }
0x6e: {  	_ =	shalt  }
0x6f: {  	_ =	shalt  }
0x70: {  	_ =	shalt  }
0x71: {  	_ =	shalt  }
0x72: {  	_ =	shalt  }
0x73: {  	_ =	shalt  }
0x74: {  	_ =	shalt  }
0x75: {  	_ =	shalt  }
0x76: {  	_ =	shalt  }
0x77: {  	_ =	shalt  }
0x78: {  	_ =	shalt  }
0x79: {  	_ =	shalt  }
0x7a: {  	_ =	shalt  }
0x7b: {  	_ =	shalt  }
0x7c: {  	_ =	shalt  }
0x7d: {  	_ =	shalt  }
0x7e: {  	_ =	shalt  }
0x7f: {  	_ =	shalt  }
0x80: {  	_ =	shalt  }
0x81: {  	_ =	shalt  }
0x82: {  	_ =	shalt  }
0x83: {  	_ =	shalt  }
0x84: {  	_ =	shalt  }
0x85: {  	_ =	shalt  }
0x86: {  	_ =	shalt  }
0x87: {  	_ =	shalt  }
.Lfunc_end0:
.L_simem_size_0:
called_computation_lowered:
.L_overlay_start_0:
0x88: {  	s2 =	sld [smem:$0x3FD9]  }
0x89: {  	s3 =	sld [smem:$0x3FFE];
	_ =	sdelay $0x1  }
0x8a: {  	s1 =	srdreg.scid  }
0x8b: {  	s0 =	sand.u32 $0x1, s1  }
0x8c: {  	s16 =	sshll.u32 s0, $0xA;
	s2 =	sadd.s32 s3, s2  }
0x8d: {  	s2 =	sadd.s32 s2, s16  }
0x8e: {  	[smem:$0x3FC3] =	sst s2  }
0x8f: {  	_ = 	snop  }
0x90: {  	(tm) =	ssettm $0x1  }
0x91: {  	s17 =	sld [smem:$0x3FFB];
	_ =	sdelay $0x3  }
0x92: {  	_ =	strace s17  }
0x93: {  	s2 =	sld [smem:$0x3FFC];
	_ =	sdelay $0x3  }
0x94: {  	_ =	strace s2  }
0x95: {  	s2 =	sld [smem:$0x3FFD];
	_ =	sdelay $0x3  }
0x96: {  	_ =	strace s2  }
0x97: {  	_ =	strace $0x8FFFFFFF  }
0x98: {  	s18 =	sld [smem:$0x3FDB];
	_ =	sdelay $0x1  }
0x99: {  	s19 =	simm.s32 $_scs_section_size  }
0x9a: {  	s4 =	simm.s32 $_size__tile_overlayer_lowered;
	s5 =	simm.s32 $_tile_overlayer_lowered  }
0x9b: {  	s22 =	simm.s32 $0x1BFF;
	s21 =	sshll.u32 s5, $0x1;
	s2 =	sadd.s32 s19, s18  }
0x9c: {  	s6 =	simm.s32 $0x0;
	s20 =	sshll.u32 s4, $0x1;
	s4 =	sadd.s32 s21, s2  }
0x9d: {  	[timem:s6], [sflag:s22] =	dma.local [hbm:s4], s20  }
0x9e: {  	_ =	swait.ge [sflag:s22], s20  }
0x9f: {  	s3 =	ssub.s32 $0x0, s20;
	[sflag:s22] =	ssyncset.done $0x0  }
0xa0: {  	[sflag:s22] =	ssyncadd.s32 s3;
	_ =	sdelay $0x1  }
0xa1: {  	s23 =	simm.s32 $0x1B8B  }
0xa2: {  	_ =	swait.ge [sflag:s23], $0x1  }
0xa3: {  	[sflag:s23] =	ssyncset.done $0x0  }
0xa4: {  	s25 =	simm.s32 $0x1B8E;
	s24 =	sld [smem:$0x3FFE];
	[sflag:s23] =	ssyncadd.s32 $0xFFFFFFFF  }
0xa5: {  	s26 =	simm.s32 $execute0_lowered;
	[smem:$0x3FD2] =	sst s25  }
0xa6: {  	s4 =	sshll.u32 s26, $0x1;
	_ =	strace $0x80000046;
	[dreg:$0x1] =	wrdreg $0xFFFFFFFF  }
0xa7: {  	s28 =	simm.s32 $_size_execute0_lowered;
	s2 =	sadd.s32 s2, s4;
	[dreg:$0x0] =	wrdreg $0x0  }
0xa8: {  	s4 =	sshll.u32 s28, $0x1;
	[dreg:$0x2] =	wrdreg s2  }
0xa9: {  	[dreg:$0x3] =	wrdreg s4  }
0xaa: {  	[dreg:$0x4] =	wrdreg $0xC0  }
0xab: {  	_ =	task [dreg:s6], $0x5FFFF  }
0xac: {  	[dreg:$0x1] =	wrdreg $0xFFFFFFFF  }
0xad: {  	[dreg:$0x0] =	wrdreg $0x60  }
0xae: {  	[dreg:$0x2] =	wrdreg s24  }
0xaf: {  	[dreg:$0x3] =	wrdreg $0xB8000  }
0xb0: {  	[dreg:$0x4] =	wrdreg $0x1F8000  }
0xb1: {  	[dreg:$0x5] =	wrdreg $0x9  }
0xb2: {  	_ =	task.clear_ibuf [dreg:s6], $0x6FFFF;
	_ =	strace $0x90000046  }
0xb3: {  	s29 =	simm.s32 $0x9;
	_ =	strace $0x80000048  }
0xb4: {  	_ =	swait.ge [sflag:s29], $0x1  }
0xb5: {  	[sflag:s29] =	ssyncadd.s32 $0xFFFFFFFF  }
0xb6: {  	_ =	strace $0x90000048  }
0xb7: {  	_ =	sfence  }
0xb8: {  	s30 =	sld [smem:$0x0];
	_ =	sdelay $0x2  }
0xb9: {  	s31 =	sshll.u32 s1, $0xD;
	s1 =	sshrl.u32 s1, $0x2  }
0xba: {  	s3 =	sand.u32 $0x4000, s31;
	s1 =	sadd.s32 s1, s30  }
0xbb: {  	s0 =	sor.u32 s3, s0;
	s1 =	sshll.u32 s1, $0x11  }
0xbc: {  	s0 =	sor.u32 s1, s0  }
0xbd: {  	s0 =	sadd.s32 $0x8F2B, s0  }
0xbe: {  	[sflag:s0] =	ssyncadd.remote.s32 $0x1  }
0xbf: {  	_ =	sfence.sel $0xFFFF  }
0xc0: {  	[dreg:$0x0] =	wrdreg $0xFFFFFFFF;
	(pc) =	sbr.abs _section_cstart, $3  }
0xc1: {  	[dreg:$0x1] =	wrdreg $0xFFFFFFFF  }
0xc2: {  	_ =	task.clear_ibuf [dreg:s6], $0x2FFFF;
	_ =	strace $0x9FFFFFFF  }
0xc3: {  	(tm) =	ssettm $0x7FFFFFFF  }
tec
execute0_lowered:
.L_overlay_start_1:
0x0: {  	(tag) =	ssettag $0x1  }
0x1: {  	s10 =	stileid.u32  }
0x2: {  	s5 =	smul.u32 $0x2800, s10  }
0x3: {  	s0 =	rddreg [dreg:$0x0];
	s20 =	smul.u32 $0x14000, s10  }
0x4: {  	s1 =	srdreg.scid;
	s8 =	smul.u32 $0x500, s10  }
0x5: {  	s2 =	rddreg [dreg:$0x1];
	s11 =	smul.u32 $0x280, s10  }
0x6: {  	s3 =	rddreg [dreg:$0x2];
	s1 =	sand.u32 $0x1, s1;
	s22 =	smul.u32 $0x50000, s10  }
0x7: {  	s7 =	simm.s32 $0x0;
	s28 =	simm.s32 $0x1;
	s4 =	smul.u32 $0x28000, s1  }
0x8: {  	s31 =	simm.s32 $0x0;
	[smem:$0x7FF] =	sst s7;
	s6 =	smul.u32 $0x140000, s1  }
0x9: {  	_ =	strace $0x80000047;
	s9 =	sshll.u32 s1, $0x7;
	s1 =	ssub.s32 $0x2, s1  }
0xa: {  	s21 =	sor.u32 s9, s8;
	s23 =	sshrl.u32 s1, $0x1;
	s24 =	sshrl.u32 s22, $0x2  }
0xb: {  	s25 =	sadd.s32 $0x80, s11;
	s12 =	sadd.s32 $0x100, s11;
	s13 =	sadd.s32 $0x180, s11  }
0xc: {  	s15 =	sadd.s32 $0x200, s11;
	s22 =	simm.s32 $0x7800;
	s4 =	sadd.s32 s5, s4  }
0xd: {  	s5 =	sadd.s32 $0x1F800, s0;
	s6 =	sadd.s32 s20, s6;
	s7 =	sshrl.u32 s21, $0x3  }
0xe: {  	s1 =	ssub.s32 s1, s23;
	s26 =	sshll.u32 s25, $0x7;
	s9 =	sadd.s32 s25, s3  }
0xf: {  	s29 =	sshll.u32 s12, $0x7;
	s14 =	sshll.u32 s13, $0x7;
	s30 =	sshll.u32 s15, $0x7  }
0x10: {  	s13 =	sadd.s32 s13, s3;
	s15 =	sadd.s32 s15, s3;
	s23 =	simm.s32 $0x2  }
0x11: {  	s25 =	simm.s32 $0x5000;
	s4 =	sshrl.u32 s4, $0x3;
	s6 =	sshrl.u32 s6, $0x3  }
0x12: {  	s8 =	sadd.s32 s26, s2;
	s10 =	sadd.s32 s29, s2;
	s21 =	smax.u32 s1, $0x1  }
0x13: {  	s26 =	simm.s32 $0x80;
	s4 =	sadd.s32 s4, s0;
	s19 =	sadd.s32 s6, s0  }
0x14: {  	s0 =	sadd.s32 s7, s0;
	s6 =	sadd.s32 s24, s2;
	s7 =	sadd.s32 s11, s3  }
0x15: {  	s11 =	sadd.s32 s12, s3;
	s12 =	sadd.s32 s14, s2;
	s14 =	sadd.s32 s30, s2  }
0x16: {  	s24 =	simm.s32 $0x2800;
	s16 =	sadd.s32 $0x15800, s4;
	s17 =	sadd.s32 $0xB800, s4  }
0x17: {  	v0 =	vimm.f32 $0.0e+00;
	s18 =	sadd.s32 $0x1800, s4;
	s19 =	sadd.s32 $0x46A00, s19;
	s20 =	sadd.s32 $0x96A00, s0  }
.LBB2_1:
0x18: {  	s0 =	simm.s32 $0x0;
	s1 =	simm.s32 $0x200  }
.LBB2_2:
0x19: {  	p0 =	sne.s32 s1, $0xFE00;
	[tilespmem:s0+$0x7870] =	vst v0  }
0x1a: {  	[tilespmem:s0+$0x7800] =	vst v0  }
0x1b: {  	[tilespmem:s0+$0x7810] =	vst v0  }
.Ltmp0:
0x1c: {  	[tilespmem:s0+$0x7820] =	vst v0;
	(pc) =	sbr.rel @p0 .LBB2_2-.Ltmp0, $4  }
0x1d: {  	[tilespmem:s0+$0x7830] =	vst v0  }
0x1e: {  	[tilespmem:s0+$0x7840] =	vst v0  }
0x1f: {  	[tilespmem:s0+$0x7850] =	vst v0  }
0x20: {  	[tilespmem:s0+$0x7860] =	vst v0;
	s0 =	sshra.s32 s1, $0x2;
	s1 =	sadd.s32 $0x200, s1  }
0x21: {  	[tilespmem:s0+$0x7870] =	vst v0  }
0x22: {  	[tilespmem:s0+$0x7800] =	vst v0  }
0x23: {  	[tilespmem:s0+$0x7810] =	vst v0  }
0x24: {  	[tilespmem:s0+$0x7820] =	vst v0  }
0x25: {  	[tilespmem:s0+$0x7830] =	vst v0  }
0x26: {  	[tilespmem:s0+$0x7840] =	vst v0  }
0x27: {  	[tilespmem:s0+$0x7850] =	vst v0  }
0x28: {  	[tilespmem:s0+$0x7860] =	vst v0  }
0x29: {  	[spmem:s6] =	stream.linear.scatter [tilespmem:s22], [sflag:$0x2], $0x4000, $0x38;
	[tilespmem:$0x1FA80] =	vst v63  }
0x2a: {  	_ =	swait.ge [sflag:s23], $0x4000  }
0x2b: {  	[sflag:s23] =	ssyncset.done $0x0  }
0x2c: {  	[sflag:s23] =	ssyncadd.s32 $0xFFFFC000  }
0x2d: {  	[spmem:s7] =	stream.linear.scatter [tilespmem:s22], [sflag:$0x2], $0x80, $0x38;
	[tilespmem:$0x1FA80] =	vst v63  }
0x2e: {  	_ =	swait.ge [sflag:s23], $0x80  }
0x2f: {  	[sflag:s23] =	ssyncset.done $0x0  }
0x30: {  	[sflag:s23] =	ssyncadd.s32 $0xFFFFFF80  }
0x31: {  	[spmem:s8] =	stream.linear.scatter [tilespmem:s22], [sflag:$0x2], $0x4000, $0x38;
	[tilespmem:$0x1FA80] =	vst v63  }
0x32: {  	_ =	swait.ge [sflag:s23], $0x4000  }
0x33: {  	[sflag:s23] =	ssyncset.done $0x0  }
0x34: {  	[sflag:s23] =	ssyncadd.s32 $0xFFFFC000  }
0x35: {  	[spmem:s9] =	stream.linear.scatter [tilespmem:s22], [sflag:$0x2], $0x80, $0x38;
	[tilespmem:$0x1FA80] =	vst v63  }
0x36: {  	_ =	swait.ge [sflag:s23], $0x80  }
0x37: {  	[sflag:s23] =	ssyncset.done $0x0  }
0x38: {  	[sflag:s23] =	ssyncadd.s32 $0xFFFFFF80  }
0x39: {  	[spmem:s10] =	stream.linear.scatter [tilespmem:s22], [sflag:$0x2], $0x4000, $0x38;
	[tilespmem:$0x1FA80] =	vst v63  }
0x3a: {  	_ =	swait.ge [sflag:s23], $0x4000  }
0x3b: {  	[sflag:s23] =	ssyncset.done $0x0  }
0x3c: {  	[sflag:s23] =	ssyncadd.s32 $0xFFFFC000  }
0x3d: {  	[spmem:s11] =	stream.linear.scatter [tilespmem:s22], [sflag:$0x2], $0x80, $0x38;
	[tilespmem:$0x1FA80] =	vst v63  }
0x3e: {  	_ =	swait.ge [sflag:s23], $0x80  }
0x3f: {  	[sflag:s23] =	ssyncset.done $0x0  }
0x40: {  	[sflag:s23] =	ssyncadd.s32 $0xFFFFFF80  }
0x41: {  	[spmem:s12] =	stream.linear.scatter [tilespmem:s22], [sflag:$0x2], $0x4000, $0x38;
	[tilespmem:$0x1FA80] =	vst v63  }
0x42: {  	_ =	swait.ge [sflag:s23], $0x4000  }
0x43: {  	[sflag:s23] =	ssyncset.done $0x0  }
0x44: {  	[sflag:s23] =	ssyncadd.s32 $0xFFFFC000  }
0x45: {  	[spmem:s13] =	stream.linear.scatter [tilespmem:s22], [sflag:$0x2], $0x80, $0x38;
	[tilespmem:$0x1FA80] =	vst v63  }
0x46: {  	_ =	swait.ge [sflag:s23], $0x80  }
0x47: {  	[sflag:s23] =	ssyncset.done $0x0  }
0x48: {  	[sflag:s23] =	ssyncadd.s32 $0xFFFFFF80  }
0x49: {  	[spmem:s14] =	stream.linear.scatter [tilespmem:s22], [sflag:$0x2], $0x4000, $0x38;
	[tilespmem:$0x1FA80] =	vst v63  }
0x4a: {  	_ =	swait.ge [sflag:s23], $0x4000  }
0x4b: {  	[sflag:s23] =	ssyncset.done $0x0  }
0x4c: {  	[sflag:s23] =	ssyncadd.s32 $0xFFFFC000  }
0x4d: {  	[spmem:s15] =	stream.linear.scatter [tilespmem:s22], [sflag:$0x2], $0x80, $0x38;
	[tilespmem:$0x1FA80] =	vst v63  }
0x4e: {  	_ =	swait.ge [sflag:s23], $0x80  }
0x4f: {  	[sflag:s23] =	ssyncset.done $0x0  }
0x50: {  	[sflag:s23] =	ssyncadd.s32 $0xFFFFFF80  }
0x51: {  	s1 =	simm.s32 $0x0;
	[bflag:$0x0] =	sbarrier.arrive $0xFFFF  }
0x52: {  	[tilespmem:s1], [sflag:$0x2] =	stream.linear.gather [hbm4b:s16+s1], $0x2780, $0x38;
	[tilespmem:$0x1FA80] =	vst v63  }
0x53: {  	_ =	swait.ge [sflag:s23], $0x2780  }
0x54: {  	[sflag:s23] =	ssyncset.done $0x0  }
0x55: {  	[sflag:s23] =	ssyncadd.s32 $0xFFFFD880  }
0x56: {  	[tilespmem:s24], [sflag:$0x2] =	stream.linear.gather [hbm4b:s17+s1], $0x2780, $0x38;
	[tilespmem:$0x1FA80] =	vst v63  }
0x57: {  	_ =	swait.ge [sflag:s23], $0x2780  }
0x58: {  	[sflag:s23] =	ssyncset.done $0x0  }
0x59: {  	[sflag:s23] =	ssyncadd.s32 $0xFFFFD880  }
0x5a: {  	[tilespmem:s25], [sflag:$0x2] =	stream.linear.gather [hbm4b:s18+s1], $0x2780, $0x38;
	[tilespmem:$0x1FA80] =	vst v63  }
0x5b: {  	_ =	swait.ge [sflag:s23], $0x2780  }
0x5c: {  	[sflag:s23] =	ssyncset.done $0x0  }
0x5d: {  	[sflag:s23] =	ssyncadd.s32 $0xFFFFD880  }
0x5e: {  	[tilespmem:s22], [sflag:$0x2] =	stream.indirect.gather [hbm4b:s5+s26], $0x80, s1, s26, $0xb8;
	[tilespmem:$0x1FA80] =	vst v63  }
0x5f: {  	_ =	swait.ge [sflag:s23], $0x4000  }
0x60: {  	[sflag:s23] =	ssyncset.done $0x0  }
0x61: {  	[sflag:s23] =	ssyncadd.s32 $0xFFFFC000  }
.LBB2_4:
0x62: {  	s0 =	sshll.u32 s1, $0x4  }
0x63: {  	s0 =	sand.u32 $0x3FFFFFF0, s0  }
0x64: {  	s30 =	sshll.u32 s1, $0xB;
	v1 =	vld [tilespmem:s0+$0x5000]  }
0x65: {  	s4 =	sand.u32 $0x3FFFF800, s30  }
0x66: {  	v2 =	vld [tilespmem:s4+$0x7800]  }
0x67: {  	v3 =	vld [tilespmem:s4+$0x7810]  }
0x68: {  	v4 =	vld [tilespmem:s4+$0x7820]  }
0x69: {  	v6 =	vld [tilespmem:s4+$0x7830];
	v5 =	vbroadcast v1, $0x0  }
0x6a: {  	v7 =	vld [tilespmem:s4+$0x7840]  }
0x6b: {  	v8 =	vld [tilespmem:s4+$0x7850];
	v2 =	vmul.f32 v5, v2  }
0x6c: {  	v9 =	vld [tilespmem:s4+$0x7860];
	v3 =	vmul.f32 v3, v5  }
0x6d: {  	v34 =	vld [tilespmem:s4+$0x7870];
	[tilespmem:s4+$0x7800] =	vst v2;
	v2 =	vmul.f32 v4, v5  }
0x6e: {  	v35 =	vld [tilespmem:s4+$0x7880];
	[tilespmem:s4+$0x7810] =	vst v3;
	v3 =	vmul.f32 v6, v5  }
0x6f: {  	v36 =	vld [tilespmem:s4+$0x7890];
	[tilespmem:s4+$0x7820] =	vst v2;
	v2 =	vmul.f32 v7, v5  }
0x70: {  	v37 =	vld [tilespmem:s4+$0x78A0];
	[tilespmem:s4+$0x7830] =	vst v3;
	v3 =	vmul.f32 v8, v5  }
0x71: {  	v10 =	vld [tilespmem:s4+$0x78B0];
	v38 =	vbroadcast v1, $0x1;
	[tilespmem:s4+$0x7840] =	vst v2;
	v2 =	vmul.f32 v9, v5  }
0x72: {  	v39 =	vld [tilespmem:s4+$0x78C0];
	[tilespmem:s4+$0x7850] =	vst v3;
	v3 =	vmul.f32 v34, v5  }
0x73: {  	v40 =	vld [tilespmem:s4+$0x78D0];
	[tilespmem:s4+$0x7860] =	vst v2;
	v2 =	vmul.f32 v35, v38  }
0x74: {  	v41 =	vld [tilespmem:s4+$0x78E0];
	[tilespmem:s4+$0x7870] =	vst v3;
	v3 =	vmul.f32 v36, v38  }
0x75: {  	v42 =	vld [tilespmem:s4+$0x78F0];
	[tilespmem:s4+$0x7880] =	vst v2;
	v2 =	vmul.f32 v37, v38  }
0x76: {  	v43 =	vld [tilespmem:s4+$0x7900];
	[tilespmem:s4+$0x7890] =	vst v3;
	v3 =	vmul.f32 v10, v38  }
0x77: {  	v44 =	vld [tilespmem:s4+$0x7910];
	[tilespmem:s4+$0x78A0] =	vst v2;
	v2 =	vmul.f32 v39, v38  }
0x78: {  	v45 =	vld [tilespmem:s4+$0x7920];
	[tilespmem:s4+$0x78B0] =	vst v3;
	v3 =	vmul.f32 v40, v38  }
0x79: {  	v47 =	vld [tilespmem:s4+$0x7930];
	v46 =	vbroadcast v1, $0x2;
	[tilespmem:s4+$0x78C0] =	vst v2;
	v2 =	vmul.f32 v41, v38  }
0x7a: {  	v48 =	vld [tilespmem:s4+$0x7940];
	[tilespmem:s4+$0x78D0] =	vst v3;
	v3 =	vmul.f32 v42, v38  }
0x7b: {  	v49 =	vld [tilespmem:s4+$0x7950];
	[tilespmem:s4+$0x78E0] =	vst v2;
	v2 =	vmul.f32 v43, v46  }
0x7c: {  	v50 =	vld [tilespmem:s4+$0x7960];
	[tilespmem:s4+$0x78F0] =	vst v3;
	v3 =	vmul.f32 v44, v46  }
0x7d: {  	v51 =	vld [tilespmem:s4+$0x7970];
	[tilespmem:s4+$0x7900] =	vst v2;
	v2 =	vmul.f32 v45, v46  }
0x7e: {  	v52 =	vld [tilespmem:s4+$0x7980];
	[tilespmem:s4+$0x7910] =	vst v3;
	v3 =	vmul.f32 v47, v46  }
0x7f: {  	v53 =	vld [tilespmem:s4+$0x7990];
	[tilespmem:s4+$0x7920] =	vst v2;
	v2 =	vmul.f32 v48, v46  }
0x80: {  	v54 =	vld [tilespmem:s4+$0x79A0];
	[tilespmem:s4+$0x7930] =	vst v3;
	v3 =	vmul.f32 v49, v46  }
0x81: {  	v56 =	vld [tilespmem:s4+$0x79B0];
	v55 =	vbroadcast v1, $0x3;
	[tilespmem:s4+$0x7940] =	vst v2;
	v2 =	vmul.f32 v50, v46  }
0x82: {  	v57 =	vld [tilespmem:s4+$0x79C0];
	[tilespmem:s4+$0x7950] =	vst v3;
	v3 =	vmul.f32 v51, v46  }
0x83: {  	v58 =	vld [tilespmem:s4+$0x79D0];
	[tilespmem:s4+$0x7960] =	vst v2;
	v2 =	vmul.f32 v52, v55  }
0x84: {  	v59 =	vld [tilespmem:s4+$0x79E0];
	[tilespmem:s4+$0x7970] =	vst v3;
	v3 =	vmul.f32 v53, v55  }
0x85: {  	v60 =	vld [tilespmem:s4+$0x79F0];
	[tilespmem:s4+$0x7980] =	vst v2;
	v2 =	vmul.f32 v54, v55  }
0x86: {  	v61 =	vld [tilespmem:s4+$0x7A00];
	[tilespmem:s4+$0x7990] =	vst v3;
	v3 =	vmul.f32 v56, v55  }
0x87: {  	v62 =	vld [tilespmem:s4+$0x7A10];
	[tilespmem:s4+$0x79A0] =	vst v2;
	v2 =	vmul.f32 v57, v55  }
0x88: {  	v63 =	vld [tilespmem:s4+$0x7A20];
	[tilespmem:s4+$0x79B0] =	vst v3;
	v3 =	vmul.f32 v58, v55  }
0x89: {  	v13 =	vld [tilespmem:s4+$0x7A30];
	v12 =	vbroadcast v1, $0x4;
	[tilespmem:s4+$0x79C0] =	vst v2;
	v2 =	vmul.f32 v59, v55  }
0x8a: {  	v14 =	vld [tilespmem:s4+$0x7A40];
	[tilespmem:s4+$0x79D0] =	vst v3;
	v3 =	vmul.f32 v60, v55  }
0x8b: {  	v15 =	vld [tilespmem:s4+$0x7A50];
	[tilespmem:s4+$0x79E0] =	vst v2;
	v2 =	vmul.f32 v61, v12  }
0x8c: {  	v16 =	vld [tilespmem:s4+$0x7A60];
	[tilespmem:s4+$0x79F0] =	vst v3;
	v3 =	vmul.f32 v62, v12  }
0x8d: {  	v17 =	vld [tilespmem:s4+$0x7A70];
	[tilespmem:s4+$0x7A00] =	vst v2;
	v2 =	vmul.f32 v63, v12  }
0x8e: {  	v18 =	vld [tilespmem:s4+$0x7A80];
	[tilespmem:s4+$0x7A10] =	vst v3;
	v3 =	vmul.f32 v13, v12  }
0x8f: {  	v19 =	vld [tilespmem:s4+$0x7A90];
	[tilespmem:s4+$0x7A20] =	vst v2;
	v2 =	vmul.f32 v14, v12  }
0x90: {  	v20 =	vld [tilespmem:s4+$0x7AA0];
	[tilespmem:s4+$0x7A30] =	vst v3;
	v3 =	vmul.f32 v15, v12  }
0x91: {  	v22 =	vld [tilespmem:s4+$0x7AB0];
	v21 =	vbroadcast v1, $0x5;
	[tilespmem:s4+$0x7A40] =	vst v2;
	v2 =	vmul.f32 v16, v12  }
0x92: {  	v23 =	vld [tilespmem:s4+$0x7AC0];
	[tilespmem:s4+$0x7A50] =	vst v3;
	v3 =	vmul.f32 v17, v12  }
0x93: {  	v24 =	vld [tilespmem:s4+$0x7AD0];
	[tilespmem:s4+$0x7A60] =	vst v2;
	v2 =	vmul.f32 v18, v21  }
0x94: {  	v25 =	vld [tilespmem:s4+$0x7AE0];
	[tilespmem:s4+$0x7A70] =	vst v3;
	v3 =	vmul.f32 v19, v21  }
0x95: {  	v26 =	vld [tilespmem:s4+$0x7AF0];
	[tilespmem:s4+$0x7A80] =	vst v2;
	v2 =	vmul.f32 v20, v21  }
0x96: {  	v27 =	vld [tilespmem:s4+$0x7B00];
	[tilespmem:s4+$0x7A90] =	vst v3;
	v3 =	vmul.f32 v22, v21  }
0x97: {  	v28 =	vld [tilespmem:s4+$0x7B10];
	[tilespmem:s4+$0x7AA0] =	vst v2;
	v2 =	vmul.f32 v23, v21  }
0x98: {  	v29 =	vld [tilespmem:s4+$0x7B20];
	[tilespmem:s4+$0x7AB0] =	vst v3;
	v3 =	vmul.f32 v24, v21  }
0x99: {  	v31 =	vld [tilespmem:s4+$0x7B30];
	v30 =	vbroadcast v1, $0x6;
	[tilespmem:s4+$0x7AC0] =	vst v2;
	v2 =	vmul.f32 v25, v21  }
0x9a: {  	v32 =	vld [tilespmem:s4+$0x7B40];
	[tilespmem:s4+$0x7AD0] =	vst v3;
	v3 =	vmul.f32 v26, v21  }
0x9b: {  	v33 =	vld [tilespmem:s4+$0x7B50];
	[tilespmem:s4+$0x7AE0] =	vst v2;
	v2 =	vmul.f32 v27, v30  }
0x9c: {  	v34 =	vld [tilespmem:s4+$0x7B60];
	[tilespmem:s4+$0x7AF0] =	vst v3;
	v3 =	vmul.f32 v28, v30  }
0x9d: {  	v35 =	vld [tilespmem:s4+$0x7B70];
	[tilespmem:s4+$0x7B00] =	vst v2;
	v2 =	vmul.f32 v29, v30  }
0x9e: {  	v36 =	vld [tilespmem:s4+$0x7B80];
	[tilespmem:s4+$0x7B10] =	vst v3;
	v3 =	vmul.f32 v31, v30  }
0x9f: {  	v37 =	vld [tilespmem:s4+$0x7B90];
	[tilespmem:s4+$0x7B20] =	vst v2;
	v2 =	vmul.f32 v32, v30  }
0xa0: {  	v38 =	vld [tilespmem:s4+$0x7BA0];
	[tilespmem:s4+$0x7B30] =	vst v3;
	v3 =	vmul.f32 v33, v30  }
0xa1: {  	v39 =	vbroadcast v1, $0x7;
	v40 =	vld [tilespmem:s4+$0x7BB0];
	[tilespmem:s4+$0x7B40] =	vst v2;
	v2 =	vmul.f32 v34, v30  }
0xa2: {  	v41 =	vld [tilespmem:s4+$0x7BC0];
	[tilespmem:s4+$0x7B50] =	vst v3;
	v3 =	vmul.f32 v35, v30  }
0xa3: {  	v42 =	vld [tilespmem:s4+$0x7BD0];
	[tilespmem:s4+$0x7B60] =	vst v2;
	v2 =	vmul.f32 v36, v39  }
0xa4: {  	v43 =	vld [tilespmem:s4+$0x7BE0];
	[tilespmem:s4+$0x7B70] =	vst v3;
	v3 =	vmul.f32 v37, v39  }
0xa5: {  	v44 =	vld [tilespmem:s4+$0x7BF0];
	[tilespmem:s4+$0x7B80] =	vst v2;
	v2 =	vmul.f32 v38, v39  }
0xa6: {  	v45 =	vld [tilespmem:s4+$0x7C00];
	[tilespmem:s4+$0x7B90] =	vst v3;
	v3 =	vmul.f32 v40, v39  }
0xa7: {  	v46 =	vld [tilespmem:s4+$0x7C10];
	[tilespmem:s4+$0x7BA0] =	vst v2;
	v2 =	vmul.f32 v41, v39  }
0xa8: {  	v47 =	vld [tilespmem:s4+$0x7C20];
	[tilespmem:s4+$0x7BB0] =	vst v3;
	v3 =	vmul.f32 v42, v39  }
0xa9: {  	v48 =	vbroadcast v1, $0x8;
	v49 =	vld [tilespmem:s4+$0x7C30];
	[tilespmem:s4+$0x7BC0] =	vst v2;
	v2 =	vmul.f32 v43, v39  }
0xaa: {  	v50 =	vld [tilespmem:s4+$0x7C40];
	[tilespmem:s4+$0x7BD0] =	vst v3;
	v3 =	vmul.f32 v44, v39  }
0xab: {  	v51 =	vld [tilespmem:s4+$0x7C50];
	[tilespmem:s4+$0x7BE0] =	vst v2;
	v2 =	vmul.f32 v45, v48  }
0xac: {  	v52 =	vld [tilespmem:s4+$0x7C60];
	[tilespmem:s4+$0x7BF0] =	vst v3;
	v3 =	vmul.f32 v46, v48  }
0xad: {  	v53 =	vld [tilespmem:s4+$0x7C70];
	[tilespmem:s4+$0x7C00] =	vst v2;
	v2 =	vmul.f32 v47, v48  }
0xae: {  	v54 =	vld [tilespmem:s4+$0x7C80];
	[tilespmem:s4+$0x7C10] =	vst v3;
	v3 =	vmul.f32 v49, v48  }
0xaf: {  	v55 =	vld [tilespmem:s4+$0x7C90];
	[tilespmem:s4+$0x7C20] =	vst v2;
	v2 =	vmul.f32 v50, v48  }
0xb0: {  	v56 =	vld [tilespmem:s4+$0x7CA0];
	[tilespmem:s4+$0x7C30] =	vst v3;
	v3 =	vmul.f32 v51, v48  }
0xb1: {  	v57 =	vbroadcast v1, $0x9;
	v58 =	vld [tilespmem:s4+$0x7CB0];
	[tilespmem:s4+$0x7C40] =	vst v2;
	v2 =	vmul.f32 v52, v48  }
0xb2: {  	v59 =	vld [tilespmem:s4+$0x7CC0];
	[tilespmem:s4+$0x7C50] =	vst v3;
	v3 =	vmul.f32 v53, v48  }
0xb3: {  	v60 =	vld [tilespmem:s4+$0x7CD0];
	[tilespmem:s4+$0x7C60] =	vst v2;
	v2 =	vmul.f32 v54, v57  }
0xb4: {  	v61 =	vld [tilespmem:s4+$0x7CE0];
	[tilespmem:s4+$0x7C70] =	vst v3;
	v3 =	vmul.f32 v55, v57  }
0xb5: {  	v62 =	vld [tilespmem:s4+$0x7CF0];
	[tilespmem:s4+$0x7C80] =	vst v2;
	v2 =	vmul.f32 v56, v57  }
0xb6: {  	v63 =	vld [tilespmem:s4+$0x7D00];
	[tilespmem:s4+$0x7C90] =	vst v3;
	v3 =	vmul.f32 v58, v57  }
0xb7: {  	v12 =	vld [tilespmem:s4+$0x7D10];
	[tilespmem:s4+$0x7CA0] =	vst v2;
	v2 =	vmul.f32 v59, v57  }
0xb8: {  	v13 =	vld [tilespmem:s4+$0x7D20];
	[tilespmem:s4+$0x7CB0] =	vst v3;
	v3 =	vmul.f32 v60, v57  }
0xb9: {  	v14 =	vbroadcast v1, $0xA;
	v15 =	vld [tilespmem:s4+$0x7D30];
	[tilespmem:s4+$0x7CC0] =	vst v2;
	v2 =	vmul.f32 v61, v57  }
0xba: {  	v16 =	vld [tilespmem:s4+$0x7D40];
	[tilespmem:s4+$0x7CD0] =	vst v3;
	v3 =	vmul.f32 v62, v57  }
0xbb: {  	v17 =	vld [tilespmem:s4+$0x7D50];
	[tilespmem:s4+$0x7CE0] =	vst v2;
	v2 =	vmul.f32 v63, v14  }
0xbc: {  	v18 =	vld [tilespmem:s4+$0x7D60];
	[tilespmem:s4+$0x7CF0] =	vst v3;
	v3 =	vmul.f32 v12, v14  }
0xbd: {  	v19 =	vld [tilespmem:s4+$0x7D70];
	[tilespmem:s4+$0x7D00] =	vst v2;
	v2 =	vmul.f32 v13, v14  }
0xbe: {  	v20 =	vld [tilespmem:s4+$0x7D80];
	[tilespmem:s4+$0x7D10] =	vst v3;
	v3 =	vmul.f32 v15, v14  }
0xbf: {  	v21 =	vld [tilespmem:s4+$0x7D90];
	[tilespmem:s4+$0x7D20] =	vst v2;
	v2 =	vmul.f32 v16, v14  }
0xc0: {  	v22 =	vld [tilespmem:s4+$0x7DA0];
	[tilespmem:s4+$0x7D30] =	vst v3;
	v3 =	vmul.f32 v17, v14  }
0xc1: {  	v23 =	vbroadcast v1, $0xB;
	v24 =	vld [tilespmem:s4+$0x7DB0];
	[tilespmem:s4+$0x7D40] =	vst v2;
	v2 =	vmul.f32 v18, v14  }
0xc2: {  	v25 =	vld [tilespmem:s4+$0x7DC0];
	[tilespmem:s4+$0x7D50] =	vst v3;
	v3 =	vmul.f32 v19, v14  }
0xc3: {  	v26 =	vld [tilespmem:s4+$0x7DD0];
	[tilespmem:s4+$0x7D60] =	vst v2;
	v2 =	vmul.f32 v20, v23  }
0xc4: {  	v27 =	vld [tilespmem:s4+$0x7DE0];
	[tilespmem:s4+$0x7D70] =	vst v3;
	v3 =	vmul.f32 v21, v23  }
0xc5: {  	v28 =	vld [tilespmem:s4+$0x7DF0];
	[tilespmem:s4+$0x7D80] =	vst v2;
	v2 =	vmul.f32 v22, v23  }
0xc6: {  	v29 =	vld [tilespmem:s4+$0x7E00];
	[tilespmem:s4+$0x7D90] =	vst v3;
	v3 =	vmul.f32 v24, v23  }
0xc7: {  	v30 =	vld [tilespmem:s4+$0x7E10];
	[tilespmem:s4+$0x7DA0] =	vst v2;
	v2 =	vmul.f32 v25, v23  }
0xc8: {  	v31 =	vld [tilespmem:s4+$0x7E20];
	[tilespmem:s4+$0x7DB0] =	vst v3;
	v3 =	vmul.f32 v26, v23  }
0xc9: {  	v32 =	vbroadcast v1, $0xC;
	v33 =	vld [tilespmem:s4+$0x7E30];
	[tilespmem:s4+$0x7DC0] =	vst v2;
	v2 =	vmul.f32 v27, v23  }
0xca: {  	v34 =	vld [tilespmem:s4+$0x7E40];
	[tilespmem:s4+$0x7DD0] =	vst v3;
	v3 =	vmul.f32 v28, v23  }
0xcb: {  	v35 =	vld [tilespmem:s4+$0x7E50];
	[tilespmem:s4+$0x7DE0] =	vst v2;
	v2 =	vmul.f32 v29, v32  }
0xcc: {  	v36 =	vld [tilespmem:s4+$0x7E60];
	[tilespmem:s4+$0x7DF0] =	vst v3;
	v3 =	vmul.f32 v30, v32  }
0xcd: {  	v37 =	vld [tilespmem:s4+$0x7E70];
	[tilespmem:s4+$0x7E00] =	vst v2;
	v2 =	vmul.f32 v31, v32  }
0xce: {  	v38 =	vld [tilespmem:s4+$0x7E80];
	[tilespmem:s4+$0x7E10] =	vst v3;
	v3 =	vmul.f32 v33, v32  }
0xcf: {  	v39 =	vld [tilespmem:s4+$0x7E90];
	[tilespmem:s4+$0x7E20] =	vst v2;
	v2 =	vmul.f32 v34, v32  }
0xd0: {  	v40 =	vld [tilespmem:s4+$0x7EA0];
	[tilespmem:s4+$0x7E30] =	vst v3;
	v3 =	vmul.f32 v35, v32  }
0xd1: {  	v41 =	vbroadcast v1, $0xD;
	v42 =	vld [tilespmem:s4+$0x7EB0];
	[tilespmem:s4+$0x7E40] =	vst v2;
	v2 =	vmul.f32 v36, v32  }
0xd2: {  	v43 =	vld [tilespmem:s4+$0x7EC0];
	[tilespmem:s4+$0x7E50] =	vst v3;
	v3 =	vmul.f32 v37, v32  }
0xd3: {  	v44 =	vld [tilespmem:s4+$0x7ED0];
	[tilespmem:s4+$0x7E60] =	vst v2;
	v2 =	vmul.f32 v38, v41  }
0xd4: {  	v45 =	vld [tilespmem:s4+$0x7EE0];
	[tilespmem:s4+$0x7E70] =	vst v3;
	v3 =	vmul.f32 v39, v41  }
0xd5: {  	v46 =	vld [tilespmem:s4+$0x7EF0];
	[tilespmem:s4+$0x7E80] =	vst v2;
	v2 =	vmul.f32 v40, v41  }
0xd6: {  	v47 =	vld [tilespmem:s4+$0x7F00];
	[tilespmem:s4+$0x7E90] =	vst v3;
	v3 =	vmul.f32 v42, v41  }
0xd7: {  	v48 =	vld [tilespmem:s4+$0x7F10];
	[tilespmem:s4+$0x7EA0] =	vst v2;
	v2 =	vmul.f32 v43, v41  }
0xd8: {  	v49 =	vld [tilespmem:s4+$0x7F20];
	[tilespmem:s4+$0x7EB0] =	vst v3;
	v3 =	vmul.f32 v44, v41  }
0xd9: {  	v50 =	vbroadcast v1, $0xE;
	v51 =	vld [tilespmem:s4+$0x7F30];
	[tilespmem:s4+$0x7EC0] =	vst v2;
	v2 =	vmul.f32 v45, v41  }
0xda: {  	v52 =	vld [tilespmem:s4+$0x7F40];
	[tilespmem:s4+$0x7ED0] =	vst v3;
	v3 =	vmul.f32 v46, v41  }
0xdb: {  	v53 =	vld [tilespmem:s4+$0x7F50];
	[tilespmem:s4+$0x7EE0] =	vst v2;
	v2 =	vmul.f32 v47, v50  }
0xdc: {  	v54 =	vld [tilespmem:s4+$0x7F60];
	[tilespmem:s4+$0x7EF0] =	vst v3;
	v3 =	vmul.f32 v48, v50  }
0xdd: {  	v55 =	vld [tilespmem:s4+$0x7F70];
	[tilespmem:s4+$0x7F00] =	vst v2;
	v2 =	vmul.f32 v49, v50  }
0xde: {  	v56 =	vld [tilespmem:s4+$0x7F80];
	[tilespmem:s4+$0x7F10] =	vst v3;
	v3 =	vmul.f32 v51, v50  }
0xdf: {  	v57 =	vld [tilespmem:s4+$0x7F90];
	[tilespmem:s4+$0x7F20] =	vst v2;
	v2 =	vmul.f32 v52, v50  }
0xe0: {  	v58 =	vld [tilespmem:s4+$0x7FA0];
	[tilespmem:s4+$0x7F30] =	vst v3;
	v3 =	vmul.f32 v53, v50  }
0xe1: {  	v1 =	vbroadcast v1, $0xF;
	v59 =	vld [tilespmem:s4+$0x7FB0];
	[tilespmem:s4+$0x7F40] =	vst v2;
	v2 =	vmul.f32 v54, v50  }
0xe2: {  	v60 =	vld [tilespmem:s4+$0x7FC0];
	[tilespmem:s4+$0x7F50] =	vst v3;
	v3 =	vmul.f32 v55, v50  }
0xe3: {  	v61 =	vld [tilespmem:s4+$0x7FD0];
	[tilespmem:s4+$0x7F60] =	vst v2;
	v2 =	vmul.f32 v56, v1  }
0xe4: {  	v62 =	vld [tilespmem:s4+$0x7FE0];
	[tilespmem:s4+$0x7F70] =	vst v3;
	v3 =	vmul.f32 v57, v1  }
0xe5: {  	v63 =	vld [tilespmem:s4+$0x7FF0];
	[tilespmem:s4+$0x7F80] =	vst v2;
	v2 =	vmul.f32 v58, v1  }
0xe6: {  	[tilespmem:s4+$0x7F90] =	vst v3;
	v3 =	vmul.f32 v59, v1  }
0xe7: {  	p0 =	sne.s32 s1, $0x7;
	[tilespmem:s4+$0x7FA0] =	vst v2;
	v2 =	vmul.f32 v60, v1  }
.Ltmp1:
0xe8: {  	[tilespmem:s4+$0x7FB0] =	vst v3;
	v3 =	vmul.f32 v61, v1;
	(pc) =	sbr.rel @p0 .LBB2_4-.Ltmp1, $4  }
0xe9: {  	[tilespmem:s4+$0x7FC0] =	vst v2;
	v2 =	vmul.f32 v62, v1  }
0xea: {  	[tilespmem:s4+$0x7FD0] =	vst v3;
	v1 =	vmul.f32 v63, v1  }
0xeb: {  	[tilespmem:s4+$0x7FE0] =	vst v2  }
0xec: {  	s1 =	sadd.s32 $0x1, s1;
	[tilespmem:s4+$0x7FF0] =	vst v1  }
0xed: {  	[spmem:s2] =	stream.indirect.scatter.add.f32 [tilespmem:s22], [sflag:$0x2], $0x80, s24, s26, $0xb8;
	[tilespmem:$0x1FA80] =	vst v63  }
0xee: {  	_ =	swait.ge [sflag:s23], $0x4000  }
0xef: {  	[sflag:s23] =	ssyncset.done $0x0  }
0xf0: {  	s0 =	simm.s32 $0x0;
	s1 =	simm.s32 $0x1;
	[sflag:s23] =	ssyncadd.s32 $0xFFFFC000  }
0xf1: {  	[spmem:s3] =	stream.indirect.scatter.add.f32 [tilespmem:s25], [sflag:$0x1], $0x1, s0, s26, $0xb8;
	[tilespmem:$0x1FA80] =	vst v63  }
.LBB2_6:
0xf2: {  	s4 =	sshll.u32 s1, $0x7  }
0xf3: {  	[tilespmem:s22], [sflag:$0x2] =	stream.indirect.gather [hbm4b:s5+s26], $0x80, s4, s26, $0xb8;
	[tilespmem:$0x1FA80] =	vst v63  }
0xf4: {  	s29 =	sadd.s32 $0x5000, s4  }
0xf5: {  	_ =	swait.ge [sflag:s23], $0x4000;
	v1 =	vmov s29  }
0xf6: {  	[sflag:s23] =	ssyncset.done $0x0  }
0xf7: {  	s30 =	simm.s32 $0x0;
	[sflag:s23] =	ssyncadd.s32 $0xFFFFC000  }
.LBB2_7:
0xf8: {  	s0 =	sshll.u32 s30, $0x4  }
0xf9: {  	s0 =	sand.u32 $0x3FFFFFF0, s0  }
0xfa: {  	v2 =	vld.idx.msk [tilespmem:v1+s0+$0x0 ss:$0x1], $0xffff;
	s0 =	sshll.u32 s30, $0xB  }
0xfb: {  	s0 =	sand.u32 $0x3FFFF800, s0  }
0xfc: {  	v3 =	vld [tilespmem:s0+$0x7800]  }
0xfd: {  	v4 =	vld [tilespmem:s0+$0x7810]  }
0xfe: {  	v5 =	vld [tilespmem:s0+$0x7820]  }
0xff: {  	v7 =	vld [tilespmem:s0+$0x7830];
	v6 =	vbroadcast v2, $0x0  }
0x100: {  	v8 =	vld [tilespmem:s0+$0x7840]  }
0x101: {  	v9 =	vld [tilespmem:s0+$0x7850];
	v3 =	vmul.f32 v6, v3  }
0x102: {  	v10 =	vld [tilespmem:s0+$0x7860];
	v4 =	vmul.f32 v4, v6  }
0x103: {  	v24 =	vld [tilespmem:s0+$0x7870];
	[tilespmem:s0+$0x7800] =	vst v3;
	v3 =	vmul.f32 v5, v6  }
0x104: {  	v26 =	vld [tilespmem:s0+$0x7880];
	v25 =	vmul.f32 v7, v6;
	[tilespmem:s0+$0x7810] =	vst v4  }
0x105: {  	v27 =	vld [tilespmem:s0+$0x7890];
	[tilespmem:s0+$0x7820] =	vst v3;
	v3 =	vmul.f32 v8, v6  }
0x106: {  	v29 =	vld [tilespmem:s0+$0x78A0];
	v28 =	vmul.f32 v9, v6;
	[tilespmem:s0+$0x7830] =	vst v25  }
0x107: {  	v11 =	vld [tilespmem:s0+$0x78B0];
	v30 =	vbroadcast v2, $0x1;
	[tilespmem:s0+$0x7840] =	vst v3;
	v3 =	vmul.f32 v10, v6  }
0x108: {  	v32 =	vld [tilespmem:s0+$0x78C0];
	v31 =	vmul.f32 v24, v6;
	[tilespmem:s0+$0x7850] =	vst v28  }
0x109: {  	v33 =	vld [tilespmem:s0+$0x78D0];
	[tilespmem:s0+$0x7860] =	vst v3;
	v3 =	vmul.f32 v26, v30  }
0x10a: {  	v35 =	vld [tilespmem:s0+$0x78E0];
	v34 =	vmul.f32 v27, v30;
	[tilespmem:s0+$0x7870] =	vst v31  }
0x10b: {  	v36 =	vld [tilespmem:s0+$0x78F0];
	[tilespmem:s0+$0x7880] =	vst v3;
	v3 =	vmul.f32 v29, v30  }
0x10c: {  	v38 =	vld [tilespmem:s0+$0x7900];
	v37 =	vmul.f32 v11, v30;
	[tilespmem:s0+$0x7890] =	vst v34  }
0x10d: {  	v39 =	vld [tilespmem:s0+$0x7910];
	[tilespmem:s0+$0x78A0] =	vst v3;
	v3 =	vmul.f32 v32, v30  }
0x10e: {  	v41 =	vld [tilespmem:s0+$0x7920];
	v40 =	vmul.f32 v33, v30;
	[tilespmem:s0+$0x78B0] =	vst v37  }
0x10f: {  	v43 =	vld [tilespmem:s0+$0x7930];
	v42 =	vbroadcast v2, $0x2;
	[tilespmem:s0+$0x78C0] =	vst v3;
	v3 =	vmul.f32 v35, v30  }
0x110: {  	v45 =	vld [tilespmem:s0+$0x7940];
	v44 =	vmul.f32 v36, v30;
	[tilespmem:s0+$0x78D0] =	vst v40  }
0x111: {  	v46 =	vld [tilespmem:s0+$0x7950];
	[tilespmem:s0+$0x78E0] =	vst v3;
	v3 =	vmul.f32 v38, v42  }
0x112: {  	v48 =	vld [tilespmem:s0+$0x7960];
	v47 =	vmul.f32 v39, v42;
	[tilespmem:s0+$0x78F0] =	vst v44  }
0x113: {  	v49 =	vld [tilespmem:s0+$0x7970];
	[tilespmem:s0+$0x7900] =	vst v3;
	v3 =	vmul.f32 v41, v42  }
0x114: {  	v51 =	vld [tilespmem:s0+$0x7980];
	v50 =	vmul.f32 v43, v42;
	[tilespmem:s0+$0x7910] =	vst v47  }
0x115: {  	v52 =	vld [tilespmem:s0+$0x7990];
	[tilespmem:s0+$0x7920] =	vst v3;
	v3 =	vmul.f32 v45, v42  }
0x116: {  	v54 =	vld [tilespmem:s0+$0x79A0];
	v53 =	vmul.f32 v46, v42;
	[tilespmem:s0+$0x7930] =	vst v50  }
0x117: {  	v56 =	vld [tilespmem:s0+$0x79B0];
	v55 =	vbroadcast v2, $0x3;
	[tilespmem:s0+$0x7940] =	vst v3;
	v3 =	vmul.f32 v48, v42  }
0x118: {  	v58 =	vld [tilespmem:s0+$0x79C0];
	v57 =	vmul.f32 v49, v42;
	[tilespmem:s0+$0x7950] =	vst v53  }
0x119: {  	v59 =	vld [tilespmem:s0+$0x79D0];
	[tilespmem:s0+$0x7960] =	vst v3;
	v3 =	vmul.f32 v51, v55  }
0x11a: {  	v61 =	vld [tilespmem:s0+$0x79E0];
	v60 =	vmul.f32 v52, v55;
	[tilespmem:s0+$0x7970] =	vst v57  }
0x11b: {  	v62 =	vld [tilespmem:s0+$0x79F0];
	[tilespmem:s0+$0x7980] =	vst v3;
	v3 =	vmul.f32 v54, v55  }
0x11c: {  	v12 =	vld [tilespmem:s0+$0x7A00];
	v63 =	vmul.f32 v56, v55;
	[tilespmem:s0+$0x7990] =	vst v60  }
0x11d: {  	v13 =	vld [tilespmem:s0+$0x7A10];
	[tilespmem:s0+$0x79A0] =	vst v3;
	v3 =	vmul.f32 v58, v55  }
0x11e: {  	v15 =	vld [tilespmem:s0+$0x7A20];
	v14 =	vmul.f32 v59, v55;
	[tilespmem:s0+$0x79B0] =	vst v63  }
0x11f: {  	v17 =	vld [tilespmem:s0+$0x7A30];
	v16 =	vbroadcast v2, $0x4;
	[tilespmem:s0+$0x79C0] =	vst v3;
	v3 =	vmul.f32 v61, v55  }
0x120: {  	v19 =	vld [tilespmem:s0+$0x7A40];
	v18 =	vmul.f32 v62, v55;
	[tilespmem:s0+$0x79D0] =	vst v14  }
0x121: {  	v20 =	vld [tilespmem:s0+$0x7A50];
	[tilespmem:s0+$0x79E0] =	vst v3;
	v3 =	vmul.f32 v12, v16  }
0x122: {  	v22 =	vld [tilespmem:s0+$0x7A60];
	v21 =	vmul.f32 v13, v16;
	[tilespmem:s0+$0x79F0] =	vst v18  }
0x123: {  	v23 =	vld [tilespmem:s0+$0x7A70];
	[tilespmem:s0+$0x7A00] =	vst v3;
	v3 =	vmul.f32 v15, v16  }
0x124: {  	v24 =	vmul.f32 v17, v16;
	[tilespmem:s0+$0x7A10] =	vst v21;
	v25 =	vld [tilespmem:s0+$0x7A80]  }
0x125: {  	v33 =	vld [tilespmem:s0+$0x7AD0];
	[tilespmem:s0+$0x7A20] =	vst v3;
	v3 =	vmul.f32 v19, v16  }
0x126: {  	v27 =	vmul.f32 v20, v16;
	[tilespmem:s0+$0x7A30] =	vst v24;
	v28 =	vld [tilespmem:s0+$0x7AA0]  }
0x127: {  	v36 =	vld [tilespmem:s0+$0x7AF0];
	v29 =	vbroadcast v2, $0x5;
	[tilespmem:s0+$0x7A40] =	vst v3;
	v3 =	vmul.f32 v22, v16  }
0x128: {  	[tilespmem:s0+$0x7A50] =	vst v27;
	v31 =	vmul.f32 v23, v16;
	v32 =	vld [tilespmem:s0+$0x7AC0]  }
0x129: {  	v26 =	vld [tilespmem:s0+$0x7A90];
	[tilespmem:s0+$0x7A60] =	vst v3;
	v3 =	vmul.f32 v25, v29  }
0x12a: {  	[tilespmem:s0+$0x7A70] =	vst v31;
	v40 =	vmul.f32 v33, v29;
	v35 =	vld [tilespmem:s0+$0x7AE0]  }
0x12b: {  	v30 =	vld [tilespmem:s0+$0x7AB0];
	[tilespmem:s0+$0x7A80] =	vst v3;
	v3 =	vmul.f32 v28, v29  }
0x12c: {  	v44 =	vmul.f32 v36, v29;
	[tilespmem:s0+$0x7AD0] =	vst v40;
	v38 =	vld [tilespmem:s0+$0x7B00]  }
0x12d: {  	v39 =	vld [tilespmem:s0+$0x7B10];
	[tilespmem:s0+$0x7AA0] =	vst v3;
	v3 =	vmul.f32 v32, v29  }
0x12e: {  	v34 =	vmul.f32 v26, v29;
	[tilespmem:s0+$0x7AF0] =	vst v44;
	v41 =	vld [tilespmem:s0+$0x7B20]  }
0x12f: {  	v43 =	vld [tilespmem:s0+$0x7B30];
	v42 =	vbroadcast v2, $0x6;
	[tilespmem:s0+$0x7AC0] =	vst v3;
	v3 =	vmul.f32 v35, v29  }
0x130: {  	[tilespmem:s0+$0x7A90] =	vst v34;
	v37 =	vmul.f32 v30, v29;
	v45 =	vld [tilespmem:s0+$0x7B40]  }
0x131: {  	v46 =	vld [tilespmem:s0+$0x7B50];
	[tilespmem:s0+$0x7AE0] =	vst v3;
	v3 =	vmul.f32 v38, v42  }
0x132: {  	[tilespmem:s0+$0x7AB0] =	vst v37;
	v48 =	vld [tilespmem:s0+$0x7B60];
	v47 =	vmul.f32 v39, v42  }
0x133: {  	v49 =	vld [tilespmem:s0+$0x7B70];
	[tilespmem:s0+$0x7B00] =	vst v3;
	v3 =	vmul.f32 v41, v42  }
0x134: {  	v50 =	vmul.f32 v43, v42;
	v51 =	vld [tilespmem:s0+$0x7B80];
	[tilespmem:s0+$0x7B10] =	vst v47  }
0x135: {  	v52 =	vld [tilespmem:s0+$0x7B90];
	[tilespmem:s0+$0x7B20] =	vst v3;
	v3 =	vmul.f32 v45, v42  }
0x136: {  	v53 =	vmul.f32 v46, v42;
	[tilespmem:s0+$0x7B30] =	vst v50;
	v54 =	vld [tilespmem:s0+$0x7BA0]  }
0x137: {  	v56 =	vld [tilespmem:s0+$0x7BB0];
	v55 =	vbroadcast v2, $0x7;
	[tilespmem:s0+$0x7B40] =	vst v3;
	v3 =	vmul.f32 v48, v42  }
0x138: {  	v57 =	vmul.f32 v49, v42;
	[tilespmem:s0+$0x7B50] =	vst v53;
	v58 =	vld [tilespmem:s0+$0x7BC0]  }
0x139: {  	v59 =	vld [tilespmem:s0+$0x7BD0];
	[tilespmem:s0+$0x7B60] =	vst v3;
	v3 =	vmul.f32 v51, v55  }
0x13a: {  	[tilespmem:s0+$0x7B70] =	vst v57;
	v61 =	vld [tilespmem:s0+$0x7BE0];
	v60 =	vmul.f32 v52, v55  }
0x13b: {  	v62 =	vld [tilespmem:s0+$0x7BF0];
	[tilespmem:s0+$0x7B80] =	vst v3;
	v3 =	vmul.f32 v54, v55  }
0x13c: {  	v63 =	vmul.f32 v56, v55;
	v12 =	vld [tilespmem:s0+$0x7C00];
	[tilespmem:s0+$0x7B90] =	vst v60  }
0x13d: {  	v13 =	vld [tilespmem:s0+$0x7C10];
	[tilespmem:s0+$0x7BA0] =	vst v3;
	v3 =	vmul.f32 v58, v55  }
0x13e: {  	v14 =	vmul.f32 v59, v55;
	[tilespmem:s0+$0x7BB0] =	vst v63;
	v15 =	vld [tilespmem:s0+$0x7C20]  }
0x13f: {  	v17 =	vld [tilespmem:s0+$0x7C30];
	v16 =	vbroadcast v2, $0x8;
	[tilespmem:s0+$0x7BC0] =	vst v3;
	v3 =	vmul.f32 v61, v55  }
0x140: {  	v18 =	vmul.f32 v62, v55;
	[tilespmem:s0+$0x7BD0] =	vst v14;
	v19 =	vld [tilespmem:s0+$0x7C40]  }
0x141: {  	v20 =	vld [tilespmem:s0+$0x7C50];
	[tilespmem:s0+$0x7BE0] =	vst v3;
	v3 =	vmul.f32 v12, v16  }
0x142: {  	[tilespmem:s0+$0x7BF0] =	vst v18;
	v22 =	vld [tilespmem:s0+$0x7C60];
	v21 =	vmul.f32 v13, v16  }
0x143: {  	v23 =	vld [tilespmem:s0+$0x7C70];
	[tilespmem:s0+$0x7C00] =	vst v3;
	v3 =	vmul.f32 v15, v16  }
0x144: {  	v24 =	vmul.f32 v17, v16;
	v25 =	vld [tilespmem:s0+$0x7C80];
	[tilespmem:s0+$0x7C10] =	vst v21  }
0x145: {  	v26 =	vld [tilespmem:s0+$0x7C90];
	[tilespmem:s0+$0x7C20] =	vst v3;
	v3 =	vmul.f32 v19, v16  }
0x146: {  	v27 =	vmul.f32 v20, v16;
	[tilespmem:s0+$0x7C30] =	vst v24;
	v28 =	vld [tilespmem:s0+$0x7CA0]  }
0x147: {  	v30 =	vld [tilespmem:s0+$0x7CB0];
	v29 =	vbroadcast v2, $0x9;
	[tilespmem:s0+$0x7C40] =	vst v3;
	v3 =	vmul.f32 v22, v16  }
0x148: {  	v31 =	vmul.f32 v23, v16;
	[tilespmem:s0+$0x7C50] =	vst v27;
	v32 =	vld [tilespmem:s0+$0x7CC0]  }
0x149: {  	v33 =	vld [tilespmem:s0+$0x7CD0];
	[tilespmem:s0+$0x7C60] =	vst v3;
	v3 =	vmul.f32 v25, v29  }
0x14a: {  	[tilespmem:s0+$0x7C70] =	vst v31;
	v35 =	vld [tilespmem:s0+$0x7CE0];
	v34 =	vmul.f32 v26, v29  }
0x14b: {  	v36 =	vld [tilespmem:s0+$0x7CF0];
	[tilespmem:s0+$0x7C80] =	vst v3;
	v3 =	vmul.f32 v28, v29  }
0x14c: {  	v37 =	vmul.f32 v30, v29;
	v38 =	vld [tilespmem:s0+$0x7D00];
	[tilespmem:s0+$0x7C90] =	vst v34  }
0x14d: {  	v39 =	vld [tilespmem:s0+$0x7D10];
	[tilespmem:s0+$0x7CA0] =	vst v3;
	v3 =	vmul.f32 v32, v29  }
0x14e: {  	v40 =	vmul.f32 v33, v29;
	[tilespmem:s0+$0x7CB0] =	vst v37;
	v41 =	vld [tilespmem:s0+$0x7D20]  }
0x14f: {  	v43 =	vld [tilespmem:s0+$0x7D30];
	v42 =	vbroadcast v2, $0xA;
	[tilespmem:s0+$0x7CC0] =	vst v3;
	v3 =	vmul.f32 v35, v29  }
0x150: {  	v44 =	vmul.f32 v36, v29;
	[tilespmem:s0+$0x7CD0] =	vst v40;
	v45 =	vld [tilespmem:s0+$0x7D40]  }
0x151: {  	v46 =	vld [tilespmem:s0+$0x7D50];
	[tilespmem:s0+$0x7CE0] =	vst v3;
	v3 =	vmul.f32 v38, v42  }
0x152: {  	[tilespmem:s0+$0x7CF0] =	vst v44;
	v48 =	vld [tilespmem:s0+$0x7D60];
	v47 =	vmul.f32 v39, v42  }
0x153: {  	v49 =	vld [tilespmem:s0+$0x7D70];
	[tilespmem:s0+$0x7D00] =	vst v3;
	v3 =	vmul.f32 v41, v42  }
0x154: {  	v50 =	vmul.f32 v43, v42;
	v51 =	vld [tilespmem:s0+$0x7D80];
	[tilespmem:s0+$0x7D10] =	vst v47  }
0x155: {  	v52 =	vld [tilespmem:s0+$0x7D90];
	[tilespmem:s0+$0x7D20] =	vst v3;
	v3 =	vmul.f32 v45, v42  }
0x156: {  	v53 =	vmul.f32 v46, v42;
	[tilespmem:s0+$0x7D30] =	vst v50;
	v54 =	vld [tilespmem:s0+$0x7DA0]  }
0x157: {  	v56 =	vld [tilespmem:s0+$0x7DB0];
	v55 =	vbroadcast v2, $0xB;
	[tilespmem:s0+$0x7D40] =	vst v3;
	v3 =	vmul.f32 v48, v42  }
0x158: {  	v57 =	vmul.f32 v49, v42;
	[tilespmem:s0+$0x7D50] =	vst v53;
	v58 =	vld [tilespmem:s0+$0x7DC0]  }
0x159: {  	v59 =	vld [tilespmem:s0+$0x7DD0];
	[tilespmem:s0+$0x7D60] =	vst v3;
	v3 =	vmul.f32 v51, v55  }
0x15a: {  	[tilespmem:s0+$0x7D70] =	vst v57;
	v61 =	vld [tilespmem:s0+$0x7DE0];
	v60 =	vmul.f32 v52, v55  }
0x15b: {  	v62 =	vld [tilespmem:s0+$0x7DF0];
	[tilespmem:s0+$0x7D80] =	vst v3;
	v3 =	vmul.f32 v54, v55  }
0x15c: {  	v63 =	vmul.f32 v56, v55;
	v12 =	vld [tilespmem:s0+$0x7E00];
	[tilespmem:s0+$0x7D90] =	vst v60  }
0x15d: {  	v13 =	vld [tilespmem:s0+$0x7E10];
	[tilespmem:s0+$0x7DA0] =	vst v3;
	v3 =	vmul.f32 v58, v55  }
0x15e: {  	v14 =	vmul.f32 v59, v55;
	[tilespmem:s0+$0x7DB0] =	vst v63;
	v15 =	vld [tilespmem:s0+$0x7E20]  }
0x15f: {  	v17 =	vld [tilespmem:s0+$0x7E30];
	v16 =	vbroadcast v2, $0xC;
	[tilespmem:s0+$0x7DC0] =	vst v3;
	v3 =	vmul.f32 v61, v55  }
0x160: {  	v18 =	vmul.f32 v62, v55;
	[tilespmem:s0+$0x7DD0] =	vst v14;
	v19 =	vld [tilespmem:s0+$0x7E40]  }
0x161: {  	v20 =	vld [tilespmem:s0+$0x7E50];
	[tilespmem:s0+$0x7DE0] =	vst v3;
	v3 =	vmul.f32 v12, v16  }
0x162: {  	[tilespmem:s0+$0x7DF0] =	vst v18;
	v22 =	vld [tilespmem:s0+$0x7E60];
	v21 =	vmul.f32 v13, v16  }
0x163: {  	v23 =	vld [tilespmem:s0+$0x7E70];
	[tilespmem:s0+$0x7E00] =	vst v3;
	v3 =	vmul.f32 v15, v16  }
0x164: {  	v24 =	vmul.f32 v17, v16;
	v25 =	vld [tilespmem:s0+$0x7E80];
	[tilespmem:s0+$0x7E10] =	vst v21  }
0x165: {  	v26 =	vld [tilespmem:s0+$0x7E90];
	[tilespmem:s0+$0x7E20] =	vst v3;
	v3 =	vmul.f32 v19, v16  }
0x166: {  	v27 =	vmul.f32 v20, v16;
	[tilespmem:s0+$0x7E30] =	vst v24;
	v28 =	vld [tilespmem:s0+$0x7EA0]  }
0x167: {  	v30 =	vld [tilespmem:s0+$0x7EB0];
	v29 =	vbroadcast v2, $0xD;
	[tilespmem:s0+$0x7E40] =	vst v3;
	v3 =	vmul.f32 v22, v16  }
0x168: {  	v31 =	vmul.f32 v23, v16;
	[tilespmem:s0+$0x7E50] =	vst v27;
	v32 =	vld [tilespmem:s0+$0x7EC0]  }
0x169: {  	v33 =	vld [tilespmem:s0+$0x7ED0];
	[tilespmem:s0+$0x7E60] =	vst v3;
	v3 =	vmul.f32 v25, v29  }
0x16a: {  	[tilespmem:s0+$0x7E70] =	vst v31;
	v35 =	vld [tilespmem:s0+$0x7EE0];
	v34 =	vmul.f32 v26, v29  }
0x16b: {  	v36 =	vld [tilespmem:s0+$0x7EF0];
	[tilespmem:s0+$0x7E80] =	vst v3;
	v3 =	vmul.f32 v28, v29  }
0x16c: {  	v37 =	vmul.f32 v30, v29;
	v38 =	vld [tilespmem:s0+$0x7F00];
	[tilespmem:s0+$0x7E90] =	vst v34  }
0x16d: {  	v39 =	vld [tilespmem:s0+$0x7F10];
	[tilespmem:s0+$0x7EA0] =	vst v3;
	v3 =	vmul.f32 v32, v29  }
0x16e: {  	v40 =	vmul.f32 v33, v29;
	[tilespmem:s0+$0x7EB0] =	vst v37;
	v41 =	vld [tilespmem:s0+$0x7F20]  }
0x16f: {  	v43 =	vld [tilespmem:s0+$0x7F30];
	v42 =	vbroadcast v2, $0xE;
	[tilespmem:s0+$0x7EC0] =	vst v3;
	v3 =	vmul.f32 v35, v29  }
0x170: {  	v44 =	vmul.f32 v36, v29;
	[tilespmem:s0+$0x7ED0] =	vst v40;
	v45 =	vld [tilespmem:s0+$0x7F40]  }
0x171: {  	v46 =	vld [tilespmem:s0+$0x7F50];
	[tilespmem:s0+$0x7EE0] =	vst v3;
	v3 =	vmul.f32 v38, v42  }
0x172: {  	[tilespmem:s0+$0x7EF0] =	vst v44;
	v48 =	vld [tilespmem:s0+$0x7F60];
	v47 =	vmul.f32 v39, v42  }
0x173: {  	v49 =	vld [tilespmem:s0+$0x7F70];
	[tilespmem:s0+$0x7F00] =	vst v3;
	v3 =	vmul.f32 v41, v42  }
0x174: {  	v50 =	vmul.f32 v43, v42;
	v51 =	vld [tilespmem:s0+$0x7F80];
	[tilespmem:s0+$0x7F10] =	vst v47  }
0x175: {  	v52 =	vld [tilespmem:s0+$0x7F90];
	[tilespmem:s0+$0x7F20] =	vst v3;
	v3 =	vmul.f32 v45, v42  }
0x176: {  	v53 =	vmul.f32 v46, v42;
	[tilespmem:s0+$0x7F30] =	vst v50;
	v54 =	vld [tilespmem:s0+$0x7FA0]  }
0x177: {  	v2 =	vbroadcast v2, $0xF;
	v58 =	vld [tilespmem:s0+$0x7FD0];
	[tilespmem:s0+$0x7F40] =	vst v3;
	v3 =	vmul.f32 v48, v42  }
0x178: {  	v57 =	vld [tilespmem:s0+$0x7FC0];
	v56 =	vmul.f32 v49, v42;
	[tilespmem:s0+$0x7F50] =	vst v53  }
0x179: {  	v55 =	vld [tilespmem:s0+$0x7FB0];
	[tilespmem:s0+$0x7F60] =	vst v3;
	v3 =	vmul.f32 v51, v2  }
0x17a: {  	v60 =	vld [tilespmem:s0+$0x7FE0];
	v59 =	vmul.f32 v52, v2;
	[tilespmem:s0+$0x7F70] =	vst v56  }
0x17b: {  	v61 =	vld [tilespmem:s0+$0x7FF0];
	[tilespmem:s0+$0x7F80] =	vst v3;
	v3 =	vmul.f32 v54, v2  }
0x17c: {  	[tilespmem:s0+$0x7F90] =	vst v59;
	v63 =	vmul.f32 v58, v2  }
0x17d: {  	p0 =	sne.s32 s30, $0x7;
	[tilespmem:s0+$0x7FA0] =	vst v3;
	v3 =	vmul.f32 v57, v2  }
.Ltmp2:
0x17e: {  	v62 =	vmul.f32 v55, v2;
	[tilespmem:s0+$0x7FD0] =	vst v63;
	(pc) =	sbr.rel @p0 .LBB2_7-.Ltmp2, $4  }
0x17f: {  	[tilespmem:s0+$0x7FC0] =	vst v3;
	v3 =	vmul.f32 v60, v2  }
0x180: {  	[tilespmem:s0+$0x7FB0] =	vst v62;
	v2 =	vmul.f32 v61, v2  }
0x181: {  	[tilespmem:s0+$0x7FE0] =	vst v3  }
0x182: {  	s30 =	sadd.s32 $0x1, s30;
	[tilespmem:s0+$0x7FF0] =	vst v2  }
0x183: {  	s0 =	sadd.s32 $0x2800, s4  }
0x184: {  	[spmem:s2] =	stream.indirect.scatter.add.f32 [tilespmem:s22], [sflag:$0x2], $0x80, s0, s26, $0xb8;
	[tilespmem:$0x1FA80] =	vst v63  }
0x185: {  	s1 =	sadd.s32 $0x1, s1;
	_ =	swait.ge [sflag:s23], $0x4000  }
0x186: {  	p0 =	sne.s32 s1, $0x4F;
	[sflag:s23] =	ssyncset.done $0x0  }
.Ltmp3:
0x187: {  	[sflag:s23] =	ssyncadd.s32 $0xFFFFC000;
	(pc) =	sbr.rel @p0 .LBB2_6-.Ltmp3, $4  }
0x188: {  	_ =	swait.ge [sflag:s28], $0x80  }
0x189: {  	[sflag:s28] =	ssyncset.done $0x0  }
0x18a: {  	[sflag:s28] =	ssyncadd.s32 $0xFFFFFF80  }
0x18b: {  	[spmem:s3] =	stream.indirect.scatter.add.f32 [tilespmem:s29], [sflag:$0x1], $0x1, s4, s26, $0xb8;
	[tilespmem:$0x1FA80] =	vst v63  }
0x18c: {  	_ =	swait.ge [sflag:s28], $0x80  }
0x18d: {  	s0 =	stileid.u32;
	[sflag:s28] =	ssyncset.done $0x0  }
0x18e: {  	s0 =	sshll.u32 s0, $0x6;
	[sflag:s28] =	ssyncadd.s32 $0xFFFFFF80  }
0x18f: {  	s1 =	sshrl.u32 s6, $0x3;
	s0 =	sor.u32 $0x1C02, s0;
	[bflag:$0x0] =	sbarrier.arrive $0xFFFF  }
0x190: {  	[hbm:s19], [sflag:s0] =	dma.local [spmem:s1], $0x2800  }
0x191: {  	s30 =	sshrl.u32 s7, $0x3;
	s31 =	sadd.s32 $0x1, s31;
	_ =	swait.ge [sflag:s23], $0x2800  }
0x192: {  	s4 =	simm.s32 $0x20;
	p0 =	sne.s32 s31, s21;
	[sflag:s23] =	ssyncset.done $0x0  }
.Ltmp4:
0x193: {  	s29 =	simm.s32 $0x10;
	[sflag:s23] =	ssyncadd.s32 $0xFFFFD800;
	(pc) =	sbr.rel @p0 .LBB2_1-.Ltmp4, $4  }
0x194: {  	[hbm:s20@s4], [sflag:s0] =	dma.strided [spmem:s30@s29], $0x50, s28, $0x10   }
0x195: {  	_ =	swait.ge [sflag:s23], $0x50  }
0x196: {  	[sflag:s23] =	ssyncset.done $0x0  }
0x197: {  	[sflag:s23] =	ssyncadd.s32 $0xFFFFFFB0  }
0x198: {  	_ =	sfence.sel $0x180000  }
0x199: {  	[bflag:$0x0] =	sbarrier.arrive $0xFFFF  }
0x19a: {  	_ =	strace $0x90000047  }
0x19b: {  	s0 =	stileid.u32;
	[bflag:$0x2] =	sbarrier.arrive $0xFFFF  }
0x19c: {  	p0 =	sne.s32 s0, $0x0;
	s0 =	rddreg [dreg:$0x3]  }
0x19d: {  	s0 =	sadd.s32 @!p0 $0x100000, s0  }
0x19e: {  	[sflag:s0] =	ssyncadd.tile.s32 @!p0 $0x1;
	_ =	shalt  }
.Lfunc_end2:
_tile_overlayer_lowered:
.L_overlay_start_2:
0x19f: {  	(tag) =	ssettag $0x2  }
0x1a0: {  	s0 =	rddreg [dreg:$0x0];
	s2 =	stileid.u32  }
0x1a1: {  	s1 =	rddreg [dreg:$0x1];
	p0 =	sne.s32 s2, $0x0  }
0x1a2: {  	s3 =	rddreg [dreg:$0x2];
	[bflag:$0x3] =	sbarrier.arrive $0xFFFF;
	s2 =	simm.s32 @!p0 $0x1C02  }
0x1a3: {  	[timem:s3], [sflag:s2] =	dma.local @!p0 [hbm:s0], s1  }
0x1a4: {  	s0 =	simm.s32 @!p0 $0x2  }
0x1a5: {  	_ =	swait.ge @!p0 [sflag:s0], s1  }
0x1a6: {  	s1 =	ssub.s32 @!p0 $0x0, s1;
	[sflag:s0] =	ssyncset.done @!p0 $0x0  }
0x1a7: {  	[sflag:s0] =	ssyncadd.s32 @!p0 s1  }
0x1a8: {  	[bflag:$0x3] =	sbarrier.arrive $0xFFFF  }
0x1a9: {  	_ =	shalt  }

</sc_bundles>
